<compile_context>
chip_gen: v7x
topology: tpu7x:2x2x1
jax: 0.10.2.dev20260603
libtpu: 0.0.44.dev20260713+nightly
codegen_flags: <defaults>
</compile_context>

<pallas_src>
import jax
import jax.numpy as jnp
from jax import lax
from jax.experimental import pallas as pl
from jax.experimental.pallas import tpu as pltpu
from jax.experimental.pallas import tpu_sc as plsc

N = 10000
E = 320000
D = 128
H1, C1 = 8, 16
H2, C2 = 1, 32

NROWS = 10016
NG = 10008
B = 128
NC, NS = 2, 16
NW = NC * NS
EP = E + N
CH = -(-EP // (NW * B))
E_PAD = NW * CH * B
RPT = NROWS // NS
MAXR = N + 4

_DNUMS = lax.GatherDimensionNumbers(
    offset_dims=(), collapsed_slice_dims=(0,), start_index_map=(0,))


def _lrelu(v):
    return jnp.where(v >= 0, v, 0.2 * v)


def _edge_compute(Fs_v, Gd_v, buf_v, maxs, hmask, HC, C):
    nB = buf_v.shape[0]

    @plsc.parallel_loop(0, nB, unroll=2)
    def edge(e):
        As = Fs_v[e, pl.ds(HC, 16)]
        Gd = Gd_v[e, :]
        w = jnp.where(hmask, jnp.exp(_lrelu(As + Gd) - _lrelu(maxs + Gd)), 0.0)
        buf_v[e, pl.ds(HC, 16)] = w
        for k in range(HC // 16):
            head = (k * 16) // C
            idx = jnp.full((16, 1), head, jnp.int32)
            mult = lax.gather(w, idx, _DNUMS, (1,),
                              mode=lax.GatherScatterMode.PROMISE_IN_BOUNDS)
            buf_v[e, pl.ds(k * 16, 16)] = Fs_v[e, pl.ds(k * 16, 16)] * mult


def _zero_accum(buf_v, accum, row0, HCp):
    zero16 = jnp.zeros((16,), jnp.float32)

    def zrow(r, carry):
        for k in range(HCp // 16):
            buf_v[r, pl.ds(k * 16, 16)] = zero16
        return carry

    nB = buf_v.shape[0]
    lax.fori_loop(0, nB, zrow, 0)
    off = 0
    while off < RPT:
        step = min(nB, RPT - off)
        pltpu.sync_copy(buf_v.at[pl.ds(0, step)], accum.at[pl.ds(row0 + off, step)])
        off += step


def _edge_pass_l1(HC, H, C):
    HCp = HC + 16
    B1, CH1 = 64, 2 * CH
    mesh = plsc.VectorSubcoreMesh(
        core_axis_name="c", subcore_axis_name="s", num_cores=NC, num_subcores=NS)

    def body(F_hbm, G_hbm, srcm_hbm, dstm_hbm, maxs_hbm, out_hbm,
             src0, dg0, ds0, src1, dg1, ds1, Fs0, Gd0, buf0, Fs1, Gd1, buf1,
             maxs_v, accum,
             semF0, semG0, semF1, semG1, semIg0, semIg1, semIs0, semIs1, semS):
        c = lax.axis_index("c")
        s = lax.axis_index("s")
        wid = s * NC + c
        row0 = s * RPT

        _zero_accum(buf0, accum, row0, HCp)
        pltpu.sync_copy(maxs_hbm, maxs_v)
        maxs = maxs_v[...]
        hmask = lax.iota(jnp.int32, 16) < H

        plsc.subcore_barrier()

        bank0 = (src0, dg0, ds0, Fs0, Gd0, buf0, semF0, semG0, semIg0, semIs0)
        bank1 = (src1, dg1, ds1, Fs1, Gd1, buf1, semF1, semG1, semIg1, semIs1)

        pltpu.sync_copy(srcm_hbm.at[wid, 0], src0)
        pltpu.sync_copy(dstm_hbm.at[wid, 0], dg0)
        pltpu.sync_copy(dstm_hbm.at[wid, 0], ds0)
        pltpu.sync_copy(srcm_hbm.at[wid, 1], src1)
        pltpu.sync_copy(dstm_hbm.at[wid, 1], dg1)
        pltpu.async_copy(F_hbm.at[src0], Fs0, semF0)
        pltpu.async_copy(G_hbm.at[dg0], Gd0, semG0)

        def step(j, bank, nbank):
            srcA, dgA, dsA, Fs, Gd, buf, semF, semG, semIg, semIs = bank
            srcB, dgB, dsB, nFs, nGd, nbuf, nsemF, nsemG, nsemIg, nsemIs = nbank

            @pl.when(j + 1 < CH1)
            def _():
                @pl.when(j > 0)
                def _():
                    pltpu.make_async_copy(srcm_hbm.at[wid, 0], srcB, nsemIg).wait()
                    pltpu.make_async_copy(dstm_hbm.at[wid, 0], dgB, nsemIg).wait()
                pltpu.async_copy(F_hbm.at[srcB], nFs, nsemF)
                pltpu.async_copy(G_hbm.at[dgB], nGd, nsemG)

            pltpu.make_async_copy(F_hbm.at[srcA], Fs, semF).wait()
            pltpu.make_async_copy(G_hbm.at[dgA], Gd, semG).wait()

            @pl.when(j + 2 < CH1)
            def _():
                pltpu.async_copy(srcm_hbm.at[wid, j + 2], srcA, semIg)
                pltpu.async_copy(dstm_hbm.at[wid, j + 2], dgA, semIg)

            _edge_compute(Fs, Gd, buf, maxs, hmask, HC, C)

            @pl.when(j > 0)
            def _():
                pltpu.make_async_copy(nbuf, accum.at[dsB], semS).wait()

            @pl.when(j + 1 < CH1)
            def _():
                pltpu.async_copy(dstm_hbm.at[wid, j + 1], dsB, nsemIs)

            @pl.when(j > 0)
            def _():
                pltpu.make_async_copy(dstm_hbm.at[wid, 0], dsA, semIs).wait()
            pltpu.async_copy(buf, accum.at[dsA], semS, add=True)

        def pair(t, carry):
            j0 = 2 * t
            step(j0, bank0, bank1)
            step(j0 + 1, bank1, bank0)
            return carry

        lax.fori_loop(0, CH1 // 2, pair, 0)
        if CH1 % 2:
            step(CH1 - 1, bank0, bank1)
            pltpu.make_async_copy(buf0, accum.at[ds0], semS).wait()
        else:
            pltpu.make_async_copy(buf1, accum.at[ds1], semS).wait()

        plsc.subcore_barrier()
        pltpu.sync_copy(accum.at[pl.ds(row0, RPT)], out_hbm.at[c, pl.ds(row0, RPT)])

    return pl.kernel(
        body,
        out_type=jax.ShapeDtypeStruct((NC, NROWS, HCp), jnp.float32),
        mesh=mesh,
        scratch_types=[
            pltpu.VMEM((B1,), jnp.int32),
            pltpu.VMEM((B1,), jnp.int32),
            pltpu.VMEM((B1,), jnp.int32),
            pltpu.VMEM((B1,), jnp.int32),
            pltpu.VMEM((B1,), jnp.int32),
            pltpu.VMEM((B1,), jnp.int32),
            pltpu.VMEM((B1, HCp), jnp.float32),
            pltpu.VMEM((B1, 16), jnp.float32),
            pltpu.VMEM((B1, HCp), jnp.float32),
            pltpu.VMEM((B1, HCp), jnp.float32),
            pltpu.VMEM((B1, 16), jnp.float32),
            pltpu.VMEM((B1, HCp), jnp.float32),
            pltpu.VMEM((16,), jnp.float32),
            pltpu.VMEM_SHARED((NROWS, HCp), jnp.float32),
            pltpu.SemaphoreType.DMA,
            pltpu.SemaphoreType.DMA,
            pltpu.SemaphoreType.DMA,
            pltpu.SemaphoreType.DMA,
            pltpu.SemaphoreType.DMA,
            pltpu.SemaphoreType.DMA,
            pltpu.SemaphoreType.DMA,
            pltpu.SemaphoreType.DMA,
            pltpu.SemaphoreType.DMA,
        ],
        compiler_params=pltpu.CompilerParams(use_tc_tiling_on_sc=False),
    )


def _edge_pass_l2(HC, H, C):
    HCp = HC + 16
    mesh = plsc.VectorSubcoreMesh(
        core_axis_name="c", subcore_axis_name="s", num_cores=NC, num_subcores=NS)

    def body(F_hbm, G_hbm, srcm_hbm, dstm_hbm, maxs_hbm, out_hbm,
             src_a, dst_a, Fs0, Gd0, buf0, Fs1, Gd1, buf1, maxs_v, accum,
             semF0, semG0, semS0, semF1, semG1, semS1):
        c = lax.axis_index("c")
        s = lax.axis_index("s")
        wid = s * NC + c
        row0 = s * RPT

        _zero_accum(buf0, accum, row0, HCp)
        pltpu.sync_copy(maxs_hbm, maxs_v)
        maxs = maxs_v[...]
        hmask = lax.iota(jnp.int32, 16) < H
        pltpu.sync_copy(srcm_hbm.at[wid], src_a)
        pltpu.sync_copy(dstm_hbm.at[wid], dst_a)

        plsc.subcore_barrier()

        bank0 = (Fs0, Gd0, buf0, semF0, semG0, semS0)
        bank1 = (Fs1, Gd1, buf1, semF1, semG1, semS1)

        pltpu.async_copy(F_hbm.at[src_a.at[0]], Fs0, semF0)
        pltpu.async_copy(G_hbm.at[dst_a.at[0]], Gd0, semG0)

        def step(j, bank, nbank):
            Fs, Gd, buf, semF, semG, semS = bank
            nFs, nGd, nbuf, nsemF, nsemG, nsemS = nbank

            @pl.when(j + 1 < CH)
            def _():
                pltpu.async_copy(F_hbm.at[src_a.at[j + 1]], nFs, nsemF)
                pltpu.async_copy(G_hbm.at[dst_a.at[j + 1]], nGd, nsemG)

            pltpu.make_async_copy(F_hbm.at[src_a.at[j]], Fs, semF).wait()
            pltpu.make_async_copy(G_hbm.at[dst_a.at[j]], Gd, semG).wait()

            @pl.when(j > 1)
            def _():
                pltpu.make_async_copy(buf, accum.at[dst_a.at[j]], semS).wait()

            _edge_compute(Fs, Gd, buf, maxs, hmask, HC, C)
            pltpu.async_copy(buf, accum.at[dst_a.at[j]], semS, add=True)

        def pair(t, carry):
            j0 = 2 * t
            step(j0, bank0, bank1)
            step(j0 + 1, bank1, bank0)
            return carry

        lax.fori_loop(0, CH // 2, pair, 0)
        if CH % 2:
            step(CH - 1, bank0, bank1)
            pltpu.make_async_copy(buf1, accum.at[dst_a.at[0]], semS1).wait()
            pltpu.make_async_copy(buf0, accum.at[dst_a.at[0]], semS0).wait()
        else:
            pltpu.make_async_copy(buf0, accum.at[dst_a.at[0]], semS0).wait()
            pltpu.make_async_copy(buf1, accum.at[dst_a.at[0]], semS1).wait()

        plsc.subcore_barrier()
        pltpu.sync_copy(accum.at[pl.ds(row0, RPT)], out_hbm.at[c, pl.ds(row0, RPT)])

    return pl.kernel(
        body,
        out_type=jax.ShapeDtypeStruct((NC, NROWS, HCp), jnp.float32),
        mesh=mesh,
        scratch_types=[
            pltpu.VMEM((CH, B), jnp.int32),
            pltpu.VMEM((CH, B), jnp.int32),
            pltpu.VMEM((B, HCp), jnp.float32),
            pltpu.VMEM((B, 16), jnp.float32),
            pltpu.VMEM((B, HCp), jnp.float32),
            pltpu.VMEM((B, HCp), jnp.float32),
            pltpu.VMEM((B, 16), jnp.float32),
            pltpu.VMEM((B, HCp), jnp.float32),
            pltpu.VMEM((16,), jnp.float32),
            pltpu.VMEM_SHARED((NROWS, HCp), jnp.float32),
            pltpu.SemaphoreType.DMA,
            pltpu.SemaphoreType.DMA,
            pltpu.SemaphoreType.DMA,
            pltpu.SemaphoreType.DMA,
            pltpu.SemaphoreType.DMA,
            pltpu.SemaphoreType.DMA,
        ],
        compiler_params=pltpu.CompilerParams(use_tc_tiling_on_sc=False),
    )


def _tc1_body(x_ref, W_ref, Am_ref, Ad_ref, F_ref, G_ref, mx_ref):
    h = jnp.dot(x_ref[...], W_ref[...], preferred_element_type=jnp.float32)
    asrc = jnp.dot(h, Am_ref[...], preferred_element_type=jnp.float32)
    adst = jnp.dot(h, Ad_ref[...], preferred_element_type=jnp.float32)
    z = jnp.zeros_like(asrc)
    F_ref[:, :D] = h
    F_ref[:, D:D + 8] = asrc
    F_ref[:, D + 8:] = z
    G_ref[...] = jnp.zeros((NG, 16), jnp.float32)
    G_ref[:N, :8] = adst
    bm = jnp.max(asrc, axis=0, keepdims=True)
    mx_ref[...] = jnp.concatenate([bm, jnp.zeros((1, 8), jnp.float32)], axis=1)


def _elu(v):
    return jnp.where(v > 0, v, jnp.exp(jnp.minimum(v, 0.0)) - 1.0)


def _tc2_body(P_ref, b1_ref, W2_ref, S_ref, Am_ref, Ad_ref, F_ref, G_ref, mx_ref):
    p0 = P_ref[0, :N]
    p1 = P_ref[1, :N]
    num = p0[:, :D] + p1[:, :D]
    den8 = p0[:, D:D + 8] + p1[:, D:D + 8]
    den = jnp.dot(den8, S_ref[...], preferred_element_type=jnp.float32)
    x1 = _elu(num / (den + 1e-16) + b1_ref[...])
    h2 = jnp.dot(x1, W2_ref[...], preferred_element_type=jnp.float32)
    asrc16 = jnp.dot(h2, Am_ref[...], preferred_element_type=jnp.float32)
    adst16 = jnp.dot(h2, Ad_ref[...], preferred_element_type=jnp.float32)
    F_ref[:, :32] = h2
    F_ref[:, 32:] = asrc16
    G_ref[...] = jnp.zeros((NG, 16), jnp.float32)
    G_ref[:N, :] = adst16
    mx_ref[...] = jnp.max(asrc16, axis=0, keepdims=True)


def _tc3_body(P_ref, b2_ref, Wh_ref, bh_ref, o_ref):
    p0 = P_ref[0, :N]
    p1 = P_ref[1, :N]
    num = p0[:, :32] + p1[:, :32]
    den = p0[:, 32:33] + p1[:, 32:33]
    x2 = _elu(num / (den + 1e-16) + b2_ref[...])
    o_ref[...] = jnp.dot(x2, Wh_ref[...], preferred_element_type=jnp.float32) + bh_ref[...]


def kernel(x, edge_index, W1, att_src1, att_dst1, b1, W2, att_src2, att_dst2, b2, Wh, bh):
    f32 = jnp.float32
    eye8 = jnp.eye(8, dtype=f32)
    Am1 = jnp.kron(eye8, jnp.ones((C1, 1), f32)) * att_src1.reshape(D, 1)
    Ad1 = jnp.kron(eye8, jnp.ones((C1, 1), f32)) * att_dst1.reshape(D, 1)
    S = jnp.kron(eye8, jnp.ones((1, C1), f32))
    Am2 = jnp.concatenate([att_src2.reshape(C2, 1), jnp.zeros((C2, 15), f32)], axis=1)
    Ad2 = jnp.concatenate([att_dst2.reshape(C2, 1), jnp.zeros((C2, 15), f32)], axis=1)

    loop = jnp.arange(N, dtype=jnp.int32)
    pad = E_PAD - EP
    pad_dst = N + (jnp.arange(pad, dtype=jnp.int32) % 4)
    srcm = jnp.concatenate([edge_index[0], loop, jnp.zeros((pad,), jnp.int32)]).reshape(NW, CH, B)
    dstm = jnp.concatenate([edge_index[1], loop, pad_dst]).reshape(NW, CH, B)

    F1, G1, mx1 = pl.pallas_call(
        _tc1_body,
        grid=(1,),
        in_specs=[
            pl.BlockSpec((N, D), lambda i: (0, 0)),
            pl.BlockSpec((D, D), lambda i: (0, 0)),
            pl.BlockSpec((D, 8), lambda i: (0, 0)),
            pl.BlockSpec((D, 8), lambda i: (0, 0)),
        ],
        out_specs=[
            pl.BlockSpec((N, D + 16), lambda i: (0, 0)),
            pl.BlockSpec((NG, 16), lambda i: (0, 0)),
            pl.BlockSpec((1, 16), lambda i: (0, 0)),
        ],
        out_shape=[
            jax.ShapeDtypeStruct((N, D + 16), f32),
            jax.ShapeDtypeStruct((NG, 16), f32),
            jax.ShapeDtypeStruct((1, 16), f32),
        ],
    )(x, W1, Am1, Ad1)

    part1 = _edge_pass_l1(D, H1, C1)(
        F1, G1, srcm.reshape(NW, 2 * CH, 64), dstm.reshape(NW, 2 * CH, 64),
        mx1.reshape(16))

    F2, G2, mx2 = pl.pallas_call(
        _tc2_body,
        grid=(1,),
        in_specs=[
            pl.BlockSpec((2, NROWS, D + 16), lambda i: (0, 0, 0)),
            pl.BlockSpec((1, D), lambda i: (0, 0)),
            pl.BlockSpec((D, 32), lambda i: (0, 0)),
            pl.BlockSpec((8, D), lambda i: (0, 0)),
            pl.BlockSpec((32, 16), lambda i: (0, 0)),
            pl.BlockSpec((32, 16), lambda i: (0, 0)),
        ],
        out_specs=[
            pl.BlockSpec((N, 48), lambda i: (0, 0)),
            pl.BlockSpec((NG, 16), lambda i: (0, 0)),
            pl.BlockSpec((1, 16), lambda i: (0, 0)),
        ],
        out_shape=[
            jax.ShapeDtypeStruct((N, 48), f32),
            jax.ShapeDtypeStruct((NG, 16), f32),
            jax.ShapeDtypeStruct((1, 16), f32),
        ],
    )(part1, b1.reshape(1, D), W2, S, Am2, Ad2)

    part2 = _edge_pass_l2(32, H2, C2)(F2, G2, srcm, dstm, mx2.reshape(16))

    out = pl.pallas_call(
        _tc3_body,
        grid=(1,),
        in_specs=[
            pl.BlockSpec((2, NROWS, 48), lambda i: (0, 0, 0)),
            pl.BlockSpec((1, 32), lambda i: (0, 0)),
            pl.BlockSpec((32, 1), lambda i: (0, 0)),
            pl.BlockSpec((1, 1), lambda i: (0, 0)),
        ],
        out_specs=pl.BlockSpec((N, 1), lambda i: (0, 0)),
        out_shape=jax.ShapeDtypeStruct((N, 1), f32),
    )(part2, b2.reshape(1, 32), Wh, bh.reshape(1, 1))

    return out

# --- scband reference (transcript-rebuilt; emitter-appended) ---
"""Pipeline reference for scband-gatnet-7713761263899 (READ-ONLY COPY).

The authoritative reference and input builder live on the scoring server;
editing this copy changes nothing except your own understanding.
"""

import jax, jax.numpy as jnp
import numpy as np

N = 10000
E = 320000
D = 128
H1, C1 = 8, 16   # gat1: heads=8, out=embed_dim//8=16, concat -> 128
H2, C2 = 1, 32   # gat2: heads=1, out=32, concat=False


def setup_inputs(seed: int = 0) -> dict:
    key = jax.random.key(seed)
    ks = jax.random.split(key, 12)
    x = jax.random.normal(ks[0], (N, D), dtype=jnp.float32)
    edge_index = jax.random.randint(ks[1], (2, E), 0, N, dtype=jnp.int32)
    s1 = 1.0 / np.sqrt(D)
    W1 = jax.random.normal(ks[2], (D, H1 * C1), dtype=jnp.float32) * s1
    att_src1 = jax.random.normal(ks[3], (1, H1, C1), dtype=jnp.float32) * s1
    att_dst1 = jax.random.normal(ks[4], (1, H1, C1), dtype=jnp.float32) * s1
    b1 = jnp.zeros((H1 * C1,), dtype=jnp.float32)
    W2 = jax.random.normal(ks[5], (H1 * C1, H2 * C2), dtype=jnp.float32) * s1
    att_src2 = jax.random.normal(ks[6], (1, H2, C2), dtype=jnp.float32) * s1
    att_dst2 = jax.random.normal(ks[7], (1, H2, C2), dtype=jnp.float32) * s1
    b2 = jnp.zeros((C2,), dtype=jnp.float32)
    Wh = jax.random.normal(ks[8], (C2, 1), dtype=jnp.float32) * (1.0 / np.sqrt(C2))
    bh = jnp.zeros((1,), dtype=jnp.float32)
    return {"x": x, "edge_index": edge_index, "W1": W1, "att_src1": att_src1,
            "att_dst1": att_dst1, "b1": b1, "W2": W2, "att_src2": att_src2,
            "att_dst2": att_dst2, "b2": b2, "Wh": Wh, "bh": bh}


def _gat_layer(x, src, dst, W, a_src, a_dst, b, heads, ch, concat):
    h = (x @ W).reshape(N, heads, ch)                       # [N, H, C]
    alpha_src = jnp.sum(h * a_src, axis=-1)                 # [N, H]
    alpha_dst = jnp.sum(h * a_dst, axis=-1)                 # [N, H]
    alpha = alpha_src[src] + alpha_dst[dst]                 # [E', H]
    alpha = jax.nn.leaky_relu(alpha, negative_slope=0.2)
    # softmax over incoming edges per destination node (with self-loops -> no empty segments)
    amax = jax.ops.segment_max(alpha, dst, num_segments=N)
    ealpha = jnp.exp(alpha - amax[dst])
    denom = jax.ops.segment_sum(ealpha, dst, num_segments=N)
    coef = ealpha / (denom[dst] + 1e-16)                    # [E', H]
    out = jax.ops.segment_sum(h[src] * coef[..., None], dst, num_segments=N)  # [N, H, C]
    if concat:
        out = out.reshape(N, heads * ch)
    else:
        out = jnp.mean(out, axis=1)
    return out + b


def reference(x, edge_index, W1, att_src1, att_dst1, b1, W2, att_src2, att_dst2, b2, Wh, bh):
    # add self-loops (PyG GATConv default add_self_loops=True)
    loop = jnp.arange(N, dtype=edge_index.dtype)
    src = jnp.concatenate([edge_index[0], loop])
    dst = jnp.concatenate([edge_index[1], loop])
    x1 = jax.nn.elu(_gat_layer(x, src, dst, W1, att_src1, att_dst1, b1, H1, C1, True))
    x2 = jax.nn.elu(_gat_layer(x1, src, dst, W2, att_src2, att_dst2, b2, H2, C2, False))
    return x2 @ Wh + bh

if __name__ == "__main__":
    import jax
    _d = setup_inputs()
    print(jax.jit(kernel)(*tuple(_d.values())))

</pallas_src>

<mosaic_0001>
#map = affine_map<(d0, d1) -> (0, 0)>
#map1 = affine_map<(d0, d1) -> (0, 0, 0)>
#map2 = affine_map<(d0, d1) -> (0)>
module attributes {stable_mosaic.version = 14 : i64} {
  func.func @body(%arg0: i32, %arg1: i32, %arg2: memref<10000x144xf32, #tpu.memory_space<hbm>>, %arg3: memref<10008x16xf32, #tpu.memory_space<hbm>>, %arg4: memref<32x162x64xi32, #tpu.memory_space<hbm>>, %arg5: memref<32x162x64xi32, #tpu.memory_space<hbm>>, %arg6: memref<16xf32, #tpu.memory_space<hbm>>, %arg7: memref<2x10016x144xf32, #tpu.memory_space<hbm>>, %arg8: memref<64xi32, #tpu.memory_space<vmem>>, %arg9: memref<64xi32, #tpu.memory_space<vmem>>, %arg10: memref<64xi32, #tpu.memory_space<vmem>>, %arg11: memref<64xi32, #tpu.memory_space<vmem>>, %arg12: memref<64xi32, #tpu.memory_space<vmem>>, %arg13: memref<64xi32, #tpu.memory_space<vmem>>, %arg14: memref<64x144xf32, #tpu.memory_space<vmem>>, %arg15: memref<64x16xf32, #tpu.memory_space<vmem>>, %arg16: memref<64x144xf32, #tpu.memory_space<vmem>>, %arg17: memref<64x144xf32, #tpu.memory_space<vmem>>, %arg18: memref<64x16xf32, #tpu.memory_space<vmem>>, %arg19: memref<64x144xf32, #tpu.memory_space<vmem>>, %arg20: memref<16xf32, #tpu.memory_space<vmem>>, %arg21: memref<10016x144xf32, #tpu.memory_space<vmem_shared>>, %arg22: memref<!tpu.dma_semaphore, #tpu.memory_space<semaphore_mem>>, %arg23: memref<!tpu.dma_semaphore, #tpu.memory_space<semaphore_mem>>, %arg24: memref<!tpu.dma_semaphore, #tpu.memory_space<semaphore_mem>>, %arg25: memref<!tpu.dma_semaphore, #tpu.memory_space<semaphore_mem>>, %arg26: memref<!tpu.dma_semaphore, #tpu.memory_space<semaphore_mem>>, %arg27: memref<!tpu.dma_semaphore, #tpu.memory_space<semaphore_mem>>, %arg28: memref<!tpu.dma_semaphore, #tpu.memory_space<semaphore_mem>>, %arg29: memref<!tpu.dma_semaphore, #tpu.memory_space<semaphore_mem>>, %arg30: memref<!tpu.dma_semaphore, #tpu.memory_space<semaphore_mem>>) attributes {dimension_semantics = [#tpu.dimension_semantics<core_parallel>, #tpu.dimension_semantics<subcore_parallel>], iteration_bounds = array<i64: 2, 16>, scalar_prefetch = 0 : i64, scratch_operands = 23 : i64, tpu.core_type = #tpu.core_type<sc_vector_subcore>, window_params = [{transform_indices = #map}, {transform_indices = #map}, {transform_indices = #map1}, {transform_indices = #map1}, {transform_indices = #map2}, {transform_indices = #map1}]} {
    %mul3A = arith.constant 2 : i32
    %mul3A_0 = arith.muli %arg1, %mul3A : i32
    %add3A = arith.addi %mul3A_0, %arg0 : i32
    %mul3A_1 = arith.constant 626 : i32
    %mul3A_2 = arith.muli %arg1, %mul3A_1 : i32
    %broadcast_in_dim3A = arith.constant 0.000000e+00 : f32
    %broadcast_in_dim3A_3 = vector.broadcast %broadcast_in_dim3A : f32 to vector<16xf32>
    %scan3A = arith.constant 0 : i32
    %scan3A_4 = arith.constant 0 : i32
    %scan3A_5 = arith.constant 64 : i32
    %scan3A_6 = arith.addi %scan3A_4, %scan3A_5 : i32
    %scan3A_7 = arith.constant 1 : i32
    scf.for %scan3A_51 = %scan3A_4 to %scan3A_6 step %scan3A_7  : i32 {
      %swap3A = arith.index_cast %scan3A_51 : i32 to index
      %swap3A_52 = arith.constant 0 : index
      %swap3A_53 = tpu.vector_load %arg16[%swap3A, %swap3A_52] {strides = array<i32>} : memref<64x144xf32, #tpu.memory_space<vmem>>, vector<1x16xf32>,
      %swap3A_54 = vector.shape_cast %swap3A_53 : vector<1x16xf32> to vector<16xf32>
      %swap3A_55 = vector.shape_cast %broadcast_in_dim3A_3 : vector<16xf32> to vector<1x16xf32>
      tpu.vector_store %arg16[%swap3A, %swap3A_52], %swap3A_55 {strides = array<i32>} : memref<64x144xf32, #tpu.memory_space<vmem>>, vector<1x16xf32>,
      %swap3A_56 = arith.index_cast %scan3A_51 : i32 to index
      %swap3A_57 = arith.constant 16 : index
      %swap3A_58 = tpu.vector_load %arg16[%swap3A_56, %swap3A_57] {strides = array<i32>} : memref<64x144xf32, #tpu.memory_space<vmem>>, vector<1x16xf32>,
      %swap3A_59 = vector.shape_cast %swap3A_58 : vector<1x16xf32> to vector<16xf32>
      %swap3A_60 = vector.shape_cast %broadcast_in_dim3A_3 : vector<16xf32> to vector<1x16xf32>
      tpu.vector_store %arg16[%swap3A_56, %swap3A_57], %swap3A_60 {strides = array<i32>} : memref<64x144xf32, #tpu.memory_space<vmem>>, vector<1x16xf32>,
      %swap3A_61 = arith.index_cast %scan3A_51 : i32 to index
      %swap3A_62 = arith.constant 32 : index
      %swap3A_63 = tpu.vector_load %arg16[%swap3A_61, %swap3A_62] {strides = array<i32>} : memref<64x144xf32, #tpu.memory_space<vmem>>, vector<1x16xf32>,
      %swap3A_64 = vector.shape_cast %swap3A_63 : vector<1x16xf32> to vector<16xf32>
      %swap3A_65 = vector.shape_cast %broadcast_in_dim3A_3 : vector<16xf32> to vector<1x16xf32>
      tpu.vector_store %arg16[%swap3A_61, %swap3A_62], %swap3A_65 {strides = array<i32>} : memref<64x144xf32, #tpu.memory_space<vmem>>, vector<1x16xf32>,
      %swap3A_66 = arith.index_cast %scan3A_51 : i32 to index
      %swap3A_67 = arith.constant 48 : index
      %swap3A_68 = tpu.vector_load %arg16[%swap3A_66, %swap3A_67] {strides = array<i32>} : memref<64x144xf32, #tpu.memory_space<vmem>>, vector<1x16xf32>,
      %swap3A_69 = vector.shape_cast %swap3A_68 : vector<1x16xf32> to vector<16xf32>
      %swap3A_70 = vector.shape_cast %broadcast_in_dim3A_3 : vector<16xf32> to vector<1x16xf32>
      tpu.vector_store %arg16[%swap3A_66, %swap3A_67], %swap3A_70 {strides = array<i32>} : memref<64x144xf32, #tpu.memory_space<vmem>>, vector<1x16xf32>,
      %swap3A_71 = arith.index_cast %scan3A_51 : i32 to index
      %swap3A_72 = arith.constant 64 : index
      %swap3A_73 = tpu.vector_load %arg16[%swap3A_71, %swap3A_72] {strides = array<i32>} : memref<64x144xf32, #tpu.memory_space<vmem>>, vector<1x16xf32>,
      %swap3A_74 = vector.shape_cast %swap3A_73 : vector<1x16xf32> to vector<16xf32>
      %swap3A_75 = vector.shape_cast %broadcast_in_dim3A_3 : vector<16xf32> to vector<1x16xf32>
      tpu.vector_store %arg16[%swap3A_71, %swap3A_72], %swap3A_75 {strides = array<i32>} : memref<64x144xf32, #tpu.memory_space<vmem>>, vector<1x16xf32>,
      %swap3A_76 = arith.index_cast %scan3A_51 : i32 to index
      %swap3A_77 = arith.constant 80 : index
      %swap3A_78 = tpu.vector_load %arg16[%swap3A_76, %swap3A_77] {strides = array<i32>} : memref<64x144xf32, #tpu.memory_space<vmem>>, vector<1x16xf32>,
      %swap3A_79 = vector.shape_cast %swap3A_78 : vector<1x16xf32> to vector<16xf32>
      %swap3A_80 = vector.shape_cast %broadcast_in_dim3A_3 : vector<16xf32> to vector<1x16xf32>
      tpu.vector_store %arg16[%swap3A_76, %swap3A_77], %swap3A_80 {strides = array<i32>} : memref<64x144xf32, #tpu.memory_space<vmem>>, vector<1x16xf32>,
      %swap3A_81 = arith.index_cast %scan3A_51 : i32 to index
      %swap3A_82 = arith.constant 96 : index
      %swap3A_83 = tpu.vector_load %arg16[%swap3A_81, %swap3A_82] {strides = array<i32>} : memref<64x144xf32, #tpu.memory_space<vmem>>, vector<1x16xf32>,
      %swap3A_84 = vector.shape_cast %swap3A_83 : vector<1x16xf32> to vector<16xf32>
      %swap3A_85 = vector.shape_cast %broadcast_in_dim3A_3 : vector<16xf32> to vector<1x16xf32>
      tpu.vector_store %arg16[%swap3A_81, %swap3A_82], %swap3A_85 {strides = array<i32>} : memref<64x144xf32, #tpu.memory_space<vmem>>, vector<1x16xf32>,
      %swap3A_86 = arith.index_cast %scan3A_51 : i32 to index
      %swap3A_87 = arith.constant 112 : index
      %swap3A_88 = tpu.vector_load %arg16[%swap3A_86, %swap3A_87] {strides = array<i32>} : memref<64x144xf32, #tpu.memory_space<vmem>>, vector<1x16xf32>,
      %swap3A_89 = vector.shape_cast %swap3A_88 : vector<1x16xf32> to vector<16xf32>
      %swap3A_90 = vector.shape_cast %broadcast_in_dim3A_3 : vector<16xf32> to vector<1x16xf32>
      tpu.vector_store %arg16[%swap3A_86, %swap3A_87], %swap3A_90 {strides = array<i32>} : memref<64x144xf32, #tpu.memory_space<vmem>>, vector<1x16xf32>,
      %swap3A_91 = arith.index_cast %scan3A_51 : i32 to index
      %swap3A_92 = arith.constant 128 : index
      %swap3A_93 = tpu.vector_load %arg16[%swap3A_91, %swap3A_92] {strides = array<i32>} : memref<64x144xf32, #tpu.memory_space<vmem>>, vector<1x16xf32>,
      %swap3A_94 = vector.shape_cast %swap3A_93 : vector<1x16xf32> to vector<16xf32>
      %swap3A_95 = vector.shape_cast %broadcast_in_dim3A_3 : vector<16xf32> to vector<1x16xf32>
      tpu.vector_store %arg16[%swap3A_91, %swap3A_92], %swap3A_95 {strides = array<i32>} : memref<64x144xf32, #tpu.memory_space<vmem>>, vector<1x16xf32>,
    }
    %scan3A_8 = arith.constant 64 : i32
    %add3A_9 = arith.constant 0 : i32
    %add3A_10 = arith.addi %mul3A_2, %add3A_9 : i32
    "tpu.region"() ({
      %run_scoped3A_51 = tpu.sem_alloc : memref<!tpu.dma_semaphore, #tpu.memory_space<semaphore_mem>>
      %dma_start3A_52 = arith.constant 0 : i32
      %dma_start3A_53 = arith.constant 0 : i32
      %dma_start3A_54 = tpu.memref_slice %arg16[%dma_start3A_52, %dma_start3A_53] : memref<64x144xf32, #tpu.memory_space<vmem>> -> memref<64x144xf32, #tpu.memory_space<vmem>>
      %dma_start3A_55 = arith.constant 0 : i32
      %dma_start3A_56 = tpu.memref_slice %arg21[%add3A_10, %dma_start3A_55] : memref<10016x144xf32, #tpu.memory_space<vmem_shared>> -> memref<64x144xf32, #tpu.memory_space<vmem_shared>>
      %dma_start3A_57 = arith.constant 0 : i32
      %dma_start3A_58 = tpu.memref_slice %arg21[%add3A_10, %dma_start3A_57] : memref<10016x144xf32, #tpu.memory_space<vmem_shared>> -> memref<64x144xf32, #tpu.memory_space<vmem_shared>>
      %dma_start3A_59 = arith.constant 0 : i32
      %dma_start3A_60 = arith.constant 0 : i32
      %dma_start3A_61 = tpu.memref_slice %arg16[%dma_start3A_59, %dma_start3A_60] : memref<64x144xf32, #tpu.memory_space<vmem>> -> memref<64x144xf32, #tpu.memory_space<vmem>>
      tpu.enqueue_dma source(%dma_start3A_61 : memref<64x144xf32, #tpu.memory_space<vmem>>) target(%dma_start3A_58 : memref<64x144xf32, #tpu.memory_space<vmem_shared>>) target_semaphore(%run_scoped3A_51 : memref<!tpu.dma_semaphore, #tpu.memory_space<semaphore_mem>>)
      %dma_wait3A_62 = arith.constant 0 : i32
      %dma_wait3A_63 = arith.constant 0 : i32
      %dma_wait3A_64 = tpu.memref_slice %arg16[%dma_wait3A_62, %dma_wait3A_63] : memref<64x144xf32, #tpu.memory_space<vmem>> -> memref<64x144xf32, #tpu.memory_space<vmem>>
      %dma_wait3A_65 = arith.constant 0 : i32
      %dma_wait3A_66 = tpu.memref_slice %arg21[%add3A_10, %dma_wait3A_65] : memref<10016x144xf32, #tpu.memory_space<vmem_shared>> -> memref<64x144xf32, #tpu.memory_space<vmem_shared>>
      %dma_wait3A_67 = arith.constant 0 : i32
      %dma_wait3A_68 = tpu.memref_slice %arg21[%add3A_10, %dma_wait3A_67] : memref<10016x144xf32, #tpu.memory_space<vmem_shared>> -> memref<64x144xf32, #tpu.memory_space<vmem_shared>>
      %dma_wait3A_69 = arith.constant 0 : i32
      %dma_wait3A_70 = arith.constant 0 : i32
      %dma_wait3A_71 = tpu.memref_slice %arg16[%dma_wait3A_69, %dma_wait3A_70] : memref<64x144xf32, #tpu.memory_space<vmem>> -> memref<64x144xf32, #tpu.memory_space<vmem>>
      tpu.wait_dma2 semaphore(%run_scoped3A_51 : memref<!tpu.dma_semaphore, #tpu.memory_space<semaphore_mem>>) src(%dma_wait3A_71 : memref<64x144xf32, #tpu.memory_space<vmem>>) dst(%dma_wait3A_68 : memref<64x144xf32, #tpu.memory_space<vmem_shared>>)
      tpu.yield
    }) : () -> ()
    %add3A_11 = arith.constant 64 : i32
    %add3A_12 = arith.addi %mul3A_2, %add3A_11 : i32
    "tpu.region"() ({
      %run_scoped3A_51 = tpu.sem_alloc : memref<!tpu.dma_semaphore, #tpu.memory_space<semaphore_mem>>
      %dma_start3A_52 = arith.constant 0 : i32
      %dma_start3A_53 = arith.constant 0 : i32
      %dma_start3A_54 = tpu.memref_slice %arg16[%dma_start3A_52, %dma_start3A_53] : memref<64x144xf32, #tpu.memory_space<vmem>> -> memref<64x144xf32, #tpu.memory_space<vmem>>
      %dma_start3A_55 = arith.constant 0 : i32
      %dma_start3A_56 = tpu.memref_slice %arg21[%add3A_12, %dma_start3A_55] : memref<10016x144xf32, #tpu.memory_space<vmem_shared>> -> memref<64x144xf32, #tpu.memory_space<vmem_shared>>
      %dma_start3A_57 = arith.constant 0 : i32
      %dma_start3A_58 = tpu.memref_slice %arg21[%add3A_12, %dma_start3A_57] : memref<10016x144xf32, #tpu.memory_space<vmem_shared>> -> memref<64x144xf32, #tpu.memory_space<vmem_shared>>
      %dma_start3A_59 = arith.constant 0 : i32
      %dma_start3A_60 = arith.constant 0 : i32
      %dma_start3A_61 = tpu.memref_slice %arg16[%dma_start3A_59, %dma_start3A_60] : memref<64x144xf32, #tpu.memory_space<vmem>> -> memref<64x144xf32, #tpu.memory_space<vmem>>
      tpu.enqueue_dma source(%dma_start3A_61 : memref<64x144xf32, #tpu.memory_space<vmem>>) target(%dma_start3A_58 : memref<64x144xf32, #tpu.memory_space<vmem_shared>>) target_semaphore(%run_scoped3A_51 : memref<!tpu.dma_semaphore, #tpu.memory_space<semaphore_mem>>)
      %dma_wait3A_62 = arith.constant 0 : i32
      %dma_wait3A_63 = arith.constant 0 : i32
      %dma_wait3A_64 = tpu.memref_slice %arg16[%dma_wait3A_62, %dma_wait3A_63] : memref<64x144xf32, #tpu.memory_space<vmem>> -> memref<64x144xf32, #tpu.memory_space<vmem>>
      %dma_wait3A_65 = arith.constant 0 : i32
      %dma_wait3A_66 = tpu.memref_slice %arg21[%add3A_12, %dma_wait3A_65] : memref<10016x144xf32, #tpu.memory_space<vmem_shared>> -> memref<64x144xf32, #tpu.memory_space<vmem_shared>>
      %dma_wait3A_67 = arith.constant 0 : i32
      %dma_wait3A_68 = tpu.memref_slice %arg21[%add3A_12, %dma_wait3A_67] : memref<10016x144xf32, #tpu.memory_space<vmem_shared>> -> memref<64x144xf32, #tpu.memory_space<vmem_shared>>
      %dma_wait3A_69 = arith.constant 0 : i32
      %dma_wait3A_70 = arith.constant 0 : i32
      %dma_wait3A_71 = tpu.memref_slice %arg16[%dma_wait3A_69, %dma_wait3A_70] : memref<64x144xf32, #tpu.memory_space<vmem>> -> memref<64x144xf32, #tpu.memory_space<vmem>>
      tpu.wait_dma2 semaphore(%run_scoped3A_51 : memref<!tpu.dma_semaphore, #tpu.memory_space<semaphore_mem>>) src(%dma_wait3A_71 : memref<64x144xf32, #tpu.memory_space<vmem>>) dst(%dma_wait3A_68 : memref<64x144xf32, #tpu.memory_space<vmem_shared>>)
      tpu.yield
    }) : () -> ()
    %add3A_13 = arith.constant 128 : i32
    %add3A_14 = arith.addi %mul3A_2, %add3A_13 : i32
    "tpu.region"() ({
      %run_scoped3A_51 = tpu.sem_alloc : memref<!tpu.dma_semaphore, #tpu.memory_space<semaphore_mem>>
      %dma_start3A_52 = arith.constant 0 : i32
      %dma_start3A_53 = arith.constant 0 : i32
      %dma_start3A_54 = tpu.memref_slice %arg16[%dma_start3A_52, %dma_start3A_53] : memref<64x144xf32, #tpu.memory_space<vmem>> -> memref<64x144xf32, #tpu.memory_space<vmem>>
      %dma_start3A_55 = arith.constant 0 : i32
      %dma_start3A_56 = tpu.memref_slice %arg21[%add3A_14, %dma_start3A_55] : memref<10016x144xf32, #tpu.memory_space<vmem_shared>> -> memref<64x144xf32, #tpu.memory_space<vmem_shared>>
      %dma_start3A_57 = arith.constant 0 : i32
      %dma_start3A_58 = tpu.memref_slice %arg21[%add3A_14, %dma_start3A_57] : memref<10016x144xf32, #tpu.memory_space<vmem_shared>> -> memref<64x144xf32, #tpu.memory_space<vmem_shared>>
      %dma_start3A_59 = arith.constant 0 : i32
      %dma_start3A_60 = arith.constant 0 : i32
      %dma_start3A_61 = tpu.memref_slice %arg16[%dma_start3A_59, %dma_start3A_60] : memref<64x144xf32, #tpu.memory_space<vmem>> -> memref<64x144xf32, #tpu.memory_space<vmem>>
      tpu.enqueue_dma source(%dma_start3A_61 : memref<64x144xf32, #tpu.memory_space<vmem>>) target(%dma_start3A_58 : memref<64x144xf32, #tpu.memory_space<vmem_shared>>) target_semaphore(%run_scoped3A_51 : memref<!tpu.dma_semaphore, #tpu.memory_space<semaphore_mem>>)
      %dma_wait3A_62 = arith.constant 0 : i32
      %dma_wait3A_63 = arith.constant 0 : i32
      %dma_wait3A_64 = tpu.memref_slice %arg16[%dma_wait3A_62, %dma_wait3A_63] : memref<64x144xf32, #tpu.memory_space<vmem>> -> memref<64x144xf32, #tpu.memory_space<vmem>>
      %dma_wait3A_65 = arith.constant 0 : i32
      %dma_wait3A_66 = tpu.memref_slice %arg21[%add3A_14, %dma_wait3A_65] : memref<10016x144xf32, #tpu.memory_space<vmem_shared>> -> memref<64x144xf32, #tpu.memory_space<vmem_shared>>
      %dma_wait3A_67 = arith.constant 0 : i32
      %dma_wait3A_68 = tpu.memref_slice %arg21[%add3A_14, %dma_wait3A_67] : memref<10016x144xf32, #tpu.memory_space<vmem_shared>> -> memref<64x144xf32, #tpu.memory_space<vmem_shared>>
      %dma_wait3A_69 = arith.constant 0 : i32
      %dma_wait3A_70 = arith.constant 0 : i32
      %dma_wait3A_71 = tpu.memref_slice %arg16[%dma_wait3A_69, %dma_wait3A_70] : memref<64x144xf32, #tpu.memory_space<vmem>> -> memref<64x144xf32, #tpu.memory_space<vmem>>
      tpu.wait_dma2 semaphore(%run_scoped3A_51 : memref<!tpu.dma_semaphore, #tpu.memory_space<semaphore_mem>>) src(%dma_wait3A_71 : memref<64x144xf32, #tpu.memory_space<vmem>>) dst(%dma_wait3A_68 : memref<64x144xf32, #tpu.memory_space<vmem_shared>>)
      tpu.yield
    }) : () -> ()
    %add3A_15 = arith.constant 192 : i32
    %add3A_16 = arith.addi %mul3A_2, %add3A_15 : i32
    "tpu.region"() ({
      %run_scoped3A_51 = tpu.sem_alloc : memref<!tpu.dma_semaphore, #tpu.memory_space<semaphore_mem>>
      %dma_start3A_52 = arith.constant 0 : i32
      %dma_start3A_53 = arith.constant 0 : i32
      %dma_start3A_54 = tpu.memref_slice %arg16[%dma_start3A_52, %dma_start3A_53] : memref<64x144xf32, #tpu.memory_space<vmem>> -> memref<64x144xf32, #tpu.memory_space<vmem>>
      %dma_start3A_55 = arith.constant 0 : i32
      %dma_start3A_56 = tpu.memref_slice %arg21[%add3A_16, %dma_start3A_55] : memref<10016x144xf32, #tpu.memory_space<vmem_shared>> -> memref<64x144xf32, #tpu.memory_space<vmem_shared>>
      %dma_start3A_57 = arith.constant 0 : i32
      %dma_start3A_58 = tpu.memref_slice %arg21[%add3A_16, %dma_start3A_57] : memref<10016x144xf32, #tpu.memory_space<vmem_shared>> -> memref<64x144xf32, #tpu.memory_space<vmem_shared>>
      %dma_start3A_59 = arith.constant 0 : i32
      %dma_start3A_60 = arith.constant 0 : i32
      %dma_start3A_61 = tpu.memref_slice %arg16[%dma_start3A_59, %dma_start3A_60] : memref<64x144xf32, #tpu.memory_space<vmem>> -> memref<64x144xf32, #tpu.memory_space<vmem>>
      tpu.enqueue_dma source(%dma_start3A_61 : memref<64x144xf32, #tpu.memory_space<vmem>>) target(%dma_start3A_58 : memref<64x144xf32, #tpu.memory_space<vmem_shared>>) target_semaphore(%run_scoped3A_51 : memref<!tpu.dma_semaphore, #tpu.memory_space<semaphore_mem>>)
      %dma_wait3A_62 = arith.constant 0 : i32
      %dma_wait3A_63 = arith.constant 0 : i32
      %dma_wait3A_64 = tpu.memref_slice %arg16[%dma_wait3A_62, %dma_wait3A_63] : memref<64x144xf32, #tpu.memory_space<vmem>> -> memref<64x144xf32, #tpu.memory_space<vmem>>
      %dma_wait3A_65 = arith.constant 0 : i32
      %dma_wait3A_66 = tpu.memref_slice %arg21[%add3A_16, %dma_wait3A_65] : memref<10016x144xf32, #tpu.memory_space<vmem_shared>> -> memref<64x144xf32, #tpu.memory_space<vmem_shared>>
      %dma_wait3A_67 = arith.constant 0 : i32
      %dma_wait3A_68 = tpu.memref_slice %arg21[%add3A_16, %dma_wait3A_67] : memref<10016x144xf32, #tpu.memory_space<vmem_shared>> -> memref<64x144xf32, #tpu.memory_space<vmem_shared>>
      %dma_wait3A_69 = arith.constant 0 : i32
      %dma_wait3A_70 = arith.constant 0 : i32
      %dma_wait3A_71 = tpu.memref_slice %arg16[%dma_wait3A_69, %dma_wait3A_70] : memref<64x144xf32, #tpu.memory_space<vmem>> -> memref<64x144xf32, #tpu.memory_space<vmem>>
      tpu.wait_dma2 semaphore(%run_scoped3A_51 : memref<!tpu.dma_semaphore, #tpu.memory_space<semaphore_mem>>) src(%dma_wait3A_71 : memref<64x144xf32, #tpu.memory_space<vmem>>) dst(%dma_wait3A_68 : memref<64x144xf32, #tpu.memory_space<vmem_shared>>)
      tpu.yield
    }) : () -> ()
    %add3A_17 = arith.constant 256 : i32
    %add3A_18 = arith.addi %mul3A_2, %add3A_17 : i32
    "tpu.region"() ({
      %run_scoped3A_51 = tpu.sem_alloc : memref<!tpu.dma_semaphore, #tpu.memory_space<semaphore_mem>>
      %dma_start3A_52 = arith.constant 0 : i32
      %dma_start3A_53 = arith.constant 0 : i32
      %dma_start3A_54 = tpu.memref_slice %arg16[%dma_start3A_52, %dma_start3A_53] : memref<64x144xf32, #tpu.memory_space<vmem>> -> memref<64x144xf32, #tpu.memory_space<vmem>>
      %dma_start3A_55 = arith.constant 0 : i32
      %dma_start3A_56 = tpu.memref_slice %arg21[%add3A_18, %dma_start3A_55] : memref<10016x144xf32, #tpu.memory_space<vmem_shared>> -> memref<64x144xf32, #tpu.memory_space<vmem_shared>>
      %dma_start3A_57 = arith.constant 0 : i32
      %dma_start3A_58 = tpu.memref_slice %arg21[%add3A_18, %dma_start3A_57] : memref<10016x144xf32, #tpu.memory_space<vmem_shared>> -> memref<64x144xf32, #tpu.memory_space<vmem_shared>>
      %dma_start3A_59 = arith.constant 0 : i32
      %dma_start3A_60 = arith.constant 0 : i32
      %dma_start3A_61 = tpu.memref_slice %arg16[%dma_start3A_59, %dma_start3A_60] : memref<64x144xf32, #tpu.memory_space<vmem>> -> memref<64x144xf32, #tpu.memory_space<vmem>>
      tpu.enqueue_dma source(%dma_start3A_61 : memref<64x144xf32, #tpu.memory_space<vmem>>) target(%dma_start3A_58 : memref<64x144xf32, #tpu.memory_space<vmem_shared>>) target_semaphore(%run_scoped3A_51 : memref<!tpu.dma_semaphore, #tpu.memory_space<semaphore_mem>>)
      %dma_wait3A_62 = arith.constant 0 : i32
      %dma_wait3A_63 = arith.constant 0 : i32
      %dma_wait3A_64 = tpu.memref_slice %arg16[%dma_wait3A_62, %dma_wait3A_63] : memref<64x144xf32, #tpu.memory_space<vmem>> -> memref<64x144xf32, #tpu.memory_space<vmem>>
      %dma_wait3A_65 = arith.constant 0 : i32
      %dma_wait3A_66 = tpu.memref_slice %arg21[%add3A_18, %dma_wait3A_65] : memref<10016x144xf32, #tpu.memory_space<vmem_shared>> -> memref<64x144xf32, #tpu.memory_space<vmem_shared>>
      %dma_wait3A_67 = arith.constant 0 : i32
      %dma_wait3A_68 = tpu.memref_slice %arg21[%add3A_18, %dma_wait3A_67] : memref<10016x144xf32, #tpu.memory_space<vmem_shared>> -> memref<64x144xf32, #tpu.memory_space<vmem_shared>>
      %dma_wait3A_69 = arith.constant 0 : i32
      %dma_wait3A_70 = arith.constant 0 : i32
      %dma_wait3A_71 = tpu.memref_slice %arg16[%dma_wait3A_69, %dma_wait3A_70] : memref<64x144xf32, #tpu.memory_space<vmem>> -> memref<64x144xf32, #tpu.memory_space<vmem>>
      tpu.wait_dma2 semaphore(%run_scoped3A_51 : memref<!tpu.dma_semaphore, #tpu.memory_space<semaphore_mem>>) src(%dma_wait3A_71 : memref<64x144xf32, #tpu.memory_space<vmem>>) dst(%dma_wait3A_68 : memref<64x144xf32, #tpu.memory_space<vmem_shared>>)
      tpu.yield
    }) : () -> ()
    %add3A_19 = arith.constant 320 : i32
    %add3A_20 = arith.addi %mul3A_2, %add3A_19 : i32
    "tpu.region"() ({
      %run_scoped3A_51 = tpu.sem_alloc : memref<!tpu.dma_semaphore, #tpu.memory_space<semaphore_mem>>
      %dma_start3A_52 = arith.constant 0 : i32
      %dma_start3A_53 = arith.constant 0 : i32
      %dma_start3A_54 = tpu.memref_slice %arg16[%dma_start3A_52, %dma_start3A_53] : memref<64x144xf32, #tpu.memory_space<vmem>> -> memref<64x144xf32, #tpu.memory_space<vmem>>
      %dma_start3A_55 = arith.constant 0 : i32
      %dma_start3A_56 = tpu.memref_slice %arg21[%add3A_20, %dma_start3A_55] : memref<10016x144xf32, #tpu.memory_space<vmem_shared>> -> memref<64x144xf32, #tpu.memory_space<vmem_shared>>
      %dma_start3A_57 = arith.constant 0 : i32
      %dma_start3A_58 = tpu.memref_slice %arg21[%add3A_20, %dma_start3A_57] : memref<10016x144xf32, #tpu.memory_space<vmem_shared>> -> memref<64x144xf32, #tpu.memory_space<vmem_shared>>
      %dma_start3A_59 = arith.constant 0 : i32
      %dma_start3A_60 = arith.constant 0 : i32
      %dma_start3A_61 = tpu.memref_slice %arg16[%dma_start3A_59, %dma_start3A_60] : memref<64x144xf32, #tpu.memory_space<vmem>> -> memref<64x144xf32, #tpu.memory_space<vmem>>
      tpu.enqueue_dma source(%dma_start3A_61 : memref<64x144xf32, #tpu.memory_space<vmem>>) target(%dma_start3A_58 : memref<64x144xf32, #tpu.memory_space<vmem_shared>>) target_semaphore(%run_scoped3A_51 : memref<!tpu.dma_semaphore, #tpu.memory_space<semaphore_mem>>)
      %dma_wait3A_62 = arith.constant 0 : i32
      %dma_wait3A_63 = arith.constant 0 : i32
      %dma_wait3A_64 = tpu.memref_slice %arg16[%dma_wait3A_62, %dma_wait3A_63] : memref<64x144xf32, #tpu.memory_space<vmem>> -> memref<64x144xf32, #tpu.memory_space<vmem>>
      %dma_wait3A_65 = arith.constant 0 : i32
      %dma_wait3A_66 = tpu.memref_slice %arg21[%add3A_20, %dma_wait3A_65] : memref<10016x144xf32, #tpu.memory_space<vmem_shared>> -> memref<64x144xf32, #tpu.memory_space<vmem_shared>>
      %dma_wait3A_67 = arith.constant 0 : i32
      %dma_wait3A_68 = tpu.memref_slice %arg21[%add3A_20, %dma_wait3A_67] : memref<10016x144xf32, #tpu.memory_space<vmem_shared>> -> memref<64x144xf32, #tpu.memory_space<vmem_shared>>
      %dma_wait3A_69 = arith.constant 0 : i32
      %dma_wait3A_70 = arith.constant 0 : i32
      %dma_wait3A_71 = tpu.memref_slice %arg16[%dma_wait3A_69, %dma_wait3A_70] : memref<64x144xf32, #tpu.memory_space<vmem>> -> memref<64x144xf32, #tpu.memory_space<vmem>>
      tpu.wait_dma2 semaphore(%run_scoped3A_51 : memref<!tpu.dma_semaphore, #tpu.memory_space<semaphore_mem>>) src(%dma_wait3A_71 : memref<64x144xf32, #tpu.memory_space<vmem>>) dst(%dma_wait3A_68 : memref<64x144xf32, #tpu.memory_space<vmem_shared>>)
      tpu.yield
    }) : () -> ()
    %add3A_21 = arith.constant 384 : i32
    %add3A_22 = arith.addi %mul3A_2, %add3A_21 : i32
    "tpu.region"() ({
      %run_scoped3A_51 = tpu.sem_alloc : memref<!tpu.dma_semaphore, #tpu.memory_space<semaphore_mem>>
      %dma_start3A_52 = arith.constant 0 : i32
      %dma_start3A_53 = arith.constant 0 : i32
      %dma_start3A_54 = tpu.memref_slice %arg16[%dma_start3A_52, %dma_start3A_53] : memref<64x144xf32, #tpu.memory_space<vmem>> -> memref<64x144xf32, #tpu.memory_space<vmem>>
      %dma_start3A_55 = arith.constant 0 : i32
      %dma_start3A_56 = tpu.memref_slice %arg21[%add3A_22, %dma_start3A_55] : memref<10016x144xf32, #tpu.memory_space<vmem_shared>> -> memref<64x144xf32, #tpu.memory_space<vmem_shared>>
      %dma_start3A_57 = arith.constant 0 : i32
      %dma_start3A_58 = tpu.memref_slice %arg21[%add3A_22, %dma_start3A_57] : memref<10016x144xf32, #tpu.memory_space<vmem_shared>> -> memref<64x144xf32, #tpu.memory_space<vmem_shared>>
      %dma_start3A_59 = arith.constant 0 : i32
      %dma_start3A_60 = arith.constant 0 : i32
      %dma_start3A_61 = tpu.memref_slice %arg16[%dma_start3A_59, %dma_start3A_60] : memref<64x144xf32, #tpu.memory_space<vmem>> -> memref<64x144xf32, #tpu.memory_space<vmem>>
      tpu.enqueue_dma source(%dma_start3A_61 : memref<64x144xf32, #tpu.memory_space<vmem>>) target(%dma_start3A_58 : memref<64x144xf32, #tpu.memory_space<vmem_shared>>) target_semaphore(%run_scoped3A_51 : memref<!tpu.dma_semaphore, #tpu.memory_space<semaphore_mem>>)
      %dma_wait3A_62 = arith.constant 0 : i32
      %dma_wait3A_63 = arith.constant 0 : i32
      %dma_wait3A_64 = tpu.memref_slice %arg16[%dma_wait3A_62, %dma_wait3A_63] : memref<64x144xf32, #tpu.memory_space<vmem>> -> memref<64x144xf32, #tpu.memory_space<vmem>>
      %dma_wait3A_65 = arith.constant 0 : i32
      %dma_wait3A_66 = tpu.memref_slice %arg21[%add3A_22, %dma_wait3A_65] : memref<10016x144xf32, #tpu.memory_space<vmem_shared>> -> memref<64x144xf32, #tpu.memory_space<vmem_shared>>
      %dma_wait3A_67 = arith.constant 0 : i32
      %dma_wait3A_68 = tpu.memref_slice %arg21[%add3A_22, %dma_wait3A_67] : memref<10016x144xf32, #tpu.memory_space<vmem_shared>> -> memref<64x144xf32, #tpu.memory_space<vmem_shared>>
      %dma_wait3A_69 = arith.constant 0 : i32
      %dma_wait3A_70 = arith.constant 0 : i32
      %dma_wait3A_71 = tpu.memref_slice %arg16[%dma_wait3A_69, %dma_wait3A_70] : memref<64x144xf32, #tpu.memory_space<vmem>> -> memref<64x144xf32, #tpu.memory_space<vmem>>
      tpu.wait_dma2 semaphore(%run_scoped3A_51 : memref<!tpu.dma_semaphore, #tpu.memory_space<semaphore_mem>>) src(%dma_wait3A_71 : memref<64x144xf32, #tpu.memory_space<vmem>>) dst(%dma_wait3A_68 : memref<64x144xf32, #tpu.memory_space<vmem_shared>>)
      tpu.yield
    }) : () -> ()
    %add3A_23 = arith.constant 448 : i32
    %add3A_24 = arith.addi %mul3A_2, %add3A_23 : i32
    "tpu.region"() ({
      %run_scoped3A_51 = tpu.sem_alloc : memref<!tpu.dma_semaphore, #tpu.memory_space<semaphore_mem>>
      %dma_start3A_52 = arith.constant 0 : i32
      %dma_start3A_53 = arith.constant 0 : i32
      %dma_start3A_54 = tpu.memref_slice %arg16[%dma_start3A_52, %dma_start3A_53] : memref<64x144xf32, #tpu.memory_space<vmem>> -> memref<64x144xf32, #tpu.memory_space<vmem>>
      %dma_start3A_55 = arith.constant 0 : i32
      %dma_start3A_56 = tpu.memref_slice %arg21[%add3A_24, %dma_start3A_55] : memref<10016x144xf32, #tpu.memory_space<vmem_shared>> -> memref<64x144xf32, #tpu.memory_space<vmem_shared>>
      %dma_start3A_57 = arith.constant 0 : i32
      %dma_start3A_58 = tpu.memref_slice %arg21[%add3A_24, %dma_start3A_57] : memref<10016x144xf32, #tpu.memory_space<vmem_shared>> -> memref<64x144xf32, #tpu.memory_space<vmem_shared>>
      %dma_start3A_59 = arith.constant 0 : i32
      %dma_start3A_60 = arith.constant 0 : i32
      %dma_start3A_61 = tpu.memref_slice %arg16[%dma_start3A_59, %dma_start3A_60] : memref<64x144xf32, #tpu.memory_space<vmem>> -> memref<64x144xf32, #tpu.memory_space<vmem>>
      tpu.enqueue_dma source(%dma_start3A_61 : memref<64x144xf32, #tpu.memory_space<vmem>>) target(%dma_start3A_58 : memref<64x144xf32, #tpu.memory_space<vmem_shared>>) target_semaphore(%run_scoped3A_51 : memref<!tpu.dma_semaphore, #tpu.memory_space<semaphore_mem>>)
      %dma_wait3A_62 = arith.constant 0 : i32
      %dma_wait3A_63 = arith.constant 0 : i32
      %dma_wait3A_64 = tpu.memref_slice %arg16[%dma_wait3A_62, %dma_wait3A_63] : memref<64x144xf32, #tpu.memory_space<vmem>> -> memref<64x144xf32, #tpu.memory_space<vmem>>
      %dma_wait3A_65 = arith.constant 0 : i32
      %dma_wait3A_66 = tpu.memref_slice %arg21[%add3A_24, %dma_wait3A_65] : memref<10016x144xf32, #tpu.memory_space<vmem_shared>> -> memref<64x144xf32, #tpu.memory_space<vmem_shared>>
      %dma_wait3A_67 = arith.constant 0 : i32
      %dma_wait3A_68 = tpu.memref_slice %arg21[%add3A_24, %dma_wait3A_67] : memref<10016x144xf32, #tpu.memory_space<vmem_shared>> -> memref<64x144xf32, #tpu.memory_space<vmem_shared>>
      %dma_wait3A_69 = arith.constant 0 : i32
      %dma_wait3A_70 = arith.constant 0 : i32
      %dma_wait3A_71 = tpu.memref_slice %arg16[%dma_wait3A_69, %dma_wait3A_70] : memref<64x144xf32, #tpu.memory_space<vmem>> -> memref<64x144xf32, #tpu.memory_space<vmem>>
      tpu.wait_dma2 semaphore(%run_scoped3A_51 : memref<!tpu.dma_semaphore, #tpu.memory_space<semaphore_mem>>) src(%dma_wait3A_71 : memref<64x144xf32, #tpu.memory_space<vmem>>) dst(%dma_wait3A_68 : memref<64x144xf32, #tpu.memory_space<vmem_shared>>)
      tpu.yield
    }) : () -> ()
    %add3A_25 = arith.constant 512 : i32
    %add3A_26 = arith.addi %mul3A_2, %add3A_25 : i32
    "tpu.region"() ({
      %run_scoped3A_51 = tpu.sem_alloc : memref<!tpu.dma_semaphore, #tpu.memory_space<semaphore_mem>>
      %dma_start3A_52 = arith.constant 0 : i32
      %dma_start3A_53 = arith.constant 0 : i32
      %dma_start3A_54 = tpu.memref_slice %arg16[%dma_start3A_52, %dma_start3A_53] : memref<64x144xf32, #tpu.memory_space<vmem>> -> memref<64x144xf32, #tpu.memory_space<vmem>>
      %dma_start3A_55 = arith.constant 0 : i32
      %dma_start3A_56 = tpu.memref_slice %arg21[%add3A_26, %dma_start3A_55] : memref<10016x144xf32, #tpu.memory_space<vmem_shared>> -> memref<64x144xf32, #tpu.memory_space<vmem_shared>>
      %dma_start3A_57 = arith.constant 0 : i32
      %dma_start3A_58 = tpu.memref_slice %arg21[%add3A_26, %dma_start3A_57] : memref<10016x144xf32, #tpu.memory_space<vmem_shared>> -> memref<64x144xf32, #tpu.memory_space<vmem_shared>>
      %dma_start3A_59 = arith.constant 0 : i32
      %dma_start3A_60 = arith.constant 0 : i32
      %dma_start3A_61 = tpu.memref_slice %arg16[%dma_start3A_59, %dma_start3A_60] : memref<64x144xf32, #tpu.memory_space<vmem>> -> memref<64x144xf32, #tpu.memory_space<vmem>>
      tpu.enqueue_dma source(%dma_start3A_61 : memref<64x144xf32, #tpu.memory_space<vmem>>) target(%dma_start3A_58 : memref<64x144xf32, #tpu.memory_space<vmem_shared>>) target_semaphore(%run_scoped3A_51 : memref<!tpu.dma_semaphore, #tpu.memory_space<semaphore_mem>>)
      %dma_wait3A_62 = arith.constant 0 : i32
      %dma_wait3A_63 = arith.constant 0 : i32
      %dma_wait3A_64 = tpu.memref_slice %arg16[%dma_wait3A_62, %dma_wait3A_63] : memref<64x144xf32, #tpu.memory_space<vmem>> -> memref<64x144xf32, #tpu.memory_space<vmem>>
      %dma_wait3A_65 = arith.constant 0 : i32
      %dma_wait3A_66 = tpu.memref_slice %arg21[%add3A_26, %dma_wait3A_65] : memref<10016x144xf32, #tpu.memory_space<vmem_shared>> -> memref<64x144xf32, #tpu.memory_space<vmem_shared>>
      %dma_wait3A_67 = arith.constant 0 : i32
      %dma_wait3A_68 = tpu.memref_slice %arg21[%add3A_26, %dma_wait3A_67] : memref<10016x144xf32, #tpu.memory_space<vmem_shared>> -> memref<64x144xf32, #tpu.memory_space<vmem_shared>>
      %dma_wait3A_69 = arith.constant 0 : i32
      %dma_wait3A_70 = arith.constant 0 : i32
      %dma_wait3A_71 = tpu.memref_slice %arg16[%dma_wait3A_69, %dma_wait3A_70] : memref<64x144xf32, #tpu.memory_space<vmem>> -> memref<64x144xf32, #tpu.memory_space<vmem>>
      tpu.wait_dma2 semaphore(%run_scoped3A_51 : memref<!tpu.dma_semaphore, #tpu.memory_space<semaphore_mem>>) src(%dma_wait3A_71 : memref<64x144xf32, #tpu.memory_space<vmem>>) dst(%dma_wait3A_68 : memref<64x144xf32, #tpu.memory_space<vmem_shared>>)
      tpu.yield
    }) : () -> ()
    %add3A_27 = arith.constant 576 : i32
    %add3A_28 = arith.addi %mul3A_2, %add3A_27 : i32
    "tpu.region"() ({
      %run_scoped3A_51 = tpu.sem_alloc : memref<!tpu.dma_semaphore, #tpu.memory_space<semaphore_mem>>
      %dma_start3A_52 = arith.constant 0 : i32
      %dma_start3A_53 = arith.constant 0 : i32
      %dma_start3A_54 = tpu.memref_slice %arg16[%dma_start3A_52, %dma_start3A_53] : memref<64x144xf32, #tpu.memory_space<vmem>> -> memref<50x144xf32, #tpu.memory_space<vmem>>
      %dma_start3A_55 = arith.constant 0 : i32
      %dma_start3A_56 = tpu.memref_slice %arg21[%add3A_28, %dma_start3A_55] : memref<10016x144xf32, #tpu.memory_space<vmem_shared>> -> memref<50x144xf32, #tpu.memory_space<vmem_shared>>
      %dma_start3A_57 = arith.constant 0 : i32
      %dma_start3A_58 = tpu.memref_slice %arg21[%add3A_28, %dma_start3A_57] : memref<10016x144xf32, #tpu.memory_space<vmem_shared>> -> memref<50x144xf32, #tpu.memory_space<vmem_shared>>
      %dma_start3A_59 = arith.constant 0 : i32
      %dma_start3A_60 = arith.constant 0 : i32
      %dma_start3A_61 = tpu.memref_slice %arg16[%dma_start3A_59, %dma_start3A_60] : memref<64x144xf32, #tpu.memory_space<vmem>> -> memref<50x144xf32, #tpu.memory_space<vmem>>
      tpu.enqueue_dma source(%dma_start3A_61 : memref<50x144xf32, #tpu.memory_space<vmem>>) target(%dma_start3A_58 : memref<50x144xf32, #tpu.memory_space<vmem_shared>>) target_semaphore(%run_scoped3A_51 : memref<!tpu.dma_semaphore, #tpu.memory_space<semaphore_mem>>)
      %dma_wait3A_62 = arith.constant 0 : i32
      %dma_wait3A_63 = arith.constant 0 : i32
      %dma_wait3A_64 = tpu.memref_slice %arg16[%dma_wait3A_62, %dma_wait3A_63] : memref<64x144xf32, #tpu.memory_space<vmem>> -> memref<50x144xf32, #tpu.memory_space<vmem>>
      %dma_wait3A_65 = arith.constant 0 : i32
      %dma_wait3A_66 = tpu.memref_slice %arg21[%add3A_28, %dma_wait3A_65] : memref<10016x144xf32, #tpu.memory_space<vmem_shared>> -> memref<50x144xf32, #tpu.memory_space<vmem_shared>>
      %dma_wait3A_67 = arith.constant 0 : i32
      %dma_wait3A_68 = tpu.memref_slice %arg21[%add3A_28, %dma_wait3A_67] : memref<10016x144xf32, #tpu.memory_space<vmem_shared>> -> memref<50x144xf32, #tpu.memory_space<vmem_shared>>
      %dma_wait3A_69 = arith.constant 0 : i32
      %dma_wait3A_70 = arith.constant 0 : i32
      %dma_wait3A_71 = tpu.memref_slice %arg16[%dma_wait3A_69, %dma_wait3A_70] : memref<64x144xf32, #tpu.memory_space<vmem>> -> memref<50x144xf32, #tpu.memory_space<vmem>>
      tpu.wait_dma2 semaphore(%run_scoped3A_51 : memref<!tpu.dma_semaphore, #tpu.memory_space<semaphore_mem>>) src(%dma_wait3A_71 : memref<50x144xf32, #tpu.memory_space<vmem>>) dst(%dma_wait3A_68 : memref<50x144xf32, #tpu.memory_space<vmem_shared>>)
      tpu.yield
    }) : () -> ()
    "tpu.region"() ({
      %run_scoped3A_51 = tpu.sem_alloc : memref<!tpu.dma_semaphore, #tpu.memory_space<semaphore_mem>>
      tpu.enqueue_dma source(%arg6 : memref<16xf32, #tpu.memory_space<hbm>>) target(%arg20 : memref<16xf32, #tpu.memory_space<vmem>>) target_semaphore(%run_scoped3A_51 : memref<!tpu.dma_semaphore, #tpu.memory_space<semaphore_mem>>)
      tpu.wait_dma2 semaphore(%run_scoped3A_51 : memref<!tpu.dma_semaphore, #tpu.memory_space<semaphore_mem>>) src(%arg6 : memref<16xf32, #tpu.memory_space<hbm>>) dst(%arg20 : memref<16xf32, #tpu.memory_space<vmem>>)
      tpu.yield
    }) : () -> ()
    %get3A = arith.constant 0 : index
    %get3A_29 = tpu.vector_load %arg20[%get3A] {strides = array<i32>} : memref<16xf32, #tpu.memory_space<vmem>>, vector<16xf32>,
    %get3A_30 = vector.shape_cast %get3A_29 : vector<16xf32> to vector<16xf32>
    %iota3A = tpu.iota {dimensions = array<i32: 0>} : vector<16xi32>
    %lt3A = arith.constant 8 : i32
    %lt3A_31 = vector.broadcast %lt3A : i32 to vector<16xi32>
    %lt3A_32 = arith.cmpi slt, %iota3A, %lt3A_31 : vector<16xi32>
    %barrier3A = arith.constant 0 : index
    tpu.barrier barrier_id(%barrier3A)
    %run_scoped3A = arith.constant 0 : i32
    "tpu.region"() ({
      %run_scoped3A_51 = tpu.sem_alloc : memref<!tpu.dma_semaphore, #tpu.memory_space<semaphore_mem>>
      %dma_start3A_52 = arith.constant 0 : i32
      %dma_start3A_53 = tpu.memref_slice %arg4[%add3A, %run_scoped3A, %dma_start3A_52] : memref<32x162x64xi32, #tpu.memory_space<hbm>> -> memref<1x1x64xi32, #tpu.memory_space<hbm>>
      %dma_start3A_54 = tpu.memref_squeeze %dma_start3A_53 : memref<1x1x64xi32, #tpu.memory_space<hbm>> -> memref<64xi32, #tpu.memory_space<hbm>>
      %dma_start3A_55 = arith.constant 0 : i32
      %dma_start3A_56 = tpu.memref_slice %arg4[%add3A, %run_scoped3A, %dma_start3A_55] : memref<32x162x64xi32, #tpu.memory_space<hbm>> -> memref<1x1x64xi32, #tpu.memory_space<hbm>>
      %dma_start3A_57 = tpu.memref_squeeze %dma_start3A_56 : memref<1x1x64xi32, #tpu.memory_space<hbm>> -> memref<64xi32, #tpu.memory_space<hbm>>
      tpu.enqueue_dma source(%dma_start3A_57 : memref<64xi32, #tpu.memory_space<hbm>>) target(%arg8 : memref<64xi32, #tpu.memory_space<vmem>>) target_semaphore(%run_scoped3A_51 : memref<!tpu.dma_semaphore, #tpu.memory_space<semaphore_mem>>)
      %dma_wait3A_58 = arith.constant 0 : i32
      %dma_wait3A_59 = tpu.memref_slice %arg4[%add3A, %run_scoped3A, %dma_wait3A_58] : memref<32x162x64xi32, #tpu.memory_space<hbm>> -> memref<1x1x64xi32, #tpu.memory_space<hbm>>
      %dma_wait3A_60 = tpu.memref_squeeze %dma_wait3A_59 : memref<1x1x64xi32, #tpu.memory_space<hbm>> -> memref<64xi32, #tpu.memory_space<hbm>>
      %dma_wait3A_61 = arith.constant 0 : i32
      %dma_wait3A_62 = tpu.memref_slice %arg4[%add3A, %run_scoped3A, %dma_wait3A_61] : memref<32x162x64xi32, #tpu.memory_space<hbm>> -> memref<1x1x64xi32, #tpu.memory_space<hbm>>
      %dma_wait3A_63 = tpu.memref_squeeze %dma_wait3A_62 : memref<1x1x64xi32, #tpu.memory_space<hbm>> -> memref<64xi32, #tpu.memory_space<hbm>>
      tpu.wait_dma2 semaphore(%run_scoped3A_51 : memref<!tpu.dma_semaphore, #tpu.memory_space<semaphore_mem>>) src(%dma_wait3A_63 : memref<64xi32, #tpu.memory_space<hbm>>) dst(%arg8 : memref<64xi32, #tpu.memory_space<vmem>>)
      tpu.yield
    }) : () -> ()
    %run_scoped3A_33 = arith.constant 0 : i32
    "tpu.region"() ({
      %run_scoped3A_51 = tpu.sem_alloc : memref<!tpu.dma_semaphore, #tpu.memory_space<semaphore_mem>>
      %dma_start3A_52 = arith.constant 0 : i32
      %dma_start3A_53 = tpu.memref_slice %arg5[%add3A, %run_scoped3A_33, %dma_start3A_52] : memref<32x162x64xi32, #tpu.memory_space<hbm>> -> memref<1x1x64xi32, #tpu.memory_space<hbm>>
      %dma_start3A_54 = tpu.memref_squeeze %dma_start3A_53 : memref<1x1x64xi32, #tpu.memory_space<hbm>> -> memref<64xi32, #tpu.memory_space<hbm>>
      %dma_start3A_55 = arith.constant 0 : i32
      %dma_start3A_56 = tpu.memref_slice %arg5[%add3A, %run_scoped3A_33, %dma_start3A_55] : memref<32x162x64xi32, #tpu.memory_space<hbm>> -> memref<1x1x64xi32, #tpu.memory_space<hbm>>
      %dma_start3A_57 = tpu.memref_squeeze %dma_start3A_56 : memref<1x1x64xi32, #tpu.memory_space<hbm>> -> memref<64xi32, #tpu.memory_space<hbm>>
      tpu.enqueue_dma source(%dma_start3A_57 : memref<64xi32, #tpu.memory_space<hbm>>) target(%arg9 : memref<64xi32, #tpu.memory_space<vmem>>) target_semaphore(%run_scoped3A_51 : memref<!tpu.dma_semaphore, #tpu.memory_space<semaphore_mem>>)
      %dma_wait3A_58 = arith.constant 0 : i32
      %dma_wait3A_59 = tpu.memref_slice %arg5[%add3A, %run_scoped3A_33, %dma_wait3A_58] : memref<32x162x64xi32, #tpu.memory_space<hbm>> -> memref<1x1x64xi32, #tpu.memory_space<hbm>>
      %dma_wait3A_60 = tpu.memref_squeeze %dma_wait3A_59 : memref<1x1x64xi32, #tpu.memory_space<hbm>> -> memref<64xi32, #tpu.memory_space<hbm>>
      %dma_wait3A_61 = arith.constant 0 : i32
      %dma_wait3A_62 = tpu.memref_slice %arg5[%add3A, %run_scoped3A_33, %dma_wait3A_61] : memref<32x162x64xi32, #tpu.memory_space<hbm>> -> memref<1x1x64xi32, #tpu.memory_space<hbm>>
      %dma_wait3A_63 = tpu.memref_squeeze %dma_wait3A_62 : memref<1x1x64xi32, #tpu.memory_space<hbm>> -> memref<64xi32, #tpu.memory_space<hbm>>
      tpu.wait_dma2 semaphore(%run_scoped3A_51 : memref<!tpu.dma_semaphore, #tpu.memory_space<semaphore_mem>>) src(%dma_wait3A_63 : memref<64xi32, #tpu.memory_space<hbm>>) dst(%arg9 : memref<64xi32, #tpu.memory_space<vmem>>)
      tpu.yield
    }) : () -> ()
    %run_scoped3A_34 = arith.constant 0 : i32
    "tpu.region"() ({
      %run_scoped3A_51 = tpu.sem_alloc : memref<!tpu.dma_semaphore, #tpu.memory_space<semaphore_mem>>
      %dma_start3A_52 = arith.constant 0 : i32
      %dma_start3A_53 = tpu.memref_slice %arg5[%add3A, %run_scoped3A_34, %dma_start3A_52] : memref<32x162x64xi32, #tpu.memory_space<hbm>> -> memref<1x1x64xi32, #tpu.memory_space<hbm>>
      %dma_start3A_54 = tpu.memref_squeeze %dma_start3A_53 : memref<1x1x64xi32, #tpu.memory_space<hbm>> -> memref<64xi32, #tpu.memory_space<hbm>>
      %dma_start3A_55 = arith.constant 0 : i32
      %dma_start3A_56 = tpu.memref_slice %arg5[%add3A, %run_scoped3A_34, %dma_start3A_55] : memref<32x162x64xi32, #tpu.memory_space<hbm>> -> memref<1x1x64xi32, #tpu.memory_space<hbm>>
      %dma_start3A_57 = tpu.memref_squeeze %dma_start3A_56 : memref<1x1x64xi32, #tpu.memory_space<hbm>> -> memref<64xi32, #tpu.memory_space<hbm>>
      tpu.enqueue_dma source(%dma_start3A_57 : memref<64xi32, #tpu.memory_space<hbm>>) target(%arg10 : memref<64xi32, #tpu.memory_space<vmem>>) target_semaphore(%run_scoped3A_51 : memref<!tpu.dma_semaphore, #tpu.memory_space<semaphore_mem>>)
      %dma_wait3A_58 = arith.constant 0 : i32
      %dma_wait3A_59 = tpu.memref_slice %arg5[%add3A, %run_scoped3A_34, %dma_wait3A_58] : memref<32x162x64xi32, #tpu.memory_space<hbm>> -> memref<1x1x64xi32, #tpu.memory_space<hbm>>
      %dma_wait3A_60 = tpu.memref_squeeze %dma_wait3A_59 : memref<1x1x64xi32, #tpu.memory_space<hbm>> -> memref<64xi32, #tpu.memory_space<hbm>>
      %dma_wait3A_61 = arith.constant 0 : i32
      %dma_wait3A_62 = tpu.memref_slice %arg5[%add3A, %run_scoped3A_34, %dma_wait3A_61] : memref<32x162x64xi32, #tpu.memory_space<hbm>> -> memref<1x1x64xi32, #tpu.memory_space<hbm>>
      %dma_wait3A_63 = tpu.memref_squeeze %dma_wait3A_62 : memref<1x1x64xi32, #tpu.memory_space<hbm>> -> memref<64xi32, #tpu.memory_space<hbm>>
      tpu.wait_dma2 semaphore(%run_scoped3A_51 : memref<!tpu.dma_semaphore, #tpu.memory_space<semaphore_mem>>) src(%dma_wait3A_63 : memref<64xi32, #tpu.memory_space<hbm>>) dst(%arg10 : memref<64xi32, #tpu.memory_space<vmem>>)
      tpu.yield
    }) : () -> ()
    %run_scoped3A_35 = arith.constant 1 : i32
    "tpu.region"() ({
      %run_scoped3A_51 = tpu.sem_alloc : memref<!tpu.dma_semaphore, #tpu.memory_space<semaphore_mem>>
      %dma_start3A_52 = arith.constant 0 : i32
      %dma_start3A_53 = tpu.memref_slice %arg4[%add3A, %run_scoped3A_35, %dma_start3A_52] : memref<32x162x64xi32, #tpu.memory_space<hbm>> -> memref<1x1x64xi32, #tpu.memory_space<hbm>>
      %dma_start3A_54 = tpu.memref_squeeze %dma_start3A_53 : memref<1x1x64xi32, #tpu.memory_space<hbm>> -> memref<64xi32, #tpu.memory_space<hbm>>
      %dma_start3A_55 = arith.constant 0 : i32
      %dma_start3A_56 = tpu.memref_slice %arg4[%add3A, %run_scoped3A_35, %dma_start3A_55] : memref<32x162x64xi32, #tpu.memory_space<hbm>> -> memref<1x1x64xi32, #tpu.memory_space<hbm>>
      %dma_start3A_57 = tpu.memref_squeeze %dma_start3A_56 : memref<1x1x64xi32, #tpu.memory_space<hbm>> -> memref<64xi32, #tpu.memory_space<hbm>>
      tpu.enqueue_dma source(%dma_start3A_57 : memref<64xi32, #tpu.memory_space<hbm>>) target(%arg11 : memref<64xi32, #tpu.memory_space<vmem>>) target_semaphore(%run_scoped3A_51 : memref<!tpu.dma_semaphore, #tpu.memory_space<semaphore_mem>>)
      %dma_wait3A_58 = arith.constant 0 : i32
      %dma_wait3A_59 = tpu.memref_slice %arg4[%add3A, %run_scoped3A_35, %dma_wait3A_58] : memref<32x162x64xi32, #tpu.memory_space<hbm>> -> memref<1x1x64xi32, #tpu.memory_space<hbm>>
      %dma_wait3A_60 = tpu.memref_squeeze %dma_wait3A_59 : memref<1x1x64xi32, #tpu.memory_space<hbm>> -> memref<64xi32, #tpu.memory_space<hbm>>
      %dma_wait3A_61 = arith.constant 0 : i32
      %dma_wait3A_62 = tpu.memref_slice %arg4[%add3A, %run_scoped3A_35, %dma_wait3A_61] : memref<32x162x64xi32, #tpu.memory_space<hbm>> -> memref<1x1x64xi32, #tpu.memory_space<hbm>>
      %dma_wait3A_63 = tpu.memref_squeeze %dma_wait3A_62 : memref<1x1x64xi32, #tpu.memory_space<hbm>> -> memref<64xi32, #tpu.memory_space<hbm>>
      tpu.wait_dma2 semaphore(%run_scoped3A_51 : memref<!tpu.dma_semaphore, #tpu.memory_space<semaphore_mem>>) src(%dma_wait3A_63 : memref<64xi32, #tpu.memory_space<hbm>>) dst(%arg11 : memref<64xi32, #tpu.memory_space<vmem>>)
      tpu.yield
    }) : () -> ()
    %run_scoped3A_36 = arith.constant 1 : i32
    "tpu.region"() ({
      %run_scoped3A_51 = tpu.sem_alloc : memref<!tpu.dma_semaphore, #tpu.memory_space<semaphore_mem>>
      %dma_start3A_52 = arith.constant 0 : i32
      %dma_start3A_53 = tpu.memref_slice %arg5[%add3A, %run_scoped3A_36, %dma_start3A_52] : memref<32x162x64xi32, #tpu.memory_space<hbm>> -> memref<1x1x64xi32, #tpu.memory_space<hbm>>
      %dma_start3A_54 = tpu.memref_squeeze %dma_start3A_53 : memref<1x1x64xi32, #tpu.memory_space<hbm>> -> memref<64xi32, #tpu.memory_space<hbm>>
      %dma_start3A_55 = arith.constant 0 : i32
      %dma_start3A_56 = tpu.memref_slice %arg5[%add3A, %run_scoped3A_36, %dma_start3A_55] : memref<32x162x64xi32, #tpu.memory_space<hbm>> -> memref<1x1x64xi32, #tpu.memory_space<hbm>>
      %dma_start3A_57 = tpu.memref_squeeze %dma_start3A_56 : memref<1x1x64xi32, #tpu.memory_space<hbm>> -> memref<64xi32, #tpu.memory_space<hbm>>
      tpu.enqueue_dma source(%dma_start3A_57 : memref<64xi32, #tpu.memory_space<hbm>>) target(%arg12 : memref<64xi32, #tpu.memory_space<vmem>>) target_semaphore(%run_scoped3A_51 : memref<!tpu.dma_semaphore, #tpu.memory_space<semaphore_mem>>)
      %dma_wait3A_58 = arith.constant 0 : i32
      %dma_wait3A_59 = tpu.memref_slice %arg5[%add3A, %run_scoped3A_36, %dma_wait3A_58] : memref<32x162x64xi32, #tpu.memory_space<hbm>> -> memref<1x1x64xi32, #tpu.memory_space<hbm>>
      %dma_wait3A_60 = tpu.memref_squeeze %dma_wait3A_59 : memref<1x1x64xi32, #tpu.memory_space<hbm>> -> memref<64xi32, #tpu.memory_space<hbm>>
      %dma_wait3A_61 = arith.constant 0 : i32
      %dma_wait3A_62 = tpu.memref_slice %arg5[%add3A, %run_scoped3A_36, %dma_wait3A_61] : memref<32x162x64xi32, #tpu.memory_space<hbm>> -> memref<1x1x64xi32, #tpu.memory_space<hbm>>
      %dma_wait3A_63 = tpu.memref_squeeze %dma_wait3A_62 : memref<1x1x64xi32, #tpu.memory_space<hbm>> -> memref<64xi32, #tpu.memory_space<hbm>>
      tpu.wait_dma2 semaphore(%run_scoped3A_51 : memref<!tpu.dma_semaphore, #tpu.memory_space<semaphore_mem>>) src(%dma_wait3A_63 : memref<64xi32, #tpu.memory_space<hbm>>) dst(%arg12 : memref<64xi32, #tpu.memory_space<vmem>>)
      tpu.yield
    }) : () -> ()
    %dma_start3A = arith.constant 0 : i32
    %dma_start3A_37 = arith.constant 0 : i32
    %dma_start3A_38 = tpu.memref_slice %arg2[%dma_start3A, %dma_start3A_37] : memref<10000x144xf32, #tpu.memory_space<hbm>> -> memref<10000x144xf32, #tpu.memory_space<hbm>>
    tpu.enqueue_indirect_dma source(%dma_start3A_38 : memref<10000x144xf32, #tpu.memory_space<hbm>>) target(%arg14 : memref<64x144xf32, #tpu.memory_space<vmem>>) offsets(%arg8 : memref<64xi32, #tpu.memory_space<vmem>>) semaphore(%arg22 : memref<!tpu.dma_semaphore, #tpu.memory_space<semaphore_mem>>)
    %dma_start3A_39 = arith.constant 0 : i32
    %dma_start3A_40 = arith.constant 0 : i32
    %dma_start3A_41 = tpu.memref_slice %arg3[%dma_start3A_39, %dma_start3A_40] : memref<10008x16xf32, #tpu.memory_space<hbm>> -> memref<10008x16xf32, #tpu.memory_space<hbm>>
    tpu.enqueue_indirect_dma source(%dma_start3A_41 : memref<10008x16xf32, #tpu.memory_space<hbm>>) target(%arg15 : memref<64x16xf32, #tpu.memory_space<vmem>>) offsets(%arg9 : memref<64xi32, #tpu.memory_space<vmem>>) semaphore(%arg23 : memref<!tpu.dma_semaphore, #tpu.memory_space<semaphore_mem>>)
    %scan3A_42 = arith.constant 0 : i32
    %scan3A_43 = arith.constant 0 : i32
    %scan3A_44 = arith.constant 81 : i32
    %scan3A_45 = arith.addi %scan3A_43, %scan3A_44 : i32
    %scan3A_46 = arith.constant 1 : i32
    scf.for %scan3A_51 = %scan3A_43 to %scan3A_45 step %scan3A_46  : i32 {
      %mul3A_52 = arith.constant 2 : i32
      %mul3A_53 = arith.muli %mul3A_52, %scan3A_51 : i32
      %add3A_54 = arith.constant 1 : i32
      %add3A_55 = arith.addi %mul3A_53, %add3A_54 : i32
      %lt3A_56 = arith.constant 162 : i32
      %lt3A_57 = arith.cmpi slt, %add3A_55, %lt3A_56 : i32
      %convert_element_type3A = arith.extui %lt3A_57 : i1 to i32
      %cond3A = arith.constant 0 : i32
      %cond3A_58 = arith.cmpi ne, %convert_element_type3A, %cond3A : i32
      scf.if %cond3A_58 {
        %gt3A_138 = arith.constant 0 : i32
        %gt3A_139 = arith.cmpi sgt, %mul3A_53, %gt3A_138 : i32
        %convert_element_type3A_140 = arith.extui %gt3A_139 : i1 to i32
        %cond3A_141 = arith.constant 0 : i32
        %cond3A_142 = arith.cmpi ne, %convert_element_type3A_140, %cond3A_141 : i32
        scf.if %cond3A_142 {
          %dma_wait3A_149 = arith.constant 0 : i32
          %dma_wait3A_150 = arith.constant 0 : i32
          %dma_wait3A_151 = tpu.memref_slice %arg4[%add3A, %dma_wait3A_149, %dma_wait3A_150] : memref<32x162x64xi32, #tpu.memory_space<hbm>> -> memref<1x1x64xi32, #tpu.memory_space<hbm>>
          %dma_wait3A_152 = tpu.memref_squeeze %dma_wait3A_151 : memref<1x1x64xi32, #tpu.memory_space<hbm>> -> memref<64xi32, #tpu.memory_space<hbm>>
          %dma_wait3A_153 = arith.constant 0 : i32
          %dma_wait3A_154 = tpu.memref_slice %arg4[%add3A, %dma_wait3A_149, %dma_wait3A_153] : memref<32x162x64xi32, #tpu.memory_space<hbm>> -> memref<1x1x64xi32, #tpu.memory_space<hbm>>
          %dma_wait3A_155 = tpu.memref_squeeze %dma_wait3A_154 : memref<1x1x64xi32, #tpu.memory_space<hbm>> -> memref<64xi32, #tpu.memory_space<hbm>>
          tpu.wait_dma2 semaphore(%arg27 : memref<!tpu.dma_semaphore, #tpu.memory_space<semaphore_mem>>) src(%dma_wait3A_155 : memref<64xi32, #tpu.memory_space<hbm>>) dst(%arg11 : memref<64xi32, #tpu.memory_space<vmem>>)
          %dma_wait3A_156 = arith.constant 0 : i32
          %dma_wait3A_157 = arith.constant 0 : i32
          %dma_wait3A_158 = tpu.memref_slice %arg5[%add3A, %dma_wait3A_156, %dma_wait3A_157] : memref<32x162x64xi32, #tpu.memory_space<hbm>> -> memref<1x1x64xi32, #tpu.memory_space<hbm>>
          %dma_wait3A_159 = tpu.memref_squeeze %dma_wait3A_158 : memref<1x1x64xi32, #tpu.memory_space<hbm>> -> memref<64xi32, #tpu.memory_space<hbm>>
          %dma_wait3A_160 = arith.constant 0 : i32
          %dma_wait3A_161 = tpu.memref_slice %arg5[%add3A, %dma_wait3A_156, %dma_wait3A_160] : memref<32x162x64xi32, #tpu.memory_space<hbm>> -> memref<1x1x64xi32, #tpu.memory_space<hbm>>
          %dma_wait3A_162 = tpu.memref_squeeze %dma_wait3A_161 : memref<1x1x64xi32, #tpu.memory_space<hbm>> -> memref<64xi32, #tpu.memory_space<hbm>>
          tpu.wait_dma2 semaphore(%arg27 : memref<!tpu.dma_semaphore, #tpu.memory_space<semaphore_mem>>) src(%dma_wait3A_162 : memref<64xi32, #tpu.memory_space<hbm>>) dst(%arg12 : memref<64xi32, #tpu.memory_space<vmem>>)
        } else {
        }
        %dma_start3A_143 = arith.constant 0 : i32
        %dma_start3A_144 = arith.constant 0 : i32
        %dma_start3A_145 = tpu.memref_slice %arg2[%dma_start3A_143, %dma_start3A_144] : memref<10000x144xf32, #tpu.memory_space<hbm>> -> memref<10000x144xf32, #tpu.memory_space<hbm>>
        tpu.enqueue_indirect_dma source(%dma_start3A_145 : memref<10000x144xf32, #tpu.memory_space<hbm>>) target(%arg17 : memref<64x144xf32, #tpu.memory_space<vmem>>) offsets(%arg11 : memref<64xi32, #tpu.memory_space<vmem>>) semaphore(%arg24 : memref<!tpu.dma_semaphore, #tpu.memory_space<semaphore_mem>>)
        %dma_start3A_146 = arith.constant 0 : i32
        %dma_start3A_147 = arith.constant 0 : i32
        %dma_start3A_148 = tpu.memref_slice %arg3[%dma_start3A_146, %dma_start3A_147] : memref<10008x16xf32, #tpu.memory_space<hbm>> -> memref<10008x16xf32, #tpu.memory_space<hbm>>
        tpu.enqueue_indirect_dma source(%dma_start3A_148 : memref<10008x16xf32, #tpu.memory_space<hbm>>) target(%arg18 : memref<64x16xf32, #tpu.memory_space<vmem>>) offsets(%arg12 : memref<64xi32, #tpu.memory_space<vmem>>) semaphore(%arg25 : memref<!tpu.dma_semaphore, #tpu.memory_space<semaphore_mem>>)
      } else {
      }
      %dma_wait3A_59 = arith.constant 0 : i32
      %dma_wait3A_60 = arith.constant 0 : i32
      %dma_wait3A_61 = tpu.memref_slice %arg2[%dma_wait3A_59, %dma_wait3A_60] : memref<10000x144xf32, #tpu.memory_space<hbm>> -> memref<10000x144xf32, #tpu.memory_space<hbm>>
      tpu.wait_indirect_dma semaphore(%arg22 : memref<!tpu.dma_semaphore, #tpu.memory_space<semaphore_mem>>) src(%dma_wait3A_61 : memref<10000x144xf32, #tpu.memory_space<hbm>>) dst(%arg14 : memref<64x144xf32, #tpu.memory_space<vmem>>)
      %dma_wait3A_62 = arith.constant 0 : i32
      %dma_wait3A_63 = arith.constant 0 : i32
      %dma_wait3A_64 = tpu.memref_slice %arg3[%dma_wait3A_62, %dma_wait3A_63] : memref<10008x16xf32, #tpu.memory_space<hbm>> -> memref<10008x16xf32, #tpu.memory_space<hbm>>
      tpu.wait_indirect_dma semaphore(%arg23 : memref<!tpu.dma_semaphore, #tpu.memory_space<semaphore_mem>>) src(%dma_wait3A_64 : memref<10008x16xf32, #tpu.memory_space<hbm>>) dst(%arg15 : memref<64x16xf32, #tpu.memory_space<vmem>>)
      %add3A_65 = arith.constant 2 : i32
      %add3A_66 = arith.addi %mul3A_53, %add3A_65 : i32
      %lt3A_67 = arith.constant 162 : i32
      %lt3A_68 = arith.cmpi slt, %add3A_66, %lt3A_67 : i32
      %convert_element_type3A_69 = arith.extui %lt3A_68 : i1 to i32
      %cond3A_70 = arith.constant 0 : i32
      %cond3A_71 = arith.cmpi ne, %convert_element_type3A_69, %cond3A_70 : i32
      scf.if %cond3A_71 {
        %add3A_138 = arith.constant 2 : i32
        %add3A_139 = arith.addi %mul3A_53, %add3A_138 : i32
        %dma_start3A_140 = arith.constant 0 : i32
        %dma_start3A_141 = tpu.memref_slice %arg4[%add3A, %add3A_139, %dma_start3A_140] : memref<32x162x64xi32, #tpu.memory_space<hbm>> -> memref<1x1x64xi32, #tpu.memory_space<hbm>>
        %dma_start3A_142 = tpu.memref_squeeze %dma_start3A_141 : memref<1x1x64xi32, #tpu.memory_space<hbm>> -> memref<64xi32, #tpu.memory_space<hbm>>
        %dma_start3A_143 = arith.constant 0 : i32
        %dma_start3A_144 = tpu.memref_slice %arg4[%add3A, %add3A_139, %dma_start3A_143] : memref<32x162x64xi32, #tpu.memory_space<hbm>> -> memref<1x1x64xi32, #tpu.memory_space<hbm>>
        %dma_start3A_145 = tpu.memref_squeeze %dma_start3A_144 : memref<1x1x64xi32, #tpu.memory_space<hbm>> -> memref<64xi32, #tpu.memory_space<hbm>>
        tpu.enqueue_dma source(%dma_start3A_145 : memref<64xi32, #tpu.memory_space<hbm>>) target(%arg8 : memref<64xi32, #tpu.memory_space<vmem>>) target_semaphore(%arg26 : memref<!tpu.dma_semaphore, #tpu.memory_space<semaphore_mem>>)
        %add3A_146 = arith.constant 2 : i32
        %add3A_147 = arith.addi %mul3A_53, %add3A_146 : i32
        %dma_start3A_148 = arith.constant 0 : i32
        %dma_start3A_149 = tpu.memref_slice %arg5[%add3A, %add3A_147, %dma_start3A_148] : memref<32x162x64xi32, #tpu.memory_space<hbm>> -> memref<1x1x64xi32, #tpu.memory_space<hbm>>
        %dma_start3A_150 = tpu.memref_squeeze %dma_start3A_149 : memref<1x1x64xi32, #tpu.memory_space<hbm>> -> memref<64xi32, #tpu.memory_space<hbm>>
        %dma_start3A_151 = arith.constant 0 : i32
        %dma_start3A_152 = tpu.memref_slice %arg5[%add3A, %add3A_147, %dma_start3A_151] : memref<32x162x64xi32, #tpu.memory_space<hbm>> -> memref<1x1x64xi32, #tpu.memory_space<hbm>>
        %dma_start3A_153 = tpu.memref_squeeze %dma_start3A_152 : memref<1x1x64xi32, #tpu.memory_space<hbm>> -> memref<64xi32, #tpu.memory_space<hbm>>
        tpu.enqueue_dma source(%dma_start3A_153 : memref<64xi32, #tpu.memory_space<hbm>>) target(%arg9 : memref<64xi32, #tpu.memory_space<vmem>>) target_semaphore(%arg26 : memref<!tpu.dma_semaphore, #tpu.memory_space<semaphore_mem>>)
      } else {
      }
      %parallel_loop3A = arith.constant 0 : i32
      %parallel_loop3A_72 = arith.constant 64 : i32
      %parallel_loop3A_73 = arith.constant 1 : i32
      scf.for %parallel_loop3A_138 = %parallel_loop3A to %parallel_loop3A_72 step %parallel_loop3A_73  : i32 {
        %parallel_loop3A_139 = arith.index_cast %parallel_loop3A_138 : i32 to index
        %parallel_loop3A_140 = arith.constant 128 : index
        %parallel_loop3A_141 = tpu.vector_load %arg14[%parallel_loop3A_139, %parallel_loop3A_140] {strides = array<i32>} : memref<64x144xf32, #tpu.memory_space<vmem>>, vector<1x16xf32>,
        %parallel_loop3A_142 = vector.shape_cast %parallel_loop3A_141 : vector<1x16xf32> to vector<16xf32>
        %parallel_loop3A_143 = arith.index_cast %parallel_loop3A_138 : i32 to index
        %parallel_loop3A_144 = arith.constant 0 : index
        %parallel_loop3A_145 = tpu.vector_load %arg15[%parallel_loop3A_143, %parallel_loop3A_144] {strides = array<i32>} : memref<64x16xf32, #tpu.memory_space<vmem>>, vector<1x16xf32>,
        %parallel_loop3A_146 = vector.shape_cast %parallel_loop3A_145 : vector<1x16xf32> to vector<16xf32>
        %parallel_loop3A_147 = arith.addf %parallel_loop3A_142, %parallel_loop3A_146 : vector<16xf32>
        %parallel_loop3A_148 = arith.constant 0.000000e+00 : f32
        %parallel_loop3A_149 = vector.broadcast %parallel_loop3A_148 : f32 to vector<16xf32>
        %parallel_loop3A_150 = arith.cmpf oge, %parallel_loop3A_147, %parallel_loop3A_149 : vector<16xf32>
        %parallel_loop3A_151 = arith.constant 2.000000e-01 : f32
        %parallel_loop3A_152 = vector.broadcast %parallel_loop3A_151 : f32 to vector<16xf32>
        %parallel_loop3A_153 = arith.mulf %parallel_loop3A_152, %parallel_loop3A_147 : vector<16xf32>
        %parallel_loop3A_154 = arith.select %parallel_loop3A_150, %parallel_loop3A_147, %parallel_loop3A_153 : vector<16xi1>, vector<16xf32>
        %parallel_loop3A_155 = arith.addf %get3A_30, %parallel_loop3A_146 : vector<16xf32>
        %parallel_loop3A_156 = arith.constant 0.000000e+00 : f32
        %parallel_loop3A_157 = vector.broadcast %parallel_loop3A_156 : f32 to vector<16xf32>
        %parallel_loop3A_158 = arith.cmpf oge, %parallel_loop3A_155, %parallel_loop3A_157 : vector<16xf32>
        %parallel_loop3A_159 = arith.constant 2.000000e-01 : f32
        %parallel_loop3A_160 = vector.broadcast %parallel_loop3A_159 : f32 to vector<16xf32>
        %parallel_loop3A_161 = arith.mulf %parallel_loop3A_160, %parallel_loop3A_155 : vector<16xf32>
        %parallel_loop3A_162 = arith.select %parallel_loop3A_158, %parallel_loop3A_155, %parallel_loop3A_161 : vector<16xi1>, vector<16xf32>
        %parallel_loop3A_163 = arith.subf %parallel_loop3A_154, %parallel_loop3A_162 : vector<16xf32>
        %parallel_loop3A_164 = math.exp %parallel_loop3A_163 : vector<16xf32>
        %parallel_loop3A_165 = arith.constant 0.000000e+00 : f32
        %parallel_loop3A_166 = vector.broadcast %parallel_loop3A_165 : f32 to vector<16xf32>
        %parallel_loop3A_167 = arith.select %lt3A_32, %parallel_loop3A_164, %parallel_loop3A_166 : vector<16xi1>, vector<16xf32>
        %parallel_loop3A_168 = arith.index_cast %parallel_loop3A_138 : i32 to index
        %parallel_loop3A_169 = arith.constant 128 : index
        %parallel_loop3A_170 = tpu.vector_load %arg16[%parallel_loop3A_168, %parallel_loop3A_169] {strides = array<i32>} : memref<64x144xf32, #tpu.memory_space<vmem>>, vector<1x16xf32>,
        %parallel_loop3A_171 = vector.shape_cast %parallel_loop3A_170 : vector<1x16xf32> to vector<16xf32>
        %parallel_loop3A_172 = vector.shape_cast %parallel_loop3A_167 : vector<16xf32> to vector<1x16xf32>
        tpu.vector_store %arg16[%parallel_loop3A_168, %parallel_loop3A_169], %parallel_loop3A_172 {strides = array<i32>} : memref<64x144xf32, #tpu.memory_space<vmem>>, vector<1x16xf32>,
        %parallel_loop3A_173 = arith.constant 0 : i32
        %parallel_loop3A_174 = vector.broadcast %parallel_loop3A_173 : i32 to vector<16x1xi32>
        %parallel_loop3A_175 = vector.shape_cast %parallel_loop3A_174 : vector<16x1xi32> to vector<16xi32>
        %parallel_loop3A_176 = tpu.dynamic_gather %parallel_loop3A_167[%parallel_loop3A_175] in [0] : vector<16xf32>, vector<16xi32> -> vector<16xf32>
        %parallel_loop3A_177 = arith.index_cast %parallel_loop3A_138 : i32 to index
        %parallel_loop3A_178 = arith.constant 0 : index
        %parallel_loop3A_179 = tpu.vector_load %arg14[%parallel_loop3A_177, %parallel_loop3A_178] {strides = array<i32>} : memref<64x144xf32, #tpu.memory_space<vmem>>, vector<1x16xf32>,
        %parallel_loop3A_180 = vector.shape_cast %parallel_loop3A_179 : vector<1x16xf32> to vector<16xf32>
        %parallel_loop3A_181 = arith.mulf %parallel_loop3A_180, %parallel_loop3A_176 : vector<16xf32>
        %parallel_loop3A_182 = arith.index_cast %parallel_loop3A_138 : i32 to index
        %parallel_loop3A_183 = arith.constant 0 : index
        %parallel_loop3A_184 = tpu.vector_load %arg16[%parallel_loop3A_182, %parallel_loop3A_183] {strides = array<i32>} : memref<64x144xf32, #tpu.memory_space<vmem>>, vector<1x16xf32>,
        %parallel_loop3A_185 = vector.shape_cast %parallel_loop3A_184 : vector<1x16xf32> to vector<16xf32>
        %parallel_loop3A_186 = vector.shape_cast %parallel_loop3A_181 : vector<16xf32> to vector<1x16xf32>
        tpu.vector_store %arg16[%parallel_loop3A_182, %parallel_loop3A_183], %parallel_loop3A_186 {strides = array<i32>} : memref<64x144xf32, #tpu.memory_space<vmem>>, vector<1x16xf32>,
        %parallel_loop3A_187 = arith.constant 1 : i32
        %parallel_loop3A_188 = vector.broadcast %parallel_loop3A_187 : i32 to vector<16x1xi32>
        %parallel_loop3A_189 = vector.shape_cast %parallel_loop3A_188 : vector<16x1xi32> to vector<16xi32>
        %parallel_loop3A_190 = tpu.dynamic_gather %parallel_loop3A_167[%parallel_loop3A_189] in [0] : vector<16xf32>, vector<16xi32> -> vector<16xf32>
        %parallel_loop3A_191 = arith.index_cast %parallel_loop3A_138 : i32 to index
        %parallel_loop3A_192 = arith.constant 16 : index
        %parallel_loop3A_193 = tpu.vector_load %arg14[%parallel_loop3A_191, %parallel_loop3A_192] {strides = array<i32>} : memref<64x144xf32, #tpu.memory_space<vmem>>, vector<1x16xf32>,
        %parallel_loop3A_194 = vector.shape_cast %parallel_loop3A_193 : vector<1x16xf32> to vector<16xf32>
        %parallel_loop3A_195 = arith.mulf %parallel_loop3A_194, %parallel_loop3A_190 : vector<16xf32>
        %parallel_loop3A_196 = arith.index_cast %parallel_loop3A_138 : i32 to index
        %parallel_loop3A_197 = arith.constant 16 : index
        %parallel_loop3A_198 = tpu.vector_load %arg16[%parallel_loop3A_196, %parallel_loop3A_197] {strides = array<i32>} : memref<64x144xf32, #tpu.memory_space<vmem>>, vector<1x16xf32>,
        %parallel_loop3A_199 = vector.shape_cast %parallel_loop3A_198 : vector<1x16xf32> to vector<16xf32>
        %parallel_loop3A_200 = vector.shape_cast %parallel_loop3A_195 : vector<16xf32> to vector<1x16xf32>
        tpu.vector_store %arg16[%parallel_loop3A_196, %parallel_loop3A_197], %parallel_loop3A_200 {strides = array<i32>} : memref<64x144xf32, #tpu.memory_space<vmem>>, vector<1x16xf32>,
        %parallel_loop3A_201 = arith.constant 2 : i32
        %parallel_loop3A_202 = vector.broadcast %parallel_loop3A_201 : i32 to vector<16x1xi32>
        %parallel_loop3A_203 = vector.shape_cast %parallel_loop3A_202 : vector<16x1xi32> to vector<16xi32>
        %parallel_loop3A_204 = tpu.dynamic_gather %parallel_loop3A_167[%parallel_loop3A_203] in [0] : vector<16xf32>, vector<16xi32> -> vector<16xf32>
        %parallel_loop3A_205 = arith.index_cast %parallel_loop3A_138 : i32 to index
        %parallel_loop3A_206 = arith.constant 32 : index
        %parallel_loop3A_207 = tpu.vector_load %arg14[%parallel_loop3A_205, %parallel_loop3A_206] {strides = array<i32>} : memref<64x144xf32, #tpu.memory_space<vmem>>, vector<1x16xf32>,
        %parallel_loop3A_208 = vector.shape_cast %parallel_loop3A_207 : vector<1x16xf32> to vector<16xf32>
        %parallel_loop3A_209 = arith.mulf %parallel_loop3A_208, %parallel_loop3A_204 : vector<16xf32>
        %parallel_loop3A_210 = arith.index_cast %parallel_loop3A_138 : i32 to index
        %parallel_loop3A_211 = arith.constant 32 : index
        %parallel_loop3A_212 = tpu.vector_load %arg16[%parallel_loop3A_210, %parallel_loop3A_211] {strides = array<i32>} : memref<64x144xf32, #tpu.memory_space<vmem>>, vector<1x16xf32>,
        %parallel_loop3A_213 = vector.shape_cast %parallel_loop3A_212 : vector<1x16xf32> to vector<16xf32>
        %parallel_loop3A_214 = vector.shape_cast %parallel_loop3A_209 : vector<16xf32> to vector<1x16xf32>
        tpu.vector_store %arg16[%parallel_loop3A_210, %parallel_loop3A_211], %parallel_loop3A_214 {strides = array<i32>} : memref<64x144xf32, #tpu.memory_space<vmem>>, vector<1x16xf32>,
        %parallel_loop3A_215 = arith.constant 3 : i32
        %parallel_loop3A_216 = vector.broadcast %parallel_loop3A_215 : i32 to vector<16x1xi32>
        %parallel_loop3A_217 = vector.shape_cast %parallel_loop3A_216 : vector<16x1xi32> to vector<16xi32>
        %parallel_loop3A_218 = tpu.dynamic_gather %parallel_loop3A_167[%parallel_loop3A_217] in [0] : vector<16xf32>, vector<16xi32> -> vector<16xf32>
        %parallel_loop3A_219 = arith.index_cast %parallel_loop3A_138 : i32 to index
        %parallel_loop3A_220 = arith.constant 48 : index
        %parallel_loop3A_221 = tpu.vector_load %arg14[%parallel_loop3A_219, %parallel_loop3A_220] {strides = array<i32>} : memref<64x144xf32, #tpu.memory_space<vmem>>, vector<1x16xf32>,
        %parallel_loop3A_222 = vector.shape_cast %parallel_loop3A_221 : vector<1x16xf32> to vector<16xf32>
        %parallel_loop3A_223 = arith.mulf %parallel_loop3A_222, %parallel_loop3A_218 : vector<16xf32>
        %parallel_loop3A_224 = arith.index_cast %parallel_loop3A_138 : i32 to index
        %parallel_loop3A_225 = arith.constant 48 : index
        %parallel_loop3A_226 = tpu.vector_load %arg16[%parallel_loop3A_224, %parallel_loop3A_225] {strides = array<i32>} : memref<64x144xf32, #tpu.memory_space<vmem>>, vector<1x16xf32>,
        %parallel_loop3A_227 = vector.shape_cast %parallel_loop3A_226 : vector<1x16xf32> to vector<16xf32>
        %parallel_loop3A_228 = vector.shape_cast %parallel_loop3A_223 : vector<16xf32> to vector<1x16xf32>
        tpu.vector_store %arg16[%parallel_loop3A_224, %parallel_loop3A_225], %parallel_loop3A_228 {strides = array<i32>} : memref<64x144xf32, #tpu.memory_space<vmem>>, vector<1x16xf32>,
        %parallel_loop3A_229 = arith.constant 4 : i32
        %parallel_loop3A_230 = vector.broadcast %parallel_loop3A_229 : i32 to vector<16x1xi32>
        %parallel_loop3A_231 = vector.shape_cast %parallel_loop3A_230 : vector<16x1xi32> to vector<16xi32>
        %parallel_loop3A_232 = tpu.dynamic_gather %parallel_loop3A_167[%parallel_loop3A_231] in [0] : vector<16xf32>, vector<16xi32> -> vector<16xf32>
        %parallel_loop3A_233 = arith.index_cast %parallel_loop3A_138 : i32 to index
        %parallel_loop3A_234 = arith.constant 64 : index
        %parallel_loop3A_235 = tpu.vector_load %arg14[%parallel_loop3A_233, %parallel_loop3A_234] {strides = array<i32>} : memref<64x144xf32, #tpu.memory_space<vmem>>, vector<1x16xf32>,
        %parallel_loop3A_236 = vector.shape_cast %parallel_loop3A_235 : vector<1x16xf32> to vector<16xf32>
        %parallel_loop3A_237 = arith.mulf %parallel_loop3A_236, %parallel_loop3A_232 : vector<16xf32>
        %parallel_loop3A_238 = arith.index_cast %parallel_loop3A_138 : i32 to index
        %parallel_loop3A_239 = arith.constant 64 : index
        %parallel_loop3A_240 = tpu.vector_load %arg16[%parallel_loop3A_238, %parallel_loop3A_239] {strides = array<i32>} : memref<64x144xf32, #tpu.memory_space<vmem>>, vector<1x16xf32>,
        %parallel_loop3A_241 = vector.shape_cast %parallel_loop3A_240 : vector<1x16xf32> to vector<16xf32>
        %parallel_loop3A_242 = vector.shape_cast %parallel_loop3A_237 : vector<16xf32> to vector<1x16xf32>
        tpu.vector_store %arg16[%parallel_loop3A_238, %parallel_loop3A_239], %parallel_loop3A_242 {strides = array<i32>} : memref<64x144xf32, #tpu.memory_space<vmem>>, vector<1x16xf32>,
        %parallel_loop3A_243 = arith.constant 5 : i32
        %parallel_loop3A_244 = vector.broadcast %parallel_loop3A_243 : i32 to vector<16x1xi32>
        %parallel_loop3A_245 = vector.shape_cast %parallel_loop3A_244 : vector<16x1xi32> to vector<16xi32>
        %parallel_loop3A_246 = tpu.dynamic_gather %parallel_loop3A_167[%parallel_loop3A_245] in [0] : vector<16xf32>, vector<16xi32> -> vector<16xf32>
        %parallel_loop3A_247 = arith.index_cast %parallel_loop3A_138 : i32 to index
        %parallel_loop3A_248 = arith.constant 80 : index
        %parallel_loop3A_249 = tpu.vector_load %arg14[%parallel_loop3A_247, %parallel_loop3A_248] {strides = array<i32>} : memref<64x144xf32, #tpu.memory_space<vmem>>, vector<1x16xf32>,
        %parallel_loop3A_250 = vector.shape_cast %parallel_loop3A_249 : vector<1x16xf32> to vector<16xf32>
        %parallel_loop3A_251 = arith.mulf %parallel_loop3A_250, %parallel_loop3A_246 : vector<16xf32>
        %parallel_loop3A_252 = arith.index_cast %parallel_loop3A_138 : i32 to index
        %parallel_loop3A_253 = arith.constant 80 : index
        %parallel_loop3A_254 = tpu.vector_load %arg16[%parallel_loop3A_252, %parallel_loop3A_253] {strides = array<i32>} : memref<64x144xf32, #tpu.memory_space<vmem>>, vector<1x16xf32>,
        %parallel_loop3A_255 = vector.shape_cast %parallel_loop3A_254 : vector<1x16xf32> to vector<16xf32>
        %parallel_loop3A_256 = vector.shape_cast %parallel_loop3A_251 : vector<16xf32> to vector<1x16xf32>
        tpu.vector_store %arg16[%parallel_loop3A_252, %parallel_loop3A_253], %parallel_loop3A_256 {strides = array<i32>} : memref<64x144xf32, #tpu.memory_space<vmem>>, vector<1x16xf32>,
        %parallel_loop3A_257 = arith.constant 6 : i32
        %parallel_loop3A_258 = vector.broadcast %parallel_loop3A_257 : i32 to vector<16x1xi32>
        %parallel_loop3A_259 = vector.shape_cast %parallel_loop3A_258 : vector<16x1xi32> to vector<16xi32>
        %parallel_loop3A_260 = tpu.dynamic_gather %parallel_loop3A_167[%parallel_loop3A_259] in [0] : vector<16xf32>, vector<16xi32> -> vector<16xf32>
        %parallel_loop3A_261 = arith.index_cast %parallel_loop3A_138 : i32 to index
        %parallel_loop3A_262 = arith.constant 96 : index
        %parallel_loop3A_263 = tpu.vector_load %arg14[%parallel_loop3A_261, %parallel_loop3A_262] {strides = array<i32>} : memref<64x144xf32, #tpu.memory_space<vmem>>, vector<1x16xf32>,
        %parallel_loop3A_264 = vector.shape_cast %parallel_loop3A_263 : vector<1x16xf32> to vector<16xf32>
        %parallel_loop3A_265 = arith.mulf %parallel_loop3A_264, %parallel_loop3A_260 : vector<16xf32>
        %parallel_loop3A_266 = arith.index_cast %parallel_loop3A_138 : i32 to index
        %parallel_loop3A_267 = arith.constant 96 : index
        %parallel_loop3A_268 = tpu.vector_load %arg16[%parallel_loop3A_266, %parallel_loop3A_267] {strides = array<i32>} : memref<64x144xf32, #tpu.memory_space<vmem>>, vector<1x16xf32>,
        %parallel_loop3A_269 = vector.shape_cast %parallel_loop3A_268 : vector<1x16xf32> to vector<16xf32>
        %parallel_loop3A_270 = vector.shape_cast %parallel_loop3A_265 : vector<16xf32> to vector<1x16xf32>
        tpu.vector_store %arg16[%parallel_loop3A_266, %parallel_loop3A_267], %parallel_loop3A_270 {strides = array<i32>} : memref<64x144xf32, #tpu.memory_space<vmem>>, vector<1x16xf32>,
        %parallel_loop3A_271 = arith.constant 7 : i32
        %parallel_loop3A_272 = vector.broadcast %parallel_loop3A_271 : i32 to vector<16x1xi32>
        %parallel_loop3A_273 = vector.shape_cast %parallel_loop3A_272 : vector<16x1xi32> to vector<16xi32>
        %parallel_loop3A_274 = tpu.dynamic_gather %parallel_loop3A_167[%parallel_loop3A_273] in [0] : vector<16xf32>, vector<16xi32> -> vector<16xf32>
        %parallel_loop3A_275 = arith.index_cast %parallel_loop3A_138 : i32 to index
        %parallel_loop3A_276 = arith.constant 112 : index
        %parallel_loop3A_277 = tpu.vector_load %arg14[%parallel_loop3A_275, %parallel_loop3A_276] {strides = array<i32>} : memref<64x144xf32, #tpu.memory_space<vmem>>, vector<1x16xf32>,
        %parallel_loop3A_278 = vector.shape_cast %parallel_loop3A_277 : vector<1x16xf32> to vector<16xf32>
        %parallel_loop3A_279 = arith.mulf %parallel_loop3A_278, %parallel_loop3A_274 : vector<16xf32>
        %parallel_loop3A_280 = arith.index_cast %parallel_loop3A_138 : i32 to index
        %parallel_loop3A_281 = arith.constant 112 : index
        %parallel_loop3A_282 = tpu.vector_load %arg16[%parallel_loop3A_280, %parallel_loop3A_281] {strides = array<i32>} : memref<64x144xf32, #tpu.memory_space<vmem>>, vector<1x16xf32>,
        %parallel_loop3A_283 = vector.shape_cast %parallel_loop3A_282 : vector<1x16xf32> to vector<16xf32>
        %parallel_loop3A_284 = vector.shape_cast %parallel_loop3A_279 : vector<16xf32> to vector<1x16xf32>
        tpu.vector_store %arg16[%parallel_loop3A_280, %parallel_loop3A_281], %parallel_loop3A_284 {strides = array<i32>} : memref<64x144xf32, #tpu.memory_space<vmem>>, vector<1x16xf32>,
      } {sc.loop_unroll_factor = 2 : i64, sc.parallel_access}
      %gt3A = arith.constant 0 : i32
      %gt3A_74 = arith.cmpi sgt, %mul3A_53, %gt3A : i32
      %convert_element_type3A_75 = arith.extui %gt3A_74 : i1 to i32
      %cond3A_76 = arith.constant 0 : i32
      %cond3A_77 = arith.cmpi ne, %convert_element_type3A_75, %cond3A_76 : i32
      scf.if %cond3A_77 {
        %dma_wait3A_138 = arith.constant 0 : i32
        %dma_wait3A_139 = arith.constant 0 : i32
        %dma_wait3A_140 = tpu.memref_slice %arg21[%dma_wait3A_138, %dma_wait3A_139] : memref<10016x144xf32, #tpu.memory_space<vmem_shared>> -> memref<10016x144xf32, #tpu.memory_space<vmem_shared>>
        tpu.wait_indirect_dma semaphore(%arg30 : memref<!tpu.dma_semaphore, #tpu.memory_space<semaphore_mem>>) src(%arg19 : memref<64x144xf32, #tpu.memory_space<vmem>>) dst(%dma_wait3A_140 : memref<10016x144xf32, #tpu.memory_space<vmem_shared>>)
      } else {
      }
      %add3A_78 = arith.constant 1 : i32
      %add3A_79 = arith.addi %mul3A_53, %add3A_78 : i32
      %lt3A_80 = arith.constant 162 : i32
      %lt3A_81 = arith.cmpi slt, %add3A_79, %lt3A_80 : i32
      %convert_element_type3A_82 = arith.extui %lt3A_81 : i1 to i32
      %cond3A_83 = arith.constant 0 : i32
      %cond3A_84 = arith.cmpi ne, %convert_element_type3A_82, %cond3A_83 : i32
      scf.if %cond3A_84 {
        %add3A_138 = arith.constant 1 : i32
        %add3A_139 = arith.addi %mul3A_53, %add3A_138 : i32
        %dma_start3A_140 = arith.constant 0 : i32
        %dma_start3A_141 = tpu.memref_slice %arg5[%add3A, %add3A_139, %dma_start3A_140] : memref<32x162x64xi32, #tpu.memory_space<hbm>> -> memref<1x1x64xi32, #tpu.memory_space<hbm>>
        %dma_start3A_142 = tpu.memref_squeeze %dma_start3A_141 : memref<1x1x64xi32, #tpu.memory_space<hbm>> -> memref<64xi32, #tpu.memory_space<hbm>>
        %dma_start3A_143 = arith.constant 0 : i32
        %dma_start3A_144 = tpu.memref_slice %arg5[%add3A, %add3A_139, %dma_start3A_143] : memref<32x162x64xi32, #tpu.memory_space<hbm>> -> memref<1x1x64xi32, #tpu.memory_space<hbm>>
        %dma_start3A_145 = tpu.memref_squeeze %dma_start3A_144 : memref<1x1x64xi32, #tpu.memory_space<hbm>> -> memref<64xi32, #tpu.memory_space<hbm>>
        tpu.enqueue_dma source(%dma_start3A_145 : memref<64xi32, #tpu.memory_space<hbm>>) target(%arg13 : memref<64xi32, #tpu.memory_space<vmem>>) target_semaphore(%arg29 : memref<!tpu.dma_semaphore, #tpu.memory_space<semaphore_mem>>)
      } else {
      }
      %gt3A_85 = arith.constant 0 : i32
      %gt3A_86 = arith.cmpi sgt, %mul3A_53, %gt3A_85 : i32
      %convert_element_type3A_87 = arith.extui %gt3A_86 : i1 to i32
      %cond3A_88 = arith.constant 0 : i32
      %cond3A_89 = arith.cmpi ne, %convert_element_type3A_87, %cond3A_88 : i32
      scf.if %cond3A_89 {
        %dma_wait3A_138 = arith.constant 0 : i32
        %dma_wait3A_139 = arith.constant 0 : i32
        %dma_wait3A_140 = tpu.memref_slice %arg5[%add3A, %dma_wait3A_138, %dma_wait3A_139] : memref<32x162x64xi32, #tpu.memory_space<hbm>> -> memref<1x1x64xi32, #tpu.memory_space<hbm>>
        %dma_wait3A_141 = tpu.memref_squeeze %dma_wait3A_140 : memref<1x1x64xi32, #tpu.memory_space<hbm>> -> memref<64xi32, #tpu.memory_space<hbm>>
        %dma_wait3A_142 = arith.constant 0 : i32
        %dma_wait3A_143 = tpu.memref_slice %arg5[%add3A, %dma_wait3A_138, %dma_wait3A_142] : memref<32x162x64xi32, #tpu.memory_space<hbm>> -> memref<1x1x64xi32, #tpu.memory_space<hbm>>
        %dma_wait3A_144 = tpu.memref_squeeze %dma_wait3A_143 : memref<1x1x64xi32, #tpu.memory_space<hbm>> -> memref<64xi32, #tpu.memory_space<hbm>>
        tpu.wait_dma2 semaphore(%arg28 : memref<!tpu.dma_semaphore, #tpu.memory_space<semaphore_mem>>) src(%dma_wait3A_144 : memref<64xi32, #tpu.memory_space<hbm>>) dst(%arg10 : memref<64xi32, #tpu.memory_space<vmem>>)
      } else {
      }
      %dma_start3A_90 = arith.constant 0 : i32
      %dma_start3A_91 = arith.constant 0 : i32
      %dma_start3A_92 = tpu.memref_slice %arg21[%dma_start3A_90, %dma_start3A_91] : memref<10016x144xf32, #tpu.memory_space<vmem_shared>> -> memref<10016x144xf32, #tpu.memory_space<vmem_shared>>
      tpu.enqueue_indirect_dma source(%arg16 : memref<64x144xf32, #tpu.memory_space<vmem>>) target(%dma_start3A_92 : memref<10016x144xf32, #tpu.memory_space<vmem_shared>>) offsets(%arg10 : memref<64xi32, #tpu.memory_space<vmem>>) semaphore(%arg30 : memref<!tpu.dma_semaphore, #tpu.memory_space<semaphore_mem>>) {add = true}
      %add3A_93 = arith.constant 1 : i32
      %add3A_94 = arith.addi %mul3A_53, %add3A_93 : i32
      %add3A_95 = arith.constant 1 : i32
      %add3A_96 = arith.addi %add3A_94, %add3A_95 : i32
      %lt3A_97 = arith.constant 162 : i32
      %lt3A_98 = arith.cmpi slt, %add3A_96, %lt3A_97 : i32
      %convert_element_type3A_99 = arith.extui %lt3A_98 : i1 to i32
      %cond3A_100 = arith.constant 0 : i32
      %cond3A_101 = arith.cmpi ne, %convert_element_type3A_99, %cond3A_100 : i32
      scf.if %cond3A_101 {
        %gt3A_138 = arith.constant 0 : i32
        %gt3A_139 = arith.cmpi sgt, %add3A_94, %gt3A_138 : i32
        %convert_element_type3A_140 = arith.extui %gt3A_139 : i1 to i32
        %cond3A_141 = arith.constant 0 : i32
        %cond3A_142 = arith.cmpi ne, %convert_element_type3A_140, %cond3A_141 : i32
        scf.if %cond3A_142 {
          %dma_wait3A_149 = arith.constant 0 : i32
          %dma_wait3A_150 = arith.constant 0 : i32
          %dma_wait3A_151 = tpu.memref_slice %arg4[%add3A, %dma_wait3A_149, %dma_wait3A_150] : memref<32x162x64xi32, #tpu.memory_space<hbm>> -> memref<1x1x64xi32, #tpu.memory_space<hbm>>
          %dma_wait3A_152 = tpu.memref_squeeze %dma_wait3A_151 : memref<1x1x64xi32, #tpu.memory_space<hbm>> -> memref<64xi32, #tpu.memory_space<hbm>>
          %dma_wait3A_153 = arith.constant 0 : i32
          %dma_wait3A_154 = tpu.memref_slice %arg4[%add3A, %dma_wait3A_149, %dma_wait3A_153] : memref<32x162x64xi32, #tpu.memory_space<hbm>> -> memref<1x1x64xi32, #tpu.memory_space<hbm>>
          %dma_wait3A_155 = tpu.memref_squeeze %dma_wait3A_154 : memref<1x1x64xi32, #tpu.memory_space<hbm>> -> memref<64xi32, #tpu.memory_space<hbm>>
          tpu.wait_dma2 semaphore(%arg26 : memref<!tpu.dma_semaphore, #tpu.memory_space<semaphore_mem>>) src(%dma_wait3A_155 : memref<64xi32, #tpu.memory_space<hbm>>) dst(%arg8 : memref<64xi32, #tpu.memory_space<vmem>>)
          %dma_wait3A_156 = arith.constant 0 : i32
          %dma_wait3A_157 = arith.constant 0 : i32
          %dma_wait3A_158 = tpu.memref_slice %arg5[%add3A, %dma_wait3A_156, %dma_wait3A_157] : memref<32x162x64xi32, #tpu.memory_space<hbm>> -> memref<1x1x64xi32, #tpu.memory_space<hbm>>
          %dma_wait3A_159 = tpu.memref_squeeze %dma_wait3A_158 : memref<1x1x64xi32, #tpu.memory_space<hbm>> -> memref<64xi32, #tpu.memory_space<hbm>>
          %dma_wait3A_160 = arith.constant 0 : i32
          %dma_wait3A_161 = tpu.memref_slice %arg5[%add3A, %dma_wait3A_156, %dma_wait3A_160] : memref<32x162x64xi32, #tpu.memory_space<hbm>> -> memref<1x1x64xi32, #tpu.memory_space<hbm>>
          %dma_wait3A_162 = tpu.memref_squeeze %dma_wait3A_161 : memref<1x1x64xi32, #tpu.memory_space<hbm>> -> memref<64xi32, #tpu.memory_space<hbm>>
          tpu.wait_dma2 semaphore(%arg26 : memref<!tpu.dma_semaphore, #tpu.memory_space<semaphore_mem>>) src(%dma_wait3A_162 : memref<64xi32, #tpu.memory_space<hbm>>) dst(%arg9 : memref<64xi32, #tpu.memory_space<vmem>>)
        } else {
        }
        %dma_start3A_143 = arith.constant 0 : i32
        %dma_start3A_144 = arith.constant 0 : i32
        %dma_start3A_145 = tpu.memref_slice %arg2[%dma_start3A_143, %dma_start3A_144] : memref<10000x144xf32, #tpu.memory_space<hbm>> -> memref<10000x144xf32, #tpu.memory_space<hbm>>
        tpu.enqueue_indirect_dma source(%dma_start3A_145 : memref<10000x144xf32, #tpu.memory_space<hbm>>) target(%arg14 : memref<64x144xf32, #tpu.memory_space<vmem>>) offsets(%arg8 : memref<64xi32, #tpu.memory_space<vmem>>) semaphore(%arg22 : memref<!tpu.dma_semaphore, #tpu.memory_space<semaphore_mem>>)
        %dma_start3A_146 = arith.constant 0 : i32
        %dma_start3A_147 = arith.constant 0 : i32
        %dma_start3A_148 = tpu.memref_slice %arg3[%dma_start3A_146, %dma_start3A_147] : memref<10008x16xf32, #tpu.memory_space<hbm>> -> memref<10008x16xf32, #tpu.memory_space<hbm>>
        tpu.enqueue_indirect_dma source(%dma_start3A_148 : memref<10008x16xf32, #tpu.memory_space<hbm>>) target(%arg15 : memref<64x16xf32, #tpu.memory_space<vmem>>) offsets(%arg9 : memref<64xi32, #tpu.memory_space<vmem>>) semaphore(%arg23 : memref<!tpu.dma_semaphore, #tpu.memory_space<semaphore_mem>>)
      } else {
      }
      %dma_wait3A_102 = arith.constant 0 : i32
      %dma_wait3A_103 = arith.constant 0 : i32
      %dma_wait3A_104 = tpu.memref_slice %arg2[%dma_wait3A_102, %dma_wait3A_103] : memref<10000x144xf32, #tpu.memory_space<hbm>> -> memref<10000x144xf32, #tpu.memory_space<hbm>>
      tpu.wait_indirect_dma semaphore(%arg24 : memref<!tpu.dma_semaphore, #tpu.memory_space<semaphore_mem>>) src(%dma_wait3A_104 : memref<10000x144xf32, #tpu.memory_space<hbm>>) dst(%arg17 : memref<64x144xf32, #tpu.memory_space<vmem>>)
      %dma_wait3A_105 = arith.constant 0 : i32
      %dma_wait3A_106 = arith.constant 0 : i32
      %dma_wait3A_107 = tpu.memref_slice %arg3[%dma_wait3A_105, %dma_wait3A_106] : memref<10008x16xf32, #tpu.memory_space<hbm>> -> memref<10008x16xf32, #tpu.memory_space<hbm>>
      tpu.wait_indirect_dma semaphore(%arg25 : memref<!tpu.dma_semaphore, #tpu.memory_space<semaphore_mem>>) src(%dma_wait3A_107 : memref<10008x16xf32, #tpu.memory_space<hbm>>) dst(%arg18 : memref<64x16xf32, #tpu.memory_space<vmem>>)
      %add3A_108 = arith.constant 2 : i32
      %add3A_109 = arith.addi %add3A_94, %add3A_108 : i32
      %lt3A_110 = arith.constant 162 : i32
      %lt3A_111 = arith.cmpi slt, %add3A_109, %lt3A_110 : i32
      %convert_element_type3A_112 = arith.extui %lt3A_111 : i1 to i32
      %cond3A_113 = arith.constant 0 : i32
      %cond3A_114 = arith.cmpi ne, %convert_element_type3A_112, %cond3A_113 : i32
      scf.if %cond3A_114 {
        %add3A_138 = arith.constant 2 : i32
        %add3A_139 = arith.addi %add3A_94, %add3A_138 : i32
        %dma_start3A_140 = arith.constant 0 : i32
        %dma_start3A_141 = tpu.memref_slice %arg4[%add3A, %add3A_139, %dma_start3A_140] : memref<32x162x64xi32, #tpu.memory_space<hbm>> -> memref<1x1x64xi32, #tpu.memory_space<hbm>>
        %dma_start3A_142 = tpu.memref_squeeze %dma_start3A_141 : memref<1x1x64xi32, #tpu.memory_space<hbm>> -> memref<64xi32, #tpu.memory_space<hbm>>
        %dma_start3A_143 = arith.constant 0 : i32
        %dma_start3A_144 = tpu.memref_slice %arg4[%add3A, %add3A_139, %dma_start3A_143] : memref<32x162x64xi32, #tpu.memory_space<hbm>> -> memref<1x1x64xi32, #tpu.memory_space<hbm>>
        %dma_start3A_145 = tpu.memref_squeeze %dma_start3A_144 : memref<1x1x64xi32, #tpu.memory_space<hbm>> -> memref<64xi32, #tpu.memory_space<hbm>>
        tpu.enqueue_dma source(%dma_start3A_145 : memref<64xi32, #tpu.memory_space<hbm>>) target(%arg11 : memref<64xi32, #tpu.memory_space<vmem>>) target_semaphore(%arg27 : memref<!tpu.dma_semaphore, #tpu.memory_space<semaphore_mem>>)
        %add3A_146 = arith.constant 2 : i32
        %add3A_147 = arith.addi %add3A_94, %add3A_146 : i32
        %dma_start3A_148 = arith.constant 0 : i32
        %dma_start3A_149 = tpu.memref_slice %arg5[%add3A, %add3A_147, %dma_start3A_148] : memref<32x162x64xi32, #tpu.memory_space<hbm>> -> memref<1x1x64xi32, #tpu.memory_space<hbm>>
        %dma_start3A_150 = tpu.memref_squeeze %dma_start3A_149 : memref<1x1x64xi32, #tpu.memory_space<hbm>> -> memref<64xi32, #tpu.memory_space<hbm>>
        %dma_start3A_151 = arith.constant 0 : i32
        %dma_start3A_152 = tpu.memref_slice %arg5[%add3A, %add3A_147, %dma_start3A_151] : memref<32x162x64xi32, #tpu.memory_space<hbm>> -> memref<1x1x64xi32, #tpu.memory_space<hbm>>
        %dma_start3A_153 = tpu.memref_squeeze %dma_start3A_152 : memref<1x1x64xi32, #tpu.memory_space<hbm>> -> memref<64xi32, #tpu.memory_space<hbm>>
        tpu.enqueue_dma source(%dma_start3A_153 : memref<64xi32, #tpu.memory_space<hbm>>) target(%arg12 : memref<64xi32, #tpu.memory_space<vmem>>) target_semaphore(%arg27 : memref<!tpu.dma_semaphore, #tpu.memory_space<semaphore_mem>>)
      } else {
      }
      %parallel_loop3A_115 = arith.constant 0 : i32
      %parallel_loop3A_116 = arith.constant 64 : i32
      %parallel_loop3A_117 = arith.constant 1 : i32
      scf.for %parallel_loop3A_138 = %parallel_loop3A_115 to %parallel_loop3A_116 step %parallel_loop3A_117  : i32 {
        %parallel_loop3A_139 = arith.index_cast %parallel_loop3A_138 : i32 to index
        %parallel_loop3A_140 = arith.constant 128 : index
        %parallel_loop3A_141 = tpu.vector_load %arg17[%parallel_loop3A_139, %parallel_loop3A_140] {strides = array<i32>} : memref<64x144xf32, #tpu.memory_space<vmem>>, vector<1x16xf32>,
        %parallel_loop3A_142 = vector.shape_cast %parallel_loop3A_141 : vector<1x16xf32> to vector<16xf32>
        %parallel_loop3A_143 = arith.index_cast %parallel_loop3A_138 : i32 to index
        %parallel_loop3A_144 = arith.constant 0 : index
        %parallel_loop3A_145 = tpu.vector_load %arg18[%parallel_loop3A_143, %parallel_loop3A_144] {strides = array<i32>} : memref<64x16xf32, #tpu.memory_space<vmem>>, vector<1x16xf32>,
        %parallel_loop3A_146 = vector.shape_cast %parallel_loop3A_145 : vector<1x16xf32> to vector<16xf32>
        %parallel_loop3A_147 = arith.addf %parallel_loop3A_142, %parallel_loop3A_146 : vector<16xf32>
        %parallel_loop3A_148 = arith.constant 0.000000e+00 : f32
        %parallel_loop3A_149 = vector.broadcast %parallel_loop3A_148 : f32 to vector<16xf32>
        %parallel_loop3A_150 = arith.cmpf oge, %parallel_loop3A_147, %parallel_loop3A_149 : vector<16xf32>
        %parallel_loop3A_151 = arith.constant 2.000000e-01 : f32
        %parallel_loop3A_152 = vector.broadcast %parallel_loop3A_151 : f32 to vector<16xf32>
        %parallel_loop3A_153 = arith.mulf %parallel_loop3A_152, %parallel_loop3A_147 : vector<16xf32>
        %parallel_loop3A_154 = arith.select %parallel_loop3A_150, %parallel_loop3A_147, %parallel_loop3A_153 : vector<16xi1>, vector<16xf32>
        %parallel_loop3A_155 = arith.addf %get3A_30, %parallel_loop3A_146 : vector<16xf32>
        %parallel_loop3A_156 = arith.constant 0.000000e+00 : f32
        %parallel_loop3A_157 = vector.broadcast %parallel_loop3A_156 : f32 to vector<16xf32>
        %parallel_loop3A_158 = arith.cmpf oge, %parallel_loop3A_155, %parallel_loop3A_157 : vector<16xf32>
        %parallel_loop3A_159 = arith.constant 2.000000e-01 : f32
        %parallel_loop3A_160 = vector.broadcast %parallel_loop3A_159 : f32 to vector<16xf32>
        %parallel_loop3A_161 = arith.mulf %parallel_loop3A_160, %parallel_loop3A_155 : vector<16xf32>
        %parallel_loop3A_162 = arith.select %parallel_loop3A_158, %parallel_loop3A_155, %parallel_loop3A_161 : vector<16xi1>, vector<16xf32>
        %parallel_loop3A_163 = arith.subf %parallel_loop3A_154, %parallel_loop3A_162 : vector<16xf32>
        %parallel_loop3A_164 = math.exp %parallel_loop3A_163 : vector<16xf32>
        %parallel_loop3A_165 = arith.constant 0.000000e+00 : f32
        %parallel_loop3A_166 = vector.broadcast %parallel_loop3A_165 : f32 to vector<16xf32>
        %parallel_loop3A_167 = arith.select %lt3A_32, %parallel_loop3A_164, %parallel_loop3A_166 : vector<16xi1>, vector<16xf32>
        %parallel_loop3A_168 = arith.index_cast %parallel_loop3A_138 : i32 to index
        %parallel_loop3A_169 = arith.constant 128 : index
        %parallel_loop3A_170 = tpu.vector_load %arg19[%parallel_loop3A_168, %parallel_loop3A_169] {strides = array<i32>} : memref<64x144xf32, #tpu.memory_space<vmem>>, vector<1x16xf32>,
        %parallel_loop3A_171 = vector.shape_cast %parallel_loop3A_170 : vector<1x16xf32> to vector<16xf32>
        %parallel_loop3A_172 = vector.shape_cast %parallel_loop3A_167 : vector<16xf32> to vector<1x16xf32>
        tpu.vector_store %arg19[%parallel_loop3A_168, %parallel_loop3A_169], %parallel_loop3A_172 {strides = array<i32>} : memref<64x144xf32, #tpu.memory_space<vmem>>, vector<1x16xf32>,
        %parallel_loop3A_173 = arith.constant 0 : i32
        %parallel_loop3A_174 = vector.broadcast %parallel_loop3A_173 : i32 to vector<16x1xi32>
        %parallel_loop3A_175 = vector.shape_cast %parallel_loop3A_174 : vector<16x1xi32> to vector<16xi32>
        %parallel_loop3A_176 = tpu.dynamic_gather %parallel_loop3A_167[%parallel_loop3A_175] in [0] : vector<16xf32>, vector<16xi32> -> vector<16xf32>
        %parallel_loop3A_177 = arith.index_cast %parallel_loop3A_138 : i32 to index
        %parallel_loop3A_178 = arith.constant 0 : index
        %parallel_loop3A_179 = tpu.vector_load %arg17[%parallel_loop3A_177, %parallel_loop3A_178] {strides = array<i32>} : memref<64x144xf32, #tpu.memory_space<vmem>>, vector<1x16xf32>,
        %parallel_loop3A_180 = vector.shape_cast %parallel_loop3A_179 : vector<1x16xf32> to vector<16xf32>
        %parallel_loop3A_181 = arith.mulf %parallel_loop3A_180, %parallel_loop3A_176 : vector<16xf32>
        %parallel_loop3A_182 = arith.index_cast %parallel_loop3A_138 : i32 to index
        %parallel_loop3A_183 = arith.constant 0 : index
        %parallel_loop3A_184 = tpu.vector_load %arg19[%parallel_loop3A_182, %parallel_loop3A_183] {strides = array<i32>} : memref<64x144xf32, #tpu.memory_space<vmem>>, vector<1x16xf32>,
        %parallel_loop3A_185 = vector.shape_cast %parallel_loop3A_184 : vector<1x16xf32> to vector<16xf32>
        %parallel_loop3A_186 = vector.shape_cast %parallel_loop3A_181 : vector<16xf32> to vector<1x16xf32>
        tpu.vector_store %arg19[%parallel_loop3A_182, %parallel_loop3A_183], %parallel_loop3A_186 {strides = array<i32>} : memref<64x144xf32, #tpu.memory_space<vmem>>, vector<1x16xf32>,
        %parallel_loop3A_187 = arith.constant 1 : i32
        %parallel_loop3A_188 = vector.broadcast %parallel_loop3A_187 : i32 to vector<16x1xi32>
        %parallel_loop3A_189 = vector.shape_cast %parallel_loop3A_188 : vector<16x1xi32> to vector<16xi32>
        %parallel_loop3A_190 = tpu.dynamic_gather %parallel_loop3A_167[%parallel_loop3A_189] in [0] : vector<16xf32>, vector<16xi32> -> vector<16xf32>
        %parallel_loop3A_191 = arith.index_cast %parallel_loop3A_138 : i32 to index
        %parallel_loop3A_192 = arith.constant 16 : index
        %parallel_loop3A_193 = tpu.vector_load %arg17[%parallel_loop3A_191, %parallel_loop3A_192] {strides = array<i32>} : memref<64x144xf32, #tpu.memory_space<vmem>>, vector<1x16xf32>,
        %parallel_loop3A_194 = vector.shape_cast %parallel_loop3A_193 : vector<1x16xf32> to vector<16xf32>
        %parallel_loop3A_195 = arith.mulf %parallel_loop3A_194, %parallel_loop3A_190 : vector<16xf32>
        %parallel_loop3A_196 = arith.index_cast %parallel_loop3A_138 : i32 to index
        %parallel_loop3A_197 = arith.constant 16 : index
        %parallel_loop3A_198 = tpu.vector_load %arg19[%parallel_loop3A_196, %parallel_loop3A_197] {strides = array<i32>} : memref<64x144xf32, #tpu.memory_space<vmem>>, vector<1x16xf32>,
        %parallel_loop3A_199 = vector.shape_cast %parallel_loop3A_198 : vector<1x16xf32> to vector<16xf32>
        %parallel_loop3A_200 = vector.shape_cast %parallel_loop3A_195 : vector<16xf32> to vector<1x16xf32>
        tpu.vector_store %arg19[%parallel_loop3A_196, %parallel_loop3A_197], %parallel_loop3A_200 {strides = array<i32>} : memref<64x144xf32, #tpu.memory_space<vmem>>, vector<1x16xf32>,
        %parallel_loop3A_201 = arith.constant 2 : i32
        %parallel_loop3A_202 = vector.broadcast %parallel_loop3A_201 : i32 to vector<16x1xi32>
        %parallel_loop3A_203 = vector.shape_cast %parallel_loop3A_202 : vector<16x1xi32> to vector<16xi32>
        %parallel_loop3A_204 = tpu.dynamic_gather %parallel_loop3A_167[%parallel_loop3A_203] in [0] : vector<16xf32>, vector<16xi32> -> vector<16xf32>
        %parallel_loop3A_205 = arith.index_cast %parallel_loop3A_138 : i32 to index
        %parallel_loop3A_206 = arith.constant 32 : index
        %parallel_loop3A_207 = tpu.vector_load %arg17[%parallel_loop3A_205, %parallel_loop3A_206] {strides = array<i32>} : memref<64x144xf32, #tpu.memory_space<vmem>>, vector<1x16xf32>,
        %parallel_loop3A_208 = vector.shape_cast %parallel_loop3A_207 : vector<1x16xf32> to vector<16xf32>
        %parallel_loop3A_209 = arith.mulf %parallel_loop3A_208, %parallel_loop3A_204 : vector<16xf32>
        %parallel_loop3A_210 = arith.index_cast %parallel_loop3A_138 : i32 to index
        %parallel_loop3A_211 = arith.constant 32 : index
        %parallel_loop3A_212 = tpu.vector_load %arg19[%parallel_loop3A_210, %parallel_loop3A_211] {strides = array<i32>} : memref<64x144xf32, #tpu.memory_space<vmem>>, vector<1x16xf32>,
        %parallel_loop3A_213 = vector.shape_cast %parallel_loop3A_212 : vector<1x16xf32> to vector<16xf32>
        %parallel_loop3A_214 = vector.shape_cast %parallel_loop3A_209 : vector<16xf32> to vector<1x16xf32>
        tpu.vector_store %arg19[%parallel_loop3A_210, %parallel_loop3A_211], %parallel_loop3A_214 {strides = array<i32>} : memref<64x144xf32, #tpu.memory_space<vmem>>, vector<1x16xf32>,
        %parallel_loop3A_215 = arith.constant 3 : i32
        %parallel_loop3A_216 = vector.broadcast %parallel_loop3A_215 : i32 to vector<16x1xi32>
        %parallel_loop3A_217 = vector.shape_cast %parallel_loop3A_216 : vector<16x1xi32> to vector<16xi32>
        %parallel_loop3A_218 = tpu.dynamic_gather %parallel_loop3A_167[%parallel_loop3A_217] in [0] : vector<16xf32>, vector<16xi32> -> vector<16xf32>
        %parallel_loop3A_219 = arith.index_cast %parallel_loop3A_138 : i32 to index
        %parallel_loop3A_220 = arith.constant 48 : index
        %parallel_loop3A_221 = tpu.vector_load %arg17[%parallel_loop3A_219, %parallel_loop3A_220] {strides = array<i32>} : memref<64x144xf32, #tpu.memory_space<vmem>>, vector<1x16xf32>,
        %parallel_loop3A_222 = vector.shape_cast %parallel_loop3A_221 : vector<1x16xf32> to vector<16xf32>
        %parallel_loop3A_223 = arith.mulf %parallel_loop3A_222, %parallel_loop3A_218 : vector<16xf32>
        %parallel_loop3A_224 = arith.index_cast %parallel_loop3A_138 : i32 to index
        %parallel_loop3A_225 = arith.constant 48 : index
        %parallel_loop3A_226 = tpu.vector_load %arg19[%parallel_loop3A_224, %parallel_loop3A_225] {strides = array<i32>} : memref<64x144xf32, #tpu.memory_space<vmem>>, vector<1x16xf32>,
        %parallel_loop3A_227 = vector.shape_cast %parallel_loop3A_226 : vector<1x16xf32> to vector<16xf32>
        %parallel_loop3A_228 = vector.shape_cast %parallel_loop3A_223 : vector<16xf32> to vector<1x16xf32>
        tpu.vector_store %arg19[%parallel_loop3A_224, %parallel_loop3A_225], %parallel_loop3A_228 {strides = array<i32>} : memref<64x144xf32, #tpu.memory_space<vmem>>, vector<1x16xf32>,
        %parallel_loop3A_229 = arith.constant 4 : i32
        %parallel_loop3A_230 = vector.broadcast %parallel_loop3A_229 : i32 to vector<16x1xi32>
        %parallel_loop3A_231 = vector.shape_cast %parallel_loop3A_230 : vector<16x1xi32> to vector<16xi32>
        %parallel_loop3A_232 = tpu.dynamic_gather %parallel_loop3A_167[%parallel_loop3A_231] in [0] : vector<16xf32>, vector<16xi32> -> vector<16xf32>
        %parallel_loop3A_233 = arith.index_cast %parallel_loop3A_138 : i32 to index
        %parallel_loop3A_234 = arith.constant 64 : index
        %parallel_loop3A_235 = tpu.vector_load %arg17[%parallel_loop3A_233, %parallel_loop3A_234] {strides = array<i32>} : memref<64x144xf32, #tpu.memory_space<vmem>>, vector<1x16xf32>,
        %parallel_loop3A_236 = vector.shape_cast %parallel_loop3A_235 : vector<1x16xf32> to vector<16xf32>
        %parallel_loop3A_237 = arith.mulf %parallel_loop3A_236, %parallel_loop3A_232 : vector<16xf32>
        %parallel_loop3A_238 = arith.index_cast %parallel_loop3A_138 : i32 to index
        %parallel_loop3A_239 = arith.constant 64 : index
        %parallel_loop3A_240 = tpu.vector_load %arg19[%parallel_loop3A_238, %parallel_loop3A_239] {strides = array<i32>} : memref<64x144xf32, #tpu.memory_space<vmem>>, vector<1x16xf32>,
        %parallel_loop3A_241 = vector.shape_cast %parallel_loop3A_240 : vector<1x16xf32> to vector<16xf32>
        %parallel_loop3A_242 = vector.shape_cast %parallel_loop3A_237 : vector<16xf32> to vector<1x16xf32>
        tpu.vector_store %arg19[%parallel_loop3A_238, %parallel_loop3A_239], %parallel_loop3A_242 {strides = array<i32>} : memref<64x144xf32, #tpu.memory_space<vmem>>, vector<1x16xf32>,
        %parallel_loop3A_243 = arith.constant 5 : i32
        %parallel_loop3A_244 = vector.broadcast %parallel_loop3A_243 : i32 to vector<16x1xi32>
        %parallel_loop3A_245 = vector.shape_cast %parallel_loop3A_244 : vector<16x1xi32> to vector<16xi32>
        %parallel_loop3A_246 = tpu.dynamic_gather %parallel_loop3A_167[%parallel_loop3A_245] in [0] : vector<16xf32>, vector<16xi32> -> vector<16xf32>
        %parallel_loop3A_247 = arith.index_cast %parallel_loop3A_138 : i32 to index
        %parallel_loop3A_248 = arith.constant 80 : index
        %parallel_loop3A_249 = tpu.vector_load %arg17[%parallel_loop3A_247, %parallel_loop3A_248] {strides = array<i32>} : memref<64x144xf32, #tpu.memory_space<vmem>>, vector<1x16xf32>,
        %parallel_loop3A_250 = vector.shape_cast %parallel_loop3A_249 : vector<1x16xf32> to vector<16xf32>
        %parallel_loop3A_251 = arith.mulf %parallel_loop3A_250, %parallel_loop3A_246 : vector<16xf32>
        %parallel_loop3A_252 = arith.index_cast %parallel_loop3A_138 : i32 to index
        %parallel_loop3A_253 = arith.constant 80 : index
        %parallel_loop3A_254 = tpu.vector_load %arg19[%parallel_loop3A_252, %parallel_loop3A_253] {strides = array<i32>} : memref<64x144xf32, #tpu.memory_space<vmem>>, vector<1x16xf32>,
        %parallel_loop3A_255 = vector.shape_cast %parallel_loop3A_254 : vector<1x16xf32> to vector<16xf32>
        %parallel_loop3A_256 = vector.shape_cast %parallel_loop3A_251 : vector<16xf32> to vector<1x16xf32>
        tpu.vector_store %arg19[%parallel_loop3A_252, %parallel_loop3A_253], %parallel_loop3A_256 {strides = array<i32>} : memref<64x144xf32, #tpu.memory_space<vmem>>, vector<1x16xf32>,
        %parallel_loop3A_257 = arith.constant 6 : i32
        %parallel_loop3A_258 = vector.broadcast %parallel_loop3A_257 : i32 to vector<16x1xi32>
        %parallel_loop3A_259 = vector.shape_cast %parallel_loop3A_258 : vector<16x1xi32> to vector<16xi32>
        %parallel_loop3A_260 = tpu.dynamic_gather %parallel_loop3A_167[%parallel_loop3A_259] in [0] : vector<16xf32>, vector<16xi32> -> vector<16xf32>
        %parallel_loop3A_261 = arith.index_cast %parallel_loop3A_138 : i32 to index
        %parallel_loop3A_262 = arith.constant 96 : index
        %parallel_loop3A_263 = tpu.vector_load %arg17[%parallel_loop3A_261, %parallel_loop3A_262] {strides = array<i32>} : memref<64x144xf32, #tpu.memory_space<vmem>>, vector<1x16xf32>,
        %parallel_loop3A_264 = vector.shape_cast %parallel_loop3A_263 : vector<1x16xf32> to vector<16xf32>
        %parallel_loop3A_265 = arith.mulf %parallel_loop3A_264, %parallel_loop3A_260 : vector<16xf32>
        %parallel_loop3A_266 = arith.index_cast %parallel_loop3A_138 : i32 to index
        %parallel_loop3A_267 = arith.constant 96 : index
        %parallel_loop3A_268 = tpu.vector_load %arg19[%parallel_loop3A_266, %parallel_loop3A_267] {strides = array<i32>} : memref<64x144xf32, #tpu.memory_space<vmem>>, vector<1x16xf32>,
        %parallel_loop3A_269 = vector.shape_cast %parallel_loop3A_268 : vector<1x16xf32> to vector<16xf32>
        %parallel_loop3A_270 = vector.shape_cast %parallel_loop3A_265 : vector<16xf32> to vector<1x16xf32>
        tpu.vector_store %arg19[%parallel_loop3A_266, %parallel_loop3A_267], %parallel_loop3A_270 {strides = array<i32>} : memref<64x144xf32, #tpu.memory_space<vmem>>, vector<1x16xf32>,
        %parallel_loop3A_271 = arith.constant 7 : i32
        %parallel_loop3A_272 = vector.broadcast %parallel_loop3A_271 : i32 to vector<16x1xi32>
        %parallel_loop3A_273 = vector.shape_cast %parallel_loop3A_272 : vector<16x1xi32> to vector<16xi32>
        %parallel_loop3A_274 = tpu.dynamic_gather %parallel_loop3A_167[%parallel_loop3A_273] in [0] : vector<16xf32>, vector<16xi32> -> vector<16xf32>
        %parallel_loop3A_275 = arith.index_cast %parallel_loop3A_138 : i32 to index
        %parallel_loop3A_276 = arith.constant 112 : index
        %parallel_loop3A_277 = tpu.vector_load %arg17[%parallel_loop3A_275, %parallel_loop3A_276] {strides = array<i32>} : memref<64x144xf32, #tpu.memory_space<vmem>>, vector<1x16xf32>,
        %parallel_loop3A_278 = vector.shape_cast %parallel_loop3A_277 : vector<1x16xf32> to vector<16xf32>
        %parallel_loop3A_279 = arith.mulf %parallel_loop3A_278, %parallel_loop3A_274 : vector<16xf32>
        %parallel_loop3A_280 = arith.index_cast %parallel_loop3A_138 : i32 to index
        %parallel_loop3A_281 = arith.constant 112 : index
        %parallel_loop3A_282 = tpu.vector_load %arg19[%parallel_loop3A_280, %parallel_loop3A_281] {strides = array<i32>} : memref<64x144xf32, #tpu.memory_space<vmem>>, vector<1x16xf32>,
        %parallel_loop3A_283 = vector.shape_cast %parallel_loop3A_282 : vector<1x16xf32> to vector<16xf32>
        %parallel_loop3A_284 = vector.shape_cast %parallel_loop3A_279 : vector<16xf32> to vector<1x16xf32>
        tpu.vector_store %arg19[%parallel_loop3A_280, %parallel_loop3A_281], %parallel_loop3A_284 {strides = array<i32>} : memref<64x144xf32, #tpu.memory_space<vmem>>, vector<1x16xf32>,
      } {sc.loop_unroll_factor = 2 : i64, sc.parallel_access}
      %gt3A_118 = arith.constant 0 : i32
      %gt3A_119 = arith.cmpi sgt, %add3A_94, %gt3A_118 : i32
      %convert_element_type3A_120 = arith.extui %gt3A_119 : i1 to i32
      %cond3A_121 = arith.constant 0 : i32
      %cond3A_122 = arith.cmpi ne, %convert_element_type3A_120, %cond3A_121 : i32
      scf.if %cond3A_122 {
        %dma_wait3A_138 = arith.constant 0 : i32
        %dma_wait3A_139 = arith.constant 0 : i32
        %dma_wait3A_140 = tpu.memref_slice %arg21[%dma_wait3A_138, %dma_wait3A_139] : memref<10016x144xf32, #tpu.memory_space<vmem_shared>> -> memref<10016x144xf32, #tpu.memory_space<vmem_shared>>
        tpu.wait_indirect_dma semaphore(%arg30 : memref<!tpu.dma_semaphore, #tpu.memory_space<semaphore_mem>>) src(%arg16 : memref<64x144xf32, #tpu.memory_space<vmem>>) dst(%dma_wait3A_140 : memref<10016x144xf32, #tpu.memory_space<vmem_shared>>)
      } else {
      }
      %add3A_123 = arith.constant 1 : i32
      %add3A_124 = arith.addi %add3A_94, %add3A_123 : i32
      %lt3A_125 = arith.constant 162 : i32
      %lt3A_126 = arith.cmpi slt, %add3A_124, %lt3A_125 : i32
      %convert_element_type3A_127 = arith.extui %lt3A_126 : i1 to i32
      %cond3A_128 = arith.constant 0 : i32
      %cond3A_129 = arith.cmpi ne, %convert_element_type3A_127, %cond3A_128 : i32
      scf.if %cond3A_129 {
        %add3A_138 = arith.constant 1 : i32
        %add3A_139 = arith.addi %add3A_94, %add3A_138 : i32
        %dma_start3A_140 = arith.constant 0 : i32
        %dma_start3A_141 = tpu.memref_slice %arg5[%add3A, %add3A_139, %dma_start3A_140] : memref<32x162x64xi32, #tpu.memory_space<hbm>> -> memref<1x1x64xi32, #tpu.memory_space<hbm>>
        %dma_start3A_142 = tpu.memref_squeeze %dma_start3A_141 : memref<1x1x64xi32, #tpu.memory_space<hbm>> -> memref<64xi32, #tpu.memory_space<hbm>>
        %dma_start3A_143 = arith.constant 0 : i32
        %dma_start3A_144 = tpu.memref_slice %arg5[%add3A, %add3A_139, %dma_start3A_143] : memref<32x162x64xi32, #tpu.memory_space<hbm>> -> memref<1x1x64xi32, #tpu.memory_space<hbm>>
        %dma_start3A_145 = tpu.memref_squeeze %dma_start3A_144 : memref<1x1x64xi32, #tpu.memory_space<hbm>> -> memref<64xi32, #tpu.memory_space<hbm>>
        tpu.enqueue_dma source(%dma_start3A_145 : memref<64xi32, #tpu.memory_space<hbm>>) target(%arg10 : memref<64xi32, #tpu.memory_space<vmem>>) target_semaphore(%arg28 : memref<!tpu.dma_semaphore, #tpu.memory_space<semaphore_mem>>)
      } else {
      }
      %gt3A_130 = arith.constant 0 : i32
      %gt3A_131 = arith.cmpi sgt, %add3A_94, %gt3A_130 : i32
      %convert_element_type3A_132 = arith.extui %gt3A_131 : i1 to i32
      %cond3A_133 = arith.constant 0 : i32
      %cond3A_134 = arith.cmpi ne, %convert_element_type3A_132, %cond3A_133 : i32
      scf.if %cond3A_134 {
        %dma_wait3A_138 = arith.constant 0 : i32
        %dma_wait3A_139 = arith.constant 0 : i32
        %dma_wait3A_140 = tpu.memref_slice %arg5[%add3A, %dma_wait3A_138, %dma_wait3A_139] : memref<32x162x64xi32, #tpu.memory_space<hbm>> -> memref<1x1x64xi32, #tpu.memory_space<hbm>>
        %dma_wait3A_141 = tpu.memref_squeeze %dma_wait3A_140 : memref<1x1x64xi32, #tpu.memory_space<hbm>> -> memref<64xi32, #tpu.memory_space<hbm>>
        %dma_wait3A_142 = arith.constant 0 : i32
        %dma_wait3A_143 = tpu.memref_slice %arg5[%add3A, %dma_wait3A_138, %dma_wait3A_142] : memref<32x162x64xi32, #tpu.memory_space<hbm>> -> memref<1x1x64xi32, #tpu.memory_space<hbm>>
        %dma_wait3A_144 = tpu.memref_squeeze %dma_wait3A_143 : memref<1x1x64xi32, #tpu.memory_space<hbm>> -> memref<64xi32, #tpu.memory_space<hbm>>
        tpu.wait_dma2 semaphore(%arg29 : memref<!tpu.dma_semaphore, #tpu.memory_space<semaphore_mem>>) src(%dma_wait3A_144 : memref<64xi32, #tpu.memory_space<hbm>>) dst(%arg13 : memref<64xi32, #tpu.memory_space<vmem>>)
      } else {
      }
      %dma_start3A_135 = arith.constant 0 : i32
      %dma_start3A_136 = arith.constant 0 : i32
      %dma_start3A_137 = tpu.memref_slice %arg21[%dma_start3A_135, %dma_start3A_136] : memref<10016x144xf32, #tpu.memory_space<vmem_shared>> -> memref<10016x144xf32, #tpu.memory_space<vmem_shared>>
      tpu.enqueue_indirect_dma source(%arg19 : memref<64x144xf32, #tpu.memory_space<vmem>>) target(%dma_start3A_137 : memref<10016x144xf32, #tpu.memory_space<vmem_shared>>) offsets(%arg13 : memref<64xi32, #tpu.memory_space<vmem>>) semaphore(%arg30 : memref<!tpu.dma_semaphore, #tpu.memory_space<semaphore_mem>>) {add = true}
    }
    %scan3A_47 = arith.constant 81 : i32
    %dma_wait3A = arith.constant 0 : i32
    %dma_wait3A_48 = arith.constant 0 : i32
    %dma_wait3A_49 = tpu.memref_slice %arg21[%dma_wait3A, %dma_wait3A_48] : memref<10016x144xf32, #tpu.memory_space<vmem_shared>> -> memref<10016x144xf32, #tpu.memory_space<vmem_shared>>
    tpu.wait_indirect_dma semaphore(%arg30 : memref<!tpu.dma_semaphore, #tpu.memory_space<semaphore_mem>>) src(%arg19 : memref<64x144xf32, #tpu.memory_space<vmem>>) dst(%dma_wait3A_49 : memref<10016x144xf32, #tpu.memory_space<vmem_shared>>)
    %barrier3A_50 = arith.constant 0 : index
    tpu.barrier barrier_id(%barrier3A_50)
    "tpu.region"() ({
      %run_scoped3A_51 = tpu.sem_alloc : memref<!tpu.dma_semaphore, #tpu.memory_space<semaphore_mem>>
      %dma_start3A_52 = arith.constant 0 : i32
      %dma_start3A_53 = tpu.memref_slice %arg7[%arg0, %mul3A_2, %dma_start3A_52] : memref<2x10016x144xf32, #tpu.memory_space<hbm>> -> memref<1x626x144xf32, #tpu.memory_space<hbm>>
      %dma_start3A_54 = tpu.memref_squeeze %dma_start3A_53 : memref<1x626x144xf32, #tpu.memory_space<hbm>> -> memref<626x144xf32, #tpu.memory_space<hbm>>
      %dma_start3A_55 = arith.constant 0 : i32
      %dma_start3A_56 = tpu.memref_slice %arg21[%mul3A_2, %dma_start3A_55] : memref<10016x144xf32, #tpu.memory_space<vmem_shared>> -> memref<626x144xf32, #tpu.memory_space<vmem_shared>>
      tpu.enqueue_dma source(%dma_start3A_56 : memref<626x144xf32, #tpu.memory_space<vmem_shared>>) target(%dma_start3A_54 : memref<626x144xf32, #tpu.memory_space<hbm>>) target_semaphore(%run_scoped3A_51 : memref<!tpu.dma_semaphore, #tpu.memory_space<semaphore_mem>>)
      %dma_wait3A_57 = arith.constant 0 : i32
      %dma_wait3A_58 = tpu.memref_slice %arg7[%arg0, %mul3A_2, %dma_wait3A_57] : memref<2x10016x144xf32, #tpu.memory_space<hbm>> -> memref<1x626x144xf32, #tpu.memory_space<hbm>>
      %dma_wait3A_59 = tpu.memref_squeeze %dma_wait3A_58 : memref<1x626x144xf32, #tpu.memory_space<hbm>> -> memref<626x144xf32, #tpu.memory_space<hbm>>
      %dma_wait3A_60 = arith.constant 0 : i32
      %dma_wait3A_61 = tpu.memref_slice %arg21[%mul3A_2, %dma_wait3A_60] : memref<10016x144xf32, #tpu.memory_space<vmem_shared>> -> memref<626x144xf32, #tpu.memory_space<vmem_shared>>
      tpu.wait_dma2 semaphore(%run_scoped3A_51 : memref<!tpu.dma_semaphore, #tpu.memory_space<semaphore_mem>>) src(%dma_wait3A_61 : memref<626x144xf32, #tpu.memory_space<vmem_shared>>) dst(%dma_wait3A_59 : memref<626x144xf32, #tpu.memory_space<hbm>>)
      tpu.yield
    }) : () -> ()
    return
  }
}

#map = affine_map<(d0, d1) -> (0, 0)>
#map1 = affine_map<(d0, d1) -> (0, 0, 0)>
#map2 = affine_map<(d0, d1) -> (0)>
module attributes {stable_mosaic.version = 14 : i64} {
  func.func @body(%arg0: i32, %arg1: i32, %arg2: memref<10000x48xf32, #tpu.memory_space<hbm>>, %arg3: memref<10008x16xf32, #tpu.memory_space<hbm>>, %arg4: memref<32x81x128xi32, #tpu.memory_space<hbm>>, %arg5: memref<32x81x128xi32, #tpu.memory_space<hbm>>, %arg6: memref<16xf32, #tpu.memory_space<hbm>>, %arg7: memref<2x10016x48xf32, #tpu.memory_space<hbm>>, %arg8: memref<81x128xi32, #tpu.memory_space<vmem>>, %arg9: memref<81x128xi32, #tpu.memory_space<vmem>>, %arg10: memref<128x48xf32, #tpu.memory_space<vmem>>, %arg11: memref<128x16xf32, #tpu.memory_space<vmem>>, %arg12: memref<128x48xf32, #tpu.memory_space<vmem>>, %arg13: memref<128x48xf32, #tpu.memory_space<vmem>>, %arg14: memref<128x16xf32, #tpu.memory_space<vmem>>, %arg15: memref<128x48xf32, #tpu.memory_space<vmem>>, %arg16: memref<16xf32, #tpu.memory_space<vmem>>, %arg17: memref<10016x48xf32, #tpu.memory_space<vmem_shared>>, %arg18: memref<!tpu.dma_semaphore, #tpu.memory_space<semaphore_mem>>, %arg19: memref<!tpu.dma_semaphore, #tpu.memory_space<semaphore_mem>>, %arg20: memref<!tpu.dma_semaphore, #tpu.memory_space<semaphore_mem>>, %arg21: memref<!tpu.dma_semaphore, #tpu.memory_space<semaphore_mem>>, %arg22: memref<!tpu.dma_semaphore, #tpu.memory_space<semaphore_mem>>, %arg23: memref<!tpu.dma_semaphore, #tpu.memory_space<semaphore_mem>>) attributes {dimension_semantics = [#tpu.dimension_semantics<core_parallel>, #tpu.dimension_semantics<subcore_parallel>], iteration_bounds = array<i64: 2, 16>, scalar_prefetch = 0 : i64, scratch_operands = 16 : i64, tpu.core_type = #tpu.core_type<sc_vector_subcore>, window_params = [{transform_indices = #map}, {transform_indices = #map}, {transform_indices = #map1}, {transform_indices = #map1}, {transform_indices = #map2}, {transform_indices = #map1}]} {
    %mul3A = arith.constant 2 : i32
    %mul3A_0 = arith.muli %arg1, %mul3A : i32
    %add3A = arith.addi %mul3A_0, %arg0 : i32
    %mul3A_1 = arith.constant 626 : i32
    %mul3A_2 = arith.muli %arg1, %mul3A_1 : i32
    %broadcast_in_dim3A = arith.constant 0.000000e+00 : f32
    %broadcast_in_dim3A_3 = vector.broadcast %broadcast_in_dim3A : f32 to vector<16xf32>
    %scan3A = arith.constant 0 : i32
    %scan3A_4 = arith.constant 0 : i32
    %scan3A_5 = arith.constant 128 : i32
    %scan3A_6 = arith.addi %scan3A_4, %scan3A_5 : i32
    %scan3A_7 = arith.constant 1 : i32
    scf.for %scan3A_86 = %scan3A_4 to %scan3A_6 step %scan3A_7  : i32 {
      %swap3A = arith.index_cast %scan3A_86 : i32 to index
      %swap3A_87 = arith.constant 0 : index
      %swap3A_88 = tpu.vector_load %arg12[%swap3A, %swap3A_87] {strides = array<i32>} : memref<128x48xf32, #tpu.memory_space<vmem>>, vector<1x16xf32>,
      %swap3A_89 = vector.shape_cast %swap3A_88 : vector<1x16xf32> to vector<16xf32>
      %swap3A_90 = vector.shape_cast %broadcast_in_dim3A_3 : vector<16xf32> to vector<1x16xf32>
      tpu.vector_store %arg12[%swap3A, %swap3A_87], %swap3A_90 {strides = array<i32>} : memref<128x48xf32, #tpu.memory_space<vmem>>, vector<1x16xf32>,
      %swap3A_91 = arith.index_cast %scan3A_86 : i32 to index
      %swap3A_92 = arith.constant 16 : index
      %swap3A_93 = tpu.vector_load %arg12[%swap3A_91, %swap3A_92] {strides = array<i32>} : memref<128x48xf32, #tpu.memory_space<vmem>>, vector<1x16xf32>,
      %swap3A_94 = vector.shape_cast %swap3A_93 : vector<1x16xf32> to vector<16xf32>
      %swap3A_95 = vector.shape_cast %broadcast_in_dim3A_3 : vector<16xf32> to vector<1x16xf32>
      tpu.vector_store %arg12[%swap3A_91, %swap3A_92], %swap3A_95 {strides = array<i32>} : memref<128x48xf32, #tpu.memory_space<vmem>>, vector<1x16xf32>,
      %swap3A_96 = arith.index_cast %scan3A_86 : i32 to index
      %swap3A_97 = arith.constant 32 : index
      %swap3A_98 = tpu.vector_load %arg12[%swap3A_96, %swap3A_97] {strides = array<i32>} : memref<128x48xf32, #tpu.memory_space<vmem>>, vector<1x16xf32>,
      %swap3A_99 = vector.shape_cast %swap3A_98 : vector<1x16xf32> to vector<16xf32>
      %swap3A_100 = vector.shape_cast %broadcast_in_dim3A_3 : vector<16xf32> to vector<1x16xf32>
      tpu.vector_store %arg12[%swap3A_96, %swap3A_97], %swap3A_100 {strides = array<i32>} : memref<128x48xf32, #tpu.memory_space<vmem>>, vector<1x16xf32>,
    }
    %scan3A_8 = arith.constant 128 : i32
    %add3A_9 = arith.constant 0 : i32
    %add3A_10 = arith.addi %mul3A_2, %add3A_9 : i32
    "tpu.region"() ({
      %run_scoped3A = tpu.sem_alloc : memref<!tpu.dma_semaphore, #tpu.memory_space<semaphore_mem>>
      %dma_start3A_86 = arith.constant 0 : i32
      %dma_start3A_87 = arith.constant 0 : i32
      %dma_start3A_88 = tpu.memref_slice %arg12[%dma_start3A_86, %dma_start3A_87] : memref<128x48xf32, #tpu.memory_space<vmem>> -> memref<128x48xf32, #tpu.memory_space<vmem>>
      %dma_start3A_89 = arith.constant 0 : i32
      %dma_start3A_90 = tpu.memref_slice %arg17[%add3A_10, %dma_start3A_89] : memref<10016x48xf32, #tpu.memory_space<vmem_shared>> -> memref<128x48xf32, #tpu.memory_space<vmem_shared>>
      %dma_start3A_91 = arith.constant 0 : i32
      %dma_start3A_92 = tpu.memref_slice %arg17[%add3A_10, %dma_start3A_91] : memref<10016x48xf32, #tpu.memory_space<vmem_shared>> -> memref<128x48xf32, #tpu.memory_space<vmem_shared>>
      %dma_start3A_93 = arith.constant 0 : i32
      %dma_start3A_94 = arith.constant 0 : i32
      %dma_start3A_95 = tpu.memref_slice %arg12[%dma_start3A_93, %dma_start3A_94] : memref<128x48xf32, #tpu.memory_space<vmem>> -> memref<128x48xf32, #tpu.memory_space<vmem>>
      tpu.enqueue_dma source(%dma_start3A_95 : memref<128x48xf32, #tpu.memory_space<vmem>>) target(%dma_start3A_92 : memref<128x48xf32, #tpu.memory_space<vmem_shared>>) target_semaphore(%run_scoped3A : memref<!tpu.dma_semaphore, #tpu.memory_space<semaphore_mem>>)
      %dma_wait3A_96 = arith.constant 0 : i32
      %dma_wait3A_97 = arith.constant 0 : i32
      %dma_wait3A_98 = tpu.memref_slice %arg12[%dma_wait3A_96, %dma_wait3A_97] : memref<128x48xf32, #tpu.memory_space<vmem>> -> memref<128x48xf32, #tpu.memory_space<vmem>>
      %dma_wait3A_99 = arith.constant 0 : i32
      %dma_wait3A_100 = tpu.memref_slice %arg17[%add3A_10, %dma_wait3A_99] : memref<10016x48xf32, #tpu.memory_space<vmem_shared>> -> memref<128x48xf32, #tpu.memory_space<vmem_shared>>
      %dma_wait3A_101 = arith.constant 0 : i32
      %dma_wait3A_102 = tpu.memref_slice %arg17[%add3A_10, %dma_wait3A_101] : memref<10016x48xf32, #tpu.memory_space<vmem_shared>> -> memref<128x48xf32, #tpu.memory_space<vmem_shared>>
      %dma_wait3A_103 = arith.constant 0 : i32
      %dma_wait3A_104 = arith.constant 0 : i32
      %dma_wait3A_105 = tpu.memref_slice %arg12[%dma_wait3A_103, %dma_wait3A_104] : memref<128x48xf32, #tpu.memory_space<vmem>> -> memref<128x48xf32, #tpu.memory_space<vmem>>
      tpu.wait_dma2 semaphore(%run_scoped3A : memref<!tpu.dma_semaphore, #tpu.memory_space<semaphore_mem>>) src(%dma_wait3A_105 : memref<128x48xf32, #tpu.memory_space<vmem>>) dst(%dma_wait3A_102 : memref<128x48xf32, #tpu.memory_space<vmem_shared>>)
      tpu.yield
    }) : () -> ()
    %add3A_11 = arith.constant 128 : i32
    %add3A_12 = arith.addi %mul3A_2, %add3A_11 : i32
    "tpu.region"() ({
      %run_scoped3A = tpu.sem_alloc : memref<!tpu.dma_semaphore, #tpu.memory_space<semaphore_mem>>
      %dma_start3A_86 = arith.constant 0 : i32
      %dma_start3A_87 = arith.constant 0 : i32
      %dma_start3A_88 = tpu.memref_slice %arg12[%dma_start3A_86, %dma_start3A_87] : memref<128x48xf32, #tpu.memory_space<vmem>> -> memref<128x48xf32, #tpu.memory_space<vmem>>
      %dma_start3A_89 = arith.constant 0 : i32
      %dma_start3A_90 = tpu.memref_slice %arg17[%add3A_12, %dma_start3A_89] : memref<10016x48xf32, #tpu.memory_space<vmem_shared>> -> memref<128x48xf32, #tpu.memory_space<vmem_shared>>
      %dma_start3A_91 = arith.constant 0 : i32
      %dma_start3A_92 = tpu.memref_slice %arg17[%add3A_12, %dma_start3A_91] : memref<10016x48xf32, #tpu.memory_space<vmem_shared>> -> memref<128x48xf32, #tpu.memory_space<vmem_shared>>
      %dma_start3A_93 = arith.constant 0 : i32
      %dma_start3A_94 = arith.constant 0 : i32
      %dma_start3A_95 = tpu.memref_slice %arg12[%dma_start3A_93, %dma_start3A_94] : memref<128x48xf32, #tpu.memory_space<vmem>> -> memref<128x48xf32, #tpu.memory_space<vmem>>
      tpu.enqueue_dma source(%dma_start3A_95 : memref<128x48xf32, #tpu.memory_space<vmem>>) target(%dma_start3A_92 : memref<128x48xf32, #tpu.memory_space<vmem_shared>>) target_semaphore(%run_scoped3A : memref<!tpu.dma_semaphore, #tpu.memory_space<semaphore_mem>>)
      %dma_wait3A_96 = arith.constant 0 : i32
      %dma_wait3A_97 = arith.constant 0 : i32
      %dma_wait3A_98 = tpu.memref_slice %arg12[%dma_wait3A_96, %dma_wait3A_97] : memref<128x48xf32, #tpu.memory_space<vmem>> -> memref<128x48xf32, #tpu.memory_space<vmem>>
      %dma_wait3A_99 = arith.constant 0 : i32
      %dma_wait3A_100 = tpu.memref_slice %arg17[%add3A_12, %dma_wait3A_99] : memref<10016x48xf32, #tpu.memory_space<vmem_shared>> -> memref<128x48xf32, #tpu.memory_space<vmem_shared>>
      %dma_wait3A_101 = arith.constant 0 : i32
      %dma_wait3A_102 = tpu.memref_slice %arg17[%add3A_12, %dma_wait3A_101] : memref<10016x48xf32, #tpu.memory_space<vmem_shared>> -> memref<128x48xf32, #tpu.memory_space<vmem_shared>>
      %dma_wait3A_103 = arith.constant 0 : i32
      %dma_wait3A_104 = arith.constant 0 : i32
      %dma_wait3A_105 = tpu.memref_slice %arg12[%dma_wait3A_103, %dma_wait3A_104] : memref<128x48xf32, #tpu.memory_space<vmem>> -> memref<128x48xf32, #tpu.memory_space<vmem>>
      tpu.wait_dma2 semaphore(%run_scoped3A : memref<!tpu.dma_semaphore, #tpu.memory_space<semaphore_mem>>) src(%dma_wait3A_105 : memref<128x48xf32, #tpu.memory_space<vmem>>) dst(%dma_wait3A_102 : memref<128x48xf32, #tpu.memory_space<vmem_shared>>)
      tpu.yield
    }) : () -> ()
    %add3A_13 = arith.constant 256 : i32
    %add3A_14 = arith.addi %mul3A_2, %add3A_13 : i32
    "tpu.region"() ({
      %run_scoped3A = tpu.sem_alloc : memref<!tpu.dma_semaphore, #tpu.memory_space<semaphore_mem>>
      %dma_start3A_86 = arith.constant 0 : i32
      %dma_start3A_87 = arith.constant 0 : i32
      %dma_start3A_88 = tpu.memref_slice %arg12[%dma_start3A_86, %dma_start3A_87] : memref<128x48xf32, #tpu.memory_space<vmem>> -> memref<128x48xf32, #tpu.memory_space<vmem>>
      %dma_start3A_89 = arith.constant 0 : i32
      %dma_start3A_90 = tpu.memref_slice %arg17[%add3A_14, %dma_start3A_89] : memref<10016x48xf32, #tpu.memory_space<vmem_shared>> -> memref<128x48xf32, #tpu.memory_space<vmem_shared>>
      %dma_start3A_91 = arith.constant 0 : i32
      %dma_start3A_92 = tpu.memref_slice %arg17[%add3A_14, %dma_start3A_91] : memref<10016x48xf32, #tpu.memory_space<vmem_shared>> -> memref<128x48xf32, #tpu.memory_space<vmem_shared>>
      %dma_start3A_93 = arith.constant 0 : i32
      %dma_start3A_94 = arith.constant 0 : i32
      %dma_start3A_95 = tpu.memref_slice %arg12[%dma_start3A_93, %dma_start3A_94] : memref<128x48xf32, #tpu.memory_space<vmem>> -> memref<128x48xf32, #tpu.memory_space<vmem>>
      tpu.enqueue_dma source(%dma_start3A_95 : memref<128x48xf32, #tpu.memory_space<vmem>>) target(%dma_start3A_92 : memref<128x48xf32, #tpu.memory_space<vmem_shared>>) target_semaphore(%run_scoped3A : memref<!tpu.dma_semaphore, #tpu.memory_space<semaphore_mem>>)
      %dma_wait3A_96 = arith.constant 0 : i32
      %dma_wait3A_97 = arith.constant 0 : i32
      %dma_wait3A_98 = tpu.memref_slice %arg12[%dma_wait3A_96, %dma_wait3A_97] : memref<128x48xf32, #tpu.memory_space<vmem>> -> memref<128x48xf32, #tpu.memory_space<vmem>>
      %dma_wait3A_99 = arith.constant 0 : i32
      %dma_wait3A_100 = tpu.memref_slice %arg17[%add3A_14, %dma_wait3A_99] : memref<10016x48xf32, #tpu.memory_space<vmem_shared>> -> memref<128x48xf32, #tpu.memory_space<vmem_shared>>
      %dma_wait3A_101 = arith.constant 0 : i32
      %dma_wait3A_102 = tpu.memref_slice %arg17[%add3A_14, %dma_wait3A_101] : memref<10016x48xf32, #tpu.memory_space<vmem_shared>> -> memref<128x48xf32, #tpu.memory_space<vmem_shared>>
      %dma_wait3A_103 = arith.constant 0 : i32
      %dma_wait3A_104 = arith.constant 0 : i32
      %dma_wait3A_105 = tpu.memref_slice %arg12[%dma_wait3A_103, %dma_wait3A_104] : memref<128x48xf32, #tpu.memory_space<vmem>> -> memref<128x48xf32, #tpu.memory_space<vmem>>
      tpu.wait_dma2 semaphore(%run_scoped3A : memref<!tpu.dma_semaphore, #tpu.memory_space<semaphore_mem>>) src(%dma_wait3A_105 : memref<128x48xf32, #tpu.memory_space<vmem>>) dst(%dma_wait3A_102 : memref<128x48xf32, #tpu.memory_space<vmem_shared>>)
      tpu.yield
    }) : () -> ()
    %add3A_15 = arith.constant 384 : i32
    %add3A_16 = arith.addi %mul3A_2, %add3A_15 : i32
    "tpu.region"() ({
      %run_scoped3A = tpu.sem_alloc : memref<!tpu.dma_semaphore, #tpu.memory_space<semaphore_mem>>
      %dma_start3A_86 = arith.constant 0 : i32
      %dma_start3A_87 = arith.constant 0 : i32
      %dma_start3A_88 = tpu.memref_slice %arg12[%dma_start3A_86, %dma_start3A_87] : memref<128x48xf32, #tpu.memory_space<vmem>> -> memref<128x48xf32, #tpu.memory_space<vmem>>
      %dma_start3A_89 = arith.constant 0 : i32
      %dma_start3A_90 = tpu.memref_slice %arg17[%add3A_16, %dma_start3A_89] : memref<10016x48xf32, #tpu.memory_space<vmem_shared>> -> memref<128x48xf32, #tpu.memory_space<vmem_shared>>
      %dma_start3A_91 = arith.constant 0 : i32
      %dma_start3A_92 = tpu.memref_slice %arg17[%add3A_16, %dma_start3A_91] : memref<10016x48xf32, #tpu.memory_space<vmem_shared>> -> memref<128x48xf32, #tpu.memory_space<vmem_shared>>
      %dma_start3A_93 = arith.constant 0 : i32
      %dma_start3A_94 = arith.constant 0 : i32
      %dma_start3A_95 = tpu.memref_slice %arg12[%dma_start3A_93, %dma_start3A_94] : memref<128x48xf32, #tpu.memory_space<vmem>> -> memref<128x48xf32, #tpu.memory_space<vmem>>
      tpu.enqueue_dma source(%dma_start3A_95 : memref<128x48xf32, #tpu.memory_space<vmem>>) target(%dma_start3A_92 : memref<128x48xf32, #tpu.memory_space<vmem_shared>>) target_semaphore(%run_scoped3A : memref<!tpu.dma_semaphore, #tpu.memory_space<semaphore_mem>>)
      %dma_wait3A_96 = arith.constant 0 : i32
      %dma_wait3A_97 = arith.constant 0 : i32
      %dma_wait3A_98 = tpu.memref_slice %arg12[%dma_wait3A_96, %dma_wait3A_97] : memref<128x48xf32, #tpu.memory_space<vmem>> -> memref<128x48xf32, #tpu.memory_space<vmem>>
      %dma_wait3A_99 = arith.constant 0 : i32
      %dma_wait3A_100 = tpu.memref_slice %arg17[%add3A_16, %dma_wait3A_99] : memref<10016x48xf32, #tpu.memory_space<vmem_shared>> -> memref<128x48xf32, #tpu.memory_space<vmem_shared>>
      %dma_wait3A_101 = arith.constant 0 : i32
      %dma_wait3A_102 = tpu.memref_slice %arg17[%add3A_16, %dma_wait3A_101] : memref<10016x48xf32, #tpu.memory_space<vmem_shared>> -> memref<128x48xf32, #tpu.memory_space<vmem_shared>>
      %dma_wait3A_103 = arith.constant 0 : i32
      %dma_wait3A_104 = arith.constant 0 : i32
      %dma_wait3A_105 = tpu.memref_slice %arg12[%dma_wait3A_103, %dma_wait3A_104] : memref<128x48xf32, #tpu.memory_space<vmem>> -> memref<128x48xf32, #tpu.memory_space<vmem>>
      tpu.wait_dma2 semaphore(%run_scoped3A : memref<!tpu.dma_semaphore, #tpu.memory_space<semaphore_mem>>) src(%dma_wait3A_105 : memref<128x48xf32, #tpu.memory_space<vmem>>) dst(%dma_wait3A_102 : memref<128x48xf32, #tpu.memory_space<vmem_shared>>)
      tpu.yield
    }) : () -> ()
    %add3A_17 = arith.constant 512 : i32
    %add3A_18 = arith.addi %mul3A_2, %add3A_17 : i32
    "tpu.region"() ({
      %run_scoped3A = tpu.sem_alloc : memref<!tpu.dma_semaphore, #tpu.memory_space<semaphore_mem>>
      %dma_start3A_86 = arith.constant 0 : i32
      %dma_start3A_87 = arith.constant 0 : i32
      %dma_start3A_88 = tpu.memref_slice %arg12[%dma_start3A_86, %dma_start3A_87] : memref<128x48xf32, #tpu.memory_space<vmem>> -> memref<114x48xf32, #tpu.memory_space<vmem>>
      %dma_start3A_89 = arith.constant 0 : i32
      %dma_start3A_90 = tpu.memref_slice %arg17[%add3A_18, %dma_start3A_89] : memref<10016x48xf32, #tpu.memory_space<vmem_shared>> -> memref<114x48xf32, #tpu.memory_space<vmem_shared>>
      %dma_start3A_91 = arith.constant 0 : i32
      %dma_start3A_92 = tpu.memref_slice %arg17[%add3A_18, %dma_start3A_91] : memref<10016x48xf32, #tpu.memory_space<vmem_shared>> -> memref<114x48xf32, #tpu.memory_space<vmem_shared>>
      %dma_start3A_93 = arith.constant 0 : i32
      %dma_start3A_94 = arith.constant 0 : i32
      %dma_start3A_95 = tpu.memref_slice %arg12[%dma_start3A_93, %dma_start3A_94] : memref<128x48xf32, #tpu.memory_space<vmem>> -> memref<114x48xf32, #tpu.memory_space<vmem>>
      tpu.enqueue_dma source(%dma_start3A_95 : memref<114x48xf32, #tpu.memory_space<vmem>>) target(%dma_start3A_92 : memref<114x48xf32, #tpu.memory_space<vmem_shared>>) target_semaphore(%run_scoped3A : memref<!tpu.dma_semaphore, #tpu.memory_space<semaphore_mem>>)
      %dma_wait3A_96 = arith.constant 0 : i32
      %dma_wait3A_97 = arith.constant 0 : i32
      %dma_wait3A_98 = tpu.memref_slice %arg12[%dma_wait3A_96, %dma_wait3A_97] : memref<128x48xf32, #tpu.memory_space<vmem>> -> memref<114x48xf32, #tpu.memory_space<vmem>>
      %dma_wait3A_99 = arith.constant 0 : i32
      %dma_wait3A_100 = tpu.memref_slice %arg17[%add3A_18, %dma_wait3A_99] : memref<10016x48xf32, #tpu.memory_space<vmem_shared>> -> memref<114x48xf32, #tpu.memory_space<vmem_shared>>
      %dma_wait3A_101 = arith.constant 0 : i32
      %dma_wait3A_102 = tpu.memref_slice %arg17[%add3A_18, %dma_wait3A_101] : memref<10016x48xf32, #tpu.memory_space<vmem_shared>> -> memref<114x48xf32, #tpu.memory_space<vmem_shared>>
      %dma_wait3A_103 = arith.constant 0 : i32
      %dma_wait3A_104 = arith.constant 0 : i32
      %dma_wait3A_105 = tpu.memref_slice %arg12[%dma_wait3A_103, %dma_wait3A_104] : memref<128x48xf32, #tpu.memory_space<vmem>> -> memref<114x48xf32, #tpu.memory_space<vmem>>
      tpu.wait_dma2 semaphore(%run_scoped3A : memref<!tpu.dma_semaphore, #tpu.memory_space<semaphore_mem>>) src(%dma_wait3A_105 : memref<114x48xf32, #tpu.memory_space<vmem>>) dst(%dma_wait3A_102 : memref<114x48xf32, #tpu.memory_space<vmem_shared>>)
      tpu.yield
    }) : () -> ()
    "tpu.region"() ({
      %run_scoped3A = tpu.sem_alloc : memref<!tpu.dma_semaphore, #tpu.memory_space<semaphore_mem>>
      tpu.enqueue_dma source(%arg6 : memref<16xf32, #tpu.memory_space<hbm>>) target(%arg16 : memref<16xf32, #tpu.memory_space<vmem>>) target_semaphore(%run_scoped3A : memref<!tpu.dma_semaphore, #tpu.memory_space<semaphore_mem>>)
      tpu.wait_dma2 semaphore(%run_scoped3A : memref<!tpu.dma_semaphore, #tpu.memory_space<semaphore_mem>>) src(%arg6 : memref<16xf32, #tpu.memory_space<hbm>>) dst(%arg16 : memref<16xf32, #tpu.memory_space<vmem>>)
      tpu.yield
    }) : () -> ()
    %get3A = arith.constant 0 : index
    %get3A_19 = tpu.vector_load %arg16[%get3A] {strides = array<i32>} : memref<16xf32, #tpu.memory_space<vmem>>, vector<16xf32>,
    %get3A_20 = vector.shape_cast %get3A_19 : vector<16xf32> to vector<16xf32>
    %iota3A = tpu.iota {dimensions = array<i32: 0>} : vector<16xi32>
    %lt3A = arith.constant 1 : i32
    %lt3A_21 = vector.broadcast %lt3A : i32 to vector<16xi32>
    %lt3A_22 = arith.cmpi slt, %iota3A, %lt3A_21 : vector<16xi32>
    "tpu.region"() ({
      %run_scoped3A = tpu.sem_alloc : memref<!tpu.dma_semaphore, #tpu.memory_space<semaphore_mem>>
      %dma_start3A_86 = arith.constant 0 : i32
      %dma_start3A_87 = arith.constant 0 : i32
      %dma_start3A_88 = tpu.memref_slice %arg4[%add3A, %dma_start3A_86, %dma_start3A_87] : memref<32x81x128xi32, #tpu.memory_space<hbm>> -> memref<1x81x128xi32, #tpu.memory_space<hbm>>
      %dma_start3A_89 = tpu.memref_squeeze %dma_start3A_88 : memref<1x81x128xi32, #tpu.memory_space<hbm>> -> memref<81x128xi32, #tpu.memory_space<hbm>>
      %dma_start3A_90 = arith.constant 0 : i32
      %dma_start3A_91 = arith.constant 0 : i32
      %dma_start3A_92 = tpu.memref_slice %arg4[%add3A, %dma_start3A_90, %dma_start3A_91] : memref<32x81x128xi32, #tpu.memory_space<hbm>> -> memref<1x81x128xi32, #tpu.memory_space<hbm>>
      %dma_start3A_93 = tpu.memref_squeeze %dma_start3A_92 : memref<1x81x128xi32, #tpu.memory_space<hbm>> -> memref<81x128xi32, #tpu.memory_space<hbm>>
      tpu.enqueue_dma source(%dma_start3A_93 : memref<81x128xi32, #tpu.memory_space<hbm>>) target(%arg8 : memref<81x128xi32, #tpu.memory_space<vmem>>) target_semaphore(%run_scoped3A : memref<!tpu.dma_semaphore, #tpu.memory_space<semaphore_mem>>)
      %dma_wait3A_94 = arith.constant 0 : i32
      %dma_wait3A_95 = arith.constant 0 : i32
      %dma_wait3A_96 = tpu.memref_slice %arg4[%add3A, %dma_wait3A_94, %dma_wait3A_95] : memref<32x81x128xi32, #tpu.memory_space<hbm>> -> memref<1x81x128xi32, #tpu.memory_space<hbm>>
      %dma_wait3A_97 = tpu.memref_squeeze %dma_wait3A_96 : memref<1x81x128xi32, #tpu.memory_space<hbm>> -> memref<81x128xi32, #tpu.memory_space<hbm>>
      %dma_wait3A_98 = arith.constant 0 : i32
      %dma_wait3A_99 = arith.constant 0 : i32
      %dma_wait3A_100 = tpu.memref_slice %arg4[%add3A, %dma_wait3A_98, %dma_wait3A_99] : memref<32x81x128xi32, #tpu.memory_space<hbm>> -> memref<1x81x128xi32, #tpu.memory_space<hbm>>
      %dma_wait3A_101 = tpu.memref_squeeze %dma_wait3A_100 : memref<1x81x128xi32, #tpu.memory_space<hbm>> -> memref<81x128xi32, #tpu.memory_space<hbm>>
      tpu.wait_dma2 semaphore(%run_scoped3A : memref<!tpu.dma_semaphore, #tpu.memory_space<semaphore_mem>>) src(%dma_wait3A_101 : memref<81x128xi32, #tpu.memory_space<hbm>>) dst(%arg8 : memref<81x128xi32, #tpu.memory_space<vmem>>)
      tpu.yield
    }) : () -> ()
    "tpu.region"() ({
      %run_scoped3A = tpu.sem_alloc : memref<!tpu.dma_semaphore, #tpu.memory_space<semaphore_mem>>
      %dma_start3A_86 = arith.constant 0 : i32
      %dma_start3A_87 = arith.constant 0 : i32
      %dma_start3A_88 = tpu.memref_slice %arg5[%add3A, %dma_start3A_86, %dma_start3A_87] : memref<32x81x128xi32, #tpu.memory_space<hbm>> -> memref<1x81x128xi32, #tpu.memory_space<hbm>>
      %dma_start3A_89 = tpu.memref_squeeze %dma_start3A_88 : memref<1x81x128xi32, #tpu.memory_space<hbm>> -> memref<81x128xi32, #tpu.memory_space<hbm>>
      %dma_start3A_90 = arith.constant 0 : i32
      %dma_start3A_91 = arith.constant 0 : i32
      %dma_start3A_92 = tpu.memref_slice %arg5[%add3A, %dma_start3A_90, %dma_start3A_91] : memref<32x81x128xi32, #tpu.memory_space<hbm>> -> memref<1x81x128xi32, #tpu.memory_space<hbm>>
      %dma_start3A_93 = tpu.memref_squeeze %dma_start3A_92 : memref<1x81x128xi32, #tpu.memory_space<hbm>> -> memref<81x128xi32, #tpu.memory_space<hbm>>
      tpu.enqueue_dma source(%dma_start3A_93 : memref<81x128xi32, #tpu.memory_space<hbm>>) target(%arg9 : memref<81x128xi32, #tpu.memory_space<vmem>>) target_semaphore(%run_scoped3A : memref<!tpu.dma_semaphore, #tpu.memory_space<semaphore_mem>>)
      %dma_wait3A_94 = arith.constant 0 : i32
      %dma_wait3A_95 = arith.constant 0 : i32
      %dma_wait3A_96 = tpu.memref_slice %arg5[%add3A, %dma_wait3A_94, %dma_wait3A_95] : memref<32x81x128xi32, #tpu.memory_space<hbm>> -> memref<1x81x128xi32, #tpu.memory_space<hbm>>
      %dma_wait3A_97 = tpu.memref_squeeze %dma_wait3A_96 : memref<1x81x128xi32, #tpu.memory_space<hbm>> -> memref<81x128xi32, #tpu.memory_space<hbm>>
      %dma_wait3A_98 = arith.constant 0 : i32
      %dma_wait3A_99 = arith.constant 0 : i32
      %dma_wait3A_100 = tpu.memref_slice %arg5[%add3A, %dma_wait3A_98, %dma_wait3A_99] : memref<32x81x128xi32, #tpu.memory_space<hbm>> -> memref<1x81x128xi32, #tpu.memory_space<hbm>>
      %dma_wait3A_101 = tpu.memref_squeeze %dma_wait3A_100 : memref<1x81x128xi32, #tpu.memory_space<hbm>> -> memref<81x128xi32, #tpu.memory_space<hbm>>
      tpu.wait_dma2 semaphore(%run_scoped3A : memref<!tpu.dma_semaphore, #tpu.memory_space<semaphore_mem>>) src(%dma_wait3A_101 : memref<81x128xi32, #tpu.memory_space<hbm>>) dst(%arg9 : memref<81x128xi32, #tpu.memory_space<vmem>>)
      tpu.yield
    }) : () -> ()
    %barrier3A = arith.constant 0 : index
    tpu.barrier barrier_id(%barrier3A)
    %dma_start3A = arith.constant 0 : i32
    %dma_start3A_23 = arith.constant 0 : i32
    %dma_start3A_24 = tpu.memref_slice %arg8[%dma_start3A, %dma_start3A_23] : memref<81x128xi32, #tpu.memory_space<vmem>> -> memref<1x128xi32, #tpu.memory_space<vmem>>
    %dma_start3A_25 = tpu.memref_squeeze %dma_start3A_24 : memref<1x128xi32, #tpu.memory_space<vmem>> -> memref<128xi32, #tpu.memory_space<vmem>>
    %dma_start3A_26 = arith.constant 0 : i32
    %dma_start3A_27 = arith.constant 0 : i32
    %dma_start3A_28 = tpu.memref_slice %arg2[%dma_start3A_26, %dma_start3A_27] : memref<10000x48xf32, #tpu.memory_space<hbm>> -> memref<10000x48xf32, #tpu.memory_space<hbm>>
    tpu.enqueue_indirect_dma source(%dma_start3A_28 : memref<10000x48xf32, #tpu.memory_space<hbm>>) target(%arg10 : memref<128x48xf32, #tpu.memory_space<vmem>>) offsets(%dma_start3A_25 : memref<128xi32, #tpu.memory_space<vmem>>) semaphore(%arg18 : memref<!tpu.dma_semaphore, #tpu.memory_space<semaphore_mem>>)
    %dma_start3A_29 = arith.constant 0 : i32
    %dma_start3A_30 = arith.constant 0 : i32
    %dma_start3A_31 = tpu.memref_slice %arg9[%dma_start3A_29, %dma_start3A_30] : memref<81x128xi32, #tpu.memory_space<vmem>> -> memref<1x128xi32, #tpu.memory_space<vmem>>
    %dma_start3A_32 = tpu.memref_squeeze %dma_start3A_31 : memref<1x128xi32, #tpu.memory_space<vmem>> -> memref<128xi32, #tpu.memory_space<vmem>>
    %dma_start3A_33 = arith.constant 0 : i32
    %dma_start3A_34 = arith.constant 0 : i32
    %dma_start3A_35 = tpu.memref_slice %arg3[%dma_start3A_33, %dma_start3A_34] : memref<10008x16xf32, #tpu.memory_space<hbm>> -> memref<10008x16xf32, #tpu.memory_space<hbm>>
    tpu.enqueue_indirect_dma source(%dma_start3A_35 : memref<10008x16xf32, #tpu.memory_space<hbm>>) target(%arg11 : memref<128x16xf32, #tpu.memory_space<vmem>>) offsets(%dma_start3A_32 : memref<128xi32, #tpu.memory_space<vmem>>) semaphore(%arg19 : memref<!tpu.dma_semaphore, #tpu.memory_space<semaphore_mem>>)
    %scan3A_36 = arith.constant 0 : i32
    %scan3A_37 = arith.constant 0 : i32
    %scan3A_38 = arith.constant 40 : i32
    %scan3A_39 = arith.addi %scan3A_37, %scan3A_38 : i32
    %scan3A_40 = arith.constant 1 : i32
    scf.for %scan3A_86 = %scan3A_37 to %scan3A_39 step %scan3A_40  : i32 {
      %mul3A_87 = arith.constant 2 : i32
      %mul3A_88 = arith.muli %mul3A_87, %scan3A_86 : i32
      %add3A_89 = arith.constant 1 : i32
      %add3A_90 = arith.addi %mul3A_88, %add3A_89 : i32
      %lt3A_91 = arith.constant 81 : i32
      %lt3A_92 = arith.cmpi slt, %add3A_90, %lt3A_91 : i32
      %convert_element_type3A = arith.extui %lt3A_92 : i1 to i32
      %cond3A = arith.constant 0 : i32
      %cond3A_93 = arith.cmpi ne, %convert_element_type3A, %cond3A : i32
      scf.if %cond3A_93 {
        %add3A_154 = arith.constant 1 : i32
        %add3A_155 = arith.addi %mul3A_88, %add3A_154 : i32
        %dma_start3A_156 = arith.constant 0 : i32
        %dma_start3A_157 = tpu.memref_slice %arg8[%add3A_155, %dma_start3A_156] : memref<81x128xi32, #tpu.memory_space<vmem>> -> memref<1x128xi32, #tpu.memory_space<vmem>>
        %dma_start3A_158 = tpu.memref_squeeze %dma_start3A_157 : memref<1x128xi32, #tpu.memory_space<vmem>> -> memref<128xi32, #tpu.memory_space<vmem>>
        %dma_start3A_159 = arith.constant 0 : i32
        %dma_start3A_160 = arith.constant 0 : i32
        %dma_start3A_161 = tpu.memref_slice %arg2[%dma_start3A_159, %dma_start3A_160] : memref<10000x48xf32, #tpu.memory_space<hbm>> -> memref<10000x48xf32, #tpu.memory_space<hbm>>
        tpu.enqueue_indirect_dma source(%dma_start3A_161 : memref<10000x48xf32, #tpu.memory_space<hbm>>) target(%arg13 : memref<128x48xf32, #tpu.memory_space<vmem>>) offsets(%dma_start3A_158 : memref<128xi32, #tpu.memory_space<vmem>>) semaphore(%arg21 : memref<!tpu.dma_semaphore, #tpu.memory_space<semaphore_mem>>)
        %add3A_162 = arith.constant 1 : i32
        %add3A_163 = arith.addi %mul3A_88, %add3A_162 : i32
        %dma_start3A_164 = arith.constant 0 : i32
        %dma_start3A_165 = tpu.memref_slice %arg9[%add3A_163, %dma_start3A_164] : memref<81x128xi32, #tpu.memory_space<vmem>> -> memref<1x128xi32, #tpu.memory_space<vmem>>
        %dma_start3A_166 = tpu.memref_squeeze %dma_start3A_165 : memref<1x128xi32, #tpu.memory_space<vmem>> -> memref<128xi32, #tpu.memory_space<vmem>>
        %dma_start3A_167 = arith.constant 0 : i32
        %dma_start3A_168 = arith.constant 0 : i32
        %dma_start3A_169 = tpu.memref_slice %arg3[%dma_start3A_167, %dma_start3A_168] : memref<10008x16xf32, #tpu.memory_space<hbm>> -> memref<10008x16xf32, #tpu.memory_space<hbm>>
        tpu.enqueue_indirect_dma source(%dma_start3A_169 : memref<10008x16xf32, #tpu.memory_space<hbm>>) target(%arg14 : memref<128x16xf32, #tpu.memory_space<vmem>>) offsets(%dma_start3A_166 : memref<128xi32, #tpu.memory_space<vmem>>) semaphore(%arg22 : memref<!tpu.dma_semaphore, #tpu.memory_space<semaphore_mem>>)
      } else {
      }
      %dma_wait3A_94 = arith.constant 0 : i32
      %dma_wait3A_95 = tpu.memref_slice %arg8[%mul3A_88, %dma_wait3A_94] : memref<81x128xi32, #tpu.memory_space<vmem>> -> memref<1x128xi32, #tpu.memory_space<vmem>>
      %dma_wait3A_96 = tpu.memref_squeeze %dma_wait3A_95 : memref<1x128xi32, #tpu.memory_space<vmem>> -> memref<128xi32, #tpu.memory_space<vmem>>
      %dma_wait3A_97 = arith.constant 0 : i32
      %dma_wait3A_98 = arith.constant 0 : i32
      %dma_wait3A_99 = tpu.memref_slice %arg2[%dma_wait3A_97, %dma_wait3A_98] : memref<10000x48xf32, #tpu.memory_space<hbm>> -> memref<10000x48xf32, #tpu.memory_space<hbm>>
      tpu.wait_indirect_dma semaphore(%arg18 : memref<!tpu.dma_semaphore, #tpu.memory_space<semaphore_mem>>) src(%dma_wait3A_99 : memref<10000x48xf32, #tpu.memory_space<hbm>>) dst(%arg10 : memref<128x48xf32, #tpu.memory_space<vmem>>)
      %dma_wait3A_100 = arith.constant 0 : i32
      %dma_wait3A_101 = tpu.memref_slice %arg9[%mul3A_88, %dma_wait3A_100] : memref<81x128xi32, #tpu.memory_space<vmem>> -> memref<1x128xi32, #tpu.memory_space<vmem>>
      %dma_wait3A_102 = tpu.memref_squeeze %dma_wait3A_101 : memref<1x128xi32, #tpu.memory_space<vmem>> -> memref<128xi32, #tpu.memory_space<vmem>>
      %dma_wait3A_103 = arith.constant 0 : i32
      %dma_wait3A_104 = arith.constant 0 : i32
      %dma_wait3A_105 = tpu.memref_slice %arg3[%dma_wait3A_103, %dma_wait3A_104] : memref<10008x16xf32, #tpu.memory_space<hbm>> -> memref<10008x16xf32, #tpu.memory_space<hbm>>
      tpu.wait_indirect_dma semaphore(%arg19 : memref<!tpu.dma_semaphore, #tpu.memory_space<semaphore_mem>>) src(%dma_wait3A_105 : memref<10008x16xf32, #tpu.memory_space<hbm>>) dst(%arg11 : memref<128x16xf32, #tpu.memory_space<vmem>>)
      %gt3A = arith.constant 1 : i32
      %gt3A_106 = arith.cmpi sgt, %mul3A_88, %gt3A : i32
      %convert_element_type3A_107 = arith.extui %gt3A_106 : i1 to i32
      %cond3A_108 = arith.constant 0 : i32
      %cond3A_109 = arith.cmpi ne, %convert_element_type3A_107, %cond3A_108 : i32
      scf.if %cond3A_109 {
        %dma_wait3A_154 = arith.constant 0 : i32
        %dma_wait3A_155 = tpu.memref_slice %arg9[%mul3A_88, %dma_wait3A_154] : memref<81x128xi32, #tpu.memory_space<vmem>> -> memref<1x128xi32, #tpu.memory_space<vmem>>
        %dma_wait3A_156 = tpu.memref_squeeze %dma_wait3A_155 : memref<1x128xi32, #tpu.memory_space<vmem>> -> memref<128xi32, #tpu.memory_space<vmem>>
        %dma_wait3A_157 = arith.constant 0 : i32
        %dma_wait3A_158 = arith.constant 0 : i32
        %dma_wait3A_159 = tpu.memref_slice %arg17[%dma_wait3A_157, %dma_wait3A_158] : memref<10016x48xf32, #tpu.memory_space<vmem_shared>> -> memref<10016x48xf32, #tpu.memory_space<vmem_shared>>
        tpu.wait_indirect_dma semaphore(%arg20 : memref<!tpu.dma_semaphore, #tpu.memory_space<semaphore_mem>>) src(%arg12 : memref<128x48xf32, #tpu.memory_space<vmem>>) dst(%dma_wait3A_159 : memref<10016x48xf32, #tpu.memory_space<vmem_shared>>)
      } else {
      }
      %parallel_loop3A_110 = arith.constant 0 : i32
      %parallel_loop3A_111 = arith.constant 128 : i32
      %parallel_loop3A_112 = arith.constant 1 : i32
      scf.for %parallel_loop3A_154 = %parallel_loop3A_110 to %parallel_loop3A_111 step %parallel_loop3A_112  : i32 {
        %parallel_loop3A_155 = arith.index_cast %parallel_loop3A_154 : i32 to index
        %parallel_loop3A_156 = arith.constant 32 : index
        %parallel_loop3A_157 = tpu.vector_load %arg10[%parallel_loop3A_155, %parallel_loop3A_156] {strides = array<i32>} : memref<128x48xf32, #tpu.memory_space<vmem>>, vector<1x16xf32>,
        %parallel_loop3A_158 = vector.shape_cast %parallel_loop3A_157 : vector<1x16xf32> to vector<16xf32>
        %parallel_loop3A_159 = arith.index_cast %parallel_loop3A_154 : i32 to index
        %parallel_loop3A_160 = arith.constant 0 : index
        %parallel_loop3A_161 = tpu.vector_load %arg11[%parallel_loop3A_159, %parallel_loop3A_160] {strides = array<i32>} : memref<128x16xf32, #tpu.memory_space<vmem>>, vector<1x16xf32>,
        %parallel_loop3A_162 = vector.shape_cast %parallel_loop3A_161 : vector<1x16xf32> to vector<16xf32>
        %parallel_loop3A_163 = arith.addf %parallel_loop3A_158, %parallel_loop3A_162 : vector<16xf32>
        %parallel_loop3A_164 = arith.constant 0.000000e+00 : f32
        %parallel_loop3A_165 = vector.broadcast %parallel_loop3A_164 : f32 to vector<16xf32>
        %parallel_loop3A_166 = arith.cmpf oge, %parallel_loop3A_163, %parallel_loop3A_165 : vector<16xf32>
        %parallel_loop3A_167 = arith.constant 2.000000e-01 : f32
        %parallel_loop3A_168 = vector.broadcast %parallel_loop3A_167 : f32 to vector<16xf32>
        %parallel_loop3A_169 = arith.mulf %parallel_loop3A_168, %parallel_loop3A_163 : vector<16xf32>
        %parallel_loop3A_170 = arith.select %parallel_loop3A_166, %parallel_loop3A_163, %parallel_loop3A_169 : vector<16xi1>, vector<16xf32>
        %parallel_loop3A_171 = arith.addf %get3A_20, %parallel_loop3A_162 : vector<16xf32>
        %parallel_loop3A_172 = arith.constant 0.000000e+00 : f32
        %parallel_loop3A_173 = vector.broadcast %parallel_loop3A_172 : f32 to vector<16xf32>
        %parallel_loop3A_174 = arith.cmpf oge, %parallel_loop3A_171, %parallel_loop3A_173 : vector<16xf32>
        %parallel_loop3A_175 = arith.constant 2.000000e-01 : f32
        %parallel_loop3A_176 = vector.broadcast %parallel_loop3A_175 : f32 to vector<16xf32>
        %parallel_loop3A_177 = arith.mulf %parallel_loop3A_176, %parallel_loop3A_171 : vector<16xf32>
        %parallel_loop3A_178 = arith.select %parallel_loop3A_174, %parallel_loop3A_171, %parallel_loop3A_177 : vector<16xi1>, vector<16xf32>
        %parallel_loop3A_179 = arith.subf %parallel_loop3A_170, %parallel_loop3A_178 : vector<16xf32>
        %parallel_loop3A_180 = math.exp %parallel_loop3A_179 : vector<16xf32>
        %parallel_loop3A_181 = arith.constant 0.000000e+00 : f32
        %parallel_loop3A_182 = vector.broadcast %parallel_loop3A_181 : f32 to vector<16xf32>
        %parallel_loop3A_183 = arith.select %lt3A_22, %parallel_loop3A_180, %parallel_loop3A_182 : vector<16xi1>, vector<16xf32>
        %parallel_loop3A_184 = arith.index_cast %parallel_loop3A_154 : i32 to index
        %parallel_loop3A_185 = arith.constant 32 : index
        %parallel_loop3A_186 = tpu.vector_load %arg12[%parallel_loop3A_184, %parallel_loop3A_185] {strides = array<i32>} : memref<128x48xf32, #tpu.memory_space<vmem>>, vector<1x16xf32>,
        %parallel_loop3A_187 = vector.shape_cast %parallel_loop3A_186 : vector<1x16xf32> to vector<16xf32>
        %parallel_loop3A_188 = vector.shape_cast %parallel_loop3A_183 : vector<16xf32> to vector<1x16xf32>
        tpu.vector_store %arg12[%parallel_loop3A_184, %parallel_loop3A_185], %parallel_loop3A_188 {strides = array<i32>} : memref<128x48xf32, #tpu.memory_space<vmem>>, vector<1x16xf32>,
        %parallel_loop3A_189 = arith.constant 0 : i32
        %parallel_loop3A_190 = vector.broadcast %parallel_loop3A_189 : i32 to vector<16x1xi32>
        %parallel_loop3A_191 = vector.shape_cast %parallel_loop3A_190 : vector<16x1xi32> to vector<16xi32>
        %parallel_loop3A_192 = tpu.dynamic_gather %parallel_loop3A_183[%parallel_loop3A_191] in [0] : vector<16xf32>, vector<16xi32> -> vector<16xf32>
        %parallel_loop3A_193 = arith.index_cast %parallel_loop3A_154 : i32 to index
        %parallel_loop3A_194 = arith.constant 0 : index
        %parallel_loop3A_195 = tpu.vector_load %arg10[%parallel_loop3A_193, %parallel_loop3A_194] {strides = array<i32>} : memref<128x48xf32, #tpu.memory_space<vmem>>, vector<1x16xf32>,
        %parallel_loop3A_196 = vector.shape_cast %parallel_loop3A_195 : vector<1x16xf32> to vector<16xf32>
        %parallel_loop3A_197 = arith.mulf %parallel_loop3A_196, %parallel_loop3A_192 : vector<16xf32>
        %parallel_loop3A_198 = arith.index_cast %parallel_loop3A_154 : i32 to index
        %parallel_loop3A_199 = arith.constant 0 : index
        %parallel_loop3A_200 = tpu.vector_load %arg12[%parallel_loop3A_198, %parallel_loop3A_199] {strides = array<i32>} : memref<128x48xf32, #tpu.memory_space<vmem>>, vector<1x16xf32>,
        %parallel_loop3A_201 = vector.shape_cast %parallel_loop3A_200 : vector<1x16xf32> to vector<16xf32>
        %parallel_loop3A_202 = vector.shape_cast %parallel_loop3A_197 : vector<16xf32> to vector<1x16xf32>
        tpu.vector_store %arg12[%parallel_loop3A_198, %parallel_loop3A_199], %parallel_loop3A_202 {strides = array<i32>} : memref<128x48xf32, #tpu.memory_space<vmem>>, vector<1x16xf32>,
        %parallel_loop3A_203 = arith.constant 0 : i32
        %parallel_loop3A_204 = vector.broadcast %parallel_loop3A_203 : i32 to vector<16x1xi32>
        %parallel_loop3A_205 = vector.shape_cast %parallel_loop3A_204 : vector<16x1xi32> to vector<16xi32>
        %parallel_loop3A_206 = tpu.dynamic_gather %parallel_loop3A_183[%parallel_loop3A_205] in [0] : vector<16xf32>, vector<16xi32> -> vector<16xf32>
        %parallel_loop3A_207 = arith.index_cast %parallel_loop3A_154 : i32 to index
        %parallel_loop3A_208 = arith.constant 16 : index
        %parallel_loop3A_209 = tpu.vector_load %arg10[%parallel_loop3A_207, %parallel_loop3A_208] {strides = array<i32>} : memref<128x48xf32, #tpu.memory_space<vmem>>, vector<1x16xf32>,
        %parallel_loop3A_210 = vector.shape_cast %parallel_loop3A_209 : vector<1x16xf32> to vector<16xf32>
        %parallel_loop3A_211 = arith.mulf %parallel_loop3A_210, %parallel_loop3A_206 : vector<16xf32>
        %parallel_loop3A_212 = arith.index_cast %parallel_loop3A_154 : i32 to index
        %parallel_loop3A_213 = arith.constant 16 : index
        %parallel_loop3A_214 = tpu.vector_load %arg12[%parallel_loop3A_212, %parallel_loop3A_213] {strides = array<i32>} : memref<128x48xf32, #tpu.memory_space<vmem>>, vector<1x16xf32>,
        %parallel_loop3A_215 = vector.shape_cast %parallel_loop3A_214 : vector<1x16xf32> to vector<16xf32>
        %parallel_loop3A_216 = vector.shape_cast %parallel_loop3A_211 : vector<16xf32> to vector<1x16xf32>
        tpu.vector_store %arg12[%parallel_loop3A_212, %parallel_loop3A_213], %parallel_loop3A_216 {strides = array<i32>} : memref<128x48xf32, #tpu.memory_space<vmem>>, vector<1x16xf32>,
      } {sc.loop_unroll_factor = 2 : i64, sc.parallel_access}
      %dma_start3A_113 = arith.constant 0 : i32
      %dma_start3A_114 = tpu.memref_slice %arg9[%mul3A_88, %dma_start3A_113] : memref<81x128xi32, #tpu.memory_space<vmem>> -> memref<1x128xi32, #tpu.memory_space<vmem>>
      %dma_start3A_115 = tpu.memref_squeeze %dma_start3A_114 : memref<1x128xi32, #tpu.memory_space<vmem>> -> memref<128xi32, #tpu.memory_space<vmem>>
      %dma_start3A_116 = arith.constant 0 : i32
      %dma_start3A_117 = arith.constant 0 : i32
      %dma_start3A_118 = tpu.memref_slice %arg17[%dma_start3A_116, %dma_start3A_117] : memref<10016x48xf32, #tpu.memory_space<vmem_shared>> -> memref<10016x48xf32, #tpu.memory_space<vmem_shared>>
      tpu.enqueue_indirect_dma source(%arg12 : memref<128x48xf32, #tpu.memory_space<vmem>>) target(%dma_start3A_118 : memref<10016x48xf32, #tpu.memory_space<vmem_shared>>) offsets(%dma_start3A_115 : memref<128xi32, #tpu.memory_space<vmem>>) semaphore(%arg20 : memref<!tpu.dma_semaphore, #tpu.memory_space<semaphore_mem>>) {add = true}
      %add3A_119 = arith.constant 1 : i32
      %add3A_120 = arith.addi %mul3A_88, %add3A_119 : i32
      %add3A_121 = arith.constant 1 : i32
      %add3A_122 = arith.addi %add3A_120, %add3A_121 : i32
      %lt3A_123 = arith.constant 81 : i32
      %lt3A_124 = arith.cmpi slt, %add3A_122, %lt3A_123 : i32
      %convert_element_type3A_125 = arith.extui %lt3A_124 : i1 to i32
      %cond3A_126 = arith.constant 0 : i32
      %cond3A_127 = arith.cmpi ne, %convert_element_type3A_125, %cond3A_126 : i32
      scf.if %cond3A_127 {
        %add3A_154 = arith.constant 1 : i32
        %add3A_155 = arith.addi %add3A_120, %add3A_154 : i32
        %dma_start3A_156 = arith.constant 0 : i32
        %dma_start3A_157 = tpu.memref_slice %arg8[%add3A_155, %dma_start3A_156] : memref<81x128xi32, #tpu.memory_space<vmem>> -> memref<1x128xi32, #tpu.memory_space<vmem>>
        %dma_start3A_158 = tpu.memref_squeeze %dma_start3A_157 : memref<1x128xi32, #tpu.memory_space<vmem>> -> memref<128xi32, #tpu.memory_space<vmem>>
        %dma_start3A_159 = arith.constant 0 : i32
        %dma_start3A_160 = arith.constant 0 : i32
        %dma_start3A_161 = tpu.memref_slice %arg2[%dma_start3A_159, %dma_start3A_160] : memref<10000x48xf32, #tpu.memory_space<hbm>> -> memref<10000x48xf32, #tpu.memory_space<hbm>>
        tpu.enqueue_indirect_dma source(%dma_start3A_161 : memref<10000x48xf32, #tpu.memory_space<hbm>>) target(%arg10 : memref<128x48xf32, #tpu.memory_space<vmem>>) offsets(%dma_start3A_158 : memref<128xi32, #tpu.memory_space<vmem>>) semaphore(%arg18 : memref<!tpu.dma_semaphore, #tpu.memory_space<semaphore_mem>>)
        %add3A_162 = arith.constant 1 : i32
        %add3A_163 = arith.addi %add3A_120, %add3A_162 : i32
        %dma_start3A_164 = arith.constant 0 : i32
        %dma_start3A_165 = tpu.memref_slice %arg9[%add3A_163, %dma_start3A_164] : memref<81x128xi32, #tpu.memory_space<vmem>> -> memref<1x128xi32, #tpu.memory_space<vmem>>
        %dma_start3A_166 = tpu.memref_squeeze %dma_start3A_165 : memref<1x128xi32, #tpu.memory_space<vmem>> -> memref<128xi32, #tpu.memory_space<vmem>>
        %dma_start3A_167 = arith.constant 0 : i32
        %dma_start3A_168 = arith.constant 0 : i32
        %dma_start3A_169 = tpu.memref_slice %arg3[%dma_start3A_167, %dma_start3A_168] : memref<10008x16xf32, #tpu.memory_space<hbm>> -> memref<10008x16xf32, #tpu.memory_space<hbm>>
        tpu.enqueue_indirect_dma source(%dma_start3A_169 : memref<10008x16xf32, #tpu.memory_space<hbm>>) target(%arg11 : memref<128x16xf32, #tpu.memory_space<vmem>>) offsets(%dma_start3A_166 : memref<128xi32, #tpu.memory_space<vmem>>) semaphore(%arg19 : memref<!tpu.dma_semaphore, #tpu.memory_space<semaphore_mem>>)
      } else {
      }
      %dma_wait3A_128 = arith.constant 0 : i32
      %dma_wait3A_129 = tpu.memref_slice %arg8[%add3A_120, %dma_wait3A_128] : memref<81x128xi32, #tpu.memory_space<vmem>> -> memref<1x128xi32, #tpu.memory_space<vmem>>
      %dma_wait3A_130 = tpu.memref_squeeze %dma_wait3A_129 : memref<1x128xi32, #tpu.memory_space<vmem>> -> memref<128xi32, #tpu.memory_space<vmem>>
      %dma_wait3A_131 = arith.constant 0 : i32
      %dma_wait3A_132 = arith.constant 0 : i32
      %dma_wait3A_133 = tpu.memref_slice %arg2[%dma_wait3A_131, %dma_wait3A_132] : memref<10000x48xf32, #tpu.memory_space<hbm>> -> memref<10000x48xf32, #tpu.memory_space<hbm>>
      tpu.wait_indirect_dma semaphore(%arg21 : memref<!tpu.dma_semaphore, #tpu.memory_space<semaphore_mem>>) src(%dma_wait3A_133 : memref<10000x48xf32, #tpu.memory_space<hbm>>) dst(%arg13 : memref<128x48xf32, #tpu.memory_space<vmem>>)
      %dma_wait3A_134 = arith.constant 0 : i32
      %dma_wait3A_135 = tpu.memref_slice %arg9[%add3A_120, %dma_wait3A_134] : memref<81x128xi32, #tpu.memory_space<vmem>> -> memref<1x128xi32, #tpu.memory_space<vmem>>
      %dma_wait3A_136 = tpu.memref_squeeze %dma_wait3A_135 : memref<1x128xi32, #tpu.memory_space<vmem>> -> memref<128xi32, #tpu.memory_space<vmem>>
      %dma_wait3A_137 = arith.constant 0 : i32
      %dma_wait3A_138 = arith.constant 0 : i32
      %dma_wait3A_139 = tpu.memref_slice %arg3[%dma_wait3A_137, %dma_wait3A_138] : memref<10008x16xf32, #tpu.memory_space<hbm>> -> memref<10008x16xf32, #tpu.memory_space<hbm>>
      tpu.wait_indirect_dma semaphore(%arg22 : memref<!tpu.dma_semaphore, #tpu.memory_space<semaphore_mem>>) src(%dma_wait3A_139 : memref<10008x16xf32, #tpu.memory_space<hbm>>) dst(%arg14 : memref<128x16xf32, #tpu.memory_space<vmem>>)
      %gt3A_140 = arith.constant 1 : i32
      %gt3A_141 = arith.cmpi sgt, %add3A_120, %gt3A_140 : i32
      %convert_element_type3A_142 = arith.extui %gt3A_141 : i1 to i32
      %cond3A_143 = arith.constant 0 : i32
      %cond3A_144 = arith.cmpi ne, %convert_element_type3A_142, %cond3A_143 : i32
      scf.if %cond3A_144 {
        %dma_wait3A_154 = arith.constant 0 : i32
        %dma_wait3A_155 = tpu.memref_slice %arg9[%add3A_120, %dma_wait3A_154] : memref<81x128xi32, #tpu.memory_space<vmem>> -> memref<1x128xi32, #tpu.memory_space<vmem>>
        %dma_wait3A_156 = tpu.memref_squeeze %dma_wait3A_155 : memref<1x128xi32, #tpu.memory_space<vmem>> -> memref<128xi32, #tpu.memory_space<vmem>>
        %dma_wait3A_157 = arith.constant 0 : i32
        %dma_wait3A_158 = arith.constant 0 : i32
        %dma_wait3A_159 = tpu.memref_slice %arg17[%dma_wait3A_157, %dma_wait3A_158] : memref<10016x48xf32, #tpu.memory_space<vmem_shared>> -> memref<10016x48xf32, #tpu.memory_space<vmem_shared>>
        tpu.wait_indirect_dma semaphore(%arg23 : memref<!tpu.dma_semaphore, #tpu.memory_space<semaphore_mem>>) src(%arg15 : memref<128x48xf32, #tpu.memory_space<vmem>>) dst(%dma_wait3A_159 : memref<10016x48xf32, #tpu.memory_space<vmem_shared>>)
      } else {
      }
      %parallel_loop3A_145 = arith.constant 0 : i32
      %parallel_loop3A_146 = arith.constant 128 : i32
      %parallel_loop3A_147 = arith.constant 1 : i32
      scf.for %parallel_loop3A_154 = %parallel_loop3A_145 to %parallel_loop3A_146 step %parallel_loop3A_147  : i32 {
        %parallel_loop3A_155 = arith.index_cast %parallel_loop3A_154 : i32 to index
        %parallel_loop3A_156 = arith.constant 32 : index
        %parallel_loop3A_157 = tpu.vector_load %arg13[%parallel_loop3A_155, %parallel_loop3A_156] {strides = array<i32>} : memref<128x48xf32, #tpu.memory_space<vmem>>, vector<1x16xf32>,
        %parallel_loop3A_158 = vector.shape_cast %parallel_loop3A_157 : vector<1x16xf32> to vector<16xf32>
        %parallel_loop3A_159 = arith.index_cast %parallel_loop3A_154 : i32 to index
        %parallel_loop3A_160 = arith.constant 0 : index
        %parallel_loop3A_161 = tpu.vector_load %arg14[%parallel_loop3A_159, %parallel_loop3A_160] {strides = array<i32>} : memref<128x16xf32, #tpu.memory_space<vmem>>, vector<1x16xf32>,
        %parallel_loop3A_162 = vector.shape_cast %parallel_loop3A_161 : vector<1x16xf32> to vector<16xf32>
        %parallel_loop3A_163 = arith.addf %parallel_loop3A_158, %parallel_loop3A_162 : vector<16xf32>
        %parallel_loop3A_164 = arith.constant 0.000000e+00 : f32
        %parallel_loop3A_165 = vector.broadcast %parallel_loop3A_164 : f32 to vector<16xf32>
        %parallel_loop3A_166 = arith.cmpf oge, %parallel_loop3A_163, %parallel_loop3A_165 : vector<16xf32>
        %parallel_loop3A_167 = arith.constant 2.000000e-01 : f32
        %parallel_loop3A_168 = vector.broadcast %parallel_loop3A_167 : f32 to vector<16xf32>
        %parallel_loop3A_169 = arith.mulf %parallel_loop3A_168, %parallel_loop3A_163 : vector<16xf32>
        %parallel_loop3A_170 = arith.select %parallel_loop3A_166, %parallel_loop3A_163, %parallel_loop3A_169 : vector<16xi1>, vector<16xf32>
        %parallel_loop3A_171 = arith.addf %get3A_20, %parallel_loop3A_162 : vector<16xf32>
        %parallel_loop3A_172 = arith.constant 0.000000e+00 : f32
        %parallel_loop3A_173 = vector.broadcast %parallel_loop3A_172 : f32 to vector<16xf32>
        %parallel_loop3A_174 = arith.cmpf oge, %parallel_loop3A_171, %parallel_loop3A_173 : vector<16xf32>
        %parallel_loop3A_175 = arith.constant 2.000000e-01 : f32
        %parallel_loop3A_176 = vector.broadcast %parallel_loop3A_175 : f32 to vector<16xf32>
        %parallel_loop3A_177 = arith.mulf %parallel_loop3A_176, %parallel_loop3A_171 : vector<16xf32>
        %parallel_loop3A_178 = arith.select %parallel_loop3A_174, %parallel_loop3A_171, %parallel_loop3A_177 : vector<16xi1>, vector<16xf32>
        %parallel_loop3A_179 = arith.subf %parallel_loop3A_170, %parallel_loop3A_178 : vector<16xf32>
        %parallel_loop3A_180 = math.exp %parallel_loop3A_179 : vector<16xf32>
        %parallel_loop3A_181 = arith.constant 0.000000e+00 : f32
        %parallel_loop3A_182 = vector.broadcast %parallel_loop3A_181 : f32 to vector<16xf32>
        %parallel_loop3A_183 = arith.select %lt3A_22, %parallel_loop3A_180, %parallel_loop3A_182 : vector<16xi1>, vector<16xf32>
        %parallel_loop3A_184 = arith.index_cast %parallel_loop3A_154 : i32 to index
        %parallel_loop3A_185 = arith.constant 32 : index
        %parallel_loop3A_186 = tpu.vector_load %arg15[%parallel_loop3A_184, %parallel_loop3A_185] {strides = array<i32>} : memref<128x48xf32, #tpu.memory_space<vmem>>, vector<1x16xf32>,
        %parallel_loop3A_187 = vector.shape_cast %parallel_loop3A_186 : vector<1x16xf32> to vector<16xf32>
        %parallel_loop3A_188 = vector.shape_cast %parallel_loop3A_183 : vector<16xf32> to vector<1x16xf32>
        tpu.vector_store %arg15[%parallel_loop3A_184, %parallel_loop3A_185], %parallel_loop3A_188 {strides = array<i32>} : memref<128x48xf32, #tpu.memory_space<vmem>>, vector<1x16xf32>,
        %parallel_loop3A_189 = arith.constant 0 : i32
        %parallel_loop3A_190 = vector.broadcast %parallel_loop3A_189 : i32 to vector<16x1xi32>
        %parallel_loop3A_191 = vector.shape_cast %parallel_loop3A_190 : vector<16x1xi32> to vector<16xi32>
        %parallel_loop3A_192 = tpu.dynamic_gather %parallel_loop3A_183[%parallel_loop3A_191] in [0] : vector<16xf32>, vector<16xi32> -> vector<16xf32>
        %parallel_loop3A_193 = arith.index_cast %parallel_loop3A_154 : i32 to index
        %parallel_loop3A_194 = arith.constant 0 : index
        %parallel_loop3A_195 = tpu.vector_load %arg13[%parallel_loop3A_193, %parallel_loop3A_194] {strides = array<i32>} : memref<128x48xf32, #tpu.memory_space<vmem>>, vector<1x16xf32>,
        %parallel_loop3A_196 = vector.shape_cast %parallel_loop3A_195 : vector<1x16xf32> to vector<16xf32>
        %parallel_loop3A_197 = arith.mulf %parallel_loop3A_196, %parallel_loop3A_192 : vector<16xf32>
        %parallel_loop3A_198 = arith.index_cast %parallel_loop3A_154 : i32 to index
        %parallel_loop3A_199 = arith.constant 0 : index
        %parallel_loop3A_200 = tpu.vector_load %arg15[%parallel_loop3A_198, %parallel_loop3A_199] {strides = array<i32>} : memref<128x48xf32, #tpu.memory_space<vmem>>, vector<1x16xf32>,
        %parallel_loop3A_201 = vector.shape_cast %parallel_loop3A_200 : vector<1x16xf32> to vector<16xf32>
        %parallel_loop3A_202 = vector.shape_cast %parallel_loop3A_197 : vector<16xf32> to vector<1x16xf32>
        tpu.vector_store %arg15[%parallel_loop3A_198, %parallel_loop3A_199], %parallel_loop3A_202 {strides = array<i32>} : memref<128x48xf32, #tpu.memory_space<vmem>>, vector<1x16xf32>,
        %parallel_loop3A_203 = arith.constant 0 : i32
        %parallel_loop3A_204 = vector.broadcast %parallel_loop3A_203 : i32 to vector<16x1xi32>
        %parallel_loop3A_205 = vector.shape_cast %parallel_loop3A_204 : vector<16x1xi32> to vector<16xi32>
        %parallel_loop3A_206 = tpu.dynamic_gather %parallel_loop3A_183[%parallel_loop3A_205] in [0] : vector<16xf32>, vector<16xi32> -> vector<16xf32>
        %parallel_loop3A_207 = arith.index_cast %parallel_loop3A_154 : i32 to index
        %parallel_loop3A_208 = arith.constant 16 : index
        %parallel_loop3A_209 = tpu.vector_load %arg13[%parallel_loop3A_207, %parallel_loop3A_208] {strides = array<i32>} : memref<128x48xf32, #tpu.memory_space<vmem>>, vector<1x16xf32>,
        %parallel_loop3A_210 = vector.shape_cast %parallel_loop3A_209 : vector<1x16xf32> to vector<16xf32>
        %parallel_loop3A_211 = arith.mulf %parallel_loop3A_210, %parallel_loop3A_206 : vector<16xf32>
        %parallel_loop3A_212 = arith.index_cast %parallel_loop3A_154 : i32 to index
        %parallel_loop3A_213 = arith.constant 16 : index
        %parallel_loop3A_214 = tpu.vector_load %arg15[%parallel_loop3A_212, %parallel_loop3A_213] {strides = array<i32>} : memref<128x48xf32, #tpu.memory_space<vmem>>, vector<1x16xf32>,
        %parallel_loop3A_215 = vector.shape_cast %parallel_loop3A_214 : vector<1x16xf32> to vector<16xf32>
        %parallel_loop3A_216 = vector.shape_cast %parallel_loop3A_211 : vector<16xf32> to vector<1x16xf32>
        tpu.vector_store %arg15[%parallel_loop3A_212, %parallel_loop3A_213], %parallel_loop3A_216 {strides = array<i32>} : memref<128x48xf32, #tpu.memory_space<vmem>>, vector<1x16xf32>,
      } {sc.loop_unroll_factor = 2 : i64, sc.parallel_access}
      %dma_start3A_148 = arith.constant 0 : i32
      %dma_start3A_149 = tpu.memref_slice %arg9[%add3A_120, %dma_start3A_148] : memref<81x128xi32, #tpu.memory_space<vmem>> -> memref<1x128xi32, #tpu.memory_space<vmem>>
      %dma_start3A_150 = tpu.memref_squeeze %dma_start3A_149 : memref<1x128xi32, #tpu.memory_space<vmem>> -> memref<128xi32, #tpu.memory_space<vmem>>
      %dma_start3A_151 = arith.constant 0 : i32
      %dma_start3A_152 = arith.constant 0 : i32
      %dma_start3A_153 = tpu.memref_slice %arg17[%dma_start3A_151, %dma_start3A_152] : memref<10016x48xf32, #tpu.memory_space<vmem_shared>> -> memref<10016x48xf32, #tpu.memory_space<vmem_shared>>
      tpu.enqueue_indirect_dma source(%arg15 : memref<128x48xf32, #tpu.memory_space<vmem>>) target(%dma_start3A_153 : memref<10016x48xf32, #tpu.memory_space<vmem_shared>>) offsets(%dma_start3A_150 : memref<128xi32, #tpu.memory_space<vmem>>) semaphore(%arg23 : memref<!tpu.dma_semaphore, #tpu.memory_space<semaphore_mem>>) {add = true}
    }
    %scan3A_41 = arith.constant 40 : i32
    %dma_wait3A = arith.constant 80 : i32
    %dma_wait3A_42 = arith.constant 0 : i32
    %dma_wait3A_43 = tpu.memref_slice %arg8[%dma_wait3A, %dma_wait3A_42] : memref<81x128xi32, #tpu.memory_space<vmem>> -> memref<1x128xi32, #tpu.memory_space<vmem>>
    %dma_wait3A_44 = tpu.memref_squeeze %dma_wait3A_43 : memref<1x128xi32, #tpu.memory_space<vmem>> -> memref<128xi32, #tpu.memory_space<vmem>>
    %dma_wait3A_45 = arith.constant 0 : i32
    %dma_wait3A_46 = arith.constant 0 : i32
    %dma_wait3A_47 = tpu.memref_slice %arg2[%dma_wait3A_45, %dma_wait3A_46] : memref<10000x48xf32, #tpu.memory_space<hbm>> -> memref<10000x48xf32, #tpu.memory_space<hbm>>
    tpu.wait_indirect_dma semaphore(%arg18 : memref<!tpu.dma_semaphore, #tpu.memory_space<semaphore_mem>>) src(%dma_wait3A_47 : memref<10000x48xf32, #tpu.memory_space<hbm>>) dst(%arg10 : memref<128x48xf32, #tpu.memory_space<vmem>>)
    %dma_wait3A_48 = arith.constant 80 : i32
    %dma_wait3A_49 = arith.constant 0 : i32
    %dma_wait3A_50 = tpu.memref_slice %arg9[%dma_wait3A_48, %dma_wait3A_49] : memref<81x128xi32, #tpu.memory_space<vmem>> -> memref<1x128xi32, #tpu.memory_space<vmem>>
    %dma_wait3A_51 = tpu.memref_squeeze %dma_wait3A_50 : memref<1x128xi32, #tpu.memory_space<vmem>> -> memref<128xi32, #tpu.memory_space<vmem>>
    %dma_wait3A_52 = arith.constant 0 : i32
    %dma_wait3A_53 = arith.constant 0 : i32
    %dma_wait3A_54 = tpu.memref_slice %arg3[%dma_wait3A_52, %dma_wait3A_53] : memref<10008x16xf32, #tpu.memory_space<hbm>> -> memref<10008x16xf32, #tpu.memory_space<hbm>>
    tpu.wait_indirect_dma semaphore(%arg19 : memref<!tpu.dma_semaphore, #tpu.memory_space<semaphore_mem>>) src(%dma_wait3A_54 : memref<10008x16xf32, #tpu.memory_space<hbm>>) dst(%arg11 : memref<128x16xf32, #tpu.memory_space<vmem>>)
    %dma_wait3A_55 = arith.constant 80 : i32
    %dma_wait3A_56 = arith.constant 0 : i32
    %dma_wait3A_57 = tpu.memref_slice %arg9[%dma_wait3A_55, %dma_wait3A_56] : memref<81x128xi32, #tpu.memory_space<vmem>> -> memref<1x128xi32, #tpu.memory_space<vmem>>
    %dma_wait3A_58 = tpu.memref_squeeze %dma_wait3A_57 : memref<1x128xi32, #tpu.memory_space<vmem>> -> memref<128xi32, #tpu.memory_space<vmem>>
    %dma_wait3A_59 = arith.constant 0 : i32
    %dma_wait3A_60 = arith.constant 0 : i32
    %dma_wait3A_61 = tpu.memref_slice %arg17[%dma_wait3A_59, %dma_wait3A_60] : memref<10016x48xf32, #tpu.memory_space<vmem_shared>> -> memref<10016x48xf32, #tpu.memory_space<vmem_shared>>
    tpu.wait_indirect_dma semaphore(%arg20 : memref<!tpu.dma_semaphore, #tpu.memory_space<semaphore_mem>>) src(%arg12 : memref<128x48xf32, #tpu.memory_space<vmem>>) dst(%dma_wait3A_61 : memref<10016x48xf32, #tpu.memory_space<vmem_shared>>)
    %parallel_loop3A = arith.constant 0 : i32
    %parallel_loop3A_62 = arith.constant 128 : i32
    %parallel_loop3A_63 = arith.constant 1 : i32
    scf.for %parallel_loop3A_86 = %parallel_loop3A to %parallel_loop3A_62 step %parallel_loop3A_63  : i32 {
      %parallel_loop3A_87 = arith.index_cast %parallel_loop3A_86 : i32 to index
      %parallel_loop3A_88 = arith.constant 32 : index
      %parallel_loop3A_89 = tpu.vector_load %arg10[%parallel_loop3A_87, %parallel_loop3A_88] {strides = array<i32>} : memref<128x48xf32, #tpu.memory_space<vmem>>, vector<1x16xf32>,
      %parallel_loop3A_90 = vector.shape_cast %parallel_loop3A_89 : vector<1x16xf32> to vector<16xf32>
      %parallel_loop3A_91 = arith.index_cast %parallel_loop3A_86 : i32 to index
      %parallel_loop3A_92 = arith.constant 0 : index
      %parallel_loop3A_93 = tpu.vector_load %arg11[%parallel_loop3A_91, %parallel_loop3A_92] {strides = array<i32>} : memref<128x16xf32, #tpu.memory_space<vmem>>, vector<1x16xf32>,
      %parallel_loop3A_94 = vector.shape_cast %parallel_loop3A_93 : vector<1x16xf32> to vector<16xf32>
      %parallel_loop3A_95 = arith.addf %parallel_loop3A_90, %parallel_loop3A_94 : vector<16xf32>
      %parallel_loop3A_96 = arith.constant 0.000000e+00 : f32
      %parallel_loop3A_97 = vector.broadcast %parallel_loop3A_96 : f32 to vector<16xf32>
      %parallel_loop3A_98 = arith.cmpf oge, %parallel_loop3A_95, %parallel_loop3A_97 : vector<16xf32>
      %parallel_loop3A_99 = arith.constant 2.000000e-01 : f32
      %parallel_loop3A_100 = vector.broadcast %parallel_loop3A_99 : f32 to vector<16xf32>
      %parallel_loop3A_101 = arith.mulf %parallel_loop3A_100, %parallel_loop3A_95 : vector<16xf32>
      %parallel_loop3A_102 = arith.select %parallel_loop3A_98, %parallel_loop3A_95, %parallel_loop3A_101 : vector<16xi1>, vector<16xf32>
      %parallel_loop3A_103 = arith.addf %get3A_20, %parallel_loop3A_94 : vector<16xf32>
      %parallel_loop3A_104 = arith.constant 0.000000e+00 : f32
      %parallel_loop3A_105 = vector.broadcast %parallel_loop3A_104 : f32 to vector<16xf32>
      %parallel_loop3A_106 = arith.cmpf oge, %parallel_loop3A_103, %parallel_loop3A_105 : vector<16xf32>
      %parallel_loop3A_107 = arith.constant 2.000000e-01 : f32
      %parallel_loop3A_108 = vector.broadcast %parallel_loop3A_107 : f32 to vector<16xf32>
      %parallel_loop3A_109 = arith.mulf %parallel_loop3A_108, %parallel_loop3A_103 : vector<16xf32>
      %parallel_loop3A_110 = arith.select %parallel_loop3A_106, %parallel_loop3A_103, %parallel_loop3A_109 : vector<16xi1>, vector<16xf32>
      %parallel_loop3A_111 = arith.subf %parallel_loop3A_102, %parallel_loop3A_110 : vector<16xf32>
      %parallel_loop3A_112 = math.exp %parallel_loop3A_111 : vector<16xf32>
      %parallel_loop3A_113 = arith.constant 0.000000e+00 : f32
      %parallel_loop3A_114 = vector.broadcast %parallel_loop3A_113 : f32 to vector<16xf32>
      %parallel_loop3A_115 = arith.select %lt3A_22, %parallel_loop3A_112, %parallel_loop3A_114 : vector<16xi1>, vector<16xf32>
      %parallel_loop3A_116 = arith.index_cast %parallel_loop3A_86 : i32 to index
      %parallel_loop3A_117 = arith.constant 32 : index
      %parallel_loop3A_118 = tpu.vector_load %arg12[%parallel_loop3A_116, %parallel_loop3A_117] {strides = array<i32>} : memref<128x48xf32, #tpu.memory_space<vmem>>, vector<1x16xf32>,
      %parallel_loop3A_119 = vector.shape_cast %parallel_loop3A_118 : vector<1x16xf32> to vector<16xf32>
      %parallel_loop3A_120 = vector.shape_cast %parallel_loop3A_115 : vector<16xf32> to vector<1x16xf32>
      tpu.vector_store %arg12[%parallel_loop3A_116, %parallel_loop3A_117], %parallel_loop3A_120 {strides = array<i32>} : memref<128x48xf32, #tpu.memory_space<vmem>>, vector<1x16xf32>,
      %parallel_loop3A_121 = arith.constant 0 : i32
      %parallel_loop3A_122 = vector.broadcast %parallel_loop3A_121 : i32 to vector<16x1xi32>
      %parallel_loop3A_123 = vector.shape_cast %parallel_loop3A_122 : vector<16x1xi32> to vector<16xi32>
      %parallel_loop3A_124 = tpu.dynamic_gather %parallel_loop3A_115[%parallel_loop3A_123] in [0] : vector<16xf32>, vector<16xi32> -> vector<16xf32>
      %parallel_loop3A_125 = arith.index_cast %parallel_loop3A_86 : i32 to index
      %parallel_loop3A_126 = arith.constant 0 : index
      %parallel_loop3A_127 = tpu.vector_load %arg10[%parallel_loop3A_125, %parallel_loop3A_126] {strides = array<i32>} : memref<128x48xf32, #tpu.memory_space<vmem>>, vector<1x16xf32>,
      %parallel_loop3A_128 = vector.shape_cast %parallel_loop3A_127 : vector<1x16xf32> to vector<16xf32>
      %parallel_loop3A_129 = arith.mulf %parallel_loop3A_128, %parallel_loop3A_124 : vector<16xf32>
      %parallel_loop3A_130 = arith.index_cast %parallel_loop3A_86 : i32 to index
      %parallel_loop3A_131 = arith.constant 0 : index
      %parallel_loop3A_132 = tpu.vector_load %arg12[%parallel_loop3A_130, %parallel_loop3A_131] {strides = array<i32>} : memref<128x48xf32, #tpu.memory_space<vmem>>, vector<1x16xf32>,
      %parallel_loop3A_133 = vector.shape_cast %parallel_loop3A_132 : vector<1x16xf32> to vector<16xf32>
      %parallel_loop3A_134 = vector.shape_cast %parallel_loop3A_129 : vector<16xf32> to vector<1x16xf32>
      tpu.vector_store %arg12[%parallel_loop3A_130, %parallel_loop3A_131], %parallel_loop3A_134 {strides = array<i32>} : memref<128x48xf32, #tpu.memory_space<vmem>>, vector<1x16xf32>,
      %parallel_loop3A_135 = arith.constant 0 : i32
      %parallel_loop3A_136 = vector.broadcast %parallel_loop3A_135 : i32 to vector<16x1xi32>
      %parallel_loop3A_137 = vector.shape_cast %parallel_loop3A_136 : vector<16x1xi32> to vector<16xi32>
      %parallel_loop3A_138 = tpu.dynamic_gather %parallel_loop3A_115[%parallel_loop3A_137] in [0] : vector<16xf32>, vector<16xi32> -> vector<16xf32>
      %parallel_loop3A_139 = arith.index_cast %parallel_loop3A_86 : i32 to index
      %parallel_loop3A_140 = arith.constant 16 : index
      %parallel_loop3A_141 = tpu.vector_load %arg10[%parallel_loop3A_139, %parallel_loop3A_140] {strides = array<i32>} : memref<128x48xf32, #tpu.memory_space<vmem>>, vector<1x16xf32>,
      %parallel_loop3A_142 = vector.shape_cast %parallel_loop3A_141 : vector<1x16xf32> to vector<16xf32>
      %parallel_loop3A_143 = arith.mulf %parallel_loop3A_142, %parallel_loop3A_138 : vector<16xf32>
      %parallel_loop3A_144 = arith.index_cast %parallel_loop3A_86 : i32 to index
      %parallel_loop3A_145 = arith.constant 16 : index
      %parallel_loop3A_146 = tpu.vector_load %arg12[%parallel_loop3A_144, %parallel_loop3A_145] {strides = array<i32>} : memref<128x48xf32, #tpu.memory_space<vmem>>, vector<1x16xf32>,
      %parallel_loop3A_147 = vector.shape_cast %parallel_loop3A_146 : vector<1x16xf32> to vector<16xf32>
      %parallel_loop3A_148 = vector.shape_cast %parallel_loop3A_143 : vector<16xf32> to vector<1x16xf32>
      tpu.vector_store %arg12[%parallel_loop3A_144, %parallel_loop3A_145], %parallel_loop3A_148 {strides = array<i32>} : memref<128x48xf32, #tpu.memory_space<vmem>>, vector<1x16xf32>,
    } {sc.loop_unroll_factor = 2 : i64, sc.parallel_access}
    %dma_start3A_64 = arith.constant 80 : i32
    %dma_start3A_65 = arith.constant 0 : i32
    %dma_start3A_66 = tpu.memref_slice %arg9[%dma_start3A_64, %dma_start3A_65] : memref<81x128xi32, #tpu.memory_space<vmem>> -> memref<1x128xi32, #tpu.memory_space<vmem>>
    %dma_start3A_67 = tpu.memref_squeeze %dma_start3A_66 : memref<1x128xi32, #tpu.memory_space<vmem>> -> memref<128xi32, #tpu.memory_space<vmem>>
    %dma_start3A_68 = arith.constant 0 : i32
    %dma_start3A_69 = arith.constant 0 : i32
    %dma_start3A_70 = tpu.memref_slice %arg17[%dma_start3A_68, %dma_start3A_69] : memref<10016x48xf32, #tpu.memory_space<vmem_shared>> -> memref<10016x48xf32, #tpu.memory_space<vmem_shared>>
    tpu.enqueue_indirect_dma source(%arg12 : memref<128x48xf32, #tpu.memory_space<vmem>>) target(%dma_start3A_70 : memref<10016x48xf32, #tpu.memory_space<vmem_shared>>) offsets(%dma_start3A_67 : memref<128xi32, #tpu.memory_space<vmem>>) semaphore(%arg20 : memref<!tpu.dma_semaphore, #tpu.memory_space<semaphore_mem>>) {add = true}
    %dma_wait3A_71 = arith.constant 0 : i32
    %dma_wait3A_72 = arith.constant 0 : i32
    %dma_wait3A_73 = tpu.memref_slice %arg9[%dma_wait3A_71, %dma_wait3A_72] : memref<81x128xi32, #tpu.memory_space<vmem>> -> memref<1x128xi32, #tpu.memory_space<vmem>>
    %dma_wait3A_74 = tpu.memref_squeeze %dma_wait3A_73 : memref<1x128xi32, #tpu.memory_space<vmem>> -> memref<128xi32, #tpu.memory_space<vmem>>
    %dma_wait3A_75 = arith.constant 0 : i32
    %dma_wait3A_76 = arith.constant 0 : i32
    %dma_wait3A_77 = tpu.memref_slice %arg17[%dma_wait3A_75, %dma_wait3A_76] : memref<10016x48xf32, #tpu.memory_space<vmem_shared>> -> memref<10016x48xf32, #tpu.memory_space<vmem_shared>>
    tpu.wait_indirect_dma semaphore(%arg23 : memref<!tpu.dma_semaphore, #tpu.memory_space<semaphore_mem>>) src(%arg15 : memref<128x48xf32, #tpu.memory_space<vmem>>) dst(%dma_wait3A_77 : memref<10016x48xf32, #tpu.memory_space<vmem_shared>>)
    %dma_wait3A_78 = arith.constant 0 : i32
    %dma_wait3A_79 = arith.constant 0 : i32
    %dma_wait3A_80 = tpu.memref_slice %arg9[%dma_wait3A_78, %dma_wait3A_79] : memref<81x128xi32, #tpu.memory_space<vmem>> -> memref<1x128xi32, #tpu.memory_space<vmem>>
    %dma_wait3A_81 = tpu.memref_squeeze %dma_wait3A_80 : memref<1x128xi32, #tpu.memory_space<vmem>> -> memref<128xi32, #tpu.memory_space<vmem>>
    %dma_wait3A_82 = arith.constant 0 : i32
    %dma_wait3A_83 = arith.constant 0 : i32
    %dma_wait3A_84 = tpu.memref_slice %arg17[%dma_wait3A_82, %dma_wait3A_83] : memref<10016x48xf32, #tpu.memory_space<vmem_shared>> -> memref<10016x48xf32, #tpu.memory_space<vmem_shared>>
    tpu.wait_indirect_dma semaphore(%arg20 : memref<!tpu.dma_semaphore, #tpu.memory_space<semaphore_mem>>) src(%arg12 : memref<128x48xf32, #tpu.memory_space<vmem>>) dst(%dma_wait3A_84 : memref<10016x48xf32, #tpu.memory_space<vmem_shared>>)
    %barrier3A_85 = arith.constant 0 : index
    tpu.barrier barrier_id(%barrier3A_85)
    "tpu.region"() ({
      %run_scoped3A = tpu.sem_alloc : memref<!tpu.dma_semaphore, #tpu.memory_space<semaphore_mem>>
      %dma_start3A_86 = arith.constant 0 : i32
      %dma_start3A_87 = tpu.memref_slice %arg7[%arg0, %mul3A_2, %dma_start3A_86] : memref<2x10016x48xf32, #tpu.memory_space<hbm>> -> memref<1x626x48xf32, #tpu.memory_space<hbm>>
      %dma_start3A_88 = tpu.memref_squeeze %dma_start3A_87 : memref<1x626x48xf32, #tpu.memory_space<hbm>> -> memref<626x48xf32, #tpu.memory_space<hbm>>
      %dma_start3A_89 = arith.constant 0 : i32
      %dma_start3A_90 = tpu.memref_slice %arg17[%mul3A_2, %dma_start3A_89] : memref<10016x48xf32, #tpu.memory_space<vmem_shared>> -> memref<626x48xf32, #tpu.memory_space<vmem_shared>>
      tpu.enqueue_dma source(%dma_start3A_90 : memref<626x48xf32, #tpu.memory_space<vmem_shared>>) target(%dma_start3A_88 : memref<626x48xf32, #tpu.memory_space<hbm>>) target_semaphore(%run_scoped3A : memref<!tpu.dma_semaphore, #tpu.memory_space<semaphore_mem>>)
      %dma_wait3A_91 = arith.constant 0 : i32
      %dma_wait3A_92 = tpu.memref_slice %arg7[%arg0, %mul3A_2, %dma_wait3A_91] : memref<2x10016x48xf32, #tpu.memory_space<hbm>> -> memref<1x626x48xf32, #tpu.memory_space<hbm>>
      %dma_wait3A_93 = tpu.memref_squeeze %dma_wait3A_92 : memref<1x626x48xf32, #tpu.memory_space<hbm>> -> memref<626x48xf32, #tpu.memory_space<hbm>>
      %dma_wait3A_94 = arith.constant 0 : i32
      %dma_wait3A_95 = tpu.memref_slice %arg17[%mul3A_2, %dma_wait3A_94] : memref<10016x48xf32, #tpu.memory_space<vmem_shared>> -> memref<626x48xf32, #tpu.memory_space<vmem_shared>>
      tpu.wait_dma2 semaphore(%run_scoped3A : memref<!tpu.dma_semaphore, #tpu.memory_space<semaphore_mem>>) src(%dma_wait3A_95 : memref<626x48xf32, #tpu.memory_space<vmem_shared>>) dst(%dma_wait3A_93 : memref<626x48xf32, #tpu.memory_space<hbm>>)
      tpu.yield
    }) : () -> ()
    return
  }
}

module attributes {stable_mosaic.version = 14 : i64} {
  func.func @_tc1_body(%arg0: i32, %arg1: memref<10000x128xf32, #tpu.memory_space<vmem>>, %arg2: memref<128x128xf32, #tpu.memory_space<vmem>>, %arg3: memref<128x8xf32, #tpu.memory_space<vmem>>, %arg4: memref<128x8xf32, #tpu.memory_space<vmem>>, %arg5: memref<10000x144xf32, #tpu.memory_space<vmem>>, %arg6: memref<10008x16xf32, #tpu.memory_space<vmem>>, %arg7: memref<1x16xf32, #tpu.memory_space<vmem>>) attributes {dimension_semantics = [#tpu.dimension_semantics<arbitrary>], iteration_bounds = array<i64: 1>, scalar_prefetch = 0 : i64, scratch_operands = 0 : i64, tpu.core_type = #tpu.core_type<tc>, window_params = [{pipeline_mode = #tpu.pipeline_mode<synchronous>, transform_indices = @transform_0, window_bounds = array<i64: 10000, 128>}, {pipeline_mode = #tpu.pipeline_mode<synchronous>, transform_indices = @transform_1, window_bounds = array<i64: 128, 128>}, {pipeline_mode = #tpu.pipeline_mode<synchronous>, transform_indices = @transform_2, window_bounds = array<i64: 128, 8>}, {pipeline_mode = #tpu.pipeline_mode<synchronous>, transform_indices = @transform_3, window_bounds = array<i64: 128, 8>}, {pipeline_mode = #tpu.pipeline_mode<synchronous>, transform_indices = @transform_4, window_bounds = array<i64: 10000, 144>}, {pipeline_mode = #tpu.pipeline_mode<synchronous>, transform_indices = @transform_5, window_bounds = array<i64: 10008, 16>}, {pipeline_mode = #tpu.pipeline_mode<synchronous>, transform_indices = @transform_6, window_bounds = array<i64: 1, 16>}]} {
    %get3A = arith.constant 0 : index
    %get3A_0 = arith.constant 0 : index
    %get3A_1 = vector.load %arg1[%get3A, %get3A_0] : memref<10000x128xf32, #tpu.memory_space<vmem>>, vector<10000x128xf32>
    %get3A_2 = arith.constant 0 : index
    %get3A_3 = arith.constant 0 : index
    %get3A_4 = vector.load %arg2[%get3A_2, %get3A_3] : memref<128x128xf32, #tpu.memory_space<vmem>>, vector<128x128xf32>
    %dot_general3A = arith.constant dense<0.000000e+00> : vector<10000x128xf32>
    %dot_general3A_5 = tpu.matmul %get3A_1, %get3A_4, %dot_general3A {dimension_numbers = #tpu.dot_dimension_numbers<[1], [0], [0], [1], [0, 0, 1, 1], [], []>, transpose_lhs_hint = false} : vector<10000x128xf32>, vector<128x128xf32>, vector<10000x128xf32> -> vector<10000x128xf32>
    %get3A_6 = arith.constant 0 : index
    %get3A_7 = arith.constant 0 : index
    %get3A_8 = vector.load %arg3[%get3A_6, %get3A_7] : memref<128x8xf32, #tpu.memory_space<vmem>>, vector<128x8xf32>
    %dot_general3A_9 = arith.constant dense<0.000000e+00> : vector<10000x8xf32>
    %dot_general3A_10 = tpu.matmul %dot_general3A_5, %get3A_8, %dot_general3A_9 {dimension_numbers = #tpu.dot_dimension_numbers<[1], [0], [0], [1], [0, 0, 1, 1], [], []>, transpose_lhs_hint = false} : vector<10000x128xf32>, vector<128x8xf32>, vector<10000x8xf32> -> vector<10000x8xf32>
    %get3A_11 = arith.constant 0 : index
    %get3A_12 = arith.constant 0 : index
    %get3A_13 = vector.load %arg4[%get3A_11, %get3A_12] : memref<128x8xf32, #tpu.memory_space<vmem>>, vector<128x8xf32>
    %dot_general3A_14 = arith.constant dense<0.000000e+00> : vector<10000x8xf32>
    %dot_general3A_15 = tpu.matmul %dot_general3A_5, %get3A_13, %dot_general3A_14 {dimension_numbers = #tpu.dot_dimension_numbers<[1], [0], [0], [1], [0, 0, 1, 1], [], []>, transpose_lhs_hint = false} : vector<10000x128xf32>, vector<128x8xf32>, vector<10000x8xf32> -> vector<10000x8xf32>
    %broadcast_in_dim3A = arith.constant 0.000000e+00 : f32
    %broadcast_in_dim3A_16 = vector.broadcast %broadcast_in_dim3A : f32 to vector<10000x8xf32>
    %swap3A = arith.constant 0 : index
    %swap3A_17 = arith.constant 0 : index
    %swap3A_18 = vector.load %arg5[%swap3A, %swap3A_17] : memref<10000x144xf32, #tpu.memory_space<vmem>>, vector<10000x128xf32>
    tpu.vector_store %arg5[%swap3A, %swap3A_17], %dot_general3A_5 {strides = array<i32>} : memref<10000x144xf32, #tpu.memory_space<vmem>>, vector<10000x128xf32>,
    %swap3A_19 = arith.constant 0 : index
    %swap3A_20 = arith.constant 128 : index
    %swap3A_21 = vector.load %arg5[%swap3A_19, %swap3A_20] : memref<10000x144xf32, #tpu.memory_space<vmem>>, vector<10000x8xf32>
    tpu.vector_store %arg5[%swap3A_19, %swap3A_20], %dot_general3A_10 {strides = array<i32>} : memref<10000x144xf32, #tpu.memory_space<vmem>>, vector<10000x8xf32>,
    %swap3A_22 = arith.constant 0 : index
    %swap3A_23 = arith.constant 136 : index
    %swap3A_24 = vector.load %arg5[%swap3A_22, %swap3A_23] : memref<10000x144xf32, #tpu.memory_space<vmem>>, vector<10000x8xf32>
    tpu.vector_store %arg5[%swap3A_22, %swap3A_23], %broadcast_in_dim3A_16 {strides = array<i32>} : memref<10000x144xf32, #tpu.memory_space<vmem>>, vector<10000x8xf32>,
    %broadcast_in_dim3A_25 = arith.constant 0.000000e+00 : f32
    %broadcast_in_dim3A_26 = vector.broadcast %broadcast_in_dim3A_25 : f32 to vector<10008x16xf32>
    %swap3A_27 = arith.constant 0 : index
    %swap3A_28 = arith.constant 0 : index
    %swap3A_29 = vector.load %arg6[%swap3A_27, %swap3A_28] : memref<10008x16xf32, #tpu.memory_space<vmem>>, vector<10008x16xf32>
    tpu.vector_store %arg6[%swap3A_27, %swap3A_28], %broadcast_in_dim3A_26 {strides = array<i32>} : memref<10008x16xf32, #tpu.memory_space<vmem>>, vector<10008x16xf32>,
    %swap3A_30 = arith.constant 0 : index
    %swap3A_31 = arith.constant 0 : index
    %swap3A_32 = vector.load %arg6[%swap3A_30, %swap3A_31] : memref<10008x16xf32, #tpu.memory_space<vmem>>, vector<10000x8xf32>
    tpu.vector_store %arg6[%swap3A_30, %swap3A_31], %dot_general3A_15 {strides = array<i32>} : memref<10008x16xf32, #tpu.memory_space<vmem>>, vector<10000x8xf32>,
    %reduce_max3A = arith.constant dense<0xFF800000> : vector<8xf32>
    %reduce_max3A_33 = vector.multi_reduction <maximumf>, %dot_general3A_10, %reduce_max3A [0] : vector<10000x8xf32> to vector<8xf32>
    %broadcast_in_dim3A_34 = vector.shape_cast %reduce_max3A_33 : vector<8xf32> to vector<1x8xf32>
    %broadcast_in_dim3A_35 = arith.constant 0.000000e+00 : f32
    %broadcast_in_dim3A_36 = vector.broadcast %broadcast_in_dim3A_35 : f32 to vector<1x8xf32>
    %concatenate3A = tpu.concatenate %broadcast_in_dim3A_34, %broadcast_in_dim3A_36 in 1 : vector<1x8xf32>, vector<1x8xf32> -> vector<1x16xf32>
    %swap3A_37 = arith.constant 0 : index
    %swap3A_38 = arith.constant 0 : index
    %swap3A_39 = vector.load %arg7[%swap3A_37, %swap3A_38] : memref<1x16xf32, #tpu.memory_space<vmem>>, vector<1x16xf32>
    tpu.vector_store %arg7[%swap3A_37, %swap3A_38], %concatenate3A {strides = array<i32>} : memref<1x16xf32, #tpu.memory_space<vmem>>, vector<1x16xf32>,
    return
  }
  func.func @transform_0(%arg0: i32) -> (i32, i32) {
    %c0_i32 = arith.constant 0 : i32
    %c0_i32_0 = arith.constant 0 : i32
    %c0_i32_1 = arith.constant 0 : i32
    return %c0_i32, %c0_i32_0 : i32, i32
  }
  func.func @transform_1(%arg0: i32) -> (i32, i32) {
    %c0_i32 = arith.constant 0 : i32
    %c0_i32_0 = arith.constant 0 : i32
    %c0_i32_1 = arith.constant 0 : i32
    return %c0_i32, %c0_i32_0 : i32, i32
  }
  func.func @transform_2(%arg0: i32) -> (i32, i32) {
    %c0_i32 = arith.constant 0 : i32
    %c0_i32_0 = arith.constant 0 : i32
    %c0_i32_1 = arith.constant 0 : i32
    return %c0_i32, %c0_i32_0 : i32, i32
  }
  func.func @transform_3(%arg0: i32) -> (i32, i32) {
    %c0_i32 = arith.constant 0 : i32
    %c0_i32_0 = arith.constant 0 : i32
    %c0_i32_1 = arith.constant 0 : i32
    return %c0_i32, %c0_i32_0 : i32, i32
  }
  func.func @transform_4(%arg0: i32) -> (i32, i32) {
    %c0_i32 = arith.constant 0 : i32
    %c0_i32_0 = arith.constant 0 : i32
    %c0_i32_1 = arith.constant 0 : i32
    return %c0_i32, %c0_i32_0 : i32, i32
  }
  func.func @transform_5(%arg0: i32) -> (i32, i32) {
    %c0_i32 = arith.constant 0 : i32
    %c0_i32_0 = arith.constant 0 : i32
    %c0_i32_1 = arith.constant 0 : i32
    return %c0_i32, %c0_i32_0 : i32, i32
  }
  func.func @transform_6(%arg0: i32) -> (i32, i32) {
    %c0_i32 = arith.constant 0 : i32
    %c0_i32_0 = arith.constant 0 : i32
    %c0_i32_1 = arith.constant 0 : i32
    return %c0_i32, %c0_i32_0 : i32, i32
  }
}

module attributes {stable_mosaic.version = 14 : i64} {
  func.func @_tc2_body(%arg0: i32, %arg1: memref<2x10016x144xf32, #tpu.memory_space<vmem>>, %arg2: memref<1x128xf32, #tpu.memory_space<vmem>>, %arg3: memref<128x32xf32, #tpu.memory_space<vmem>>, %arg4: memref<8x128xf32, #tpu.memory_space<vmem>>, %arg5: memref<32x16xf32, #tpu.memory_space<vmem>>, %arg6: memref<32x16xf32, #tpu.memory_space<vmem>>, %arg7: memref<10000x48xf32, #tpu.memory_space<vmem>>, %arg8: memref<10008x16xf32, #tpu.memory_space<vmem>>, %arg9: memref<1x16xf32, #tpu.memory_space<vmem>>) attributes {dimension_semantics = [#tpu.dimension_semantics<arbitrary>], iteration_bounds = array<i64: 1>, scalar_prefetch = 0 : i64, scratch_operands = 0 : i64, tpu.core_type = #tpu.core_type<tc>, window_params = [{pipeline_mode = #tpu.pipeline_mode<synchronous>, transform_indices = @transform_0, window_bounds = array<i64: 2, 10016, 144>}, {pipeline_mode = #tpu.pipeline_mode<synchronous>, transform_indices = @transform_1, window_bounds = array<i64: 1, 128>}, {pipeline_mode = #tpu.pipeline_mode<synchronous>, transform_indices = @transform_2, window_bounds = array<i64: 128, 32>}, {pipeline_mode = #tpu.pipeline_mode<synchronous>, transform_indices = @transform_3, window_bounds = array<i64: 8, 128>}, {pipeline_mode = #tpu.pipeline_mode<synchronous>, transform_indices = @transform_4, window_bounds = array<i64: 32, 16>}, {pipeline_mode = #tpu.pipeline_mode<synchronous>, transform_indices = @transform_5, window_bounds = array<i64: 32, 16>}, {pipeline_mode = #tpu.pipeline_mode<synchronous>, transform_indices = @transform_6, window_bounds = array<i64: 10000, 48>}, {pipeline_mode = #tpu.pipeline_mode<synchronous>, transform_indices = @transform_7, window_bounds = array<i64: 10008, 16>}, {pipeline_mode = #tpu.pipeline_mode<synchronous>, transform_indices = @transform_8, window_bounds = array<i64: 1, 16>}]} {
    %get3A = arith.constant 0 : index
    %get3A_0 = arith.constant 0 : index
    %get3A_1 = arith.constant 0 : index
    %get3A_2 = vector.load %arg1[%get3A, %get3A_0, %get3A_1] : memref<2x10016x144xf32, #tpu.memory_space<vmem>>, vector<1x10000x144xf32>
    %get3A_3 = vector.shape_cast %get3A_2 : vector<1x10000x144xf32> to vector<10000x144xf32>
    %get3A_4 = arith.constant 1 : index
    %get3A_5 = arith.constant 0 : index
    %get3A_6 = arith.constant 0 : index
    %get3A_7 = vector.load %arg1[%get3A_4, %get3A_5, %get3A_6] : memref<2x10016x144xf32, #tpu.memory_space<vmem>>, vector<1x10000x144xf32>
    %get3A_8 = vector.shape_cast %get3A_7 : vector<1x10000x144xf32> to vector<10000x144xf32>
    %slice3A = vector.extract_strided_slice %get3A_3 {offsets = [0, 0], sizes = [10000, 128], strides = [1, 1]} : vector<10000x144xf32> to vector<10000x128xf32>
    %slice3A_9 = vector.extract_strided_slice %get3A_8 {offsets = [0, 0], sizes = [10000, 128], strides = [1, 1]} : vector<10000x144xf32> to vector<10000x128xf32>
    %add3A = arith.addf %slice3A, %slice3A_9 : vector<10000x128xf32>
    %slice3A_10 = vector.extract_strided_slice %get3A_3 {offsets = [0, 128], sizes = [10000, 8], strides = [1, 1]} : vector<10000x144xf32> to vector<10000x8xf32>
    %slice3A_11 = vector.extract_strided_slice %get3A_8 {offsets = [0, 128], sizes = [10000, 8], strides = [1, 1]} : vector<10000x144xf32> to vector<10000x8xf32>
    %add3A_12 = arith.addf %slice3A_10, %slice3A_11 : vector<10000x8xf32>
    %get3A_13 = arith.constant 0 : index
    %get3A_14 = arith.constant 0 : index
    %get3A_15 = vector.load %arg4[%get3A_13, %get3A_14] : memref<8x128xf32, #tpu.memory_space<vmem>>, vector<8x128xf32>
    %dot_general3A = arith.constant dense<0.000000e+00> : vector<10000x128xf32>
    %dot_general3A_16 = tpu.matmul %add3A_12, %get3A_15, %dot_general3A {dimension_numbers = #tpu.dot_dimension_numbers<[1], [0], [0], [1], [0, 0, 1, 1], [], []>, transpose_lhs_hint = false} : vector<10000x8xf32>, vector<8x128xf32>, vector<10000x128xf32> -> vector<10000x128xf32>
    %add3A_17 = arith.constant 1.000000e-16 : f32
    %add3A_18 = vector.broadcast %add3A_17 : f32 to vector<10000x128xf32>
    %add3A_19 = arith.addf %dot_general3A_16, %add3A_18 : vector<10000x128xf32>
    %div3A = arith.divf %add3A, %add3A_19 : vector<10000x128xf32>
    %get3A_20 = arith.constant 0 : index
    %get3A_21 = arith.constant 0 : index
    %get3A_22 = vector.load %arg2[%get3A_20, %get3A_21] : memref<1x128xf32, #tpu.memory_space<vmem>>, vector<1x128xf32>
    %add3A_23 = vector.broadcast %get3A_22 : vector<1x128xf32> to vector<10000x128xf32>
    %add3A_24 = arith.addf %div3A, %add3A_23 : vector<10000x128xf32>
    %gt3A = arith.constant 0.000000e+00 : f32
    %gt3A_25 = vector.broadcast %gt3A : f32 to vector<10000x128xf32>
    %gt3A_26 = arith.cmpf ogt, %add3A_24, %gt3A_25 : vector<10000x128xf32>
    %min3A = arith.constant 0.000000e+00 : f32
    %min3A_27 = vector.broadcast %min3A : f32 to vector<10000x128xf32>
    %min3A_28 = arith.minimumf %add3A_24, %min3A_27 : vector<10000x128xf32>
    %exp3A = math.exp %min3A_28 : vector<10000x128xf32>
    %sub3A = arith.constant 1.000000e+00 : f32
    %sub3A_29 = vector.broadcast %sub3A : f32 to vector<10000x128xf32>
    %sub3A_30 = arith.subf %exp3A, %sub3A_29 : vector<10000x128xf32>
    %select_n3A = arith.select %gt3A_26, %add3A_24, %sub3A_30 : vector<10000x128xi1>, vector<10000x128xf32>
    %get3A_31 = arith.constant 0 : index
    %get3A_32 = arith.constant 0 : index
    %get3A_33 = vector.load %arg3[%get3A_31, %get3A_32] : memref<128x32xf32, #tpu.memory_space<vmem>>, vector<128x32xf32>
    %dot_general3A_34 = arith.constant dense<0.000000e+00> : vector<10000x32xf32>
    %dot_general3A_35 = tpu.matmul %select_n3A, %get3A_33, %dot_general3A_34 {dimension_numbers = #tpu.dot_dimension_numbers<[1], [0], [0], [1], [0, 0, 1, 1], [], []>, transpose_lhs_hint = false} : vector<10000x128xf32>, vector<128x32xf32>, vector<10000x32xf32> -> vector<10000x32xf32>
    %get3A_36 = arith.constant 0 : index
    %get3A_37 = arith.constant 0 : index
    %get3A_38 = vector.load %arg5[%get3A_36, %get3A_37] : memref<32x16xf32, #tpu.memory_space<vmem>>, vector<32x16xf32>
    %dot_general3A_39 = arith.constant dense<0.000000e+00> : vector<10000x16xf32>
    %dot_general3A_40 = tpu.matmul %dot_general3A_35, %get3A_38, %dot_general3A_39 {dimension_numbers = #tpu.dot_dimension_numbers<[1], [0], [0], [1], [0, 0, 1, 1], [], []>, transpose_lhs_hint = false} : vector<10000x32xf32>, vector<32x16xf32>, vector<10000x16xf32> -> vector<10000x16xf32>
    %get3A_41 = arith.constant 0 : index
    %get3A_42 = arith.constant 0 : index
    %get3A_43 = vector.load %arg6[%get3A_41, %get3A_42] : memref<32x16xf32, #tpu.memory_space<vmem>>, vector<32x16xf32>
    %dot_general3A_44 = arith.constant dense<0.000000e+00> : vector<10000x16xf32>
    %dot_general3A_45 = tpu.matmul %dot_general3A_35, %get3A_43, %dot_general3A_44 {dimension_numbers = #tpu.dot_dimension_numbers<[1], [0], [0], [1], [0, 0, 1, 1], [], []>, transpose_lhs_hint = false} : vector<10000x32xf32>, vector<32x16xf32>, vector<10000x16xf32> -> vector<10000x16xf32>
    %swap3A = arith.constant 0 : index
    %swap3A_46 = arith.constant 0 : index
    %swap3A_47 = vector.load %arg7[%swap3A, %swap3A_46] : memref<10000x48xf32, #tpu.memory_space<vmem>>, vector<10000x32xf32>
    tpu.vector_store %arg7[%swap3A, %swap3A_46], %dot_general3A_35 {strides = array<i32>} : memref<10000x48xf32, #tpu.memory_space<vmem>>, vector<10000x32xf32>,
    %swap3A_48 = arith.constant 0 : index
    %swap3A_49 = arith.constant 32 : index
    %swap3A_50 = vector.load %arg7[%swap3A_48, %swap3A_49] : memref<10000x48xf32, #tpu.memory_space<vmem>>, vector<10000x16xf32>
    tpu.vector_store %arg7[%swap3A_48, %swap3A_49], %dot_general3A_40 {strides = array<i32>} : memref<10000x48xf32, #tpu.memory_space<vmem>>, vector<10000x16xf32>,
    %broadcast_in_dim3A = arith.constant 0.000000e+00 : f32
    %broadcast_in_dim3A_51 = vector.broadcast %broadcast_in_dim3A : f32 to vector<10008x16xf32>
    %swap3A_52 = arith.constant 0 : index
    %swap3A_53 = arith.constant 0 : index
    %swap3A_54 = vector.load %arg8[%swap3A_52, %swap3A_53] : memref<10008x16xf32, #tpu.memory_space<vmem>>, vector<10008x16xf32>
    tpu.vector_store %arg8[%swap3A_52, %swap3A_53], %broadcast_in_dim3A_51 {strides = array<i32>} : memref<10008x16xf32, #tpu.memory_space<vmem>>, vector<10008x16xf32>,
    %swap3A_55 = arith.constant 0 : index
    %swap3A_56 = arith.constant 0 : index
    %swap3A_57 = vector.load %arg8[%swap3A_55, %swap3A_56] : memref<10008x16xf32, #tpu.memory_space<vmem>>, vector<10000x16xf32>
    tpu.vector_store %arg8[%swap3A_55, %swap3A_56], %dot_general3A_45 {strides = array<i32>} : memref<10008x16xf32, #tpu.memory_space<vmem>>, vector<10000x16xf32>,
    %reduce_max3A = arith.constant dense<0xFF800000> : vector<16xf32>
    %reduce_max3A_58 = vector.multi_reduction <maximumf>, %dot_general3A_40, %reduce_max3A [0] : vector<10000x16xf32> to vector<16xf32>
    %broadcast_in_dim3A_59 = vector.shape_cast %reduce_max3A_58 : vector<16xf32> to vector<1x16xf32>
    %swap3A_60 = arith.constant 0 : index
    %swap3A_61 = arith.constant 0 : index
    %swap3A_62 = vector.load %arg9[%swap3A_60, %swap3A_61] : memref<1x16xf32, #tpu.memory_space<vmem>>, vector<1x16xf32>
    tpu.vector_store %arg9[%swap3A_60, %swap3A_61], %broadcast_in_dim3A_59 {strides = array<i32>} : memref<1x16xf32, #tpu.memory_space<vmem>>, vector<1x16xf32>,
    return
  }
  func.func @transform_0(%arg0: i32) -> (i32, i32, i32) {
    %c0_i32 = arith.constant 0 : i32
    %c0_i32_0 = arith.constant 0 : i32
    %c0_i32_1 = arith.constant 0 : i32
    %c0_i32_2 = arith.constant 0 : i32
    return %c0_i32, %c0_i32_0, %c0_i32_1 : i32, i32, i32
  }
  func.func @transform_1(%arg0: i32) -> (i32, i32) {
    %c0_i32 = arith.constant 0 : i32
    %c0_i32_0 = arith.constant 0 : i32
    %c0_i32_1 = arith.constant 0 : i32
    return %c0_i32, %c0_i32_0 : i32, i32
  }
  func.func @transform_2(%arg0: i32) -> (i32, i32) {
    %c0_i32 = arith.constant 0 : i32
    %c0_i32_0 = arith.constant 0 : i32
    %c0_i32_1 = arith.constant 0 : i32
    return %c0_i32, %c0_i32_0 : i32, i32
  }
  func.func @transform_3(%arg0: i32) -> (i32, i32) {
    %c0_i32 = arith.constant 0 : i32
    %c0_i32_0 = arith.constant 0 : i32
    %c0_i32_1 = arith.constant 0 : i32
    return %c0_i32, %c0_i32_0 : i32, i32
  }
  func.func @transform_4(%arg0: i32) -> (i32, i32) {
    %c0_i32 = arith.constant 0 : i32
    %c0_i32_0 = arith.constant 0 : i32
    %c0_i32_1 = arith.constant 0 : i32
    return %c0_i32, %c0_i32_0 : i32, i32
  }
  func.func @transform_5(%arg0: i32) -> (i32, i32) {
    %c0_i32 = arith.constant 0 : i32
    %c0_i32_0 = arith.constant 0 : i32
    %c0_i32_1 = arith.constant 0 : i32
    return %c0_i32, %c0_i32_0 : i32, i32
  }
  func.func @transform_6(%arg0: i32) -> (i32, i32) {
    %c0_i32 = arith.constant 0 : i32
    %c0_i32_0 = arith.constant 0 : i32
    %c0_i32_1 = arith.constant 0 : i32
    return %c0_i32, %c0_i32_0 : i32, i32
  }
  func.func @transform_7(%arg0: i32) -> (i32, i32) {
    %c0_i32 = arith.constant 0 : i32
    %c0_i32_0 = arith.constant 0 : i32
    %c0_i32_1 = arith.constant 0 : i32
    return %c0_i32, %c0_i32_0 : i32, i32
  }
  func.func @transform_8(%arg0: i32) -> (i32, i32) {
    %c0_i32 = arith.constant 0 : i32
    %c0_i32_0 = arith.constant 0 : i32
    %c0_i32_1 = arith.constant 0 : i32
    return %c0_i32, %c0_i32_0 : i32, i32
  }
}

module attributes {stable_mosaic.version = 14 : i64} {
  func.func @_tc3_body(%arg0: i32, %arg1: memref<2x10016x48xf32, #tpu.memory_space<vmem>>, %arg2: memref<1x32xf32, #tpu.memory_space<vmem>>, %arg3: memref<32x1xf32, #tpu.memory_space<vmem>>, %arg4: memref<1x1xf32, #tpu.memory_space<vmem>>, %arg5: memref<10000x1xf32, #tpu.memory_space<vmem>>) attributes {dimension_semantics = [#tpu.dimension_semantics<arbitrary>], iteration_bounds = array<i64: 1>, scalar_prefetch = 0 : i64, scratch_operands = 0 : i64, tpu.core_type = #tpu.core_type<tc>, window_params = [{pipeline_mode = #tpu.pipeline_mode<synchronous>, transform_indices = @transform_0, window_bounds = array<i64: 2, 10016, 48>}, {pipeline_mode = #tpu.pipeline_mode<synchronous>, transform_indices = @transform_1, window_bounds = array<i64: 1, 32>}, {pipeline_mode = #tpu.pipeline_mode<synchronous>, transform_indices = @transform_2, window_bounds = array<i64: 32, 1>}, {pipeline_mode = #tpu.pipeline_mode<synchronous>, transform_indices = @transform_3, window_bounds = array<i64: 1, 1>}, {pipeline_mode = #tpu.pipeline_mode<synchronous>, transform_indices = @transform_4, window_bounds = array<i64: 10000, 1>}]} {
    %get3A = arith.constant 0 : index
    %get3A_0 = arith.constant 0 : index
    %get3A_1 = arith.constant 0 : index
    %get3A_2 = vector.load %arg1[%get3A, %get3A_0, %get3A_1] : memref<2x10016x48xf32, #tpu.memory_space<vmem>>, vector<1x10000x48xf32>
    %get3A_3 = vector.shape_cast %get3A_2 : vector<1x10000x48xf32> to vector<10000x48xf32>
    %get3A_4 = arith.constant 1 : index
    %get3A_5 = arith.constant 0 : index
    %get3A_6 = arith.constant 0 : index
    %get3A_7 = vector.load %arg1[%get3A_4, %get3A_5, %get3A_6] : memref<2x10016x48xf32, #tpu.memory_space<vmem>>, vector<1x10000x48xf32>
    %get3A_8 = vector.shape_cast %get3A_7 : vector<1x10000x48xf32> to vector<10000x48xf32>
    %slice3A = vector.extract_strided_slice %get3A_3 {offsets = [0, 0], sizes = [10000, 32], strides = [1, 1]} : vector<10000x48xf32> to vector<10000x32xf32>
    %slice3A_9 = vector.extract_strided_slice %get3A_8 {offsets = [0, 0], sizes = [10000, 32], strides = [1, 1]} : vector<10000x48xf32> to vector<10000x32xf32>
    %add3A = arith.addf %slice3A, %slice3A_9 : vector<10000x32xf32>
    %slice3A_10 = vector.extract_strided_slice %get3A_3 {offsets = [0, 32], sizes = [10000, 1], strides = [1, 1]} : vector<10000x48xf32> to vector<10000x1xf32>
    %slice3A_11 = vector.extract_strided_slice %get3A_8 {offsets = [0, 32], sizes = [10000, 1], strides = [1, 1]} : vector<10000x48xf32> to vector<10000x1xf32>
    %add3A_12 = arith.addf %slice3A_10, %slice3A_11 : vector<10000x1xf32>
    %add3A_13 = arith.constant 1.000000e-16 : f32
    %add3A_14 = vector.broadcast %add3A_13 : f32 to vector<10000x1xf32>
    %add3A_15 = arith.addf %add3A_12, %add3A_14 : vector<10000x1xf32>
    %div3A = vector.broadcast %add3A_15 : vector<10000x1xf32> to vector<10000x32xf32>
    %div3A_16 = arith.divf %add3A, %div3A : vector<10000x32xf32>
    %get3A_17 = arith.constant 0 : index
    %get3A_18 = arith.constant 0 : index
    %get3A_19 = vector.load %arg2[%get3A_17, %get3A_18] : memref<1x32xf32, #tpu.memory_space<vmem>>, vector<1x32xf32>
    %add3A_20 = vector.broadcast %get3A_19 : vector<1x32xf32> to vector<10000x32xf32>
    %add3A_21 = arith.addf %div3A_16, %add3A_20 : vector<10000x32xf32>
    %gt3A = arith.constant 0.000000e+00 : f32
    %gt3A_22 = vector.broadcast %gt3A : f32 to vector<10000x32xf32>
    %gt3A_23 = arith.cmpf ogt, %add3A_21, %gt3A_22 : vector<10000x32xf32>
    %min3A = arith.constant 0.000000e+00 : f32
    %min3A_24 = vector.broadcast %min3A : f32 to vector<10000x32xf32>
    %min3A_25 = arith.minimumf %add3A_21, %min3A_24 : vector<10000x32xf32>
    %exp3A = math.exp %min3A_25 : vector<10000x32xf32>
    %sub3A = arith.constant 1.000000e+00 : f32
    %sub3A_26 = vector.broadcast %sub3A : f32 to vector<10000x32xf32>
    %sub3A_27 = arith.subf %exp3A, %sub3A_26 : vector<10000x32xf32>
    %select_n3A = arith.select %gt3A_23, %add3A_21, %sub3A_27 : vector<10000x32xi1>, vector<10000x32xf32>
    %get3A_28 = arith.constant 0 : index
    %get3A_29 = arith.constant 0 : index
    %get3A_30 = vector.load %arg3[%get3A_28, %get3A_29] : memref<32x1xf32, #tpu.memory_space<vmem>>, vector<32x1xf32>
    %dot_general3A = arith.constant dense<0.000000e+00> : vector<10000x1xf32>
    %dot_general3A_31 = tpu.matmul %select_n3A, %get3A_30, %dot_general3A {dimension_numbers = #tpu.dot_dimension_numbers<[1], [0], [0], [1], [0, 0, 1, 1], [], []>, transpose_lhs_hint = false} : vector<10000x32xf32>, vector<32x1xf32>, vector<10000x1xf32> -> vector<10000x1xf32>
    %get3A_32 = arith.constant 0 : index
    %get3A_33 = arith.constant 0 : index
    %get3A_34 = vector.load %arg4[%get3A_32, %get3A_33] : memref<1x1xf32, #tpu.memory_space<vmem>>, vector<1x1xf32>
    %add3A_35 = vector.broadcast %get3A_34 : vector<1x1xf32> to vector<10000x1xf32>
    %add3A_36 = arith.addf %dot_general3A_31, %add3A_35 : vector<10000x1xf32>
    %swap3A = arith.constant 0 : index
    %swap3A_37 = arith.constant 0 : index
    %swap3A_38 = vector.load %arg5[%swap3A, %swap3A_37] : memref<10000x1xf32, #tpu.memory_space<vmem>>, vector<10000x1xf32>
    tpu.vector_store %arg5[%swap3A, %swap3A_37], %add3A_36 {strides = array<i32>} : memref<10000x1xf32, #tpu.memory_space<vmem>>, vector<10000x1xf32>,
    return
  }
  func.func @transform_0(%arg0: i32) -> (i32, i32, i32) {
    %c0_i32 = arith.constant 0 : i32
    %c0_i32_0 = arith.constant 0 : i32
    %c0_i32_1 = arith.constant 0 : i32
    %c0_i32_2 = arith.constant 0 : i32
    return %c0_i32, %c0_i32_0, %c0_i32_1 : i32, i32, i32
  }
  func.func @transform_1(%arg0: i32) -> (i32, i32) {
    %c0_i32 = arith.constant 0 : i32
    %c0_i32_0 = arith.constant 0 : i32
    %c0_i32_1 = arith.constant 0 : i32
    return %c0_i32, %c0_i32_0 : i32, i32
  }
  func.func @transform_2(%arg0: i32) -> (i32, i32) {
    %c0_i32 = arith.constant 0 : i32
    %c0_i32_0 = arith.constant 0 : i32
    %c0_i32_1 = arith.constant 0 : i32
    return %c0_i32, %c0_i32_0 : i32, i32
  }
  func.func @transform_3(%arg0: i32) -> (i32, i32) {
    %c0_i32 = arith.constant 0 : i32
    %c0_i32_0 = arith.constant 0 : i32
    %c0_i32_1 = arith.constant 0 : i32
    return %c0_i32, %c0_i32_0 : i32, i32
  }
  func.func @transform_4(%arg0: i32) -> (i32, i32) {
    %c0_i32 = arith.constant 0 : i32
    %c0_i32_0 = arith.constant 0 : i32
    %c0_i32_1 = arith.constant 0 : i32
    return %c0_i32, %c0_i32_0 : i32, i32
  }
}

</mosaic_0001>

<sc_bundles>
// kernel: kernel.10.cloned.1.call-start
scs
__scs_entry_jumppad:
0x0: {  	(pc) =	sbr.rel $0x88, $3  }
0x1: {  	(tag) =	ssettag $0x0;
	lr =	simm.s32 $0x1  }
0x2: {  	[smem:$0x3F95] =	sst lr;
	_ =	strace $0xD0000000  }
0x3: {  	_ = 	snop  }
0x4: {  	_ = 	snop  }
0x5: {  	_ = 	snop  }
0x6: {  	_ = 	snop  }
0x7: {  	_ = 	snop  }
__scs_overlays_trampoline_lowered:
0x8: {  	[smem:$0x3FA4] =	sst s0  }
0x9: {  	[smem:$0x3FA5] =	sst s1  }
0xa: {  	[smem:$0x3FA6] =	sst s2  }
0xb: {  	[smem:$0x3FA7] =	sst s3  }
0xc: {  	[smem:$0x3FA8] =	sst s4  }
0xd: {  	[smem:$0x3FA9] =	sst s5  }
0xe: {  	[smem:$0x3FAA] =	sst s6  }
0xf: {  	[smem:$0x3FAB] =	sst s7  }
0x10: {  	[smem:$0x3FAC] =	sst s8  }
0x11: {  	[smem:$0x3FAD] =	sst s9;
	s0 =	simm.s32 @!p0 $0x0  }
0x12: {  	s1 =	sld [smem:$0x3F93];
	s0 =	simm.s32 @p0 $0x1  }
0x13: {  	[smem:$0x3FAE] =	sst s0;
	s0 =	simm.s32 @!p1 $0x0  }
0x14: {  	s2 =	sld [smem:$0x3F92];
	s0 =	simm.s32 @p1 $0x1  }
0x15: {  	[smem:$0x3FAF] =	sst s0;
	s0 =	simm.s32 @!p2 $0x0  }
0x16: {  	s3 =	sld [smem:$0x3FDB];
	s0 =	simm.s32 @p2 $0x1  }
0x17: {  	s4 =	simm.s32 $0x1BF5;
	[smem:$0x3FB1] =	sst s0  }
0x18: {  	s0 =	sld [smem:$0x3F94];
	_ =	swait.ge [sflag:s4], $0x0  }
0x19: {  	s7 =	sld [smem:$0x3F95]  }
0x1a: {  	s8 =	sadd.s32 $0xFFFFE003, lr  }
0x1b: {  	s9 =	sadd.s32 $0xFFFFFEF7, lr;
	s5 =	simm.s32 $0xFFFFFFFF;
	p2 =	slt.u32 s8, $0xFFFFF086  }
0x1c: {  	p1 =	slt.u32 s9, $0xF7A;
	s5 =	simm.s32 @!p2 $0x0  }
0x1d: {  	s5 =	simm.s32 @p1 $0x1;
	p0 =	seq.s32 s7, s2  }
0x1e: {  	s7 =	smul.u32 @!p0 $0xF7A, s2;
	p2 =	seq.s32 @!p0 s5, $0x0  }
0x1f: {  	s9 =	smul.u32 $0xF7A, s1;
	s8 =	simm.s32 @!p0 $0x1BF5;
	p2 =	por !p2, p0  }
0x20: {  	[sflag:s8] =	ssyncset.s32 @!p0 $0xFFFFF086;
	s6 =	sadd.s32 @!p0 s3, s7;
	s7 =	simm.s32 @!p0 $0x108  }
0x21: {  	s3 =	sadd.s32 s3, s9;
	s6 =	sadd.s32 @!p0 $0x88, s6;
	s7 =	simm.s32 @p2 $0x1082  }
0x22: {  	[simem:s7], [sflag:s8] =	dma.local @!p0 [hbm:s6], $0xF7A  }
0x23: {  	s9 =	sor.u32 $0xD0000000, s2;
	s6 =	simm.s32 $0x108;
	_ =	swait.ge @!p0 [sflag:s8], $0x0  }
0x24: {  	s3 =	sadd.s32 $0x88, s3;
	s6 =	simm.s32 @!p1 $0x1082;
	[sflag:s4] =	ssyncset.s32 $0xFFFFF086  }
0x25: {  	[simem:s6], [sflag:s4] =	dma.local [hbm:s3], $0xF7A  }
0x26: {  	[smem:$0x3F95] =	sst s1;
	(tag) =	ssettag s2;
	_ =	strace s9  }
0x27: {  	s1 =	sld [smem:$0x3FA5]  }
0x28: {  	s2 =	sld [smem:$0x3FA6]  }
0x29: {  	s4 =	sld [smem:$0x3FA8]  }
0x2a: {  	p0 =	seq.s32 s5, $0x0;
	s5 =	sld [smem:$0x3FA9]  }
0x2b: {  	s6 =	sld [smem:$0x3FAA]  }
0x2c: {  	s7 =	sld [smem:$0x3FAB]  }
0x2d: {  	s3 =	simm.s32 $0x108;
	s8 =	sld [smem:$0x3FAC]  }
0x2e: {  	s3 =	simm.s32 @!p0 $0x1082;
	s9 =	sld [smem:$0x3FAD]  }
0x2f: {  	lr =	sadd.s32 s0, s3;
	s0 =	sld [smem:$0x3FA4]  }
0x30: {  	s3 =	sld [smem:$0x3FA7]  }
0x31: {  	[smem:$0x3FB0] =	sst s10  }
0x32: {  	s10 =	sld [smem:$0x3FAE];
	_ =	sdelay $0x3  }
0x33: {  	p0 =	seq.s32 s10, $0x1;
	s10 =	sld [smem:$0x3FB0];
	_ =	sdelay $0x3  }
0x34: {  	[smem:$0x3FB0] =	sst s10  }
0x35: {  	s10 =	sld [smem:$0x3FAF];
	_ =	sdelay $0x3  }
0x36: {  	p1 =	seq.s32 s10, $0x1;
	s10 =	sld [smem:$0x3FB0];
	_ =	sdelay $0x3  }
0x37: {  	[smem:$0x3FB0] =	sst s10  }
0x38: {  	s10 =	sld [smem:$0x3FB1]  }
0x39: {  	_ = 	snop;
	(pc) =	sbr.ind lr, $3  }
0x3a: {  	_ = 	snop  }
0x3b: {  	_ = 	snop  }
0x3c: {  	p2 =	seq.s32 s10, $0x1;
	s10 =	sld [smem:$0x3FB0]  }
0x3d: {  	_ =	shalt  }
0x3e: {  	_ =	shalt  }
0x3f: {  	_ =	shalt  }
0x40: {  	_ =	shalt  }
0x41: {  	_ =	shalt  }
0x42: {  	_ =	shalt  }
0x43: {  	_ =	shalt  }
0x44: {  	_ =	shalt  }
0x45: {  	_ =	shalt  }
0x46: {  	_ =	shalt  }
0x47: {  	_ =	shalt  }
0x48: {  	_ =	shalt  }
0x49: {  	_ =	shalt  }
0x4a: {  	_ =	shalt  }
0x4b: {  	_ =	shalt  }
0x4c: {  	_ =	shalt  }
0x4d: {  	_ =	shalt  }
0x4e: {  	_ =	shalt  }
0x4f: {  	_ =	shalt  }
0x50: {  	_ =	shalt  }
0x51: {  	_ =	shalt  }
0x52: {  	_ =	shalt  }
0x53: {  	_ =	shalt  }
0x54: {  	_ =	shalt  }
0x55: {  	_ =	shalt  }
0x56: {  	_ =	shalt  }
0x57: {  	_ =	shalt  }
0x58: {  	_ =	shalt  }
0x59: {  	_ =	shalt  }
0x5a: {  	_ =	shalt  }
0x5b: {  	_ =	shalt  }
0x5c: {  	_ =	shalt  }
0x5d: {  	_ =	shalt  }
0x5e: {  	_ =	shalt  }
0x5f: {  	_ =	shalt  }
0x60: {  	_ =	shalt  }
0x61: {  	_ =	shalt  }
0x62: {  	_ =	shalt  }
0x63: {  	_ =	shalt  }
0x64: {  	_ =	shalt  }
0x65: {  	_ =	shalt  }
0x66: {  	_ =	shalt  }
0x67: {  	_ =	shalt  }
0x68: {  	_ =	shalt  }
0x69: {  	_ =	shalt  }
0x6a: {  	_ =	shalt  }
0x6b: {  	_ =	shalt  }
0x6c: {  	_ =	shalt  }
0x6d: {  	_ =	shalt  }
0x6e: {  	_ =	shalt  }
0x6f: {  	_ =	shalt  }
0x70: {  	_ =	shalt  }
0x71: {  	_ =	shalt  }
0x72: {  	_ =	shalt  }
0x73: {  	_ =	shalt  }
0x74: {  	_ =	shalt  }
0x75: {  	_ =	shalt  }
0x76: {  	_ =	shalt  }
0x77: {  	_ =	shalt  }
0x78: {  	_ =	shalt  }
0x79: {  	_ =	shalt  }
0x7a: {  	_ =	shalt  }
0x7b: {  	_ =	shalt  }
0x7c: {  	_ =	shalt  }
0x7d: {  	_ =	shalt  }
0x7e: {  	_ =	shalt  }
0x7f: {  	_ =	shalt  }
0x80: {  	_ =	shalt  }
0x81: {  	_ =	shalt  }
0x82: {  	_ =	shalt  }
0x83: {  	_ =	shalt  }
0x84: {  	_ =	shalt  }
0x85: {  	_ =	shalt  }
0x86: {  	_ =	shalt  }
0x87: {  	_ =	shalt  }
.Lfunc_end0:
.L_simem_size_0:
called_computation.1_lowered:
.L_overlay_start_0:
0x88: {  	s2 =	sld [smem:$0x3FD9]  }
0x89: {  	s3 =	sld [smem:$0x3FFE];
	_ =	sdelay $0x1  }
0x8a: {  	s1 =	srdreg.scid  }
0x8b: {  	s0 =	sand.u32 $0x1, s1  }
0x8c: {  	s17 =	sshll.u32 s0, $0xA;
	s2 =	sadd.s32 s3, s2  }
0x8d: {  	s2 =	sadd.s32 s2, s17  }
0x8e: {  	[smem:$0x3FBC] =	sst s2  }
0x8f: {  	_ = 	snop  }
0x90: {  	s2 =	sld [smem:$0x3FD0];
	(tm) =	ssettm $0x1  }
0x91: {  	s18 =	sld [smem:$0x3FFB];
	_ =	sdelay $0x3  }
0x92: {  	_ =	strace s18  }
0x93: {  	s3 =	sld [smem:$0x3FFC];
	_ =	sdelay $0x3  }
0x94: {  	_ =	strace s3  }
0x95: {  	s3 =	sld [smem:$0x3FFD];
	_ =	sdelay $0x3  }
0x96: {  	_ =	strace s3  }
0x97: {  	_ =	strace $0x8FFFFFFF  }
0x98: {  	s19 =	sld [smem:$0x3FDB];
	_ =	sdelay $0x1  }
0x99: {  	s4 =	simm.s32 $_scs_section_size  }
0x9a: {  	s5 =	simm.s32 $_size__tile_overlayer_lowered;
	s6 =	simm.s32 $_tile_overlayer_lowered  }
0x9b: {  	s22 =	simm.s32 $0x1BFF;
	s21 =	sshll.u32 s6, $0x1;
	s3 =	sadd.s32 s4, s19  }
0x9c: {  	s7 =	simm.s32 $0x0;
	s20 =	sshll.u32 s5, $0x1;
	s5 =	sadd.s32 s21, s3  }
0x9d: {  	[timem:s7], [sflag:s22] =	dma.local [hbm:s5], s20  }
0x9e: {  	_ =	swait.ge [sflag:s22], s20  }
0x9f: {  	s4 =	ssub.s32 $0x0, s20;
	[sflag:s22] =	ssyncset.done $0x0  }
0xa0: {  	[sflag:s22] =	ssyncadd.s32 s4;
	_ =	sdelay $0x1  }
0xa1: {  	s23 =	simm.s32 $0x1B8B  }
0xa2: {  	_ =	swait.ge [sflag:s23], $0x1  }
0xa3: {  	[sflag:s23] =	ssyncset.done $0x0  }
0xa4: {  	s25 =	simm.s32 $0x1B8E;
	s24 =	sld [smem:$0x3FFE];
	[sflag:s23] =	ssyncadd.s32 $0xFFFFFFFF  }
0xa5: {  	s26 =	simm.s32 $execute0_lowered;
	[smem:$0x3FD2] =	sst s25  }
0xa6: {  	s5 =	sshll.u32 s26, $0x1;
	_ =	strace $0x80000049;
	[dreg:$0x1] =	wrdreg $0xFFFFFFFF  }
0xa7: {  	s28 =	simm.s32 $_size_execute0_lowered;
	s3 =	sadd.s32 s3, s5;
	[dreg:$0x0] =	wrdreg $0x0  }
0xa8: {  	s5 =	sshll.u32 s28, $0x1;
	[dreg:$0x2] =	wrdreg s3  }
0xa9: {  	[dreg:$0x3] =	wrdreg s5  }
0xaa: {  	[dreg:$0x4] =	wrdreg $0xC0  }
0xab: {  	_ =	task [dreg:s7], $0x5FFFF  }
0xac: {  	[dreg:$0x1] =	wrdreg $0xFFFFFFFF  }
0xad: {  	[dreg:$0x0] =	wrdreg $0x60  }
0xae: {  	[dreg:$0x2] =	wrdreg s24  }
0xaf: {  	[dreg:$0x3] =	wrdreg s2  }
0xb0: {  	[dreg:$0x4] =	wrdreg $0xC1100  }
0xb1: {  	[dreg:$0x5] =	wrdreg $0x9  }
0xb2: {  	_ =	task.clear_ibuf [dreg:s7], $0x6FFFF;
	_ =	strace $0x90000049  }
0xb3: {  	s29 =	simm.s32 $0x9;
	_ =	strace $0x8000004B  }
0xb4: {  	_ =	swait.ge [sflag:s29], $0x1  }
0xb5: {  	[sflag:s29] =	ssyncadd.s32 $0xFFFFFFFF  }
0xb6: {  	_ =	strace $0x9000004B  }
0xb7: {  	_ =	sfence  }
0xb8: {  	s30 =	sld [smem:$0x0];
	_ =	sdelay $0x2  }
0xb9: {  	s31 =	sshll.u32 s1, $0xD;
	s1 =	sshrl.u32 s1, $0x2  }
0xba: {  	s3 =	sand.u32 $0x4000, s31;
	s1 =	sadd.s32 s1, s30  }
0xbb: {  	s0 =	sor.u32 s3, s0;
	s1 =	sshll.u32 s1, $0x11  }
0xbc: {  	s0 =	sor.u32 s1, s0  }
0xbd: {  	s0 =	sadd.s32 $0x8F2B, s0  }
0xbe: {  	[sflag:s0] =	ssyncadd.remote.s32 $0x1  }
0xbf: {  	_ =	sfence.sel $0xFFFF  }
0xc0: {  	[dreg:$0x0] =	wrdreg $0xFFFFFFFF;
	(pc) =	sbr.abs _section_cstart, $3  }
0xc1: {  	[dreg:$0x1] =	wrdreg $0xFFFFFFFF  }
0xc2: {  	_ =	task.clear_ibuf [dreg:s7], $0x2FFFF;
	_ =	strace $0x9FFFFFFF  }
0xc3: {  	(tm) =	ssettm $0x7FFFFFFF  }
tec
execute0_lowered:
.L_overlay_start_1:
0x0: {  	(tag) =	ssettag $0x1  }
0x1: {  	s0 =	srdreg.scid;
	s1 =	rddreg [dreg:$0x0]  }
0x2: {  	s6 =	stileid.u32;
	s3 =	rddreg [dreg:$0x2];
	s4 =	simm.s32 $0x0  }
0x3: {  	s16 =	simm.s32 $0x7100;
	s17 =	simm.s32 $0x7;
	s20 =	simm.s32 $0x80  }
0x4: {  	s28 =	simm.s32 $0x4;
	s29 =	simm.s32 $0x5;
	s30 =	simm.s32 $0xA900  }
0x5: {  	s31 =	simm.s32 $0x3;
	s0 =	sand.u32 $0x1, s0;
	s2 =	sshll.u32 s6, $0x1  }
0x6: {  	s7 =	smul.u32 $0x7560, s6;
	[smem:$0x7FF] =	sst s4;
	s5 =	sadd.s32 $0x1C00, s1  }
0x7: {  	s9 =	smul.u32 $0x1D580, s6;
	s6 =	sadd.s32 $0x10800, s1;
	s2 =	sor.u32 s0, s2  }
0x8: {  	s8 =	smul.u32 $0x75600, s0;
	_ =	strace $0x8000004A;
	s0 =	ssub.s32 $0x2, s0  }
0x9: {  	s2 =	smul.u32 $0x510, s2;
	s9 =	sshrl.u32 s9, $0x2;
	s21 =	sshrl.u32 s0, $0x1  }
0xa: {  	s8 =	sadd.s32 s7, s8;
	s9 =	sadd.s32 s9, s3;
	s7 =	sadd.s32 s7, s3  }
0xb: {  	s0 =	ssub.s32 s0, s21;
	s22 =	sadd.s32 $0x1800, s9;
	[dreg:$0x4] =	wrdreg s7  }
0xc: {  	s21 =	simm.s32 $0x5100;
	s23 =	sadd.s32 $0x3000, s9;
	[dreg:$0x5] =	wrdreg s22  }
0xd: {  	s2 =	sadd.s32 s2, s1;
	s24 =	sadd.s32 $0x4800, s9;
	[dreg:$0x6] =	wrdreg s23  }
0xe: {  	s8 =	sshrl.u32 s8, $0x3;
	s25 =	sadd.s32 $0x6000, s9;
	[dreg:$0x7] =	wrdreg s24  }
0xf: {  	s0 =	smax.u32 s0, $0x1;
	s1 =	sadd.s32 s8, s1;
	[dreg:$0x8] =	wrdreg s25  }
0x10: {  	s26 =	sadd.s32 $0x3CE00, s2;
	s2 =	sadd.s32 $0x32C00, s2;
	[dreg:$0xc] =	wrdreg s0  }
0x11: {  	s22 =	simm.s32 $0x6900;
	s23 =	simm.s32 $0x8900;
	[dreg:$0x9] =	wrdreg s26  }
0x12: {  	s24 =	simm.s32 $0xA100;
	[dreg:$0xa] =	wrdreg s2;
	s1 =	sadd.s32 $0x47000, s1  }
0x13: {  	v0 =	vimm.f32 $0.0e+00;
	vm0 =	vmmov $0x1;
	v1 =	vimm.s32 $0x0;
	s25 =	simm.s32 $0x1;
	s26 =	simm.s32 $0x2;
	[dreg:$0xb] =	wrdreg s1  }
.LBB2_1:
0x14: {  	s0 =	simm.s32 $0xC0;
	s1 =	simm.s32 $0x0  }
.LBB2_2:
0x15: {  	p0 =	sne.s32 s0, $0x5F40;
	[tilespmem:s1+$0x7120] =	vst v0;
	s2 =	smov.u32 s0;
	s0 =	sadd.s32 $0xC0, s0  }
.Ltmp0:
0x16: {  	[tilespmem:s1+$0x7100] =	vst v0;
	(pc) =	sbr.rel @p0 .LBB2_2-.Ltmp0, $2  }
0x17: {  	[tilespmem:s1+$0x7110] =	vst v0;
	_ =	sdelay $0x2  }
0x18: {  	s1 =	sshra.s32 s2, $0x2  }
0x19: {  	[tilespmem:s1+$0x7120] =	vst v0  }
0x1a: {  	[tilespmem:s1+$0x7100] =	vst v0  }
0x1b: {  	[tilespmem:s1+$0x7110] =	vst v0  }
0x1c: {  	[spmem:s7] =	stream.linear.scatter [tilespmem:s16], [sflag:$0x7], $0x1800, $0x38;
	[tilespmem:$0x13670] =	vst v63  }
0x1d: {  	_ =	swait.ge [sflag:s17], $0x1800  }
0x1e: {  	[sflag:s17] =	ssyncset.done $0x0  }
0x1f: {  	s0 =	rddreg [dreg:$0x5];
	[sflag:s17] =	ssyncadd.s32 $0xFFFFE800  }
0x20: {  	[spmem:s0] =	stream.linear.scatter [tilespmem:s16], [sflag:$0x7], $0x1800, $0x38;
	[tilespmem:$0x13670] =	vst v63  }
0x21: {  	_ =	swait.ge [sflag:s17], $0x1800  }
0x22: {  	[sflag:s17] =	ssyncset.done $0x0  }
0x23: {  	s9 =	rddreg [dreg:$0x6];
	[sflag:s17] =	ssyncadd.s32 $0xFFFFE800  }
0x24: {  	[spmem:s9] =	stream.linear.scatter [tilespmem:s16], [sflag:$0x7], $0x1800, $0x38;
	[tilespmem:$0x13670] =	vst v63  }
0x25: {  	_ =	swait.ge [sflag:s17], $0x1800  }
0x26: {  	[sflag:s17] =	ssyncset.done $0x0  }
0x27: {  	s10 =	rddreg [dreg:$0x7];
	[sflag:s17] =	ssyncadd.s32 $0xFFFFE800  }
0x28: {  	[spmem:s10] =	stream.linear.scatter [tilespmem:s16], [sflag:$0x7], $0x1800, $0x38;
	[tilespmem:$0x13670] =	vst v63  }
0x29: {  	_ =	swait.ge [sflag:s17], $0x1800  }
0x2a: {  	[sflag:s17] =	ssyncset.done $0x0  }
0x2b: {  	s11 =	rddreg [dreg:$0x8];
	[sflag:s17] =	ssyncadd.s32 $0xFFFFE800  }
0x2c: {  	[spmem:s11] =	stream.linear.scatter [tilespmem:s16], [sflag:$0x7], $0x1560, $0x38;
	[tilespmem:$0x13670] =	vst v63  }
0x2d: {  	_ =	swait.ge [sflag:s17], $0x1560  }
0x2e: {  	[sflag:s17] =	ssyncset.done $0x0  }
0x2f: {  	[sflag:s17] =	ssyncadd.s32 $0xFFFFEAA0  }
0x30: {  	s18 =	simm.s32 $0x0;
	s13 =	simm.s32 $0xC100;
	s12 =	rddreg [dreg:$0x1]  }
0x31: {  	[tilespmem:s13], [sflag:$0x7] =	stream.linear.gather [hbm4b:s12+s18], $0x10, $0x38;
	[tilespmem:$0x13670] =	vst v63  }
0x32: {  	_ =	swait.ge [sflag:s17], $0x10  }
0x33: {  	[sflag:s17] =	ssyncset.done $0x0  }
0x34: {  	s14 =	rddreg [dreg:$0x9];
	[sflag:s17] =	ssyncadd.s32 $0xFFFFFFF0  }
0x35: {  	v2 =	vld [tilespmem:$0xC100];
	[tilespmem:s18], [sflag:$0x7] =	stream.linear.gather [hbm4b:s14+s18], $0x2880, $0x38  }
0x36: {  	_ =	swait.ge [sflag:s17], $0x2880  }
0x37: {  	[sflag:s17] =	ssyncset.done $0x0  }
0x38: {  	s19 =	simm.s32 $0x2880;
	s15 =	rddreg [dreg:$0xa];
	[sflag:s17] =	ssyncadd.s32 $0xFFFFD780  }
0x39: {  	[tilespmem:s19], [sflag:$0x7] =	stream.linear.gather [hbm4b:s15+s18], $0x2880, $0x38;
	[tilespmem:$0x13670] =	vst v63  }
0x3a: {  	_ =	swait.ge [sflag:s17], $0x2880  }
0x3b: {  	[sflag:s17] =	ssyncset.done $0x0  }
0x3c: {  	[sflag:s17] =	ssyncadd.s32 $0xFFFFD780  }
0x3d: {  	[bflag:$0x0] =	sbarrier.arrive $0xFFFF  }
0x3e: {  	[tilespmem:s21], [sflag:$0x1] =	stream.indirect.gather [hbm4b:s5+s20], $0x30, s18, s20, $0xb8;
	[tilespmem:$0x13670] =	vst v63  }
0x3f: {  	_ = 	snop  }
0x40: {  	[tilespmem:s22], [sflag:$0x2] =	stream.indirect.gather [hbm4b:s6+s20], $0x10, s19, s20, $0xb8;
	[tilespmem:$0x13670] =	vst v63  }
.LBB2_4:
0x41: {  	s0 =	sshllo.u32 s18, $0x1  }
0x42: {  	s1 =	sshll.u32 s0, $0x7  }
0x43: {  	[tilespmem:s23], [sflag:$0x4] =	stream.indirect.gather [hbm4b:s5+s20], $0x30, s1, s20, $0xb8;
	[tilespmem:$0x13670] =	vst v63  }
0x44: {  	s0 =	sadd.s32 $0x2880, s1  }
0x45: {  	[tilespmem:s24], [sflag:$0x5] =	stream.indirect.gather [hbm4b:s6+s20], $0x10, s0, s20, $0xb8;
	[tilespmem:$0x13670] =	vst v63  }
0x46: {  	_ =	swait.ge [sflag:s25], $0x1800  }
0x47: {  	[sflag:s25] =	ssyncset.done $0x0  }
0x48: {  	[sflag:s25] =	ssyncadd.s32 $0xFFFFE800  }
0x49: {  	_ =	swait.ge [sflag:s26], $0x800  }
0x4a: {  	p0 =	seq.s32 s18, $0x0;
	[sflag:s26] =	ssyncset.done $0x0  }
0x4b: {  	s0 =	simm.s32 @!p0 $0x3;
	[sflag:s26] =	ssyncadd.s32 $0xFFFFF800  }
0x4c: {  	_ =	swait.ge @!p0 [sflag:s0], $0x1800  }
0x4d: {  	[sflag:s0] =	ssyncset.done @!p0 $0x0  }
0x4e: {  	s13 =	simm.s32 $0x5130;
	[sflag:s0] =	ssyncadd.s32 @!p0 $0xFFFFE800  }
0x4f: {  	s12 =	simm.s32 $0x6910;
	v3 =	vld [tilespmem:s13+$0x20]  }
0x50: {  	v4 =	vld [tilespmem:s12+$0x0];
	_ =	sdelay $0x4  }
0x51: {  	v5 =	vld [tilespmem:s12+$0xFFFFFFF0];
	v3 =	vadd.f32 v4, v3;
	v4 =	vadd.f32 v4, v2  }
0x52: {  	v6 =	vld [tilespmem:s13+$0xFFFFFFF0]  }
0x53: {  	s0 =	simm.s32 $0x5190;
	v7 =	vmul.f32 $2.000000030e-01, v3;
	v8 =	vmul.f32 $2.000000030e-01, v4  }
0x54: {  	s2 =	simm.s32 $0x6930;
	v9 =	vld [tilespmem:s0+$0x20];
	vm1 =	vge.f32 v3, $0.0e+00;
	vm2 =	vge.f32 v4, $0.0e+00  }
0x55: {  	v3 =	vsel vm1, v3, v7;
	v7 =	vld [tilespmem:s2+$0x0];
	v4 =	vsel vm2, v4, v8  }
0x56: {  	v3 =	vsub.f32 v3, v4;
	v4 =	vadd.f32 v5, v2  }
0x57: {  	v5 =	vadd.f32 v5, v6  }
0x58: {  	v10 =	vld [tilespmem:s2+$0xFFFFFFF0];
	v3 =	vmul.f32 $1.442695020e+00, v3;
	v6 =	vmul.f32 $2.000000030e-01, v4  }
0x59: {  	v11 =	vld [tilespmem:s0+$0xFFFFFFF0];
	v8 =	vmul.f32 $2.000000030e-01, v5;
	vm1 =	vge.f32 v5, $0.0e+00;
	vm2 =	vge.f32 v4, $0.0e+00  }
0x5a: {  	v9 =	vadd.f32 v7, v9;
	(erf) = vpow2.f32 v3;
	v3 =	vadd.f32 v7, v2  }
0x5b: {  	v5 =	vsel vm1, v5, v8;
	v4 =	vsel vm2, v4, v6  }
0x5c: {  	s19 =	simm.s32 $0x51F0;
	v4 =	vsub.f32 v5, v4;
	v6 =	vmul.f32 $2.000000030e-01, v9;
	v7 =	vmul.f32 $2.000000030e-01, v3  }
0x5d: {  	s14 =	simm.s32 $0x6950;
	v8 =	vld [tilespmem:s19+$0x20];
	v5 =	vadd.f32 v10, v2;
	vm1 =	vge.f32 v9, $0.0e+00;
	vm2 =	vge.f32 v3, $0.0e+00  }
0x5e: {  	v6 =	vsel vm1, v9, v6;
	v3 =	vsel vm2, v3, v7;
	v7 =	vadd.f32 v10, v11;
	v9 =	vld [tilespmem:s14+$0x0]  }
0x5f: {  	v4 =	vmul.f32 $1.442695020e+00, v4;
	v10 =	vld [tilespmem:s14+$0xFFFFFFF0];
	v3 =	vsub.f32 v6, v3;
	v6 =	vmul.f32 $2.000000030e-01, v5  }
0x60: {  	v12 =	vld [tilespmem:s19+$0xFFFFFFF0];
	vm2 =	vge.f32 v5, $0.0e+00;
	v11 =	vmul.f32 $2.000000030e-01, v7  }
0x61: {  	(erf) = vpow2.f32 v4;
	vm1 =	vge.f32 v7, $0.0e+00;
	v3 =	vmul.f32 $1.442695020e+00, v3  }
0x62: {  	v5 =	vsel vm2, v5, v6;
	v4 =	vsel vm1, v7, v11  }
0x63: {  	v6 =	vpop (erf);
	(erf) = vpow2.f32 v3;
	v3 =	vadd.f32 v9, v8;
	v7 =	vadd.f32 v9, v2  }
0x64: {  	s8 =	simm.s32 $0x7130;
	v4 =	vsub.f32 v4, v5;
	v5 =	vadd.f32 v10, v2;
	v6 =	vnsel vm0, $0x0, v6  }
0x65: {  	v8 =	vadd.f32 v10, v12;
	[tilespmem:s8+$0x20] =	vst v6;
	v9 =	vmul.f32 $2.000000030e-01, v3  }
0x66: {  	v11 =	vmul.f32 $2.000000030e-01, v7;
	v12 =	vmul.f32 $2.000000030e-01, v5;
	vm1 =	vge.f32 v3, $0.0e+00;
	v10 =	vld [tilespmem:s13+$0x0]  }
0x67: {  	s9 =	simm.s32 $0x5250;
	vm2 =	vge.f32 v7, $0.0e+00;
	v14 =	vmul.f32 $2.000000030e-01, v8;
	v6 =	vperm.xlane v6, v1  }
0x68: {  	s15 =	simm.s32 $0x6970;
	v13 =	vld [tilespmem:s9+$0x20];
	v4 =	vmul.f32 $1.442695020e+00, v4;
	v3 =	vsel vm1, v3, v9;
	v7 =	vsel vm2, v7, v11  }
0x69: {  	v9 =	vld [tilespmem:s15+$0x0];
	vm1 =	vge.f32 v8, $0.0e+00;
	vm2 =	vge.f32 v5, $0.0e+00;
	v3 =	vsub.f32 v3, v7  }
0x6a: {  	v11 =	vld [tilespmem:s15+$0xFFFFFFF0];
	v8 =	vsel vm1, v8, v14;
	v5 =	vsel vm2, v5, v12;
	v12 =	vpop (erf);
	(erf) = vpow2.f32 v4  }
0x6b: {  	v7 =	vld [tilespmem:s9+$0xFFFFFFF0];
	v5 =	vsub.f32 v8, v5;
	v3 =	vmul.f32 $1.442695020e+00, v3;
	v10 =	vmul.f32 v10, v6;
	_ =	sdelay $0x1  }
0x6c: {  	s14 =	simm.s32 $0x6990;
	v5 =	vmul.f32 $1.442695020e+00, v5;
	v4 =	vpop (erf);
	(erf) = vpow2.f32 v3;
	v3 =	vnsel vm0, $0x0, v12;
	[tilespmem:s8+$0x0] =	vst v10  }
0x6d: {  	s10 =	simm.s32 $0x7190;
	v18 =	vld [tilespmem:s14+$0x0];
	v8 =	vadd.f32 v9, v13;
	v9 =	vadd.f32 v9, v2;
	v4 =	vnsel vm0, $0x0, v4;
	[tilespmem:s8+$0xFFFFFFF0] =	vst v3  }
0x6e: {  	v12 =	vadd.f32 v11, v2;
	v3 =	vperm.xlane v3, v1;
	(erf) = vpow2.f32 v5;
	v10 =	vld [tilespmem:s13+$0x10];
	[tilespmem:s10+$0x20] =	vst v4  }
0x6f: {  	v7 =	vadd.f32 v11, v7;
	v11 =	vmul.f32 $2.000000030e-01, v8;
	v15 =	vmul.f32 $2.000000030e-01, v9;
	v13 =	vld [tilespmem:s0+$0x0]  }
0x70: {  	v14 =	vld [tilespmem:s13+$0xFFFFFFD0];
	vm1 =	vge.f32 v8, $0.0e+00;
	v16 =	vmul.f32 $2.000000030e-01, v12;
	v4 =	vperm.xlane v4, v1  }
0x71: {  	s11 =	simm.s32 $0x52B0;
	v19 =	vld [tilespmem:s14+$0xFFFFFFF0];
	vm2 =	vge.f32 v12, $0.0e+00;
	v8 =	vsel vm1, v8, v11;
	vm1 =	vge.f32 v9, $0.0e+00  }
0x72: {  	v17 =	vld [tilespmem:s11+$0x20];
	v11 =	vmul.f32 $2.000000030e-01, v7;
	v9 =	vsel vm1, v9, v15;
	vm1 =	vge.f32 v7, $0.0e+00  }
0x73: {  	v8 =	vsub.f32 v8, v9;
	v9 =	vsel vm2, v12, v16;
	v16 =	vmul.f32 v10, v6;
	v6 =	vpop (erf)  }
0x74: {  	v20 =	vld [tilespmem:s11+$0xFFFFFFF0];
	v7 =	vsel vm1, v7, v11;
	v11 =	vmul.f32 v13, v4;
	v21 =	vnsel vm0, $0x0, v6  }
0x75: {  	v15 =	vadd.f32 v18, v2;
	v22 =	vmul.f32 v14, v3;
	v8 =	vmul.f32 $1.442695020e+00, v8;
	[tilespmem:s10+$0xFFFFFFF0] =	vst v21  }
0x76: {  	v12 =	vadd.f32 v19, v2;
	v7 =	vsub.f32 v7, v9;
	v5 =	vpop (erf);
	[tilespmem:s10+$0x0] =	vst v11  }
0x77: {  	s12 =	simm.s32 $0x71F0;
	v14 =	vadd.f32 v18, v17;
	[tilespmem:s8+$0xFFFFFFD0] =	vst v22;
	(erf) = vpow2.f32 v8;
	v8 =	vnsel vm0, $0x0, v5;
	v9 =	vld [tilespmem:s0+$0x10]  }
0x78: {  	v18 =	vmul.f32 $2.000000030e-01, v15;
	v6 =	vld [tilespmem:s0+$0xFFFFFFD0];
	[tilespmem:s12+$0x20] =	vst v8  }
0x79: {  	v13 =	vadd.f32 v19, v20;
	v17 =	vmul.f32 $2.000000030e-01, v14;
	[tilespmem:s8+$0x10] =	vst v16;
	v16 =	vmul.f32 $2.000000030e-01, v12;
	v10 =	vld [tilespmem:s19+$0x0]  }
0x7a: {  	s2 =	simm.s32 $0x5310;
	s15 =	simm.s32 $0x8;
	vm1 =	vge.f32 v14, $0.0e+00;
	v11 =	vmul.f32 $1.442695020e+00, v7;
	v5 =	vperm.xlane v21, v1;
	v7 =	vld [tilespmem:s13+$0xFFFFFFE0]  }
.LBB2_5:
0x7b: {  	v19 =	vld [tilespmem:s2+$0x20];
	v20 =	vmul.f32 $2.000000030e-01, v13;
	v14 =	vsel vm1, v14, v17;
	vm1 =	vge.f32 v15, $0.0e+00;
	s14 =	sadd.s32 $0x20, s14;
	s13 =	smov.u32 s12;
	s7 =	smov.u32 s0  }
0x7c: {  	s0 =	smov.u32 s19;
	s19 =	smov.u32 s9;
	s9 =	smov.u32 s11;
	v17 =	vld [tilespmem:s14+$0x0];
	v15 =	vsel vm1, v15, v18;
	v9 =	vmul.f32 v9, v4;
	v4 =	vperm.xlane v8, v1  }
0x7d: {  	s15 =	sadd.s32 $0x2, s15;
	vm2 =	vge.f32 v12, $0.0e+00;
	s11 =	smov.u32 s2;
	vm1 =	vge.f32 v13, $0.0e+00;
	v18 =	vld [tilespmem:s14+$0xFFFFFFF0];
	v8 =	vsub.f32 v14, v15  }
0x7e: {  	p1 =	slt.u32 s15, $0x7E;
	v12 =	vsel vm2, v12, v16;
	v13 =	vsel vm1, v13, v20;
	v21 =	vld [tilespmem:s2+$0xFFFFFFF0];
	v10 =	vmul.f32 v10, v4;
	v14 =	vpop (erf);
	[tilespmem:s10+$0x10] =	vst v9  }
0x7f: {  	v13 =	vsub.f32 v13, v12;
	v8 =	vmul.f32 $1.442695020e+00, v8;
	(erf) = vpow2.f32 v11  }
.Ltmp1:
0x80: {  	v20 =	vmul.f32 v6, v5;
	v16 =	vnsel vm0, $0x0, v14;
	v22 =	vmul.f32 v7, v3;
	v9 =	vpop (erf);
	[tilespmem:s12+$0x0] =	vst v10;
	(pc) =	sbr.rel @p1 .LBB2_5-.Ltmp1, $4  }
0x81: {  	v3 =	vmovc v5;
	s12 =	sadd.s32 $0x60, s12;
	v14 =	vadd.f32 v17, v19;
	(erf) = vpow2.f32 v8;
	v8 =	vnsel vm0, $0x0, v9;
	[tilespmem:s13+$0xFFFFFFF0] =	vst v16;
	v9 =	vld [tilespmem:s0+$0x10]  }
0x82: {  	v11 =	vmul.f32 $1.442695020e+00, v13;
	v15 =	vadd.f32 v17, v2;
	v12 =	vadd.f32 v18, v2;
	[tilespmem:s12+$0x20] =	vst v8;
	v6 =	vld [tilespmem:s0+$0xFFFFFFD0]  }
0x83: {  	v5 =	vperm.xlane v16, v1;
	v13 =	vadd.f32 v18, v21;
	v17 =	vmul.f32 $2.000000030e-01, v14;
	v10 =	vld [tilespmem:s19+$0x0];
	[tilespmem:s10+$0xFFFFFFD0] =	vst v20  }
0x84: {  	s2 =	sadd.s32 $0x60, s2;
	vm1 =	vge.f32 v14, $0.0e+00;
	v18 =	vmul.f32 $2.000000030e-01, v15;
	v16 =	vmul.f32 $2.000000030e-01, v12;
	v7 =	vld [tilespmem:s7+$0xFFFFFFE0];
	[tilespmem:s8+$0xFFFFFFE0] =	vst v22;
	s8 =	smov.u32 s10;
	s10 =	smov.u32 s13  }
0x85: {  	vm2 =	vge.f32 v15, $0.0e+00  }
0x86: {  	v14 =	vsel vm1, v14, v17;
	v17 =	vmul.f32 $2.000000030e-01, v13;
	v15 =	vsel vm2, v15, v18  }
0x87: {  	vm1 =	vge.f32 v13, $0.0e+00;
	vm2 =	vge.f32 v12, $0.0e+00;
	v14 =	vsub.f32 v14, v15  }
0x88: {  	v13 =	vsel vm1, v13, v17;
	v12 =	vsel vm2, v12, v16  }
0x89: {  	v12 =	vsub.f32 v13, v12;
	v13 =	vmul.f32 $1.442695020e+00, v14  }
0x8a: {  	(erf) = vpow2.f32 v11  }
0x8b: {  	v11 =	vmul.f32 $1.442695020e+00, v12;
	(erf) = vpow2.f32 v13;
	_ =	sdelay $0x1  }
0x8c: {  	(erf) = vpow2.f32 v11;
	_ =	sdelay $0x3  }
0x8d: {  	v11 =	vpop (erf)  }
0x8e: {  	v12 =	vpop (erf)  }
0x8f: {  	s2 =	sadd.s32 $0x60, s12;
	v13 =	vpop (erf);
	v12 =	vnsel vm0, $0x0, v12  }
0x90: {  	v11 =	vnsel vm0, $0x0, v11;
	[tilespmem:s2+$0x20] =	vst v12;
	v14 =	vpop (erf)  }
0x91: {  	s7 =	sadd.s32 $0x60, s2;
	[tilespmem:s12+$0xFFFFFFF0] =	vst v11;
	v15 =	vld [tilespmem:s9+$0x0];
	v14 =	vnsel vm0, $0x0, v14  }
0x92: {  	v8 =	vperm.xlane v8, v1;
	v16 =	vld [tilespmem:s19+$0xFFFFFFD0];
	v13 =	vnsel vm0, $0x0, v13;
	v17 =	vpop (erf);
	[tilespmem:s7+$0x20] =	vst v14  }
0x93: {  	v4 =	vmul.f32 v9, v4;
	[tilespmem:s2+$0xFFFFFFF0] =	vst v13;
	v17 =	vnsel vm0, $0x0, v17;
	v9 =	vld [tilespmem:s11+$0x0]  }
0x94: {  	v10 =	vmul.f32 v10, v8;
	v12 =	vperm.xlane v12, v1;
	v18 =	vld [tilespmem:s9+$0xFFFFFFD0];
	[tilespmem:s7+$0xFFFFFFF0] =	vst v17  }
0x95: {  	[tilespmem:s10+$0x10] =	vst v4;
	v4 =	vmul.f32 v6, v5;
	v6 =	vperm.xlane v11, v1;
	v11 =	vld [tilespmem:s11+$0xFFFFFFD0]  }
0x96: {  	[tilespmem:s12+$0x0] =	vst v10;
	v14 =	vperm.xlane v14, v1;
	v10 =	vmul.f32 v15, v12  }
0x97: {  	[tilespmem:s10+$0xFFFFFFD0] =	vst v4;
	v13 =	vperm.xlane v13, v1;
	v4 =	vmul.f32 v16, v6;
	v15 =	vld [tilespmem:s19+$0x10]  }
0x98: {  	v16 =	vld [tilespmem:s0+$0xFFFFFFE0];
	[tilespmem:s2+$0x0] =	vst v10;
	v10 =	vperm.xlane v17, v1;
	v9 =	vmul.f32 v9, v14  }
0x99: {  	[tilespmem:s12+$0xFFFFFFD0] =	vst v4;
	v4 =	vmul.f32 v18, v13;
	v17 =	vld [tilespmem:s9+$0x10]  }
0x9a: {  	v18 =	vld [tilespmem:s19+$0xFFFFFFE0];
	[tilespmem:s7+$0x0] =	vst v9;
	v9 =	vmul.f32 v11, v10  }
0x9b: {  	v3 =	vmul.f32 v7, v3;
	[tilespmem:s2+$0xFFFFFFD0] =	vst v4;
	v7 =	vld [tilespmem:s11+$0x10]  }
0x9c: {  	v4 =	vmul.f32 v15, v8;
	v8 =	vld [tilespmem:s9+$0xFFFFFFE0];
	[tilespmem:s7+$0xFFFFFFD0] =	vst v9  }
0x9d: {  	[tilespmem:s8+$0xFFFFFFE0] =	vst v3;
	v3 =	vmul.f32 v16, v5;
	v5 =	vld [tilespmem:s11+$0xFFFFFFE0]  }
0x9e: {  	[tilespmem:s12+$0x10] =	vst v4;
	v4 =	vmul.f32 v17, v12  }
0x9f: {  	[tilespmem:s10+$0xFFFFFFE0] =	vst v3;
	v3 =	vmul.f32 v18, v6  }
0xa0: {  	[tilespmem:s2+$0x10] =	vst v4;
	v4 =	vmul.f32 v7, v14  }
0xa1: {  	[tilespmem:s12+$0xFFFFFFE0] =	vst v3;
	v3 =	vmul.f32 v8, v13  }
0xa2: {  	s8 =	sshll.u32 s18, $0x8;
	[tilespmem:s7+$0x10] =	vst v4;
	v4 =	vmul.f32 v5, v10  }
0xa3: {  	s9 =	sand.u32 $0x3FFFFF00, s8;
	[tilespmem:s2+$0xFFFFFFE0] =	vst v3  }
0xa4: {  	s2 =	sadd.s32 $0x2880, s9;
	[tilespmem:s7+$0xFFFFFFE0] =	vst v4  }
0xa5: {  	[spmem:s3] =	stream.indirect.scatter.add.f32 [tilespmem:s16], [sflag:$0x3], $0x30, s2, s20, $0xb8;
	[tilespmem:$0x13670] =	vst v63  }
0xa6: {  	s10 =	sadd.s32 $0x100, s8  }
0xa7: {  	[tilespmem:s21], [sflag:$0x1] =	stream.indirect.gather [hbm4b:s5+s20], $0x30, s10, s20, $0xb8;
	[tilespmem:$0x13670] =	vst v63  }
0xa8: {  	s0 =	sadd.s32 $0x2980, s8  }
0xa9: {  	[tilespmem:s22], [sflag:$0x2] =	stream.indirect.gather [hbm4b:s6+s20], $0x10, s0, s20, $0xb8;
	[tilespmem:$0x13670] =	vst v63  }
0xaa: {  	_ =	swait.ge [sflag:s28], $0x1800  }
0xab: {  	[sflag:s28] =	ssyncset.done $0x0  }
0xac: {  	[sflag:s28] =	ssyncadd.s32 $0xFFFFE800  }
0xad: {  	_ =	swait.ge [sflag:s29], $0x800  }
0xae: {  	[sflag:s29] =	ssyncset.done $0x0  }
0xaf: {  	s0 =	simm.s32 @!p0 $0x6;
	[sflag:s29] =	ssyncadd.s32 $0xFFFFF800  }
0xb0: {  	_ =	swait.ge @!p0 [sflag:s0], $0x1800  }
0xb1: {  	[sflag:s0] =	ssyncset.done @!p0 $0x0  }
0xb2: {  	s13 =	simm.s32 $0x8930;
	[sflag:s0] =	ssyncadd.s32 @!p0 $0xFFFFE800  }
0xb3: {  	s11 =	simm.s32 $0xA110;
	v3 =	vld [tilespmem:s13+$0x20]  }
0xb4: {  	v4 =	vld [tilespmem:s11+$0x0];
	_ =	sdelay $0x4  }
0xb5: {  	v5 =	vld [tilespmem:s11+$0xFFFFFFF0];
	v3 =	vadd.f32 v4, v3;
	v4 =	vadd.f32 v4, v2  }
0xb6: {  	v6 =	vld [tilespmem:s13+$0xFFFFFFF0]  }
0xb7: {  	s0 =	simm.s32 $0x8990;
	v7 =	vmul.f32 $2.000000030e-01, v3;
	v8 =	vmul.f32 $2.000000030e-01, v4  }
0xb8: {  	s12 =	simm.s32 $0xA130;
	v9 =	vld [tilespmem:s0+$0x20];
	vm1 =	vge.f32 v3, $0.0e+00;
	vm2 =	vge.f32 v4, $0.0e+00  }
0xb9: {  	v3 =	vsel vm1, v3, v7;
	v7 =	vld [tilespmem:s12+$0x0];
	v4 =	vsel vm2, v4, v8  }
0xba: {  	v3 =	vsub.f32 v3, v4;
	v4 =	vadd.f32 v5, v2  }
0xbb: {  	v5 =	vadd.f32 v5, v6  }
0xbc: {  	v10 =	vld [tilespmem:s12+$0xFFFFFFF0];
	v3 =	vmul.f32 $1.442695020e+00, v3;
	v6 =	vmul.f32 $2.000000030e-01, v4  }
0xbd: {  	v11 =	vld [tilespmem:s0+$0xFFFFFFF0];
	v8 =	vmul.f32 $2.000000030e-01, v5;
	vm1 =	vge.f32 v5, $0.0e+00;
	vm2 =	vge.f32 v4, $0.0e+00  }
0xbe: {  	v9 =	vadd.f32 v7, v9;
	(erf) = vpow2.f32 v3;
	v3 =	vadd.f32 v7, v2  }
0xbf: {  	v5 =	vsel vm1, v5, v8;
	v4 =	vsel vm2, v4, v6  }
0xc0: {  	s19 =	simm.s32 $0x89F0;
	v4 =	vsub.f32 v5, v4;
	v6 =	vmul.f32 $2.000000030e-01, v9;
	v7 =	vmul.f32 $2.000000030e-01, v3  }
0xc1: {  	s14 =	simm.s32 $0xA150;
	v8 =	vld [tilespmem:s19+$0x20];
	v5 =	vadd.f32 v10, v2;
	vm1 =	vge.f32 v9, $0.0e+00;
	vm2 =	vge.f32 v3, $0.0e+00  }
0xc2: {  	v6 =	vsel vm1, v9, v6;
	v3 =	vsel vm2, v3, v7;
	v7 =	vadd.f32 v10, v11;
	v9 =	vld [tilespmem:s14+$0x0]  }
0xc3: {  	v10 =	vld [tilespmem:s14+$0xFFFFFFF0];
	v3 =	vsub.f32 v6, v3;
	v6 =	vmul.f32 $2.000000030e-01, v5  }
0xc4: {  	v12 =	vld [tilespmem:s19+$0xFFFFFFF0];
	v4 =	vmul.f32 $1.442695020e+00, v4;
	v11 =	vmul.f32 $2.000000030e-01, v7  }
0xc5: {  	vm2 =	vge.f32 v5, $0.0e+00;
	vm1 =	vge.f32 v7, $0.0e+00;
	v3 =	vmul.f32 $1.442695020e+00, v3  }
0xc6: {  	(erf) = vpow2.f32 v4;
	v5 =	vsel vm2, v5, v6;
	v4 =	vsel vm1, v7, v11  }
0xc7: {  	v6 =	vpop (erf);
	(erf) = vpow2.f32 v3;
	v3 =	vadd.f32 v9, v8;
	v7 =	vadd.f32 v9, v2  }
0xc8: {  	s8 =	simm.s32 $0xA930;
	v4 =	vsub.f32 v4, v5;
	v5 =	vadd.f32 v10, v2;
	v6 =	vnsel vm0, $0x0, v6  }
0xc9: {  	v8 =	vadd.f32 v10, v12;
	[tilespmem:s8+$0x20] =	vst v6;
	v9 =	vmul.f32 $2.000000030e-01, v3  }
0xca: {  	v11 =	vmul.f32 $2.000000030e-01, v7;
	v12 =	vmul.f32 $2.000000030e-01, v5;
	vm1 =	vge.f32 v3, $0.0e+00;
	v10 =	vld [tilespmem:s13+$0x0]  }
0xcb: {  	s9 =	simm.s32 $0x8A50;
	vm2 =	vge.f32 v7, $0.0e+00;
	v14 =	vmul.f32 $2.000000030e-01, v8;
	v6 =	vperm.xlane v6, v1  }
0xcc: {  	s15 =	simm.s32 $0xA170;
	v13 =	vld [tilespmem:s9+$0x20];
	v4 =	vmul.f32 $1.442695020e+00, v4;
	v3 =	vsel vm1, v3, v9;
	v7 =	vsel vm2, v7, v11  }
0xcd: {  	v9 =	vld [tilespmem:s15+$0x0];
	vm1 =	vge.f32 v8, $0.0e+00;
	vm2 =	vge.f32 v5, $0.0e+00;
	v3 =	vsub.f32 v3, v7  }
0xce: {  	v11 =	vld [tilespmem:s15+$0xFFFFFFF0];
	v8 =	vsel vm1, v8, v14;
	v5 =	vsel vm2, v5, v12  }
0xcf: {  	v7 =	vld [tilespmem:s9+$0xFFFFFFF0];
	v12 =	vpop (erf);
	v5 =	vsub.f32 v8, v5;
	v3 =	vmul.f32 $1.442695020e+00, v3;
	v10 =	vmul.f32 v10, v6  }
0xd0: {  	(erf) = vpow2.f32 v4;
	v4 =	vpop (erf)  }
0xd1: {  	s10 =	simm.s32 $0xA990;
	s11 =	simm.s32 $0x8AB0;
	v5 =	vmul.f32 $1.442695020e+00, v5;
	(erf) = vpow2.f32 v3;
	[tilespmem:s8+$0x0] =	vst v10;
	v4 =	vnsel vm0, $0x0, v4  }
0xd2: {  	v17 =	vld [tilespmem:s11+$0x20];
	v8 =	vnsel vm0, $0x0, v12;
	v10 =	vadd.f32 v9, v13;
	v9 =	vadd.f32 v9, v2;
	[tilespmem:s10+$0x20] =	vst v4  }
0xd3: {  	v3 =	vperm.xlane v8, v1;
	v13 =	vadd.f32 v11, v2;
	(erf) = vpow2.f32 v5;
	v14 =	vld [tilespmem:s0+$0x0]  }
0xd4: {  	[tilespmem:s8+$0xFFFFFFF0] =	vst v8;
	v7 =	vadd.f32 v11, v7;
	v12 =	vld [tilespmem:s13+$0x10];
	v11 =	vmul.f32 $2.000000030e-01, v10;
	v16 =	vmul.f32 $2.000000030e-01, v9  }
0xd5: {  	s14 =	simm.s32 $0xA190;
	v8 =	vld [tilespmem:s13+$0xFFFFFFD0];
	v4 =	vperm.xlane v4, v1;
	vm1 =	vge.f32 v10, $0.0e+00;
	vm2 =	vge.f32 v9, $0.0e+00  }
0xd6: {  	v18 =	vmul.f32 $2.000000030e-01, v7;
	v10 =	vsel vm1, v10, v11;
	v11 =	vld [tilespmem:s14+$0x0];
	v9 =	vsel vm2, v9, v16  }
0xd7: {  	v15 =	vmul.f32 $2.000000030e-01, v13;
	v16 =	vld [tilespmem:s14+$0xFFFFFFF0];
	vm1 =	vge.f32 v7, $0.0e+00;
	v9 =	vsub.f32 v10, v9  }
0xd8: {  	vm2 =	vge.f32 v13, $0.0e+00;
	v10 =	vld [tilespmem:s11+$0xFFFFFFF0];
	v7 =	vsel vm1, v7, v18;
	v14 =	vmul.f32 v14, v4  }
0xd9: {  	v13 =	vsel vm2, v13, v15;
	v18 =	vmul.f32 v12, v6;
	v6 =	vpop (erf);
	v9 =	vmul.f32 $1.442695020e+00, v9  }
0xda: {  	v20 =	vmul.f32 v8, v3;
	v7 =	vsub.f32 v7, v13;
	v19 =	vnsel vm0, $0x0, v6;
	v5 =	vpop (erf);
	[tilespmem:s10+$0x0] =	vst v14  }
0xdb: {  	s12 =	simm.s32 $0xA9F0;
	[tilespmem:s10+$0xFFFFFFF0] =	vst v19;
	v14 =	vadd.f32 v11, v17;
	(erf) = vpow2.f32 v9;
	v8 =	vnsel vm0, $0x0, v5;
	v9 =	vld [tilespmem:s0+$0x10]  }
0xdc: {  	v12 =	vadd.f32 v16, v2;
	v15 =	vadd.f32 v11, v2;
	v11 =	vmul.f32 $1.442695020e+00, v7;
	v6 =	vld [tilespmem:s0+$0xFFFFFFD0];
	[tilespmem:s12+$0x20] =	vst v8  }
0xdd: {  	[tilespmem:s8+$0xFFFFFFD0] =	vst v20;
	v5 =	vperm.xlane v19, v1;
	v13 =	vadd.f32 v16, v10;
	v17 =	vmul.f32 $2.000000030e-01, v14;
	v10 =	vld [tilespmem:s19+$0x0]  }
0xde: {  	s2 =	simm.s32 $0x8B10;
	s15 =	simm.s32 $0x8;
	[tilespmem:s8+$0x10] =	vst v18;
	v7 =	vld [tilespmem:s13+$0xFFFFFFE0];
	v16 =	vmul.f32 $2.000000030e-01, v12;
	vm1 =	vge.f32 v14, $0.0e+00;
	v18 =	vmul.f32 $2.000000030e-01, v15  }
.LBB2_7:
0xdf: {  	v19 =	vld [tilespmem:s2+$0x20];
	v20 =	vmul.f32 $2.000000030e-01, v13;
	v14 =	vsel vm1, v14, v17;
	vm1 =	vge.f32 v15, $0.0e+00;
	s14 =	sadd.s32 $0x20, s14;
	s13 =	smov.u32 s12;
	s7 =	smov.u32 s0  }
0xe0: {  	s0 =	smov.u32 s19;
	s19 =	smov.u32 s9;
	s9 =	smov.u32 s11;
	v17 =	vld [tilespmem:s14+$0x0];
	v15 =	vsel vm1, v15, v18;
	v9 =	vmul.f32 v9, v4;
	v4 =	vperm.xlane v8, v1  }
0xe1: {  	s15 =	sadd.s32 $0x2, s15;
	vm2 =	vge.f32 v12, $0.0e+00;
	s11 =	smov.u32 s2;
	vm1 =	vge.f32 v13, $0.0e+00;
	v18 =	vld [tilespmem:s14+$0xFFFFFFF0];
	v8 =	vsub.f32 v14, v15  }
0xe2: {  	p0 =	slt.u32 s15, $0x7E;
	v12 =	vsel vm2, v12, v16;
	v13 =	vsel vm1, v13, v20;
	v21 =	vld [tilespmem:s2+$0xFFFFFFF0];
	v10 =	vmul.f32 v10, v4;
	v14 =	vpop (erf);
	[tilespmem:s10+$0x10] =	vst v9  }
0xe3: {  	v13 =	vsub.f32 v13, v12;
	v8 =	vmul.f32 $1.442695020e+00, v8;
	(erf) = vpow2.f32 v11  }
.Ltmp2:
0xe4: {  	v20 =	vmul.f32 v6, v5;
	v16 =	vnsel vm0, $0x0, v14;
	v22 =	vmul.f32 v7, v3;
	v9 =	vpop (erf);
	[tilespmem:s12+$0x0] =	vst v10;
	(pc) =	sbr.rel @p0 .LBB2_7-.Ltmp2, $4  }
0xe5: {  	v3 =	vmovc v5;
	s12 =	sadd.s32 $0x60, s12;
	v14 =	vadd.f32 v17, v19;
	(erf) = vpow2.f32 v8;
	v8 =	vnsel vm0, $0x0, v9;
	[tilespmem:s13+$0xFFFFFFF0] =	vst v16;
	v9 =	vld [tilespmem:s0+$0x10]  }
0xe6: {  	v11 =	vmul.f32 $1.442695020e+00, v13;
	v15 =	vadd.f32 v17, v2;
	v12 =	vadd.f32 v18, v2;
	[tilespmem:s12+$0x20] =	vst v8;
	v6 =	vld [tilespmem:s0+$0xFFFFFFD0]  }
0xe7: {  	v5 =	vperm.xlane v16, v1;
	v13 =	vadd.f32 v18, v21;
	v17 =	vmul.f32 $2.000000030e-01, v14;
	v10 =	vld [tilespmem:s19+$0x0];
	[tilespmem:s10+$0xFFFFFFD0] =	vst v20  }
0xe8: {  	s2 =	sadd.s32 $0x60, s2;
	vm1 =	vge.f32 v14, $0.0e+00;
	v18 =	vmul.f32 $2.000000030e-01, v15;
	v16 =	vmul.f32 $2.000000030e-01, v12;
	v7 =	vld [tilespmem:s7+$0xFFFFFFE0];
	[tilespmem:s8+$0xFFFFFFE0] =	vst v22;
	s8 =	smov.u32 s10;
	s10 =	smov.u32 s13  }
0xe9: {  	vm2 =	vge.f32 v15, $0.0e+00;
	v14 =	vsel vm1, v14, v17;
	v33 =	vmul.f32 $2.000000030e-01, v13  }
0xea: {  	vm1 =	vge.f32 v13, $0.0e+00;
	v15 =	vsel vm2, v15, v18;
	vm2 =	vge.f32 v12, $0.0e+00  }
0xeb: {  	v14 =	vsub.f32 v14, v15;
	v13 =	vsel vm1, v13, v33;
	v12 =	vsel vm2, v12, v16  }
0xec: {  	v12 =	vsub.f32 v13, v12  }
0xed: {  	v34 =	vmul.f32 $1.442695020e+00, v14  }
0xee: {  	(erf) = vpow2.f32 v11;
	v35 =	vmul.f32 $1.442695020e+00, v12  }
0xef: {  	(erf) = vpow2.f32 v34  }
0xf0: {  	(erf) = vpow2.f32 v35;
	_ =	sdelay $0x4  }
0xf1: {  	v36 =	vpop (erf)  }
0xf2: {  	v11 =	vnsel vm0, $0x0, v36;
	v37 =	vpop (erf)  }
0xf3: {  	s2 =	sadd.s32 $0x60, s12;
	[tilespmem:s12+$0xFFFFFFF0] =	vst v11;
	v12 =	vnsel vm0, $0x0, v37;
	v38 =	vpop (erf)  }
0xf4: {  	v41 =	vld [tilespmem:s19+$0xFFFFFFD0];
	[tilespmem:s2+$0x20] =	vst v12;
	v13 =	vnsel vm0, $0x0, v38;
	v39 =	vpop (erf)  }
0xf5: {  	v8 =	vperm.xlane v8, v1;
	s7 =	sadd.s32 $0x60, s2;
	v40 =	vld [tilespmem:s9+$0x0];
	[tilespmem:s2+$0xFFFFFFF0] =	vst v13;
	v14 =	vnsel vm0, $0x0, v39;
	v42 =	vpop (erf)  }
0xf6: {  	v45 =	vmul.f32 v6, v5;
	v44 =	vld [tilespmem:s9+$0xFFFFFFD0];
	[tilespmem:s7+$0x20] =	vst v14;
	v17 =	vnsel vm0, $0x0, v42  }
0xf7: {  	v10 =	vmul.f32 v10, v8;
	v46 =	vperm.xlane v11, v1;
	v43 =	vld [tilespmem:s11+$0x0];
	[tilespmem:s7+$0xFFFFFFF0] =	vst v17  }
0xf8: {  	[tilespmem:s10+$0xFFFFFFD0] =	vst v45;
	v3 =	vmul.f32 v7, v3;
	v12 =	vperm.xlane v12, v1;
	v47 =	vld [tilespmem:s11+$0xFFFFFFD0]  }
0xf9: {  	[tilespmem:s12+$0x0] =	vst v10;
	v50 =	vmul.f32 v41, v46;
	v13 =	vperm.xlane v13, v1  }
0xfa: {  	v51 =	vld [tilespmem:s0+$0xFFFFFFE0];
	[tilespmem:s8+$0xFFFFFFE0] =	vst v3;
	v48 =	vmul.f32 v40, v12;
	v14 =	vperm.xlane v14, v1  }
0xfb: {  	v49 =	vld [tilespmem:s19+$0x10];
	[tilespmem:s12+$0xFFFFFFD0] =	vst v50;
	v54 =	vmul.f32 v44, v13;
	v52 =	vperm.xlane v17, v1  }
0xfc: {  	v4 =	vmul.f32 v9, v4;
	v55 =	vld [tilespmem:s19+$0xFFFFFFE0];
	[tilespmem:s2+$0x0] =	vst v48;
	v9 =	vmul.f32 v43, v14  }
0xfd: {  	v53 =	vld [tilespmem:s9+$0x10];
	[tilespmem:s2+$0xFFFFFFD0] =	vst v54;
	v56 =	vmul.f32 v47, v52  }
0xfe: {  	v59 =	vld [tilespmem:s9+$0xFFFFFFE0];
	[tilespmem:s7+$0x0] =	vst v9  }
0xff: {  	v3 =	vmul.f32 v51, v5;
	v57 =	vld [tilespmem:s11+$0x10];
	[tilespmem:s7+$0xFFFFFFD0] =	vst v56  }
0x100: {  	[tilespmem:s10+$0x10] =	vst v4;
	v58 =	vmul.f32 v49, v8;
	v60 =	vld [tilespmem:s11+$0xFFFFFFE0]  }
0x101: {  	[tilespmem:s10+$0xFFFFFFE0] =	vst v3;
	v3 =	vmul.f32 v55, v46  }
0x102: {  	s18 =	sadd.s32 $0x1, s18;
	[tilespmem:s12+$0x10] =	vst v58;
	v61 =	vmul.f32 v53, v12  }
0x103: {  	p0 =	sne.s32 s18, $0x28;
	[tilespmem:s12+$0xFFFFFFE0] =	vst v3;
	v3 =	vmul.f32 v59, v13  }
.Ltmp3:
0x104: {  	[tilespmem:s2+$0x10] =	vst v61;
	v62 =	vmul.f32 v57, v14;
	(pc) =	sbr.rel @p0 .LBB2_4-.Ltmp3, $4  }
0x105: {  	[tilespmem:s2+$0xFFFFFFE0] =	vst v3;
	v63 =	vmul.f32 v60, v52  }
0x106: {  	s19 =	sand.u32 $0x3FFFFF80, s1;
	[tilespmem:s7+$0x10] =	vst v62  }
0x107: {  	s0 =	sadd.s32 $0x2880, s19;
	[tilespmem:s7+$0xFFFFFFE0] =	vst v63  }
0x108: {  	[spmem:s3] =	stream.indirect.scatter.add.f32 [tilespmem:s30], [sflag:$0x6], $0x30, s0, s20, $0xb8;
	[tilespmem:$0x13670] =	vst v63  }
0x109: {  	_ =	swait.ge [sflag:s25], $0x1800  }
0x10a: {  	[sflag:s25] =	ssyncset.done $0x0  }
0x10b: {  	[sflag:s25] =	ssyncadd.s32 $0xFFFFE800  }
0x10c: {  	_ =	swait.ge [sflag:s26], $0x800  }
0x10d: {  	[sflag:s26] =	ssyncset.done $0x0  }
0x10e: {  	[sflag:s26] =	ssyncadd.s32 $0xFFFFF800  }
0x10f: {  	_ =	swait.ge [sflag:s31], $0x1800  }
0x110: {  	[sflag:s31] =	ssyncset.done $0x0  }
0x111: {  	s13 =	simm.s32 $0x5130;
	[sflag:s31] =	ssyncadd.s32 $0xFFFFE800  }
0x112: {  	s0 =	simm.s32 $0x6910;
	v3 =	vld [tilespmem:s13+$0x20]  }
0x113: {  	v4 =	vld [tilespmem:s0+$0x0];
	_ =	sdelay $0x4  }
0x114: {  	v5 =	vld [tilespmem:s0+$0xFFFFFFF0];
	v3 =	vadd.f32 v4, v3;
	v4 =	vadd.f32 v4, v2  }
0x115: {  	v6 =	vld [tilespmem:s13+$0xFFFFFFF0]  }
0x116: {  	s0 =	simm.s32 $0x5190;
	v7 =	vmul.f32 $2.000000030e-01, v3;
	v8 =	vmul.f32 $2.000000030e-01, v4  }
0x117: {  	s1 =	simm.s32 $0x6930;
	v9 =	vld [tilespmem:s0+$0x20];
	vm1 =	vge.f32 v3, $0.0e+00;
	vm2 =	vge.f32 v4, $0.0e+00  }
0x118: {  	v3 =	vsel vm1, v3, v7;
	v7 =	vld [tilespmem:s1+$0x0];
	v4 =	vsel vm2, v4, v8  }
0x119: {  	v3 =	vsub.f32 v3, v4;
	v4 =	vadd.f32 v5, v2  }
0x11a: {  	v5 =	vadd.f32 v5, v6  }
0x11b: {  	v10 =	vld [tilespmem:s1+$0xFFFFFFF0];
	v3 =	vmul.f32 $1.442695020e+00, v3;
	v6 =	vmul.f32 $2.000000030e-01, v4  }
0x11c: {  	v11 =	vld [tilespmem:s0+$0xFFFFFFF0];
	v8 =	vmul.f32 $2.000000030e-01, v5;
	vm1 =	vge.f32 v5, $0.0e+00;
	vm2 =	vge.f32 v4, $0.0e+00  }
0x11d: {  	v9 =	vadd.f32 v7, v9;
	(erf) = vpow2.f32 v3;
	v3 =	vadd.f32 v7, v2  }
0x11e: {  	v5 =	vsel vm1, v5, v8;
	v4 =	vsel vm2, v4, v6  }
0x11f: {  	s1 =	simm.s32 $0x51F0;
	v4 =	vsub.f32 v5, v4;
	v6 =	vmul.f32 $2.000000030e-01, v9;
	v7 =	vmul.f32 $2.000000030e-01, v3  }
0x120: {  	s2 =	simm.s32 $0x6950;
	v8 =	vld [tilespmem:s1+$0x20];
	v5 =	vadd.f32 v10, v2;
	vm1 =	vge.f32 v9, $0.0e+00;
	vm2 =	vge.f32 v3, $0.0e+00  }
0x121: {  	v6 =	vsel vm1, v9, v6;
	v3 =	vsel vm2, v3, v7;
	v7 =	vadd.f32 v10, v11;
	v9 =	vld [tilespmem:s2+$0x0]  }
0x122: {  	v4 =	vmul.f32 $1.442695020e+00, v4;
	v10 =	vld [tilespmem:s2+$0xFFFFFFF0];
	v3 =	vsub.f32 v6, v3;
	v6 =	vmul.f32 $2.000000030e-01, v5  }
0x123: {  	v12 =	vld [tilespmem:s1+$0xFFFFFFF0];
	vm2 =	vge.f32 v5, $0.0e+00;
	v11 =	vmul.f32 $2.000000030e-01, v7  }
0x124: {  	(erf) = vpow2.f32 v4;
	vm1 =	vge.f32 v7, $0.0e+00;
	v3 =	vmul.f32 $1.442695020e+00, v3  }
0x125: {  	v5 =	vsel vm2, v5, v6;
	v4 =	vsel vm1, v7, v11  }
0x126: {  	v6 =	vpop (erf);
	(erf) = vpow2.f32 v3;
	v3 =	vadd.f32 v9, v8;
	v7 =	vadd.f32 v9, v2  }
0x127: {  	s8 =	simm.s32 $0x7130;
	v4 =	vsub.f32 v4, v5;
	v5 =	vadd.f32 v10, v2;
	v6 =	vnsel vm0, $0x0, v6  }
0x128: {  	v8 =	vadd.f32 v10, v12;
	[tilespmem:s8+$0x20] =	vst v6;
	v9 =	vmul.f32 $2.000000030e-01, v3  }
0x129: {  	v11 =	vmul.f32 $2.000000030e-01, v7;
	v12 =	vmul.f32 $2.000000030e-01, v5;
	vm1 =	vge.f32 v3, $0.0e+00;
	v10 =	vld [tilespmem:s13+$0x0]  }
0x12a: {  	s9 =	simm.s32 $0x5250;
	vm2 =	vge.f32 v7, $0.0e+00;
	v14 =	vmul.f32 $2.000000030e-01, v8;
	v6 =	vperm.xlane v6, v1  }
0x12b: {  	s19 =	simm.s32 $0x6970;
	v13 =	vld [tilespmem:s9+$0x20];
	v4 =	vmul.f32 $1.442695020e+00, v4;
	v3 =	vsel vm1, v3, v9;
	v7 =	vsel vm2, v7, v11  }
0x12c: {  	v9 =	vld [tilespmem:s19+$0x0];
	vm1 =	vge.f32 v8, $0.0e+00;
	vm2 =	vge.f32 v5, $0.0e+00;
	v3 =	vsub.f32 v3, v7  }
0x12d: {  	v11 =	vld [tilespmem:s19+$0xFFFFFFF0];
	v8 =	vsel vm1, v8, v14;
	v5 =	vsel vm2, v5, v12;
	v12 =	vpop (erf);
	(erf) = vpow2.f32 v4  }
0x12e: {  	v7 =	vld [tilespmem:s9+$0xFFFFFFF0];
	v5 =	vsub.f32 v8, v5;
	v3 =	vmul.f32 $1.442695020e+00, v3;
	v10 =	vmul.f32 v10, v6;
	_ =	sdelay $0x1  }
0x12f: {  	s14 =	simm.s32 $0x6990;
	v5 =	vmul.f32 $1.442695020e+00, v5;
	v4 =	vpop (erf);
	(erf) = vpow2.f32 v3;
	v3 =	vnsel vm0, $0x0, v12;
	[tilespmem:s8+$0x0] =	vst v10  }
0x130: {  	s10 =	simm.s32 $0x7190;
	v18 =	vld [tilespmem:s14+$0x0];
	v8 =	vadd.f32 v9, v13;
	v9 =	vadd.f32 v9, v2;
	v4 =	vnsel vm0, $0x0, v4;
	[tilespmem:s8+$0xFFFFFFF0] =	vst v3  }
0x131: {  	v12 =	vadd.f32 v11, v2;
	v3 =	vperm.xlane v3, v1;
	(erf) = vpow2.f32 v5;
	v10 =	vld [tilespmem:s13+$0x10];
	[tilespmem:s10+$0x20] =	vst v4  }
0x132: {  	v7 =	vadd.f32 v11, v7;
	v11 =	vmul.f32 $2.000000030e-01, v8;
	v15 =	vmul.f32 $2.000000030e-01, v9;
	v13 =	vld [tilespmem:s0+$0x0]  }
0x133: {  	v14 =	vld [tilespmem:s13+$0xFFFFFFD0];
	vm1 =	vge.f32 v8, $0.0e+00;
	v16 =	vmul.f32 $2.000000030e-01, v12;
	v4 =	vperm.xlane v4, v1  }
0x134: {  	s11 =	simm.s32 $0x52B0;
	v19 =	vld [tilespmem:s14+$0xFFFFFFF0];
	vm2 =	vge.f32 v12, $0.0e+00;
	v8 =	vsel vm1, v8, v11;
	vm1 =	vge.f32 v9, $0.0e+00  }
0x135: {  	v17 =	vld [tilespmem:s11+$0x20];
	v11 =	vmul.f32 $2.000000030e-01, v7;
	v9 =	vsel vm1, v9, v15;
	vm1 =	vge.f32 v7, $0.0e+00  }
0x136: {  	v8 =	vsub.f32 v8, v9;
	v9 =	vsel vm2, v12, v16;
	v16 =	vmul.f32 v10, v6;
	v6 =	vpop (erf)  }
0x137: {  	v20 =	vld [tilespmem:s11+$0xFFFFFFF0];
	v7 =	vsel vm1, v7, v11;
	v11 =	vmul.f32 v13, v4;
	v21 =	vnsel vm0, $0x0, v6  }
0x138: {  	v15 =	vadd.f32 v18, v2;
	v22 =	vmul.f32 v14, v3;
	v8 =	vmul.f32 $1.442695020e+00, v8;
	[tilespmem:s10+$0xFFFFFFF0] =	vst v21  }
0x139: {  	v12 =	vadd.f32 v19, v2;
	v7 =	vsub.f32 v7, v9;
	v5 =	vpop (erf);
	[tilespmem:s10+$0x0] =	vst v11  }
0x13a: {  	s12 =	simm.s32 $0x71F0;
	v14 =	vadd.f32 v18, v17;
	[tilespmem:s8+$0xFFFFFFD0] =	vst v22;
	(erf) = vpow2.f32 v8;
	v8 =	vnsel vm0, $0x0, v5;
	v9 =	vld [tilespmem:s0+$0x10]  }
0x13b: {  	v18 =	vmul.f32 $2.000000030e-01, v15;
	v6 =	vld [tilespmem:s0+$0xFFFFFFD0];
	[tilespmem:s12+$0x20] =	vst v8  }
0x13c: {  	v13 =	vadd.f32 v19, v20;
	v17 =	vmul.f32 $2.000000030e-01, v14;
	[tilespmem:s8+$0x10] =	vst v16;
	v16 =	vmul.f32 $2.000000030e-01, v12;
	v10 =	vld [tilespmem:s1+$0x0]  }
0x13d: {  	s15 =	simm.s32 $0x8;
	s2 =	simm.s32 $0x5310;
	vm1 =	vge.f32 v14, $0.0e+00;
	v11 =	vmul.f32 $1.442695020e+00, v7;
	v5 =	vperm.xlane v21, v1;
	v7 =	vld [tilespmem:s13+$0xFFFFFFE0]  }
.LBB2_10:
0x13e: {  	v19 =	vld [tilespmem:s2+$0x20];
	v20 =	vmul.f32 $2.000000030e-01, v13;
	v14 =	vsel vm1, v14, v17;
	vm1 =	vge.f32 v15, $0.0e+00;
	s14 =	sadd.s32 $0x20, s14;
	s13 =	smov.u32 s12;
	s7 =	smov.u32 s0  }
0x13f: {  	s0 =	smov.u32 s1;
	s1 =	smov.u32 s9;
	s9 =	smov.u32 s11;
	v17 =	vld [tilespmem:s14+$0x0];
	v15 =	vsel vm1, v15, v18;
	v9 =	vmul.f32 v9, v4;
	v4 =	vperm.xlane v8, v1  }
0x140: {  	s15 =	sadd.s32 $0x2, s15;
	vm2 =	vge.f32 v12, $0.0e+00;
	s11 =	smov.u32 s2;
	vm1 =	vge.f32 v13, $0.0e+00;
	v18 =	vld [tilespmem:s14+$0xFFFFFFF0];
	v8 =	vsub.f32 v14, v15  }
0x141: {  	p0 =	slt.u32 s15, $0x7E;
	v12 =	vsel vm2, v12, v16;
	v13 =	vsel vm1, v13, v20;
	v21 =	vld [tilespmem:s2+$0xFFFFFFF0];
	v10 =	vmul.f32 v10, v4;
	v14 =	vpop (erf);
	[tilespmem:s10+$0x10] =	vst v9  }
0x142: {  	v13 =	vsub.f32 v13, v12;
	v8 =	vmul.f32 $1.442695020e+00, v8;
	(erf) = vpow2.f32 v11  }
.Ltmp4:
0x143: {  	v20 =	vmul.f32 v6, v5;
	v16 =	vnsel vm0, $0x0, v14;
	v22 =	vmul.f32 v7, v3;
	v9 =	vpop (erf);
	[tilespmem:s12+$0x0] =	vst v10;
	(pc) =	sbr.rel @p0 .LBB2_10-.Ltmp4, $4  }
0x144: {  	v3 =	vmovc v5;
	s12 =	sadd.s32 $0x60, s12;
	v14 =	vadd.f32 v17, v19;
	(erf) = vpow2.f32 v8;
	v8 =	vnsel vm0, $0x0, v9;
	[tilespmem:s13+$0xFFFFFFF0] =	vst v16;
	v9 =	vld [tilespmem:s0+$0x10]  }
0x145: {  	v11 =	vmul.f32 $1.442695020e+00, v13;
	v15 =	vadd.f32 v17, v2;
	v12 =	vadd.f32 v18, v2;
	[tilespmem:s12+$0x20] =	vst v8;
	v6 =	vld [tilespmem:s0+$0xFFFFFFD0]  }
0x146: {  	v5 =	vperm.xlane v16, v1;
	v13 =	vadd.f32 v18, v21;
	v17 =	vmul.f32 $2.000000030e-01, v14;
	v10 =	vld [tilespmem:s1+$0x0];
	[tilespmem:s10+$0xFFFFFFD0] =	vst v20  }
0x147: {  	s2 =	sadd.s32 $0x60, s2;
	vm1 =	vge.f32 v14, $0.0e+00;
	v18 =	vmul.f32 $2.000000030e-01, v15;
	v16 =	vmul.f32 $2.000000030e-01, v12;
	v7 =	vld [tilespmem:s7+$0xFFFFFFE0];
	[tilespmem:s8+$0xFFFFFFE0] =	vst v22;
	s8 =	smov.u32 s10;
	s10 =	smov.u32 s13  }
0x148: {  	vm2 =	vge.f32 v15, $0.0e+00  }
0x149: {  	v2 =	vsel vm1, v14, v17;
	v40 =	vmul.f32 $2.000000030e-01, v13;
	v15 =	vsel vm2, v15, v18  }
0x14a: {  	vm1 =	vge.f32 v13, $0.0e+00;
	vm2 =	vge.f32 v12, $0.0e+00;
	v2 =	vsub.f32 v2, v15  }
0x14b: {  	v13 =	vsel vm1, v13, v40;
	v12 =	vsel vm2, v12, v16  }
0x14c: {  	v12 =	vsub.f32 v13, v12;
	v2 =	vmul.f32 $1.442695020e+00, v2  }
0x14d: {  	(erf) = vpow2.f32 v11  }
0x14e: {  	(erf) = vpow2.f32 v2;
	v2 =	vmul.f32 $1.442695020e+00, v12;
	_ =	sdelay $0x1  }
0x14f: {  	(erf) = vpow2.f32 v2;
	_ =	sdelay $0x3  }
0x150: {  	v2 =	vpop (erf)  }
0x151: {  	v41 =	vpop (erf)  }
0x152: {  	v2 =	vnsel vm0, $0x0, v2;
	v42 =	vpop (erf)  }
0x153: {  	s2 =	sadd.s32 $0x60, s12;
	v11 =	vnsel vm0, $0x0, v41;
	[tilespmem:s12+$0xFFFFFFF0] =	vst v2;
	v43 =	vpop (erf)  }
0x154: {  	s7 =	sadd.s32 $0x60, s2;
	[tilespmem:s2+$0x20] =	vst v11;
	v45 =	vld [tilespmem:s1+$0xFFFFFFD0];
	v13 =	vnsel vm0, $0x0, v43  }
0x155: {  	v8 =	vperm.xlane v8, v1;
	v12 =	vnsel vm0, $0x0, v42;
	v44 =	vld [tilespmem:s9+$0x0];
	[tilespmem:s7+$0x20] =	vst v13;
	v46 =	vpop (erf)  }
0x156: {  	v4 =	vmul.f32 v9, v4;
	v49 =	vmul.f32 v6, v5;
	[tilespmem:s2+$0xFFFFFFF0] =	vst v12;
	v47 =	vld [tilespmem:s11+$0x0];
	v16 =	vnsel vm0, $0x0, v46  }
0x157: {  	v10 =	vmul.f32 v10, v8;
	v2 =	vperm.xlane v2, v1;
	v48 =	vld [tilespmem:s9+$0xFFFFFFD0];
	[tilespmem:s7+$0xFFFFFFF0] =	vst v16  }
0x158: {  	[tilespmem:s10+$0xFFFFFFD0] =	vst v49;
	v3 =	vmul.f32 v7, v3;
	v11 =	vperm.xlane v11, v1;
	v50 =	vld [tilespmem:s11+$0xFFFFFFD0]  }
0x159: {  	[tilespmem:s12+$0x0] =	vst v10;
	v13 =	vperm.xlane v13, v1;
	v53 =	vmul.f32 v45, v2  }
0x15a: {  	v54 =	vld [tilespmem:s0+$0xFFFFFFE0];
	[tilespmem:s8+$0xFFFFFFE0] =	vst v3;
	v12 =	vperm.xlane v12, v1;
	v51 =	vmul.f32 v44, v11  }
0x15b: {  	v52 =	vld [tilespmem:s1+$0x10];
	v55 =	vperm.xlane v16, v1;
	[tilespmem:s12+$0xFFFFFFD0] =	vst v53;
	v9 =	vmul.f32 v47, v13  }
0x15c: {  	v57 =	vmul.f32 v48, v12;
	[tilespmem:s2+$0x0] =	vst v51;
	v58 =	vld [tilespmem:s1+$0xFFFFFFE0]  }
0x15d: {  	v56 =	vld [tilespmem:s9+$0x10];
	[tilespmem:s7+$0x0] =	vst v9;
	v6 =	vmul.f32 v50, v55  }
0x15e: {  	[tilespmem:s2+$0xFFFFFFD0] =	vst v57;
	v59 =	vld [tilespmem:s11+$0x10]  }
0x15f: {  	v3 =	vmul.f32 v54, v5;
	v61 =	vld [tilespmem:s9+$0xFFFFFFE0];
	[tilespmem:s7+$0xFFFFFFD0] =	vst v6  }
0x160: {  	[tilespmem:s10+$0x10] =	vst v4;
	v60 =	vmul.f32 v52, v8;
	v62 =	vld [tilespmem:s11+$0xFFFFFFE0]  }
0x161: {  	[tilespmem:s10+$0xFFFFFFE0] =	vst v3;
	v2 =	vmul.f32 v58, v2  }
0x162: {  	[tilespmem:s12+$0x10] =	vst v60;
	v63 =	vmul.f32 v56, v11  }
0x163: {  	[tilespmem:s12+$0xFFFFFFE0] =	vst v2;
	v3 =	vmul.f32 v59, v13  }
0x164: {  	v2 =	vmul.f32 v61, v12;
	[tilespmem:s2+$0x10] =	vst v63  }
0x165: {  	[tilespmem:s7+$0x10] =	vst v3;
	v3 =	vmul.f32 v62, v55  }
0x166: {  	[tilespmem:s2+$0xFFFFFFE0] =	vst v2  }
0x167: {  	s13 =	simm.s32 $0x6;
	s12 =	simm.s32 $0x5080;
	[tilespmem:s7+$0xFFFFFFE0] =	vst v3  }
0x168: {  	[spmem:s3] =	stream.indirect.scatter.add.f32 [tilespmem:s16], [sflag:$0x3], $0x30, s12, s20, $0xb8;
	[tilespmem:$0x13670] =	vst v63  }
0x169: {  	_ =	swait.ge [sflag:s13], $0x1800  }
0x16a: {  	[sflag:s13] =	ssyncset.done $0x0  }
0x16b: {  	[sflag:s13] =	ssyncadd.s32 $0xFFFFE800  }
0x16c: {  	_ =	swait.ge [sflag:s31], $0x1800  }
0x16d: {  	[sflag:s31] =	ssyncset.done $0x0  }
0x16e: {  	[sflag:s31] =	ssyncadd.s32 $0xFFFFE800  }
0x16f: {  	s14 =	stileid.u32;
	[bflag:$0x0] =	sbarrier.arrive $0xFFFF  }
0x170: {  	s0 =	sshll.u32 s14, $0x6;
	s7 =	rddreg [dreg:$0x4]  }
0x171: {  	s0 =	sor.u32 $0x1C07, s0;
	s18 =	rddreg [dreg:$0xb];
	s15 =	sshrl.u32 s7, $0x3  }
0x172: {  	[hbm:s18], [sflag:s0] =	dma.local [spmem:s15], $0xEAC  }
0x173: {  	_ =	swait.ge [sflag:s17], $0xEAC  }
0x174: {  	s4 =	sadd.s32 $0x1, s4;
	s19 =	rddreg [dreg:$0xc]  }
0x175: {  	p0 =	sne.s32 s4, s19  }
.Ltmp5:
0x176: {  	_ = 	snop;
	(pc) =	sbr.rel @p0 .LBB2_1-.Ltmp5, $3  }
0x177: {  	_ =	sdelay $0x1  }
0x178: {  	[sflag:s17] =	ssyncset.done $0x0  }
0x179: {  	[sflag:s17] =	ssyncadd.s32 $0xFFFFF154  }
0x17a: {  	_ =	sfence.sel $0x180000  }
0x17b: {  	[bflag:$0x0] =	sbarrier.arrive $0xFFFF  }
0x17c: {  	_ =	strace $0x9000004A  }
0x17d: {  	s0 =	stileid.u32;
	[bflag:$0x2] =	sbarrier.arrive $0xFFFF  }
0x17e: {  	p0 =	sne.s32 s0, $0x0;
	s0 =	rddreg [dreg:$0x3]  }
0x17f: {  	s0 =	sadd.s32 @!p0 $0x100000, s0  }
0x180: {  	[sflag:s0] =	ssyncadd.tile.s32 @!p0 $0x1;
	_ =	shalt  }
.Lfunc_end2:
_tile_overlayer_lowered:
.L_overlay_start_2:
0x181: {  	(tag) =	ssettag $0x2  }
0x182: {  	s0 =	rddreg [dreg:$0x0];
	s2 =	stileid.u32  }
0x183: {  	s1 =	rddreg [dreg:$0x1];
	p0 =	sne.s32 s2, $0x0  }
0x184: {  	s3 =	rddreg [dreg:$0x2];
	[bflag:$0x3] =	sbarrier.arrive $0xFFFF;
	s2 =	simm.s32 @!p0 $0x1C07  }
0x185: {  	[timem:s3], [sflag:s2] =	dma.local @!p0 [hbm:s0], s1  }
0x186: {  	s0 =	simm.s32 @!p0 $0x7  }
0x187: {  	_ =	swait.ge @!p0 [sflag:s0], s1  }
0x188: {  	s1 =	ssub.s32 @!p0 $0x0, s1;
	[sflag:s0] =	ssyncset.done @!p0 $0x0  }
0x189: {  	[sflag:s0] =	ssyncadd.s32 @!p0 s1  }
0x18a: {  	[bflag:$0x3] =	sbarrier.arrive $0xFFFF  }
0x18b: {  	_ =	shalt  }

// kernel: kernel.7.cloned.1.call-start
scs
__scs_entry_jumppad:
0x0: {  	(pc) =	sbr.rel $0x88, $3  }
0x1: {  	(tag) =	ssettag $0x0;
	lr =	simm.s32 $0x1  }
0x2: {  	[smem:$0x3F95] =	sst lr;
	_ =	strace $0xD0000000  }
0x3: {  	_ = 	snop  }
0x4: {  	_ = 	snop  }
0x5: {  	_ = 	snop  }
0x6: {  	_ = 	snop  }
0x7: {  	_ = 	snop  }
__scs_overlays_trampoline_lowered:
0x8: {  	[smem:$0x3FA4] =	sst s0  }
0x9: {  	[smem:$0x3FA5] =	sst s1  }
0xa: {  	[smem:$0x3FA6] =	sst s2  }
0xb: {  	[smem:$0x3FA7] =	sst s3  }
0xc: {  	[smem:$0x3FA8] =	sst s4  }
0xd: {  	[smem:$0x3FA9] =	sst s5  }
0xe: {  	[smem:$0x3FAA] =	sst s6  }
0xf: {  	[smem:$0x3FAB] =	sst s7  }
0x10: {  	[smem:$0x3FAC] =	sst s8  }
0x11: {  	[smem:$0x3FAD] =	sst s9;
	s0 =	simm.s32 @!p0 $0x0  }
0x12: {  	s1 =	sld [smem:$0x3F93];
	s0 =	simm.s32 @p0 $0x1  }
0x13: {  	[smem:$0x3FAE] =	sst s0;
	s0 =	simm.s32 @!p1 $0x0  }
0x14: {  	s2 =	sld [smem:$0x3F92];
	s0 =	simm.s32 @p1 $0x1  }
0x15: {  	[smem:$0x3FAF] =	sst s0;
	s0 =	simm.s32 @!p2 $0x0  }
0x16: {  	s3 =	sld [smem:$0x3FDB];
	s0 =	simm.s32 @p2 $0x1  }
0x17: {  	s4 =	simm.s32 $0x1BF5;
	[smem:$0x3FB1] =	sst s0  }
0x18: {  	s0 =	sld [smem:$0x3F94];
	_ =	swait.ge [sflag:s4], $0x0  }
0x19: {  	s7 =	sld [smem:$0x3F95]  }
0x1a: {  	s8 =	sadd.s32 $0xFFFFE003, lr  }
0x1b: {  	s9 =	sadd.s32 $0xFFFFFEF7, lr;
	s5 =	simm.s32 $0xFFFFFFFF;
	p2 =	slt.u32 s8, $0xFFFFF086  }
0x1c: {  	p1 =	slt.u32 s9, $0xF7A;
	s5 =	simm.s32 @!p2 $0x0  }
0x1d: {  	s5 =	simm.s32 @p1 $0x1;
	p0 =	seq.s32 s7, s2  }
0x1e: {  	s7 =	smul.u32 @!p0 $0xF7A, s2;
	p2 =	seq.s32 @!p0 s5, $0x0  }
0x1f: {  	s9 =	smul.u32 $0xF7A, s1;
	s8 =	simm.s32 @!p0 $0x1BF5;
	p2 =	por !p2, p0  }
0x20: {  	[sflag:s8] =	ssyncset.s32 @!p0 $0xFFFFF086;
	s6 =	sadd.s32 @!p0 s3, s7;
	s7 =	simm.s32 @!p0 $0x108  }
0x21: {  	s3 =	sadd.s32 s3, s9;
	s6 =	sadd.s32 @!p0 $0x88, s6;
	s7 =	simm.s32 @p2 $0x1082  }
0x22: {  	[simem:s7], [sflag:s8] =	dma.local @!p0 [hbm:s6], $0xF7A  }
0x23: {  	s9 =	sor.u32 $0xD0000000, s2;
	s6 =	simm.s32 $0x108;
	_ =	swait.ge @!p0 [sflag:s8], $0x0  }
0x24: {  	s3 =	sadd.s32 $0x88, s3;
	s6 =	simm.s32 @!p1 $0x1082;
	[sflag:s4] =	ssyncset.s32 $0xFFFFF086  }
0x25: {  	[simem:s6], [sflag:s4] =	dma.local [hbm:s3], $0xF7A  }
0x26: {  	[smem:$0x3F95] =	sst s1;
	(tag) =	ssettag s2;
	_ =	strace s9  }
0x27: {  	s1 =	sld [smem:$0x3FA5]  }
0x28: {  	s2 =	sld [smem:$0x3FA6]  }
0x29: {  	s4 =	sld [smem:$0x3FA8]  }
0x2a: {  	p0 =	seq.s32 s5, $0x0;
	s5 =	sld [smem:$0x3FA9]  }
0x2b: {  	s6 =	sld [smem:$0x3FAA]  }
0x2c: {  	s7 =	sld [smem:$0x3FAB]  }
0x2d: {  	s3 =	simm.s32 $0x108;
	s8 =	sld [smem:$0x3FAC]  }
0x2e: {  	s3 =	simm.s32 @!p0 $0x1082;
	s9 =	sld [smem:$0x3FAD]  }
0x2f: {  	lr =	sadd.s32 s0, s3;
	s0 =	sld [smem:$0x3FA4]  }
0x30: {  	s3 =	sld [smem:$0x3FA7]  }
0x31: {  	[smem:$0x3FB0] =	sst s10  }
0x32: {  	s10 =	sld [smem:$0x3FAE];
	_ =	sdelay $0x3  }
0x33: {  	p0 =	seq.s32 s10, $0x1;
	s10 =	sld [smem:$0x3FB0];
	_ =	sdelay $0x3  }
0x34: {  	[smem:$0x3FB0] =	sst s10  }
0x35: {  	s10 =	sld [smem:$0x3FAF];
	_ =	sdelay $0x3  }
0x36: {  	p1 =	seq.s32 s10, $0x1;
	s10 =	sld [smem:$0x3FB0];
	_ =	sdelay $0x3  }
0x37: {  	[smem:$0x3FB0] =	sst s10  }
0x38: {  	s10 =	sld [smem:$0x3FB1]  }
0x39: {  	_ = 	snop;
	(pc) =	sbr.ind lr, $3  }
0x3a: {  	_ = 	snop  }
0x3b: {  	_ = 	snop  }
0x3c: {  	p2 =	seq.s32 s10, $0x1;
	s10 =	sld [smem:$0x3FB0]  }
0x3d: {  	_ =	shalt  }
0x3e: {  	_ =	shalt  }
0x3f: {  	_ =	shalt  }
0x40: {  	_ =	shalt  }
0x41: {  	_ =	shalt  }
0x42: {  	_ =	shalt  }
0x43: {  	_ =	shalt  }
0x44: {  	_ =	shalt  }
0x45: {  	_ =	shalt  }
0x46: {  	_ =	shalt  }
0x47: {  	_ =	shalt  }
0x48: {  	_ =	shalt  }
0x49: {  	_ =	shalt  }
0x4a: {  	_ =	shalt  }
0x4b: {  	_ =	shalt  }
0x4c: {  	_ =	shalt  }
0x4d: {  	_ =	shalt  }
0x4e: {  	_ =	shalt  }
0x4f: {  	_ =	shalt  }
0x50: {  	_ =	shalt  }
0x51: {  	_ =	shalt  }
0x52: {  	_ =	shalt  }
0x53: {  	_ =	shalt  }
0x54: {  	_ =	shalt  }
0x55: {  	_ =	shalt  }
0x56: {  	_ =	shalt  }
0x57: {  	_ =	shalt  }
0x58: {  	_ =	shalt  }
0x59: {  	_ =	shalt  }
0x5a: {  	_ =	shalt  }
0x5b: {  	_ =	shalt  }
0x5c: {  	_ =	shalt  }
0x5d: {  	_ =	shalt  }
0x5e: {  	_ =	shalt  }
0x5f: {  	_ =	shalt  }
0x60: {  	_ =	shalt  }
0x61: {  	_ =	shalt  }
0x62: {  	_ =	shalt  }
0x63: {  	_ =	shalt  }
0x64: {  	_ =	shalt  }
0x65: {  	_ =	shalt  }
0x66: {  	_ =	shalt  }
0x67: {  	_ =	shalt  }
0x68: {  	_ =	shalt  }
0x69: {  	_ =	shalt  }
0x6a: {  	_ =	shalt  }
0x6b: {  	_ =	shalt  }
0x6c: {  	_ =	shalt  }
0x6d: {  	_ =	shalt  }
0x6e: {  	_ =	shalt  }
0x6f: {  	_ =	shalt  }
0x70: {  	_ =	shalt  }
0x71: {  	_ =	shalt  }
0x72: {  	_ =	shalt  }
0x73: {  	_ =	shalt  }
0x74: {  	_ =	shalt  }
0x75: {  	_ =	shalt  }
0x76: {  	_ =	shalt  }
0x77: {  	_ =	shalt  }
0x78: {  	_ =	shalt  }
0x79: {  	_ =	shalt  }
0x7a: {  	_ =	shalt  }
0x7b: {  	_ =	shalt  }
0x7c: {  	_ =	shalt  }
0x7d: {  	_ =	shalt  }
0x7e: {  	_ =	shalt  }
0x7f: {  	_ =	shalt  }
0x80: {  	_ =	shalt  }
0x81: {  	_ =	shalt  }
0x82: {  	_ =	shalt  }
0x83: {  	_ =	shalt  }
0x84: {  	_ =	shalt  }
0x85: {  	_ =	shalt  }
0x86: {  	_ =	shalt  }
0x87: {  	_ =	shalt  }
.Lfunc_end0:
.L_simem_size_0:
called_computation_lowered:
.L_overlay_start_0:
0x88: {  	s2 =	sld [smem:$0x3FD9]  }
0x89: {  	s3 =	sld [smem:$0x3FFE];
	_ =	sdelay $0x1  }
0x8a: {  	s1 =	srdreg.scid  }
0x8b: {  	s0 =	sand.u32 $0x1, s1  }
0x8c: {  	s17 =	sshll.u32 s0, $0xA;
	s2 =	sadd.s32 s3, s2  }
0x8d: {  	s2 =	sadd.s32 s2, s17  }
0x8e: {  	[smem:$0x3FBC] =	sst s2  }
0x8f: {  	_ = 	snop  }
0x90: {  	s2 =	sld [smem:$0x3FD0];
	(tm) =	ssettm $0x1  }
0x91: {  	s18 =	sld [smem:$0x3FFB];
	_ =	sdelay $0x3  }
0x92: {  	_ =	strace s18  }
0x93: {  	s3 =	sld [smem:$0x3FFC];
	_ =	sdelay $0x3  }
0x94: {  	_ =	strace s3  }
0x95: {  	s3 =	sld [smem:$0x3FFD];
	_ =	sdelay $0x3  }
0x96: {  	_ =	strace s3  }
0x97: {  	_ =	strace $0x8FFFFFFF  }
0x98: {  	s19 =	sld [smem:$0x3FDB];
	_ =	sdelay $0x1  }
0x99: {  	s4 =	simm.s32 $_scs_section_size  }
0x9a: {  	s5 =	simm.s32 $_size__tile_overlayer_lowered;
	s6 =	simm.s32 $_tile_overlayer_lowered  }
0x9b: {  	s22 =	simm.s32 $0x1BFF;
	s21 =	sshll.u32 s6, $0x1;
	s3 =	sadd.s32 s4, s19  }
0x9c: {  	s7 =	simm.s32 $0x0;
	s20 =	sshll.u32 s5, $0x1;
	s5 =	sadd.s32 s21, s3  }
0x9d: {  	[timem:s7], [sflag:s22] =	dma.local [hbm:s5], s20  }
0x9e: {  	_ =	swait.ge [sflag:s22], s20  }
0x9f: {  	s4 =	ssub.s32 $0x0, s20;
	[sflag:s22] =	ssyncset.done $0x0  }
0xa0: {  	[sflag:s22] =	ssyncadd.s32 s4;
	_ =	sdelay $0x1  }
0xa1: {  	s23 =	simm.s32 $0x1B8B  }
0xa2: {  	_ =	swait.ge [sflag:s23], $0x1  }
0xa3: {  	[sflag:s23] =	ssyncset.done $0x0  }
0xa4: {  	s25 =	simm.s32 $0x1B8E;
	s24 =	sld [smem:$0x3FFE];
	[sflag:s23] =	ssyncadd.s32 $0xFFFFFFFF  }
0xa5: {  	s26 =	simm.s32 $execute0_lowered;
	[smem:$0x3FD2] =	sst s25  }
0xa6: {  	s5 =	sshll.u32 s26, $0x1;
	_ =	strace $0x80000046;
	[dreg:$0x1] =	wrdreg $0xFFFFFFFF  }
0xa7: {  	s28 =	simm.s32 $_size_execute0_lowered;
	s3 =	sadd.s32 s3, s5;
	[dreg:$0x0] =	wrdreg $0x0  }
0xa8: {  	s5 =	sshll.u32 s28, $0x1;
	[dreg:$0x2] =	wrdreg s3  }
0xa9: {  	[dreg:$0x3] =	wrdreg s5  }
0xaa: {  	[dreg:$0x4] =	wrdreg $0xC0  }
0xab: {  	_ =	task [dreg:s7], $0x5FFFF  }
0xac: {  	[dreg:$0x1] =	wrdreg $0xFFFFFFFF  }
0xad: {  	[dreg:$0x0] =	wrdreg $0x60  }
0xae: {  	[dreg:$0x2] =	wrdreg s24  }
0xaf: {  	[dreg:$0x3] =	wrdreg s2  }
0xb0: {  	[dreg:$0x4] =	wrdreg $0x99900  }
0xb1: {  	[dreg:$0x5] =	wrdreg $0x9  }
0xb2: {  	_ =	task.clear_ibuf [dreg:s7], $0x6FFFF;
	_ =	strace $0x90000046  }
0xb3: {  	s29 =	simm.s32 $0x9;
	_ =	strace $0x80000048  }
0xb4: {  	_ =	swait.ge [sflag:s29], $0x1  }
0xb5: {  	[sflag:s29] =	ssyncadd.s32 $0xFFFFFFFF  }
0xb6: {  	_ =	strace $0x90000048  }
0xb7: {  	_ =	sfence  }
0xb8: {  	s30 =	sld [smem:$0x0];
	_ =	sdelay $0x2  }
0xb9: {  	s31 =	sshll.u32 s1, $0xD;
	s1 =	sshrl.u32 s1, $0x2  }
0xba: {  	s3 =	sand.u32 $0x4000, s31;
	s1 =	sadd.s32 s1, s30  }
0xbb: {  	s0 =	sor.u32 s3, s0;
	s1 =	sshll.u32 s1, $0x11  }
0xbc: {  	s0 =	sor.u32 s1, s0  }
0xbd: {  	s0 =	sadd.s32 $0x8F2B, s0  }
0xbe: {  	[sflag:s0] =	ssyncadd.remote.s32 $0x1  }
0xbf: {  	_ =	sfence.sel $0xFFFF  }
0xc0: {  	[dreg:$0x0] =	wrdreg $0xFFFFFFFF;
	(pc) =	sbr.abs _section_cstart, $3  }
0xc1: {  	[dreg:$0x1] =	wrdreg $0xFFFFFFFF  }
0xc2: {  	_ =	task.clear_ibuf [dreg:s7], $0x2FFFF;
	_ =	strace $0x9FFFFFFF  }
0xc3: {  	(tm) =	ssettm $0x7FFFFFFF  }
tec
execute0_lowered:
.L_overlay_start_1:
0x0: {  	(tag) =	ssettag $0x1  }
0x1: {  	s0 =	rddreg [dreg:$0x0]  }
0x2: {  	s11 =	rddreg [dreg:$0x2]  }
0x3: {  	s1 =	srdreg.scid;
	s10 =	stileid.u32  }
0x4: {  	s1 =	sand.u32 $0x1, s1;
	s4 =	smul.u32 $0x58080, s10;
	s12 =	sshll.u32 s10, $0x1  }
0x5: {  	s30 =	smul.u32 $0x160200, s1;
	s9 =	ssub.s32 $0x2, s1;
	s1 =	sor.u32 s1, s12  }
0x6: {  	s3 =	simm.s32 $0x0;
	s4 =	sshrl.u32 s4, $0x2;
	s16 =	smul.u32 $0x2880, s1  }
0x7: {  	s2 =	smul.u32 $0x16020, s10;
	[smem:$0x7FF] =	sst s3;
	s4 =	sadd.s32 s4, s11  }
0x8: {  	_ =	strace $0x80000047;
	s13 =	sadd.s32 $0x2400, s4;
	[dreg:$0x8] =	wrdreg s16  }
0x9: {  	s5 =	sadd.s32 $0x1C00, s0;
	s14 =	sadd.s32 $0x4800, s4;
	[dreg:$0x5] =	wrdreg s13  }
0xa: {  	s6 =	sadd.s32 $0x2DC00, s0;
	s15 =	sadd.s32 $0x6C00, s4;
	[dreg:$0x6] =	wrdreg s14  }
0xb: {  	s7 =	sadd.s32 $0x3CE00, s0;
	s17 =	sadd.s32 $0x9000, s4;
	[dreg:$0x7] =	wrdreg s15  }
0xc: {  	s8 =	sadd.s32 $0x32C00, s0;
	s18 =	sadd.s32 $0xB400, s4;
	[dreg:$0x9] =	wrdreg s17  }
0xd: {  	s31 =	sshrl.u32 s9, $0x1;
	s19 =	sadd.s32 $0xD800, s4;
	[dreg:$0xa] =	wrdreg s18  }
0xe: {  	s3 =	sadd.s32 s2, s30;
	s20 =	sadd.s32 $0xFC00, s4;
	[dreg:$0xb] =	wrdreg s19  }
0xf: {  	s3 =	sshrl.u32 s3, $0x3;
	s21 =	sadd.s32 $0x12000, s4;
	[dreg:$0xc] =	wrdreg s20  }
0x10: {  	s22 =	sshrl.u32 s16, $0x3;
	s23 =	sadd.s32 $0x14400, s4;
	[dreg:$0xd] =	wrdreg s21  }
0x11: {  	s29 =	sor.u32 $0x40, s16;
	s0 =	sadd.s32 s3, s0;
	[dreg:$0xe] =	wrdreg s23  }
0x12: {  	s3 =	ssub.s32 s9, s31;
	s24 =	sadd.s32 s7, s22;
	[dreg:$0x15] =	wrdreg s29  }
0x13: {  	s9 =	sadd.s32 s2, s11;
	s1 =	sadd.s32 s8, s22;
	[dreg:$0xf] =	wrdreg s24  }
0x14: {  	s25 =	sor.u32 $0x8, s22;
	s31 =	sadd.s32 $0xC0, s16;
	[dreg:$0x10] =	wrdreg s1  }
0x15: {  	s17 =	simm.s32 $0x2;
	s19 =	simm.s32 $0x5;
	[dreg:$0x17] =	wrdreg s31  }
0x16: {  	s20 =	simm.s32 $0x3;
	s26 =	sadd.s32 s7, s25;
	[dreg:$0x4] =	wrdreg s9  }
0x17: {  	s22 =	simm.s32 $0x4;
	s2 =	sadd.s32 s8, s25;
	[dreg:$0x11] =	wrdreg s26  }
0x18: {  	v0 =	vimm.f32 $0.0e+00;
	s23 =	simm.s32 $0x9;
	s0 =	sadd.s32 $0x47000, s0;
	[dreg:$0x12] =	wrdreg s2  }
0x19: {  	vm0 =	vmmov $0xff;
	v1 =	vimm.s32 $0x0;
	v2 =	vimm.s32 $0x1;
	s28 =	smax.u32 s3, $0x1;
	s30 =	sadd.s32 $0x8, s1;
	[dreg:$0x13] =	wrdreg s0  }
0x1a: {  	v3 =	vimm.s32 $0x2;
	v4 =	vimm.s32 $0x3;
	v5 =	vimm.s32 $0x4;
	s3 =	simm.s32 $0xA;
	s24 =	simm.s32 $0x8;
	[dreg:$0x14] =	wrdreg s28  }
0x1b: {  	v6 =	vimm.s32 $0x5;
	v7 =	vimm.s32 $0x6;
	v8 =	vimm.s32 $0x7;
	s1 =	simm.s32 $0x0;
	[dreg:$0x16] =	wrdreg s30;
	s2 =	simm.s32 $0x40  }
.LBB2_1:
0x1c: {  	[dreg:$0x18] =	wrdreg s1;
	s0 =	simm.s32 $0x0;
	s1 =	simm.s32 $0x240  }
.LBB2_2:
0x1d: {  	p0 =	sne.s32 s1, $0x8DC0;
	[tilespmem:s0+$0x2A00] =	vst v0  }
0x1e: {  	[tilespmem:s0+$0x2980] =	vst v0  }
0x1f: {  	[tilespmem:s0+$0x2990] =	vst v0  }
0x20: {  	[tilespmem:s0+$0x29A0] =	vst v0  }
.Ltmp0:
0x21: {  	[tilespmem:s0+$0x29B0] =	vst v0;
	(pc) =	sbr.rel @p0 .LBB2_2-.Ltmp0, $4  }
0x22: {  	[tilespmem:s0+$0x29C0] =	vst v0  }
0x23: {  	[tilespmem:s0+$0x29D0] =	vst v0  }
0x24: {  	[tilespmem:s0+$0x29E0] =	vst v0  }
0x25: {  	[tilespmem:s0+$0x29F0] =	vst v0;
	s0 =	sshra.s32 s1, $0x2;
	s1 =	sadd.s32 $0x240, s1  }
0x26: {  	[tilespmem:s0+$0x2A00] =	vst v0  }
0x27: {  	[tilespmem:s0+$0x2980] =	vst v0  }
0x28: {  	[tilespmem:s0+$0x2990] =	vst v0  }
0x29: {  	[tilespmem:s0+$0x29A0] =	vst v0  }
0x2a: {  	[tilespmem:s0+$0x29B0] =	vst v0  }
0x2b: {  	[tilespmem:s0+$0x29C0] =	vst v0  }
0x2c: {  	[tilespmem:s0+$0x29D0] =	vst v0  }
0x2d: {  	[tilespmem:s0+$0x29E0] =	vst v0  }
0x2e: {  	[tilespmem:s0+$0x29F0] =	vst v0;
	s1 =	simm.s32 $0x2980  }
0x2f: {  	[spmem:s9] =	stream.linear.scatter [tilespmem:s1], [sflag:$0xA], $0x2400, $0x38;
	[tilespmem:$0x1F9B0] =	vst v63  }
0x30: {  	_ =	swait.ge [sflag:s3], $0x2400  }
0x31: {  	[sflag:s3] =	ssyncset.done $0x0  }
0x32: {  	s28 =	rddreg [dreg:$0x5];
	[sflag:s3] =	ssyncadd.s32 $0xFFFFDC00  }
0x33: {  	[spmem:s28] =	stream.linear.scatter [tilespmem:s1], [sflag:$0xA], $0x2400, $0x38;
	[tilespmem:$0x1F9B0] =	vst v63  }
0x34: {  	_ =	swait.ge [sflag:s3], $0x2400  }
0x35: {  	[sflag:s3] =	ssyncset.done $0x0  }
0x36: {  	s29 =	rddreg [dreg:$0x6];
	[sflag:s3] =	ssyncadd.s32 $0xFFFFDC00  }
0x37: {  	[spmem:s29] =	stream.linear.scatter [tilespmem:s1], [sflag:$0xA], $0x2400, $0x38;
	[tilespmem:$0x1F9B0] =	vst v63  }
0x38: {  	_ =	swait.ge [sflag:s3], $0x2400  }
0x39: {  	[sflag:s3] =	ssyncset.done $0x0  }
0x3a: {  	s30 =	rddreg [dreg:$0x7];
	[sflag:s3] =	ssyncadd.s32 $0xFFFFDC00  }
0x3b: {  	[spmem:s30] =	stream.linear.scatter [tilespmem:s1], [sflag:$0xA], $0x2400, $0x38;
	[tilespmem:$0x1F9B0] =	vst v63  }
0x3c: {  	_ =	swait.ge [sflag:s3], $0x2400  }
0x3d: {  	[sflag:s3] =	ssyncset.done $0x0  }
0x3e: {  	s31 =	rddreg [dreg:$0x9];
	[sflag:s3] =	ssyncadd.s32 $0xFFFFDC00  }
0x3f: {  	[spmem:s31] =	stream.linear.scatter [tilespmem:s1], [sflag:$0xA], $0x2400, $0x38;
	[tilespmem:$0x1F9B0] =	vst v63  }
0x40: {  	_ =	swait.ge [sflag:s3], $0x2400  }
0x41: {  	[sflag:s3] =	ssyncset.done $0x0  }
0x42: {  	s4 =	rddreg [dreg:$0xa];
	[sflag:s3] =	ssyncadd.s32 $0xFFFFDC00  }
0x43: {  	[spmem:s4] =	stream.linear.scatter [tilespmem:s1], [sflag:$0xA], $0x2400, $0x38;
	[tilespmem:$0x1F9B0] =	vst v63  }
0x44: {  	_ =	swait.ge [sflag:s3], $0x2400  }
0x45: {  	[sflag:s3] =	ssyncset.done $0x0  }
0x46: {  	s9 =	rddreg [dreg:$0xb];
	[sflag:s3] =	ssyncadd.s32 $0xFFFFDC00  }
0x47: {  	[spmem:s9] =	stream.linear.scatter [tilespmem:s1], [sflag:$0xA], $0x2400, $0x38;
	[tilespmem:$0x1F9B0] =	vst v63  }
0x48: {  	_ =	swait.ge [sflag:s3], $0x2400  }
0x49: {  	[sflag:s3] =	ssyncset.done $0x0  }
0x4a: {  	s10 =	rddreg [dreg:$0xc];
	[sflag:s3] =	ssyncadd.s32 $0xFFFFDC00  }
0x4b: {  	[spmem:s10] =	stream.linear.scatter [tilespmem:s1], [sflag:$0xA], $0x2400, $0x38;
	[tilespmem:$0x1F9B0] =	vst v63  }
0x4c: {  	_ =	swait.ge [sflag:s3], $0x2400  }
0x4d: {  	[sflag:s3] =	ssyncset.done $0x0  }
0x4e: {  	s11 =	rddreg [dreg:$0xd];
	[sflag:s3] =	ssyncadd.s32 $0xFFFFDC00  }
0x4f: {  	[spmem:s11] =	stream.linear.scatter [tilespmem:s1], [sflag:$0xA], $0x2400, $0x38;
	[tilespmem:$0x1F9B0] =	vst v63  }
0x50: {  	_ =	swait.ge [sflag:s3], $0x2400  }
0x51: {  	[sflag:s3] =	ssyncset.done $0x0  }
0x52: {  	s12 =	rddreg [dreg:$0xe];
	[sflag:s3] =	ssyncadd.s32 $0xFFFFDC00  }
0x53: {  	[spmem:s12] =	stream.linear.scatter [tilespmem:s1], [sflag:$0xA], $0x1C20, $0x38;
	[tilespmem:$0x1F9B0] =	vst v63  }
0x54: {  	_ =	swait.ge [sflag:s3], $0x1C20  }
0x55: {  	[sflag:s3] =	ssyncset.done $0x0  }
0x56: {  	[sflag:s3] =	ssyncadd.s32 $0xFFFFE3E0  }
0x57: {  	s21 =	simm.s32 $0x0;
	s14 =	simm.s32 $0x9980;
	s13 =	rddreg [dreg:$0x1]  }
0x58: {  	[tilespmem:s14], [sflag:$0xA] =	stream.linear.gather [hbm4b:s13+s21], $0x10, $0x38;
	[tilespmem:$0x1F9B0] =	vst v63  }
0x59: {  	_ =	swait.ge [sflag:s3], $0x10  }
0x5a: {  	[sflag:s3] =	ssyncset.done $0x0  }
0x5b: {  	[sflag:s3] =	ssyncadd.s32 $0xFFFFFFF0  }
0x5c: {  	v9 =	vld [tilespmem:$0x9980];
	[bflag:$0x0] =	sbarrier.arrive $0xFFFF  }
0x5d: {  	s15 =	rddreg [dreg:$0xf]  }
0x5e: {  	[tilespmem:s21], [sflag:$0xA] =	stream.linear.gather [hbm4b:s15+s21], $0x40, $0x38;
	[tilespmem:$0x1F9B0] =	vst v63  }
0x5f: {  	_ =	swait.ge [sflag:s3], $0x40  }
0x60: {  	[sflag:s3] =	ssyncset.done $0x0  }
0x61: {  	s16 =	rddreg [dreg:$0x10];
	[sflag:s3] =	ssyncadd.s32 $0xFFFFFFC0  }
0x62: {  	[tilespmem:s2], [sflag:$0xA] =	stream.linear.gather [hbm4b:s16+s21], $0x40, $0x38;
	[tilespmem:$0x1F9B0] =	vst v63  }
0x63: {  	_ =	swait.ge [sflag:s3], $0x40  }
0x64: {  	[sflag:s3] =	ssyncset.done $0x0  }
0x65: {  	s18 =	simm.s32 $0x80;
	[sflag:s3] =	ssyncadd.s32 $0xFFFFFFC0  }
0x66: {  	[tilespmem:s18], [sflag:$0xA] =	stream.linear.gather [hbm4b:s16+s21], $0x40, $0x38;
	[tilespmem:$0x1F9B0] =	vst v63  }
0x67: {  	_ =	swait.ge [sflag:s3], $0x40  }
0x68: {  	[sflag:s3] =	ssyncset.done $0x0  }
0x69: {  	s26 =	simm.s32 $0xC0;
	s25 =	rddreg [dreg:$0x11];
	[sflag:s3] =	ssyncadd.s32 $0xFFFFFFC0  }
0x6a: {  	[tilespmem:s26], [sflag:$0xA] =	stream.linear.gather [hbm4b:s25+s21], $0x40, $0x38;
	[tilespmem:$0x1F9B0] =	vst v63  }
0x6b: {  	_ =	swait.ge [sflag:s3], $0x40  }
0x6c: {  	[sflag:s3] =	ssyncset.done $0x0  }
0x6d: {  	s29 =	simm.s32 $0x100;
	s28 =	rddreg [dreg:$0x12];
	[sflag:s3] =	ssyncadd.s32 $0xFFFFFFC0  }
0x6e: {  	[tilespmem:s29], [sflag:$0xA] =	stream.linear.gather [hbm4b:s28+s21], $0x40, $0x38;
	[tilespmem:$0x1F9B0] =	vst v63  }
0x6f: {  	_ =	swait.ge [sflag:s3], $0x40  }
0x70: {  	[sflag:s3] =	ssyncset.done $0x0  }
0x71: {  	s30 =	simm.s32 $0x180;
	[sflag:s3] =	ssyncadd.s32 $0xFFFFFFC0  }
0x72: {  	[tilespmem:s30], [sflag:$0x1] =	stream.indirect.gather [hbm4b:s5+s2], $0x90, s21, s2, $0xb8;
	[tilespmem:$0x1F9B0] =	vst v63  }
0x73: {  	s31 =	simm.s32 $0x2580  }
0x74: {  	[tilespmem:s31], [sflag:$0x2] =	stream.indirect.gather [hbm4b:s6+s2], $0x10, s2, s2, $0xb8;
	[tilespmem:$0x1F9B0] =	vst v63  }
.LBB2_4:
0x75: {  	p0 =	seq.s32 s21, $0x0  }
0x76: {  	s0 =	simm.s32 @!p0 $0x6  }
0x77: {  	_ =	swait.ge @!p0 [sflag:s0], $0x40  }
0x78: {  	[sflag:s0] =	ssyncset.done @!p0 $0x0  }
0x79: {  	[sflag:s0] =	ssyncadd.s32 @!p0 $0xFFFFFFC0  }
0x7a: {  	_ =	swait.ge @!p0 [sflag:s0], $0x40  }
0x7b: {  	[sflag:s0] =	ssyncset.done @!p0 $0x0  }
0x7c: {  	s15 =	simm.s32 $0xC0;
	s1 =	simm.s32 $0x4D80;
	[sflag:s0] =	ssyncadd.s32 @!p0 $0xFFFFFFC0  }
0x7d: {  	[tilespmem:s1], [sflag:$0x3] =	stream.indirect.gather [hbm4b:s5+s2], $0x90, s15, s2, $0xb8;
	[tilespmem:$0x1F9B0] =	vst v63  }
0x7e: {  	s16 =	simm.s32 $0x100;
	s18 =	simm.s32 $0x7180;
	s26 =	simm.s32 $0x1  }
0x7f: {  	[tilespmem:s18], [sflag:$0x4] =	stream.indirect.gather [hbm4b:s6+s2], $0x10, s16, s2, $0xb8;
	[tilespmem:$0x1F9B0] =	vst v63  }
0x80: {  	_ =	swait.ge [sflag:s26], $0x2400  }
0x81: {  	[sflag:s26] =	ssyncset.done $0x0  }
0x82: {  	s25 =	sshll.u32 s21, $0x1;
	[sflag:s26] =	ssyncadd.s32 $0xFFFFDC00  }
0x83: {  	s0 =	sadd.s32 $0x2, s25;
	p0 =	seq.s32 s21, $0x50;
	_ =	swait.ge [sflag:s17], $0x400  }
0x84: {  	s0 =	sshll.u32 @!p0 s0, $0x6;
	s1 =	rddreg [dreg:$0x8]  }
0x85: {  	s0 =	sadd.s32 @!p0 s1, s0  }
0x86: {  	[sflag:s17] =	ssyncset.done $0x0;
	s0 =	sshrl.u32 @!p0 s0, $0x3  }
0x87: {  	s3 =	simm.s32 @!p0 $0x0;
	[sflag:s17] =	ssyncadd.s32 $0xFFFFFC00;
	s1 =	sadd.s32 @!p0 s7, s0  }
0x88: {  	[tilespmem:s3], [sflag:$0x5] =	stream.linear.gather @!p0 [hbm4b:s1+s3], $0x40, $0x38;
	[tilespmem:$0x1F9B0] =	vst v63  }
0x89: {  	s11 =	sadd.s32 @!p0 s8, s0;
	s0 =	simm.s32 @!p0 $0x40;
	s1 =	simm.s32 $0x210  }
0x8a: {  	[tilespmem:s0], [sflag:$0x5] =	stream.linear.gather @!p0 [hbm4b:s11+s3], $0x40, $0x38;
	[tilespmem:$0x1F9B0] =	vst v63  }
0x8b: {  	s3 =	simm.s32 $0x2590;
	v10 =	vld [tilespmem:s1+$0x80]  }
0x8c: {  	v11 =	vld [tilespmem:s3+$0x0];
	_ =	sdelay $0x4  }
0x8d: {  	v10 =	vadd.f32 v11, v10;
	v11 =	vadd.f32 v11, v9;
	_ =	sdelay $0x1  }
0x8e: {  	v12 =	vmul.f32 $2.000000030e-01, v10;
	v13 =	vmul.f32 $2.000000030e-01, v11  }
0x8f: {  	vm1 =	vge.f32 v10, $0.0e+00;
	vm2 =	vge.f32 v11, $0.0e+00  }
0x90: {  	v10 =	vsel vm1, v10, v12;
	v11 =	vsel vm2, v11, v13  }
0x91: {  	v14 =	vld [tilespmem:s3+$0xFFFFFFF0];
	v10 =	vsub.f32 v10, v11  }
0x92: {  	v12 =	vld [tilespmem:s1+$0xFFFFFFF0]  }
0x93: {  	v10 =	vmul.f32 $1.442695020e+00, v10;
	_ =	sdelay $0x1  }
0x94: {  	s12 =	simm.s32 $0x330;
	(erf) = vpow2.f32 v10  }
0x95: {  	s4 =	simm.s32 $0x25B0;
	v10 =	vld [tilespmem:s12+$0x80]  }
0x96: {  	v11 =	vadd.f32 v14, v12;
	v12 =	vld [tilespmem:s4+$0x0]  }
0x97: {  	v13 =	vadd.f32 v14, v9  }
0x98: {  	v14 =	vmul.f32 $2.000000030e-01, v11  }
0x99: {  	v15 =	vmul.f32 $2.000000030e-01, v13;
	vm1 =	vge.f32 v11, $0.0e+00  }
0x9a: {  	v11 =	vsel vm1, v11, v14;
	vm1 =	vge.f32 v13, $0.0e+00  }
0x9b: {  	v13 =	vsel vm1, v13, v15;
	v10 =	vadd.f32 v12, v10;
	v14 =	vadd.f32 v12, v9  }
0x9c: {  	v11 =	vsub.f32 v11, v13  }
0x9d: {  	v13 =	vmul.f32 $2.000000030e-01, v10;
	v15 =	vmul.f32 $2.000000030e-01, v14;
	vm1 =	vge.f32 v10, $0.0e+00;
	v12 =	vpop (erf)  }
0x9e: {  	s15 =	simm.s32 $0x2A10;
	vm2 =	vge.f32 v14, $0.0e+00;
	v11 =	vmul.f32 $1.442695020e+00, v11;
	v12 =	vnsel vm0, $0x0, v12  }
0x9f: {  	v10 =	vsel vm1, v10, v13;
	v13 =	vsel vm2, v14, v15;
	[tilespmem:s15+$0x80] =	vst v12  }
0xa0: {  	(erf) = vpow2.f32 v11;
	v10 =	vsub.f32 v10, v13;
	v11 =	vld [tilespmem:s1+$0x0]  }
0xa1: {  	v14 =	vld [tilespmem:s12+$0xFFFFFFF0]  }
0xa2: {  	v13 =	vld [tilespmem:s4+$0xFFFFFFF0];
	v10 =	vmul.f32 $1.442695020e+00, v10  }
0xa3: {  	v15 =	vperm.xlane v12, v1  }
0xa4: {  	(erf) = vpow2.f32 v10  }
0xa5: {  	v10 =	vmul.f32 v11, v15;
	_ =	sdelay $0x1  }
0xa6: {  	s28 =	simm.s32 $0x450;
	v11 =	vadd.f32 v13, v9;
	v13 =	vadd.f32 v13, v14  }
0xa7: {  	v16 =	vld [tilespmem:s28+$0x80];
	[tilespmem:s15+$0x0] =	vst v10  }
0xa8: {  	s9 =	simm.s32 $0x25D0;
	v15 =	vmul.f32 $2.000000030e-01, v13;
	v14 =	vld [tilespmem:s1+$0x10];
	v10 =	vpop (erf)  }
0xa9: {  	v18 =	vld [tilespmem:s9+$0x0];
	v17 =	vmul.f32 $2.000000030e-01, v11;
	v10 =	vnsel vm0, $0x0, v10  }
0xaa: {  	vm2 =	vge.f32 v11, $0.0e+00;
	[tilespmem:s15+$0xFFFFFFF0] =	vst v10  }
0xab: {  	vm1 =	vge.f32 v13, $0.0e+00;
	v11 =	vsel vm2, v11, v17;
	v17 =	vperm.xlane v12, v2;
	v19 =	vld [tilespmem:s1+$0xFFFFFF70]  }
0xac: {  	v13 =	vsel vm1, v13, v15;
	v15 =	vpop (erf)  }
0xad: {  	s14 =	simm.s32 $0x2B30;
	v11 =	vsub.f32 v13, v11;
	v15 =	vnsel vm0, $0x0, v15;
	v14 =	vmul.f32 v14, v17  }
0xae: {  	v16 =	vadd.f32 v18, v16;
	v13 =	vperm.xlane v10, v1;
	[tilespmem:s14+$0x80] =	vst v15  }
0xaf: {  	v11 =	vmul.f32 $1.442695020e+00, v11;
	v17 =	vld [tilespmem:s12+$0x0];
	[tilespmem:s15+$0x10] =	vst v14;
	v14 =	vadd.f32 v18, v9  }
0xb0: {  	v18 =	vmul.f32 $2.000000030e-01, v16;
	v13 =	vmul.f32 v19, v13  }
0xb1: {  	vm1 =	vge.f32 v16, $0.0e+00;
	(erf) = vpow2.f32 v11;
	v11 =	vld [tilespmem:s1+$0x20];
	v19 =	vmul.f32 $2.000000030e-01, v14  }
0xb2: {  	v20 =	vperm.xlane v15, v1;
	[tilespmem:s15+$0xFFFFFF70] =	vst v13;
	v13 =	vsel vm1, v16, v18;
	vm1 =	vge.f32 v14, $0.0e+00  }
0xb3: {  	v14 =	vsel vm1, v14, v19  }
0xb4: {  	v18 =	vperm.xlane v12, v3;
	v17 =	vmul.f32 v17, v20;
	v16 =	vld [tilespmem:s1+$0xFFFFFF80];
	v13 =	vsub.f32 v13, v14  }
0xb5: {  	v19 =	vld [tilespmem:s9+$0xFFFFFFF0]  }
0xb6: {  	v14 =	vld [tilespmem:s28+$0xFFFFFFF0];
	v11 =	vmul.f32 v11, v18;
	[tilespmem:s14+$0x0] =	vst v17;
	v13 =	vmul.f32 $1.442695020e+00, v13  }
0xb7: {  	v17 =	vperm.xlane v10, v2;
	v18 =	vld [tilespmem:s12+$0x10]  }
0xb8: {  	[tilespmem:s15+$0x20] =	vst v11  }
0xb9: {  	v11 =	vmul.f32 v16, v17;
	v16 =	vld [tilespmem:s1+$0x30]  }
0xba: {  	(erf) = vpow2.f32 v13;
	v17 =	vperm.xlane v15, v2;
	v13 =	vpop (erf)  }
0xbb: {  	v20 =	vnsel vm0, $0x0, v13  }
0xbc: {  	v17 =	vmul.f32 v18, v17;
	v13 =	vadd.f32 v19, v14;
	v14 =	vperm.xlane v12, v4;
	[tilespmem:s14+$0xFFFFFFF0] =	vst v20  }
0xbd: {  	s25 =	simm.s32 $0x570;
	v18 =	vadd.f32 v19, v9;
	v21 =	vld [tilespmem:s12+$0xFFFFFF70]  }
0xbe: {  	[tilespmem:s14+$0x10] =	vst v17;
	v19 =	vmul.f32 $2.000000030e-01, v13;
	v14 =	vmul.f32 v16, v14;
	v16 =	vld [tilespmem:s25+$0x80]  }
0xbf: {  	s10 =	simm.s32 $0x25F0;
	[tilespmem:s15+$0xFFFFFF80] =	vst v11;
	v24 =	vmul.f32 $2.000000030e-01, v18;
	vm1 =	vge.f32 v13, $0.0e+00;
	v25 =	vld [tilespmem:s12+$0x20]  }
0xc0: {  	v22 =	vperm.xlane v10, v3;
	v13 =	vsel vm1, v13, v19;
	vm1 =	vge.f32 v18, $0.0e+00;
	[tilespmem:s15+$0x30] =	vst v14;
	v14 =	vld [tilespmem:s10+$0x0]  }
0xc1: {  	v29 =	vperm.xlane v10, v4;
	v23 =	vperm.xlane v10, v6;
	v11 =	vld [tilespmem:s1+$0xFFFFFF90];
	v18 =	vsel vm1, v18, v24  }
0xc2: {  	v27 =	vperm.xlane v10, v7;
	v26 =	vperm.xlane v15, v3;
	v24 =	vld [tilespmem:s1+$0x40];
	v13 =	vsub.f32 v13, v18  }
0xc3: {  	v31 =	vld [tilespmem:s25+$0xFFFFFFF0];
	v17 =	vperm.xlane v10, v5;
	v28 =	vperm.xlane v20, v1;
	v19 =	vpop (erf)  }
0xc4: {  	s0 =	simm.s32 $0x2C50;
	v18 =	vld [tilespmem:s10+$0xFFFFFFF0];
	v19 =	vnsel vm0, $0x0, v19;
	v25 =	vmul.f32 v25, v26;
	v13 =	vmul.f32 $1.442695020e+00, v13  }
0xc5: {  	v21 =	vmul.f32 v21, v28;
	v26 =	vperm.xlane v12, v5;
	[tilespmem:s0+$0x80] =	vst v19;
	v16 =	vadd.f32 v14, v16  }
0xc6: {  	v28 =	vld [tilespmem:s28+$0x0];
	(erf) = vpow2.f32 v13;
	v13 =	vmul.f32 v11, v22;
	v11 =	vadd.f32 v14, v9  }
0xc7: {  	[tilespmem:s14+$0x20] =	vst v25;
	v14 =	vmul.f32 v24, v26;
	v24 =	vmul.f32 $2.000000030e-01, v16  }
0xc8: {  	[tilespmem:s14+$0xFFFFFF70] =	vst v21;
	v25 =	vld [tilespmem:s12+$0x30];
	v26 =	vperm.xlane v19, v1;
	vm1 =	vge.f32 v16, $0.0e+00;
	v21 =	vmul.f32 $2.000000030e-01, v11  }
0xc9: {  	v32 =	vld [tilespmem:s12+$0xFFFFFF80];
	[tilespmem:s15+$0x40] =	vst v14;
	v14 =	vadd.f32 v18, v31;
	v16 =	vsel vm1, v16, v24;
	vm1 =	vge.f32 v11, $0.0e+00  }
0xca: {  	v22 =	vadd.f32 v18, v9;
	v24 =	vperm.xlane v15, v4;
	v11 =	vsel vm1, v11, v21  }
0xcb: {  	v21 =	vmul.f32 v28, v26;
	v28 =	vmul.f32 $2.000000030e-01, v14;
	v11 =	vsub.f32 v16, v11  }
0xcc: {  	s13 =	simm.s32 $0x2610;
	v30 =	vperm.xlane v20, v2;
	v18 =	vld [tilespmem:s1+$0x50];
	vm1 =	vge.f32 v14, $0.0e+00;
	v16 =	vmul.f32 $2.000000030e-01, v22  }
0xcd: {  	v34 =	vld [tilespmem:s13+$0x0];
	[tilespmem:s0+$0x0] =	vst v21;
	v21 =	vmul.f32 v25, v24;
	v14 =	vsel vm1, v14, v28;
	v24 =	vmul.f32 $1.442695020e+00, v11  }
0xce: {  	vm1 =	vge.f32 v22, $0.0e+00;
	v25 =	vld [tilespmem:s28+$0x10];
	v11 =	vperm.xlane v10, v8;
	v10 =	vmul.f32 v32, v30  }
0xcf: {  	v36 =	vld [tilespmem:s13+$0xFFFFFFF0];
	v26 =	vperm.xlane v12, v6;
	v16 =	vsel vm1, v22, v16;
	[tilespmem:s14+$0x30] =	vst v21  }
0xd0: {  	s26 =	simm.s32 $0x690;
	v14 =	vsub.f32 v14, v16;
	(erf) = vpow2.f32 v24;
	v16 =	vld [tilespmem:s12+$0x40]  }
0xd1: {  	v39 =	vld [tilespmem:s26+$0xFFFFFFF0];
	[tilespmem:s15+$0xFFFFFF90] =	vst v13;
	v22 =	vperm.xlane v19, v2;
	v13 =	vmul.f32 v18, v26  }
0xd2: {  	v32 =	vperm.xlane v20, v4;
	v30 =	vld [tilespmem:s26+$0x80];
	[tilespmem:s14+$0xFFFFFF80] =	vst v10;
	v10 =	vpop (erf)  }
0xd3: {  	v24 =	vld [tilespmem:s12+$0xFFFFFF90];
	[tilespmem:s15+$0x50] =	vst v13;
	v31 =	vnsel vm0, $0x0, v10;
	v13 =	vmul.f32 v25, v22;
	v22 =	vperm.xlane v15, v5  }
0xd4: {  	v18 =	vperm.xlane v20, v3;
	v10 =	vmul.f32 $1.442695020e+00, v14;
	v14 =	vld [tilespmem:s1+$0x60];
	[tilespmem:s0+$0xFFFFFFF0] =	vst v31  }
0xd5: {  	v28 =	vld [tilespmem:s28+$0xFFFFFF70];
	[tilespmem:s0+$0x10] =	vst v13;
	v16 =	vmul.f32 v16, v22;
	v22 =	vperm.xlane v12, v7  }
0xd6: {  	v26 =	vperm.xlane v20, v6;
	(erf) = vpow2.f32 v10;
	v33 =	vld [tilespmem:s28+$0x20]  }
0xd7: {  	v25 =	vperm.xlane v20, v5;
	v13 =	vperm.xlane v20, v7  }
0xd8: {  	v21 =	vld [tilespmem:s1+$0xFFFFFFA0];
	v10 =	vperm.xlane v20, v8;
	v20 =	vperm.xlane v31, v1  }
0xd9: {  	v50 =	vadd.f32 v36, v9;
	v37 =	vperm.xlane v19, v3;
	v14 =	vmul.f32 v14, v22;
	v22 =	vpop (erf)  }
0xda: {  	s30 =	simm.s32 $0x2D70;
	v52 =	vadd.f32 v36, v39;
	[tilespmem:s14+$0x40] =	vst v16;
	v20 =	vmul.f32 v28, v20;
	v28 =	vnsel vm0, $0x0, v22  }
0xdb: {  	v30 =	vadd.f32 v34, v30;
	v18 =	vmul.f32 v24, v18;
	v35 =	vld [tilespmem:s12+$0x50];
	[tilespmem:s30+$0x80] =	vst v28;
	v24 =	vmul.f32 v33, v37  }
0xdc: {  	v56 =	vmul.f32 $2.000000030e-01, v52;
	v57 =	vmul.f32 $2.000000030e-01, v50;
	v48 =	vld [tilespmem:s25+$0x0]  }
0xdd: {  	v29 =	vmul.f32 v21, v29;
	v21 =	vadd.f32 v34, v9;
	v40 =	vmul.f32 $2.000000030e-01, v30;
	[tilespmem:s0+$0x20] =	vst v24  }
0xde: {  	v47 =	vperm.xlane v15, v6;
	v54 =	vperm.xlane v19, v4;
	vm1 =	vge.f32 v30, $0.0e+00;
	v51 =	vld [tilespmem:s28+$0x30]  }
0xdf: {  	v30 =	vsel vm1, v30, v40;
	v41 =	vperm.xlane v28, v1;
	[tilespmem:s0+$0xFFFFFF70] =	vst v20;
	v20 =	vmul.f32 $2.000000030e-01, v21;
	v49 =	vpop (erf)  }
0xe0: {  	s16 =	simm.s32 $0x2630;
	vm1 =	vge.f32 v21, $0.0e+00;
	v33 =	vmul.f32 v35, v47;
	v42 =	vld [tilespmem:s28+$0xFFFFFF80];
	v24 =	vnsel vm0, $0x0, v49  }
0xe1: {  	v43 =	vld [tilespmem:s16+$0x0];
	v46 =	vperm.xlane v19, v6;
	v20 =	vsel vm1, v21, v20;
	[tilespmem:s30+$0xFFFFFFF0] =	vst v24;
	v21 =	vmul.f32 v48, v41  }
0xe2: {  	v38 =	vperm.xlane v31, v3;
	v12 =	vperm.xlane v12, v8;
	[tilespmem:s14+$0x50] =	vst v33;
	v20 =	vsub.f32 v30, v20;
	v55 =	vld [tilespmem:s25+$0xFFFFFF70]  }
0xe3: {  	v16 =	vperm.xlane v31, v2;
	v53 =	vld [tilespmem:s12+$0x60];
	[tilespmem:s30+$0x0] =	vst v21;
	v21 =	vmul.f32 v51, v54  }
0xe4: {  	[tilespmem:s15+$0x60] =	vst v14;
	v30 =	vperm.xlane v15, v7;
	v20 =	vmul.f32 $1.442695020e+00, v20;
	v58 =	vld [tilespmem:s25+$0x10]  }
0xe5: {  	v59 =	vld [tilespmem:s1+$0x70];
	vm1 =	vge.f32 v52, $0.0e+00;
	v60 =	vperm.xlane v24, v1;
	v16 =	vmul.f32 v42, v16;
	[tilespmem:s0+$0x30] =	vst v21  }
0xe6: {  	v14 =	vsel vm1, v52, v56;
	vm1 =	vge.f32 v50, $0.0e+00;
	(erf) = vpow2.f32 v20;
	v20 =	vld [tilespmem:s28+$0x40]  }
0xe7: {  	s29 =	simm.s32 $0x7B0;
	v44 =	vld [tilespmem:s16+$0xFFFFFFF0];
	v61 =	vperm.xlane v28, v2;
	v35 =	vsel vm1, v50, v57;
	[tilespmem:s0+$0xFFFFFF80] =	vst v16;
	v16 =	vmul.f32 v55, v60  }
0xe8: {  	v45 =	vld [tilespmem:s29+$0xFFFFFFF0];
	[tilespmem:s14+$0xFFFFFF90] =	vst v18;
	v22 =	vperm.xlane v31, v4;
	v14 =	vsub.f32 v14, v35;
	v18 =	vmul.f32 v53, v30  }
0xe9: {  	v47 =	vperm.xlane v19, v5;
	v49 =	vld [tilespmem:s29+$0x80];
	[tilespmem:s30+$0xFFFFFF70] =	vst v16;
	v16 =	vmul.f32 v58, v61  }
0xea: {  	v15 =	vperm.xlane v15, v8;
	v14 =	vmul.f32 $1.442695020e+00, v14;
	v21 =	vld [tilespmem:s12+$0xFFFFFFA0];
	[tilespmem:s14+$0x60] =	vst v18  }
0xeb: {  	v34 =	vmul.f32 v59, v12;
	v62 =	vld [tilespmem:s28+$0xFFFFFF90];
	[tilespmem:s30+$0x10] =	vst v16;
	v16 =	vmul.f32 v20, v47  }
0xec: {  	v12 =	vperm.xlane v31, v8;
	(erf) = vpow2.f32 v14;
	v63 =	vld [tilespmem:s12+$0x70]  }
0xed: {  	v42 =	vperm.xlane v24, v3;
	v51 =	vperm.xlane v24, v2;
	v48 =	vld [tilespmem:s25+$0xFFFFFF80]  }
0xee: {  	v30 =	vperm.xlane v31, v5;
	v14 =	vperm.xlane v31, v7;
	v50 =	vld [tilespmem:s25+$0x20]  }
0xef: {  	v53 =	vperm.xlane v28, v3;
	v55 =	vadd.f32 v43, v9;
	v18 =	vperm.xlane v31, v6;
	[tilespmem:s0+$0x40] =	vst v16;
	v16 =	vpop (erf)  }
0xf0: {  	s31 =	simm.s32 $0x2E90;
	[tilespmem:s15+$0xFFFFFFA0] =	vst v29;
	v31 =	vperm.xlane v24, v4;
	v32 =	vmul.f32 v21, v32;
	v52 =	vld [tilespmem:s28+$0x50];
	v21 =	vnsel vm0, $0x0, v16  }
0xf1: {  	v29 =	vmul.f32 $2.000000030e-01, v55;
	v61 =	vadd.f32 v44, v45;
	v36 =	vmul.f32 v62, v38;
	[tilespmem:s31+$0x80] =	vst v21  }
0xf2: {  	v20 =	vperm.xlane v24, v5;
	v35 =	vmul.f32 v63, v15;
	v15 =	vadd.f32 v43, v49;
	v54 =	vld [tilespmem:s26+$0x0]  }
0xf3: {  	v39 =	vmul.f32 v48, v51;
	v48 =	vld [tilespmem:s1+$0xFFFFFFB0];
	v33 =	vmul.f32 v50, v53  }
0xf4: {  	v58 =	vadd.f32 v44, v9;
	v44 =	vmul.f32 $2.000000030e-01, v61;
	v59 =	vmul.f32 $2.000000030e-01, v15  }
0xf5: {  	vm1 =	vge.f32 v15, $0.0e+00;
	v56 =	vpop (erf);
	v47 =	vperm.xlane v21, v1;
	[tilespmem:s30+$0x20] =	vst v33;
	v57 =	vmul.f32 v52, v46  }
0xf6: {  	[tilespmem:s0+$0xFFFFFF90] =	vst v36;
	v41 =	vnsel vm0, $0x0, v56;
	v15 =	vsel vm1, v15, v59;
	vm1 =	vge.f32 v55, $0.0e+00;
	v60 =	vld [tilespmem:s25+$0x30]  }
0xf7: {  	v51 =	vld [tilespmem:s28+$0xFFFFFFA0];
	v50 =	vmul.f32 $2.000000030e-01, v58;
	v29 =	vsel vm1, v55, v29;
	[tilespmem:s0+$0x50] =	vst v57;
	v37 =	vmul.f32 v54, v47  }
0xf8: {  	[tilespmem:s31+$0xFFFFFFF0] =	vst v41;
	vm1 =	vge.f32 v61, $0.0e+00;
	v15 =	vsub.f32 v15, v29;
	v17 =	vmul.f32 v48, v17;
	v62 =	vld [tilespmem:s28+$0x60]  }
0xf9: {  	v63 =	vperm.xlane v28, v4;
	v49 =	vld [tilespmem:s26+$0xFFFFFF70];
	v33 =	vsel vm1, v61, v44;
	vm1 =	vge.f32 v58, $0.0e+00;
	[tilespmem:s31+$0x0] =	vst v37  }
0xfa: {  	v16 =	vperm.xlane v24, v6;
	v38 =	vsel vm1, v58, v50;
	v15 =	vmul.f32 $1.442695020e+00, v15;
	[tilespmem:s15+$0xFFFFFFB0] =	vst v17;
	v53 =	vld [tilespmem:s26+$0x10]  }
0xfb: {  	[tilespmem:s30+$0xFFFFFF80] =	vst v39;
	v52 =	vperm.xlane v19, v7;
	v56 =	vsub.f32 v33, v38;
	v38 =	vld [tilespmem:s1+$0xFFFFFFC0];
	v29 =	vmul.f32 v60, v63  }
0xfc: {  	[tilespmem:s14+$0xFFFFFFA0] =	vst v32;
	v55 =	vperm.xlane v41, v1;
	v54 =	vld [tilespmem:s25+$0xFFFFFF90];
	(erf) = vpow2.f32 v15  }
0xfd: {  	v58 =	vperm.xlane v21, v2;
	v37 =	vld [tilespmem:s12+$0xFFFFFFB0];
	[tilespmem:s30+$0x30] =	vst v29;
	v29 =	vmul.f32 v62, v52  }
0xfe: {  	s10 =	simm.s32 $0x8D0;
	v19 =	vperm.xlane v19, v8;
	v15 =	vmul.f32 v49, v55;
	v57 =	vld [tilespmem:s25+$0x40]  }
0xff: {  	v17 =	vperm.xlane v24, v7;
	v63 =	vld [tilespmem:s10+$0x80];
	[tilespmem:s0+$0x60] =	vst v29;
	v36 =	vmul.f32 v53, v58  }
0x100: {  	v33 =	vperm.xlane v41, v3;
	v60 =	vperm.xlane v28, v5;
	[tilespmem:s31+$0xFFFFFF70] =	vst v15;
	v59 =	vld [tilespmem:s28+$0x70]  }
0x101: {  	v15 =	vperm.xlane v24, v8;
	v61 =	vld [tilespmem:s26+$0xFFFFFF80];
	v29 =	vmul.f32 $1.442695020e+00, v56;
	[tilespmem:s31+$0x10] =	vst v36  }
0x102: {  	s18 =	simm.s32 $0x2650;
	v62 =	vperm.xlane v41, v2;
	v52 =	vmul.f32 v54, v42;
	v53 =	vld [tilespmem:s26+$0x20]  }
0x103: {  	v54 =	vld [tilespmem:s18+$0x0];
	(erf) = vpow2.f32 v29;
	v24 =	vmul.f32 v57, v60  }
0x104: {  	v38 =	vmul.f32 v38, v23;
	v42 =	vmul.f32 v51, v22;
	v56 =	vld [tilespmem:s18+$0xFFFFFFF0]  }
0x105: {  	v49 =	vld [tilespmem:s10+$0xFFFFFFF0];
	v57 =	vperm.xlane v21, v3;
	[tilespmem:s30+$0x40] =	vst v24;
	v47 =	vmul.f32 v59, v19;
	v19 =	vpop (erf)  }
0x106: {  	s9 =	simm.s32 $0x2FB0;
	v22 =	vperm.xlane v41, v6;
	v37 =	vmul.f32 v37, v25;
	v55 =	vld [tilespmem:s25+$0x50];
	v25 =	vnsel vm0, $0x0, v19  }
0x107: {  	v29 =	vperm.xlane v41, v4;
	[tilespmem:s9+$0x80] =	vst v25;
	v39 =	vmul.f32 v53, v57  }
0x108: {  	v58 =	vperm.xlane v28, v6;
	v23 =	vadd.f32 v54, v9;
	v59 =	vadd.f32 v54, v63;
	v60 =	vld [tilespmem:s29+$0x0]  }
0x109: {  	v43 =	vmul.f32 v61, v62;
	v46 =	vadd.f32 v56, v9;
	v24 =	vperm.xlane v41, v5;
	[tilespmem:s31+$0x20] =	vst v39  }
0x10a: {  	v32 =	vadd.f32 v56, v49;
	v54 =	vmul.f32 $2.000000030e-01, v23;
	v63 =	vmul.f32 $2.000000030e-01, v59;
	v50 =	vld [tilespmem:s26+$0x30]  }
0x10b: {  	[tilespmem:s15+$0xFFFFFFC0] =	vst v38;
	vm1 =	vge.f32 v59, $0.0e+00;
	v51 =	vperm.xlane v25, v1;
	v62 =	vmul.f32 v55, v58  }
0x10c: {  	[tilespmem:s30+$0xFFFFFF90] =	vst v52;
	v45 =	vld [tilespmem:s1+$0xFFFFFFD0];
	v44 =	vsel vm1, v59, v63;
	vm1 =	vge.f32 v23, $0.0e+00;
	v57 =	vperm.xlane v21, v4;
	v61 =	vpop (erf)  }
0x10d: {  	v23 =	vsel vm1, v23, v54;
	v40 =	vnsel vm0, $0x0, v61;
	v39 =	vld [tilespmem:s25+$0xFFFFFFA0];
	[tilespmem:s30+$0x50] =	vst v62;
	v56 =	vmul.f32 v60, v51  }
0x10e: {  	v19 =	vperm.xlane v41, v7;
	v49 =	vmul.f32 $2.000000030e-01, v32;
	v23 =	vsub.f32 v44, v23;
	[tilespmem:s9+$0xFFFFFFF0] =	vst v40;
	v55 =	vld [tilespmem:s25+$0x60]  }
0x10f: {  	v59 =	vmul.f32 $2.000000030e-01, v46;
	vm1 =	vge.f32 v32, $0.0e+00;
	v58 =	vld [tilespmem:s29+$0xFFFFFF70];
	[tilespmem:s9+$0x0] =	vst v56;
	v60 =	vmul.f32 v50, v57  }
0x110: {  	[tilespmem:s31+$0xFFFFFF80] =	vst v43;
	v61 =	vperm.xlane v28, v7;
	v32 =	vsel vm1, v32, v49;
	v62 =	vmul.f32 $1.442695020e+00, v23;
	v63 =	vld [tilespmem:s29+$0x10]  }
0x111: {  	v44 =	vld [tilespmem:s26+$0xFFFFFF90];
	vm1 =	vge.f32 v46, $0.0e+00;
	v28 =	vperm.xlane v28, v8;
	v52 =	vperm.xlane v40, v1;
	[tilespmem:s31+$0x30] =	vst v60  }
0x112: {  	[tilespmem:s0+$0xFFFFFFA0] =	vst v42;
	v46 =	vsel vm1, v46, v59;
	v23 =	vperm.xlane v41, v8;
	(erf) = vpow2.f32 v62;
	v54 =	vld [tilespmem:s26+$0x40]  }
0x113: {  	s13 =	simm.s32 $0x2670;
	v41 =	vld [tilespmem:s28+$0xFFFFFFB0];
	v32 =	vsub.f32 v32, v46;
	v56 =	vperm.xlane v25, v2;
	v53 =	vmul.f32 v55, v61  }
0x114: {  	s3 =	simm.s32 $0x9F0;
	[tilespmem:s14+$0xFFFFFFB0] =	vst v37;
	v59 =	vperm.xlane v21, v5;
	v62 =	vld [tilespmem:s13+$0x0];
	v55 =	vmul.f32 v58, v52  }
0x115: {  	v32 =	vmul.f32 $1.442695020e+00, v32;
	v61 =	vld [tilespmem:s3+$0x80];
	[tilespmem:s30+$0x60] =	vst v53;
	v58 =	vmul.f32 v63, v56  }
0x116: {  	v49 =	vperm.xlane v40, v3;
	v44 =	vmul.f32 v44, v33;
	[tilespmem:s9+$0xFFFFFF70] =	vst v55;
	v36 =	vld [tilespmem:s25+$0x70]  }
0x117: {  	(erf) = vpow2.f32 v32;
	v60 =	vld [tilespmem:s29+$0xFFFFFF80];
	[tilespmem:s9+$0x10] =	vst v58;
	v37 =	vmul.f32 v54, v59  }
0x118: {  	v33 =	vperm.xlane v40, v4;
	v39 =	vmul.f32 v39, v31;
	v42 =	vld [tilespmem:s29+$0x20]  }
0x119: {  	v38 =	vld [tilespmem:s12+$0xFFFFFFC0];
	v31 =	vperm.xlane v40, v6;
	v57 =	vperm.xlane v40, v2;
	[tilespmem:s31+$0x40] =	vst v37  }
0x11a: {  	[tilespmem:s15+$0x70] =	vst v34;
	v32 =	vperm.xlane v40, v5;
	v34 =	vmul.f32 v41, v30;
	v63 =	vld [tilespmem:s26+$0x50]  }
0x11b: {  	v52 =	vld [tilespmem:s13+$0xFFFFFFF0];
	v43 =	vadd.f32 v62, v9;
	v53 =	vperm.xlane v25, v3;
	v51 =	vmul.f32 v36, v28;
	v28 =	vpop (erf)  }
0x11c: {  	[tilespmem:s14+$0x70] =	vst v35;
	s18 =	simm.s32 $0x30D0;
	v56 =	vperm.xlane v21, v6;
	v46 =	vmul.f32 v60, v57;
	v30 =	vnsel vm0, $0x0, v28  }
0x11d: {  	v54 =	vld [tilespmem:s3+$0xFFFFFFF0];
	v57 =	vadd.f32 v62, v61;
	v61 =	vmul.f32 $2.000000030e-01, v43;
	[tilespmem:s18+$0x80] =	vst v30;
	v55 =	vmul.f32 v42, v53  }
0x11e: {  	[tilespmem:s31+$0xFFFFFF90] =	vst v44;
	v28 =	vperm.xlane v40, v7;
	v42 =	vmul.f32 v38, v26;
	v58 =	vld [tilespmem:s10+$0x0]  }
0x11f: {  	v26 =	vperm.xlane v40, v8;
	[tilespmem:s9+$0x20] =	vst v55;
	v36 =	vmul.f32 v63, v56  }
0x120: {  	[tilespmem:s30+$0xFFFFFFA0] =	vst v39;
	v41 =	vadd.f32 v52, v9;
	v40 =	vmul.f32 v45, v27;
	v27 =	vpop (erf);
	v59 =	vmul.f32 $2.000000030e-01, v57;
	v60 =	vld [tilespmem:s29+$0x30]  }
0x121: {  	v35 =	vld [tilespmem:s26+$0xFFFFFFA0];
	vm1 =	vge.f32 v57, $0.0e+00;
	v62 =	vperm.xlane v30, v1;
	v27 =	vnsel vm0, $0x0, v27;
	[tilespmem:s31+$0x50] =	vst v36  }
0x122: {  	[tilespmem:s0+$0xFFFFFFB0] =	vst v34;
	v37 =	vadd.f32 v52, v54;
	v38 =	vsel vm1, v57, v59;
	vm1 =	vge.f32 v43, $0.0e+00;
	v63 =	vld [tilespmem:s26+$0x60]  }
0x123: {  	v39 =	vld [tilespmem:s28+$0xFFFFFFC0];
	v52 =	vperm.xlane v25, v4;
	[tilespmem:s18+$0xFFFFFFF0] =	vst v27;
	v43 =	vsel vm1, v43, v61;
	v36 =	vmul.f32 v58, v62  }
0x124: {  	[tilespmem:s9+$0xFFFFFF80] =	vst v46;
	v55 =	vmul.f32 $2.000000030e-01, v41;
	v53 =	vld [tilespmem:s10+$0xFFFFFF70];
	v54 =	vmul.f32 $2.000000030e-01, v37;
	v43 =	vsub.f32 v38, v43  }
0x125: {  	v46 =	vld [tilespmem:s29+$0xFFFFFF90];
	v57 =	vperm.xlane v21, v7;
	vm1 =	vge.f32 v37, $0.0e+00;
	[tilespmem:s18+$0x0] =	vst v36;
	v56 =	vmul.f32 v60, v52  }
0x126: {  	[tilespmem:s0+$0x70] =	vst v47;
	v58 =	vsel vm1, v37, v54;
	vm1 =	vge.f32 v41, $0.0e+00;
	v43 =	vmul.f32 $1.442695020e+00, v43;
	v59 =	vld [tilespmem:s10+$0x10]  }
0x127: {  	v38 =	vld [tilespmem:s25+$0xFFFFFFB0];
	v41 =	vsel vm1, v41, v55;
	v60 =	vperm.xlane v27, v1;
	[tilespmem:s9+$0x30] =	vst v56;
	v44 =	vmul.f32 v63, v57  }
0x128: {  	v47 =	vperm.xlane v25, v5;
	[tilespmem:s14+$0xFFFFFFC0] =	vst v42;
	v34 =	vsub.f32 v58, v41;
	(erf) = vpow2.f32 v43;
	v45 =	vld [tilespmem:s29+$0x40]  }
0x129: {  	v37 =	vld [tilespmem:s12+$0xFFFFFFD0];
	v62 =	vperm.xlane v30, v2;
	v61 =	vmul.f32 v53, v60;
	[tilespmem:s31+$0x60] =	vst v44  }
0x12a: {  	[tilespmem:s15+$0xFFFFFFD0] =	vst v40;
	v42 =	vperm.xlane v27, v2;
	v63 =	vmul.f32 $1.442695020e+00, v34;
	v43 =	vld [tilespmem:s26+$0x70]  }
0x12b: {  	v46 =	vmul.f32 v46, v49;
	v36 =	vld [tilespmem:s1+$0xFFFFFFE0];
	[tilespmem:s18+$0xFFFFFF70] =	vst v61;
	v48 =	vmul.f32 v59, v62  }
0x12c: {  	s16 =	simm.s32 $0xB10;
	s4 =	simm.s32 $0xE;
	[tilespmem:s30+$0x70] =	vst v51;
	s1 =	simm.s32 $0x30D0;
	v34 =	vperm.xlane v27, v3;
	(erf) = vpow2.f32 v63;
	v44 =	vld [tilespmem:s10+$0xFFFFFF80]  }
.LBB2_5:
0x12d: {  	v40 =	vld [tilespmem:s16+$0x80];
	[tilespmem:s18+$0x10] =	vst v48;
	v41 =	vmul.f32 v45, v47;
	v45 =	vperm.xlane v21, v8;
	v21 =	vmovc v25;
	v25 =	vmov v30  }
0x12e: {  	s13 =	sadd.s32 $0x20, s13;
	v49 =	vmul.f32 v35, v29;
	v29 =	vmov v33;
	v33 =	vperm.xlane v27, v4;
	v47 =	vld [tilespmem:s10+$0x20];
	[tilespmem:s9+$0xFFFFFF90] =	vst v46  }
0x12f: {  	v35 =	vperm.xlane v27, v5;
	v46 =	vld [tilespmem:s13+$0x0];
	[tilespmem:s9+$0x40] =	vst v41;
	v41 =	vmul.f32 v43, v45  }
0x130: {  	s4 =	sadd.s32 $0x2, s4;
	v38 =	vmul.f32 v38, v20;
	v20 =	vmovc v24;
	v24 =	vmov v32;
	v43 =	vperm.xlane v27, v6;
	v45 =	vld [tilespmem:s29+$0x50];
	[tilespmem:s31+$0xFFFFFFA0] =	vst v49  }
0x131: {  	p1 =	slt.u32 s4, $0x3E;
	v32 =	vmov v35;
	v48 =	vld [tilespmem:s13+$0xFFFFFFF0];
	v30 =	vpop (erf);
	v42 =	vmul.f32 v44, v42;
	v44 =	vperm.xlane v25, v3;
	[tilespmem:s31+$0x70] =	vst v41  }
0x132: {  	s18 =	sadd.s32 $0x120, s18;
	v49 =	vperm.xlane v27, v7;
	v41 =	vld [tilespmem:s16+$0xFFFFFFF0];
	v30 =	vnsel vm0, $0x0, v30;
	[tilespmem:s30+$0xFFFFFFB0] =	vst v38;
	v38 =	vmul.f32 v39, v18;
	v18 =	vmovc v16  }
0x133: {  	v16 =	vmovc v22;
	v22 =	vmov v31;
	[tilespmem:s18+$0x80] =	vst v30;
	v39 =	vmul.f32 v47, v44;
	v35 =	vld [tilespmem:s29+$0xFFFFFFA0];
	v44 =	vperm.xlane v21, v6  }
0x134: {  	v50 =	vperm.xlane v27, v8;
	v37 =	vmul.f32 v37, v13;
	v40 =	vadd.f32 v46, v40;
	v47 =	vld [tilespmem:s3+$0x0];
	[tilespmem:s1+$0xFFFFFF80] =	vst v42  }
0x135: {  	v11 =	vmul.f32 v36, v11;
	v42 =	vadd.f32 v46, v9;
	v13 =	vpop (erf);
	v46 =	vld [tilespmem:s10+$0xFFFFFF90];
	[tilespmem:s1+$0x20] =	vst v39;
	v39 =	vmul.f32 v45, v44  }
0x136: {  	v31 =	vmovc v43;
	v36 =	vadd.f32 v48, v9;
	v44 =	vmul.f32 $2.000000030e-01, v40;
	v27 =	vnsel vm0, $0x0, v13;
	v45 =	vld [tilespmem:s10+$0x30];
	[tilespmem:s0+$0xFFFFFFC0] =	vst v38;
	v13 =	vmovc v14  }
0x137: {  	v51 =	vperm.xlane v30, v1;
	vm1 =	vge.f32 v40, $0.0e+00;
	v43 =	vmul.f32 $2.000000030e-01, v42;
	v14 =	vmovc v17;
	v17 =	vmovc v19;
	[tilespmem:s9+$0x50] =	vst v39;
	v38 =	vld [tilespmem:s26+$0xFFFFFFB0]  }
0x138: {  	v19 =	vmovc v28;
	v41 =	vadd.f32 v48, v41;
	v39 =	vsel vm1, v40, v44;
	vm1 =	vge.f32 v42, $0.0e+00;
	[tilespmem:s18+$0xFFFFFFF0] =	vst v27;
	v40 =	vld [tilespmem:s29+$0x60]  }
0x139: {  	v44 =	vperm.xlane v25, v4;
	v52 =	vsel vm1, v42, v43;
	v43 =	vld [tilespmem:s3+$0xFFFFFF70];
	v42 =	vmul.f32 v47, v51;
	[tilespmem:s14+$0xFFFFFFD0] =	vst v37  }
0x13a: {  	v28 =	vmovc v49;
	v48 =	vmul.f32 $2.000000030e-01, v36;
	v47 =	vmul.f32 $2.000000030e-01, v41;
	v51 =	vsub.f32 v39, v52;
	v39 =	vld [tilespmem:s25+$0xFFFFFFC0];
	[tilespmem:s15+$0xFFFFFFE0] =	vst v11;
	v11 =	vmovc v10;
	s15 =	smov.u32 s14;
	s14 =	smov.u32 s0;
	s0 =	smov.u32 s30  }
0x13b: {  	vm1 =	vge.f32 v41, $0.0e+00;
	v10 =	vmovc v12;
	s30 =	smov.u32 s31;
	s31 =	smov.u32 s9;
	s9 =	smov.u32 s1;
	[tilespmem:s18+$0x0] =	vst v42;
	v42 =	vmul.f32 v45, v44;
	v44 =	vperm.xlane v21, v7;
	v37 =	vld [tilespmem:s28+$0xFFFFFFD0]  }
0x13c: {  	v12 =	vmovc v15;
	v15 =	vmovc v23;
	s1 =	smov.u32 s18;
	v41 =	vsel vm1, v41, v47;
	vm1 =	vge.f32 v36, $0.0e+00;
	v45 =	vmul.f32 $1.442695020e+00, v51;
	v47 =	vld [tilespmem:s3+$0x10]  }
0x13d: {  	v49 =	vsel vm1, v36, v48;
	v48 =	vperm.xlane v27, v1;
	[tilespmem:s9+$0x30] =	vst v42;
	v40 =	vmul.f32 v40, v44;
	v36 =	vld [tilespmem:s12+$0xFFFFFFE0];
	s12 =	smov.u32 s28;
	s28 =	smov.u32 s25;
	s25 =	smov.u32 s26  }
.Ltmp1:
0x13e: {  	v23 =	vmovc v26;
	v26 =	vmovc v50;
	v41 =	vsub.f32 v41, v49;
	v42 =	vperm.xlane v27, v2;
	s26 =	smov.u32 s29;
	s29 =	smov.u32 s10;
	(erf) = vpow2.f32 v45;
	v45 =	vld [tilespmem:s10+$0x40];
	(pc) =	sbr.rel @p1 .LBB2_5-.Ltmp1, $4  }
0x13f: {  	v44 =	vmul.f32 v43, v48;
	v48 =	vperm.xlane v30, v2;
	s10 =	smov.u32 s3;
	s3 =	smov.u32 s16;
	[tilespmem:s31+$0x60] =	vst v40  }
0x140: {  	v40 =	vmul.f32 $1.442695020e+00, v41;
	v41 =	vperm.xlane v27, v3;
	v43 =	vld [tilespmem:s26+$0x70]  }
0x141: {  	[tilespmem:s18+$0xFFFFFF70] =	vst v44;
	v48 =	vmul.f32 v47, v48;
	v47 =	vperm.xlane v25, v5  }
0x142: {  	v46 =	vmul.f32 v46, v34;
	s16 =	sadd.s32 $0x120, s16;
	v34 =	vmov v41;
	(erf) = vpow2.f32 v40;
	v44 =	vld [tilespmem:s10+$0xFFFFFF80]  }
0x143: {  	_ =	sdelay $0x3  }
0x144: {  	v40 =	vpop (erf)  }
0x145: {  	s13 =	sadd.s32 $0x120, s18;
	v41 =	vnsel vm0, $0x0, v40  }
0x146: {  	[tilespmem:s13+$0x80] =	vst v41  }
0x147: {  	v49 =	vld [tilespmem:s3+$0x0];
	_ =	sdelay $0x1  }
0x148: {  	v52 =	vpop (erf)  }
0x149: {  	v50 =	vperm.xlane v41, v1;
	v40 =	vnsel vm0, $0x0, v52  }
0x14a: {  	[tilespmem:s13+$0xFFFFFFF0] =	vst v40  }
0x14b: {  	v51 =	vld [tilespmem:s3+$0xFFFFFF70];
	v49 =	vmul.f32 v49, v50;
	_ =	sdelay $0x1  }
0x14c: {  	[tilespmem:s13+$0x0] =	vst v49  }
0x14d: {  	v53 =	vperm.xlane v40, v1;
	v49 =	vld [tilespmem:s3+$0x10];
	_ =	sdelay $0x1  }
0x14e: {  	v50 =	vmul.f32 v51, v53  }
0x14f: {  	v54 =	vperm.xlane v41, v2  }
0x150: {  	[tilespmem:s13+$0xFFFFFF70] =	vst v50  }
0x151: {  	[tilespmem:s18+$0x10] =	vst v48;
	v56 =	vld [tilespmem:s3+$0xFFFFFF80];
	v55 =	vmul.f32 v49, v54  }
0x152: {  	v45 =	vmul.f32 v45, v47;
	v57 =	vld [tilespmem:s10+$0x20]  }
0x153: {  	[tilespmem:s13+$0x10] =	vst v55  }
0x154: {  	[tilespmem:s9+$0x40] =	vst v45;
	v58 =	vperm.xlane v40, v2;
	v48 =	vld [tilespmem:s3+$0x20]  }
0x155: {  	v60 =	vperm.xlane v30, v3;
	v59 =	vld [tilespmem:s29+$0x50];
	v42 =	vmul.f32 v44, v42  }
0x156: {  	[tilespmem:s9+$0xFFFFFF90] =	vst v46;
	v45 =	vmul.f32 v56, v58  }
0x157: {  	v44 =	vmul.f32 v57, v60;
	[tilespmem:s1+$0xFFFFFF80] =	vst v42;
	v61 =	vperm.xlane v41, v3  }
0x158: {  	v29 =	vmul.f32 v35, v29;
	v62 =	vperm.xlane v25, v6;
	v63 =	vld [tilespmem:s10+$0xFFFFFF90];
	[tilespmem:s13+$0xFFFFFF80] =	vst v45  }
0x159: {  	[tilespmem:s1+$0x20] =	vst v44;
	v42 =	vmul.f32 v48, v61;
	v48 =	vld [tilespmem:s3+$0xFFFFFF90]  }
0x15a: {  	[tilespmem:s31+$0xFFFFFFA0] =	vst v29;
	v50 =	vld [tilespmem:s10+$0x30];
	v49 =	vmul.f32 v59, v62  }
0x15b: {  	v20 =	vmul.f32 v38, v20;
	[tilespmem:s13+$0x20] =	vst v42  }
0x15c: {  	v18 =	vmul.f32 v39, v18;
	v51 =	vperm.xlane v40, v3;
	[tilespmem:s9+$0x50] =	vst v49;
	v52 =	vld [tilespmem:s3+$0x30]  }
0x15d: {  	[tilespmem:s30+$0xFFFFFFB0] =	vst v20;
	v34 =	vmul.f32 v63, v34;
	v54 =	vperm.xlane v30, v4;
	v53 =	vld [tilespmem:s29+$0x60]  }
0x15e: {  	[tilespmem:s0+$0xFFFFFFC0] =	vst v18;
	v55 =	vmul.f32 v48, v51  }
0x15f: {  	v57 =	vperm.xlane v41, v4;
	[tilespmem:s1+$0xFFFFFF90] =	vst v34;
	v35 =	vmul.f32 v50, v54;
	v56 =	vld [tilespmem:s29+$0xFFFFFFA0]  }
0x160: {  	v13 =	vmul.f32 v37, v13;
	v59 =	vld [tilespmem:s10+$0xFFFFFFA0];
	v58 =	vperm.xlane v25, v7;
	[tilespmem:s13+$0xFFFFFF90] =	vst v55  }
0x161: {  	v21 =	vperm.xlane v21, v8;
	[tilespmem:s1+$0x30] =	vst v35;
	v60 =	vmul.f32 v52, v57;
	v61 =	vld [tilespmem:s3+$0xFFFFFFA0]  }
0x162: {  	v11 =	vmul.f32 v36, v11;
	[tilespmem:s14+$0xFFFFFFD0] =	vst v13;
	v63 =	vld [tilespmem:s10+$0x40];
	v62 =	vmul.f32 v53, v58  }
0x163: {  	v21 =	vmul.f32 v43, v21;
	v43 =	vperm.xlane v27, v4;
	[tilespmem:s13+$0x30] =	vst v60  }
0x164: {  	v44 =	vperm.xlane v40, v4;
	v45 =	vmul.f32 v56, v33;
	[tilespmem:s9+$0x60] =	vst v62;
	v46 =	vld [tilespmem:s3+$0x40]  }
0x165: {  	[tilespmem:s15+$0xFFFFFFE0] =	vst v11;
	v35 =	vmul.f32 v59, v43;
	v47 =	vld [tilespmem:s29+$0x70];
	v48 =	vperm.xlane v30, v5  }
0x166: {  	v49 =	vld [tilespmem:s26+$0xFFFFFFB0];
	[tilespmem:s9+$0xFFFFFFA0] =	vst v45;
	v18 =	vmul.f32 v61, v44  }
0x167: {  	[tilespmem:s1+$0xFFFFFFA0] =	vst v35;
	v51 =	vld [tilespmem:s29+$0xFFFFFFB0];
	v50 =	vmul.f32 v63, v48;
	v52 =	vperm.xlane v41, v5  }
0x168: {  	v53 =	vperm.xlane v25, v8;
	v54 =	vld [tilespmem:s10+$0xFFFFFFB0];
	[tilespmem:s13+$0xFFFFFFA0] =	vst v18  }
0x169: {  	[tilespmem:s1+$0x40] =	vst v50;
	v55 =	vmul.f32 v46, v52;
	v56 =	vld [tilespmem:s3+$0xFFFFFFB0]  }
0x16a: {  	[tilespmem:s31+$0x70] =	vst v21;
	v11 =	vmul.f32 v47, v53;
	v57 =	vld [tilespmem:s10+$0x50]  }
0x16b: {  	v59 =	vld [tilespmem:s25+$0xFFFFFFC0];
	v24 =	vmul.f32 v49, v24;
	v58 =	vperm.xlane v27, v5;
	[tilespmem:s13+$0x40] =	vst v55  }
0x16c: {  	v60 =	vperm.xlane v40, v5;
	[tilespmem:s9+$0x70] =	vst v11;
	v21 =	vmul.f32 v51, v32;
	v11 =	vld [tilespmem:s3+$0x50]  }
0x16d: {  	v43 =	vld [tilespmem:s12+$0xFFFFFFE0];
	[tilespmem:s31+$0xFFFFFFB0] =	vst v24;
	v62 =	vperm.xlane v30, v6;
	v25 =	vmul.f32 v54, v58  }
0x16e: {  	v63 =	vld [tilespmem:s26+$0xFFFFFFC0];
	[tilespmem:s9+$0xFFFFFFB0] =	vst v21;
	v18 =	vmul.f32 v56, v60  }
0x16f: {  	v36 =	vperm.xlane v41, v6;
	[tilespmem:s1+$0xFFFFFFB0] =	vst v25;
	v21 =	vld [tilespmem:s29+$0xFFFFFFC0];
	v13 =	vmul.f32 v57, v62  }
0x170: {  	v16 =	vmul.f32 v59, v16;
	v37 =	vld [tilespmem:s10+$0xFFFFFFC0];
	[tilespmem:s13+$0xFFFFFFB0] =	vst v18  }
0x171: {  	[tilespmem:s1+$0x50] =	vst v13;
	v11 =	vmul.f32 v11, v36;
	v38 =	vld [tilespmem:s3+$0xFFFFFFC0]  }
0x172: {  	v10 =	vmul.f32 v43, v10;
	[tilespmem:s30+$0xFFFFFFC0] =	vst v16;
	v39 =	vld [tilespmem:s10+$0x60]  }
0x173: {  	v42 =	vperm.xlane v27, v6;
	v22 =	vmul.f32 v63, v22;
	v61 =	vld [tilespmem:s28+$0xFFFFFFD0];
	[tilespmem:s13+$0x50] =	vst v11  }
0x174: {  	[tilespmem:s14+$0xFFFFFFE0] =	vst v10;
	v21 =	vmul.f32 v21, v31;
	v11 =	vperm.xlane v40, v6;
	v44 =	vld [tilespmem:s3+$0x60]  }
0x175: {  	v45 =	vperm.xlane v30, v7;
	[tilespmem:s31+$0xFFFFFFC0] =	vst v22;
	v46 =	vld [tilespmem:s25+$0xFFFFFFD0];
	v18 =	vmul.f32 v37, v42  }
0x176: {  	v22 =	vld [tilespmem:s26+$0xFFFFFFD0];
	[tilespmem:s9+$0xFFFFFFC0] =	vst v21;
	v11 =	vmul.f32 v38, v11  }
0x177: {  	v48 =	vperm.xlane v41, v7;
	v21 =	vld [tilespmem:s29+$0xFFFFFFD0];
	v47 =	vmul.f32 v39, v45;
	[tilespmem:s1+$0xFFFFFFC0] =	vst v18  }
0x178: {  	v14 =	vmul.f32 v61, v14;
	v18 =	vld [tilespmem:s10+$0xFFFFFFD0];
	[tilespmem:s13+$0xFFFFFFC0] =	vst v11  }
0x179: {  	[tilespmem:s1+$0x60] =	vst v47;
	v11 =	vmul.f32 v44, v48;
	v49 =	vld [tilespmem:s3+$0xFFFFFFD0]  }
0x17a: {  	[tilespmem:s0+$0xFFFFFFD0] =	vst v14;
	v50 =	vmul.f32 v46, v17;
	v10 =	vld [tilespmem:s10+$0x70]  }
0x17b: {  	v51 =	vperm.xlane v27, v7;
	v52 =	vld [tilespmem:s28+$0xFFFFFFE0];
	[tilespmem:s13+$0x60] =	vst v11;
	v11 =	vmul.f32 v22, v19  }
0x17c: {  	v53 =	vperm.xlane v40, v7;
	[tilespmem:s30+$0xFFFFFFD0] =	vst v50;
	v55 =	vmul.f32 v21, v28;
	v54 =	vld [tilespmem:s3+$0x70]  }
0x17d: {  	v56 =	vperm.xlane v30, v8;
	v57 =	vld [tilespmem:s25+$0xFFFFFFE0];
	[tilespmem:s31+$0xFFFFFFD0] =	vst v11;
	v11 =	vmul.f32 v18, v51  }
0x17e: {  	[tilespmem:s9+$0xFFFFFFD0] =	vst v55;
	v58 =	vld [tilespmem:s26+$0xFFFFFFE0];
	v13 =	vmul.f32 v49, v53  }
0x17f: {  	v59 =	vperm.xlane v41, v8;
	v60 =	vld [tilespmem:s29+$0xFFFFFFE0];
	v10 =	vmul.f32 v10, v56;
	[tilespmem:s1+$0xFFFFFFD0] =	vst v11  }
0x180: {  	v11 =	vmul.f32 v52, v12;
	v61 =	vld [tilespmem:s10+$0xFFFFFFE0];
	[tilespmem:s13+$0xFFFFFFD0] =	vst v13  }
0x181: {  	[tilespmem:s1+$0x70] =	vst v10;
	v10 =	vmul.f32 v54, v59;
	v13 =	vld [tilespmem:s3+$0xFFFFFFE0]  }
0x182: {  	[tilespmem:s0+$0xFFFFFFE0] =	vst v11;
	v11 =	vmul.f32 v57, v15  }
0x183: {  	p1 =	sne.s32 s21, $0x0;
	v62 =	vperm.xlane v27, v8;
	[tilespmem:s13+$0x70] =	vst v10;
	v10 =	vmul.f32 v58, v23  }
.Ltmp2:
0x184: {  	v63 =	vperm.xlane v40, v8;
	[tilespmem:s30+$0xFFFFFFE0] =	vst v11;
	v11 =	vmul.f32 v60, v26;
	(pc) =	sbr.rel @!p1 .LBB2_7-.Ltmp2, $4  }
0x185: {  	[tilespmem:s31+$0xFFFFFFE0] =	vst v10;
	v10 =	vmul.f32 v61, v62  }
0x186: {  	[tilespmem:s9+$0xFFFFFFE0] =	vst v11;
	v11 =	vmul.f32 v13, v63  }
0x187: {  	[tilespmem:s1+$0xFFFFFFE0] =	vst v10  }
0x188: {  	[tilespmem:s13+$0xFFFFFFE0] =	vst v11  }
0x189: {  	_ =	swait.ge [sflag:s23], $0x2400  }
0x18a: {  	s0 =	sshll.u32 s21, $0x7;
	s1 =	rddreg [dreg:$0x15]  }
0x18b: {  	s3 =	simm.s32 $0x0;
	s0 =	sadd.s32 s0, s1  }
0x18c: {  	s29 =	simm.s32 $0x140;
	[sflag:s23] =	ssyncset.done $0x0;
	s0 =	sshrl.u32 s0, $0x3  }
0x18d: {  	s30 =	simm.s32 $0x7;
	[sflag:s23] =	ssyncadd.s32 $0xFFFFDC00;
	s0 =	sadd.s32 s8, s0  }
0x18e: {  	[tilespmem:s29], [sflag:$0x8] =	stream.linear.gather [hbm4b:s0+s3], $0x40, $0x38;
	[tilespmem:$0x1F9B0] =	vst v63  }
.Ltmp3:
0x18f: {  	_ =	swait.ge [sflag:s30], $0x40;
	(pc) =	sbr.rel @!p0 .LBB2_9-.Ltmp3, $4  }
0x190: {  	[sflag:s30] =	ssyncset.done $0x0  }
0x191: {  	[sflag:s30] =	ssyncadd.s32 $0xFFFFFFC0  }
0x192: {  	s31 =	simm.s32 $0x2980;
	s4 =	simm.s32 $0x80;
	s0 =	rddreg [dreg:$0x2]  }
0x193: {  	[spmem:s0] =	stream.indirect.scatter.add.f32 [tilespmem:s31], [sflag:$0x9], $0x90, s4, s2, $0xb8;
	[tilespmem:$0x1F9B0] =	vst v63  }
0x194: {  	_ =	swait.ge [sflag:s20], $0x2400  }
.Ltmp4:
0x195: {  	[sflag:s20] =	ssyncset.done $0x0;
	(pc) =	sbr.rel .LBB2_11-.Ltmp4, $4  }
0x196: {  	[sflag:s20] =	ssyncadd.s32 $0xFFFFDC00  }
0x197: {  	_ =	swait.ge [sflag:s22], $0x400  }
0x198: {  	[sflag:s22] =	ssyncset.done $0x0  }
0x199: {  	[sflag:s22] =	ssyncadd.s32 $0xFFFFFC00  }
.LBB2_7:
0x19a: {  	s3 =	simm.s32 $0x0;
	s0 =	rddreg [dreg:$0x16];
	s1 =	simm.s32 $0x140  }
0x19b: {  	[tilespmem:s1], [sflag:$0x8] =	stream.linear.gather [hbm4b:s0+s3], $0x40, $0x38;
	[tilespmem:$0x1F9B0] =	vst v63  }
0x19c: {  	s30 =	rddreg [dreg:$0x2];
	s31 =	simm.s32 $0x2980;
	s4 =	simm.s32 $0x80  }
0x19d: {  	[spmem:s30] =	stream.indirect.scatter.add.f32 [tilespmem:s31], [sflag:$0x9], $0x90, s4, s2, $0xb8;
	[tilespmem:$0x1F9B0] =	vst v63  }
.LBB2_9:
0x19e: {  	_ =	swait.ge [sflag:s19], $0x40  }
0x19f: {  	[sflag:s19] =	ssyncset.done $0x0  }
0x1a0: {  	[sflag:s19] =	ssyncadd.s32 $0xFFFFFFC0  }
0x1a1: {  	_ =	swait.ge [sflag:s19], $0x40  }
0x1a2: {  	[sflag:s19] =	ssyncset.done $0x0  }
0x1a3: {  	s0 =	simm.s32 $0x180;
	[sflag:s19] =	ssyncadd.s32 $0xFFFFFFC0  }
0x1a4: {  	[tilespmem:s0], [sflag:$0x1] =	stream.indirect.gather [hbm4b:s5+s2], $0x90, s3, s2, $0xb8;
	[tilespmem:$0x1F9B0] =	vst v63  }
0x1a5: {  	s28 =	simm.s32 $0x2580  }
0x1a6: {  	[tilespmem:s28], [sflag:$0x2] =	stream.indirect.gather [hbm4b:s6+s2], $0x10, s2, s2, $0xb8;
	[tilespmem:$0x1F9B0] =	vst v63  }
0x1a7: {  	_ =	swait.ge [sflag:s20], $0x2400  }
0x1a8: {  	[sflag:s20] =	ssyncset.done $0x0  }
0x1a9: {  	[sflag:s20] =	ssyncadd.s32 $0xFFFFDC00  }
0x1aa: {  	_ =	swait.ge [sflag:s22], $0x400  }
0x1ab: {  	s29 =	sshll.u32 s21, $0x7;
	s1 =	rddreg [dreg:$0x17]  }
0x1ac: {  	s0 =	sadd.s32 s29, s1  }
0x1ad: {  	[sflag:s22] =	ssyncset.done $0x0;
	s0 =	sshrl.u32 s0, $0x3  }
0x1ae: {  	s4 =	simm.s32 $0xC0;
	[sflag:s22] =	ssyncadd.s32 $0xFFFFFC00;
	s30 =	sadd.s32 s7, s0  }
0x1af: {  	[tilespmem:s4], [sflag:$0x6] =	stream.linear.gather [hbm4b:s30+s3], $0x40, $0x38;
	[tilespmem:$0x1F9B0] =	vst v63  }
0x1b0: {  	s31 =	simm.s32 $0x100;
	s0 =	sadd.s32 s8, s0  }
0x1b1: {  	[tilespmem:s31], [sflag:$0x6] =	stream.linear.gather [hbm4b:s0+s3], $0x40, $0x38;
	[tilespmem:$0x1F9B0] =	vst v63  }
.LBB2_11:
0x1b2: {  	s1 =	simm.s32 $0x4E10  }
0x1b3: {  	s0 =	simm.s32 $0x7190;
	v10 =	vld [tilespmem:s1+$0x80]  }
0x1b4: {  	v11 =	vld [tilespmem:s0+$0x0];
	_ =	sdelay $0x4  }
0x1b5: {  	v10 =	vadd.f32 v11, v10;
	v11 =	vadd.f32 v11, v9;
	_ =	sdelay $0x1  }
0x1b6: {  	v12 =	vmul.f32 $2.000000030e-01, v10;
	v13 =	vmul.f32 $2.000000030e-01, v11  }
0x1b7: {  	vm1 =	vge.f32 v10, $0.0e+00;
	vm2 =	vge.f32 v11, $0.0e+00  }
0x1b8: {  	v10 =	vsel vm1, v10, v12;
	v11 =	vsel vm2, v11, v13  }
0x1b9: {  	v14 =	vld [tilespmem:s0+$0xFFFFFFF0];
	v10 =	vsub.f32 v10, v11  }
0x1ba: {  	v12 =	vld [tilespmem:s1+$0xFFFFFFF0]  }
0x1bb: {  	v10 =	vmul.f32 $1.442695020e+00, v10;
	_ =	sdelay $0x1  }
0x1bc: {  	s12 =	simm.s32 $0x4F30;
	(erf) = vpow2.f32 v10  }
0x1bd: {  	s9 =	simm.s32 $0x71B0;
	v10 =	vld [tilespmem:s12+$0x80]  }
0x1be: {  	v11 =	vadd.f32 v14, v12;
	v12 =	vld [tilespmem:s9+$0x0]  }
0x1bf: {  	v13 =	vadd.f32 v14, v9  }
0x1c0: {  	v14 =	vmul.f32 $2.000000030e-01, v11  }
0x1c1: {  	v15 =	vmul.f32 $2.000000030e-01, v13;
	vm1 =	vge.f32 v11, $0.0e+00  }
0x1c2: {  	v11 =	vsel vm1, v11, v14;
	vm1 =	vge.f32 v13, $0.0e+00  }
0x1c3: {  	v13 =	vsel vm1, v13, v15;
	v10 =	vadd.f32 v12, v10;
	v14 =	vadd.f32 v12, v9  }
0x1c4: {  	v11 =	vsub.f32 v11, v13  }
0x1c5: {  	v13 =	vmul.f32 $2.000000030e-01, v10;
	v15 =	vmul.f32 $2.000000030e-01, v14;
	vm1 =	vge.f32 v10, $0.0e+00;
	v12 =	vpop (erf)  }
0x1c6: {  	s15 =	simm.s32 $0x7610;
	vm2 =	vge.f32 v14, $0.0e+00;
	v11 =	vmul.f32 $1.442695020e+00, v11;
	v12 =	vnsel vm0, $0x0, v12  }
0x1c7: {  	v10 =	vsel vm1, v10, v13;
	v13 =	vsel vm2, v14, v15;
	[tilespmem:s15+$0x80] =	vst v12  }
0x1c8: {  	(erf) = vpow2.f32 v11;
	v10 =	vsub.f32 v10, v13;
	v11 =	vld [tilespmem:s1+$0x0]  }
0x1c9: {  	v14 =	vld [tilespmem:s12+$0xFFFFFFF0]  }
0x1ca: {  	v13 =	vld [tilespmem:s9+$0xFFFFFFF0];
	v10 =	vmul.f32 $1.442695020e+00, v10  }
0x1cb: {  	v15 =	vperm.xlane v12, v1  }
0x1cc: {  	(erf) = vpow2.f32 v10  }
0x1cd: {  	v10 =	vmul.f32 v11, v15;
	_ =	sdelay $0x1  }
0x1ce: {  	s28 =	simm.s32 $0x5050;
	v11 =	vadd.f32 v13, v9;
	v13 =	vadd.f32 v13, v14  }
0x1cf: {  	v16 =	vld [tilespmem:s28+$0x80];
	[tilespmem:s15+$0x0] =	vst v10  }
0x1d0: {  	s10 =	simm.s32 $0x71D0;
	v15 =	vmul.f32 $2.000000030e-01, v13;
	v14 =	vld [tilespmem:s1+$0x10];
	v10 =	vpop (erf)  }
0x1d1: {  	v18 =	vld [tilespmem:s10+$0x0];
	v17 =	vmul.f32 $2.000000030e-01, v11;
	v10 =	vnsel vm0, $0x0, v10  }
0x1d2: {  	vm2 =	vge.f32 v11, $0.0e+00;
	[tilespmem:s15+$0xFFFFFFF0] =	vst v10  }
0x1d3: {  	vm1 =	vge.f32 v13, $0.0e+00;
	v11 =	vsel vm2, v11, v17;
	v17 =	vperm.xlane v12, v2;
	v19 =	vld [tilespmem:s1+$0xFFFFFF70]  }
0x1d4: {  	v13 =	vsel vm1, v13, v15;
	v15 =	vpop (erf)  }
0x1d5: {  	s14 =	simm.s32 $0x7730;
	v11 =	vsub.f32 v13, v11;
	v15 =	vnsel vm0, $0x0, v15;
	v14 =	vmul.f32 v14, v17  }
0x1d6: {  	v16 =	vadd.f32 v18, v16;
	v13 =	vperm.xlane v10, v1;
	[tilespmem:s14+$0x80] =	vst v15  }
0x1d7: {  	v11 =	vmul.f32 $1.442695020e+00, v11;
	v17 =	vld [tilespmem:s12+$0x0];
	[tilespmem:s15+$0x10] =	vst v14;
	v14 =	vadd.f32 v18, v9  }
0x1d8: {  	v18 =	vmul.f32 $2.000000030e-01, v16;
	v13 =	vmul.f32 v19, v13  }
0x1d9: {  	vm1 =	vge.f32 v16, $0.0e+00;
	(erf) = vpow2.f32 v11;
	v11 =	vld [tilespmem:s1+$0x20];
	v19 =	vmul.f32 $2.000000030e-01, v14  }
0x1da: {  	v20 =	vperm.xlane v15, v1;
	[tilespmem:s15+$0xFFFFFF70] =	vst v13;
	v13 =	vsel vm1, v16, v18;
	vm1 =	vge.f32 v14, $0.0e+00  }
0x1db: {  	v14 =	vsel vm1, v14, v19  }
0x1dc: {  	v18 =	vperm.xlane v12, v3;
	v17 =	vmul.f32 v17, v20;
	v16 =	vld [tilespmem:s1+$0xFFFFFF80];
	v13 =	vsub.f32 v13, v14  }
0x1dd: {  	v19 =	vld [tilespmem:s10+$0xFFFFFFF0]  }
0x1de: {  	v14 =	vld [tilespmem:s28+$0xFFFFFFF0];
	v11 =	vmul.f32 v11, v18;
	[tilespmem:s14+$0x0] =	vst v17;
	v13 =	vmul.f32 $1.442695020e+00, v13  }
0x1df: {  	v17 =	vperm.xlane v10, v2;
	v18 =	vld [tilespmem:s12+$0x10]  }
0x1e0: {  	[tilespmem:s15+$0x20] =	vst v11  }
0x1e1: {  	v11 =	vmul.f32 v16, v17;
	v16 =	vld [tilespmem:s1+$0x30]  }
0x1e2: {  	(erf) = vpow2.f32 v13;
	v17 =	vperm.xlane v15, v2;
	v13 =	vpop (erf)  }
0x1e3: {  	v20 =	vnsel vm0, $0x0, v13  }
0x1e4: {  	v17 =	vmul.f32 v18, v17;
	v13 =	vadd.f32 v19, v14;
	v14 =	vperm.xlane v12, v4;
	[tilespmem:s14+$0xFFFFFFF0] =	vst v20  }
0x1e5: {  	s25 =	simm.s32 $0x5170;
	v18 =	vadd.f32 v19, v9;
	v21 =	vld [tilespmem:s12+$0xFFFFFF70]  }
0x1e6: {  	[tilespmem:s14+$0x10] =	vst v17;
	v19 =	vmul.f32 $2.000000030e-01, v13;
	v14 =	vmul.f32 v16, v14;
	v16 =	vld [tilespmem:s25+$0x80]  }
0x1e7: {  	s13 =	simm.s32 $0x71F0;
	[tilespmem:s15+$0xFFFFFF80] =	vst v11;
	v24 =	vmul.f32 $2.000000030e-01, v18;
	vm1 =	vge.f32 v13, $0.0e+00;
	v25 =	vld [tilespmem:s12+$0x20]  }
0x1e8: {  	v22 =	vperm.xlane v10, v3;
	v13 =	vsel vm1, v13, v19;
	vm1 =	vge.f32 v18, $0.0e+00;
	[tilespmem:s15+$0x30] =	vst v14;
	v14 =	vld [tilespmem:s13+$0x0]  }
0x1e9: {  	v29 =	vperm.xlane v10, v4;
	v23 =	vperm.xlane v10, v6;
	v11 =	vld [tilespmem:s1+$0xFFFFFF90];
	v18 =	vsel vm1, v18, v24  }
0x1ea: {  	v27 =	vperm.xlane v10, v7;
	v26 =	vperm.xlane v15, v3;
	v24 =	vld [tilespmem:s1+$0x40];
	v13 =	vsub.f32 v13, v18  }
0x1eb: {  	v31 =	vld [tilespmem:s25+$0xFFFFFFF0];
	v17 =	vperm.xlane v10, v5;
	v28 =	vperm.xlane v20, v1;
	v19 =	vpop (erf)  }
0x1ec: {  	s0 =	simm.s32 $0x7850;
	v18 =	vld [tilespmem:s13+$0xFFFFFFF0];
	v19 =	vnsel vm0, $0x0, v19;
	v25 =	vmul.f32 v25, v26;
	v13 =	vmul.f32 $1.442695020e+00, v13  }
0x1ed: {  	v21 =	vmul.f32 v21, v28;
	v26 =	vperm.xlane v12, v5;
	[tilespmem:s0+$0x80] =	vst v19;
	v16 =	vadd.f32 v14, v16  }
0x1ee: {  	v28 =	vld [tilespmem:s28+$0x0];
	(erf) = vpow2.f32 v13;
	v13 =	vmul.f32 v11, v22;
	v11 =	vadd.f32 v14, v9  }
0x1ef: {  	[tilespmem:s14+$0x20] =	vst v25;
	v14 =	vmul.f32 v24, v26;
	v24 =	vmul.f32 $2.000000030e-01, v16  }
0x1f0: {  	[tilespmem:s14+$0xFFFFFF70] =	vst v21;
	v25 =	vld [tilespmem:s12+$0x30];
	v26 =	vperm.xlane v19, v1;
	vm1 =	vge.f32 v16, $0.0e+00;
	v21 =	vmul.f32 $2.000000030e-01, v11  }
0x1f1: {  	v32 =	vld [tilespmem:s12+$0xFFFFFF80];
	[tilespmem:s15+$0x40] =	vst v14;
	v14 =	vadd.f32 v18, v31;
	v16 =	vsel vm1, v16, v24;
	vm1 =	vge.f32 v11, $0.0e+00  }
0x1f2: {  	v22 =	vadd.f32 v18, v9;
	v24 =	vperm.xlane v15, v4;
	v11 =	vsel vm1, v11, v21  }
0x1f3: {  	v21 =	vmul.f32 v28, v26;
	v28 =	vmul.f32 $2.000000030e-01, v14;
	v11 =	vsub.f32 v16, v11  }
0x1f4: {  	s3 =	simm.s32 $0x7210;
	v30 =	vperm.xlane v20, v2;
	v18 =	vld [tilespmem:s1+$0x50];
	vm1 =	vge.f32 v14, $0.0e+00;
	v16 =	vmul.f32 $2.000000030e-01, v22  }
0x1f5: {  	v34 =	vld [tilespmem:s3+$0x0];
	[tilespmem:s0+$0x0] =	vst v21;
	v21 =	vmul.f32 v25, v24;
	v14 =	vsel vm1, v14, v28;
	v24 =	vmul.f32 $1.442695020e+00, v11  }
0x1f6: {  	vm1 =	vge.f32 v22, $0.0e+00;
	v25 =	vld [tilespmem:s28+$0x10];
	v11 =	vperm.xlane v10, v8;
	v10 =	vmul.f32 v32, v30  }
0x1f7: {  	v36 =	vld [tilespmem:s3+$0xFFFFFFF0];
	v26 =	vperm.xlane v12, v6;
	v16 =	vsel vm1, v22, v16;
	[tilespmem:s14+$0x30] =	vst v21  }
0x1f8: {  	s26 =	simm.s32 $0x5290;
	v14 =	vsub.f32 v14, v16;
	(erf) = vpow2.f32 v24;
	v16 =	vld [tilespmem:s12+$0x40]  }
0x1f9: {  	v39 =	vld [tilespmem:s26+$0xFFFFFFF0];
	[tilespmem:s15+$0xFFFFFF90] =	vst v13;
	v22 =	vperm.xlane v19, v2;
	v13 =	vmul.f32 v18, v26  }
0x1fa: {  	v32 =	vperm.xlane v20, v4;
	v30 =	vld [tilespmem:s26+$0x80];
	[tilespmem:s14+$0xFFFFFF80] =	vst v10;
	v10 =	vpop (erf)  }
0x1fb: {  	v24 =	vld [tilespmem:s12+$0xFFFFFF90];
	[tilespmem:s15+$0x50] =	vst v13;
	v31 =	vnsel vm0, $0x0, v10;
	v13 =	vmul.f32 v25, v22;
	v22 =	vperm.xlane v15, v5  }
0x1fc: {  	v18 =	vperm.xlane v20, v3;
	v10 =	vmul.f32 $1.442695020e+00, v14;
	v14 =	vld [tilespmem:s1+$0x60];
	[tilespmem:s0+$0xFFFFFFF0] =	vst v31  }
0x1fd: {  	v28 =	vld [tilespmem:s28+$0xFFFFFF70];
	[tilespmem:s0+$0x10] =	vst v13;
	v16 =	vmul.f32 v16, v22;
	v22 =	vperm.xlane v12, v7  }
0x1fe: {  	v26 =	vperm.xlane v20, v6;
	(erf) = vpow2.f32 v10;
	v33 =	vld [tilespmem:s28+$0x20]  }
0x1ff: {  	v25 =	vperm.xlane v20, v5;
	v13 =	vperm.xlane v20, v7  }
0x200: {  	v21 =	vld [tilespmem:s1+$0xFFFFFFA0];
	v10 =	vperm.xlane v20, v8;
	v20 =	vperm.xlane v31, v1  }
0x201: {  	v50 =	vadd.f32 v36, v9;
	v37 =	vperm.xlane v19, v3;
	v14 =	vmul.f32 v14, v22;
	v22 =	vpop (erf)  }
0x202: {  	s30 =	simm.s32 $0x7970;
	v52 =	vadd.f32 v36, v39;
	[tilespmem:s14+$0x40] =	vst v16;
	v20 =	vmul.f32 v28, v20;
	v28 =	vnsel vm0, $0x0, v22  }
0x203: {  	v30 =	vadd.f32 v34, v30;
	v18 =	vmul.f32 v24, v18;
	v35 =	vld [tilespmem:s12+$0x50];
	[tilespmem:s30+$0x80] =	vst v28;
	v24 =	vmul.f32 v33, v37  }
0x204: {  	v56 =	vmul.f32 $2.000000030e-01, v52;
	v57 =	vmul.f32 $2.000000030e-01, v50;
	v48 =	vld [tilespmem:s25+$0x0]  }
0x205: {  	v29 =	vmul.f32 v21, v29;
	v21 =	vadd.f32 v34, v9;
	v40 =	vmul.f32 $2.000000030e-01, v30;
	[tilespmem:s0+$0x20] =	vst v24  }
0x206: {  	v47 =	vperm.xlane v15, v6;
	v54 =	vperm.xlane v19, v4;
	vm1 =	vge.f32 v30, $0.0e+00;
	v51 =	vld [tilespmem:s28+$0x30]  }
0x207: {  	v30 =	vsel vm1, v30, v40;
	v41 =	vperm.xlane v28, v1;
	[tilespmem:s0+$0xFFFFFF70] =	vst v20;
	v20 =	vmul.f32 $2.000000030e-01, v21;
	v49 =	vpop (erf)  }
0x208: {  	s16 =	simm.s32 $0x7230;
	vm1 =	vge.f32 v21, $0.0e+00;
	v33 =	vmul.f32 v35, v47;
	v42 =	vld [tilespmem:s28+$0xFFFFFF80];
	v24 =	vnsel vm0, $0x0, v49  }
0x209: {  	v43 =	vld [tilespmem:s16+$0x0];
	v46 =	vperm.xlane v19, v6;
	v20 =	vsel vm1, v21, v20;
	[tilespmem:s30+$0xFFFFFFF0] =	vst v24;
	v21 =	vmul.f32 v48, v41  }
0x20a: {  	v38 =	vperm.xlane v31, v3;
	v12 =	vperm.xlane v12, v8;
	[tilespmem:s14+$0x50] =	vst v33;
	v20 =	vsub.f32 v30, v20;
	v55 =	vld [tilespmem:s25+$0xFFFFFF70]  }
0x20b: {  	v16 =	vperm.xlane v31, v2;
	v53 =	vld [tilespmem:s12+$0x60];
	[tilespmem:s30+$0x0] =	vst v21;
	v21 =	vmul.f32 v51, v54  }
0x20c: {  	[tilespmem:s15+$0x60] =	vst v14;
	v30 =	vperm.xlane v15, v7;
	v20 =	vmul.f32 $1.442695020e+00, v20;
	v58 =	vld [tilespmem:s25+$0x10]  }
0x20d: {  	v59 =	vld [tilespmem:s1+$0x70];
	vm1 =	vge.f32 v52, $0.0e+00;
	v60 =	vperm.xlane v24, v1;
	v16 =	vmul.f32 v42, v16;
	[tilespmem:s0+$0x30] =	vst v21  }
0x20e: {  	v14 =	vsel vm1, v52, v56;
	vm1 =	vge.f32 v50, $0.0e+00;
	(erf) = vpow2.f32 v20;
	v20 =	vld [tilespmem:s28+$0x40]  }
0x20f: {  	s29 =	simm.s32 $0x53B0;
	v44 =	vld [tilespmem:s16+$0xFFFFFFF0];
	v61 =	vperm.xlane v28, v2;
	v35 =	vsel vm1, v50, v57;
	[tilespmem:s0+$0xFFFFFF80] =	vst v16;
	v16 =	vmul.f32 v55, v60  }
0x210: {  	v45 =	vld [tilespmem:s29+$0xFFFFFFF0];
	[tilespmem:s14+$0xFFFFFF90] =	vst v18;
	v22 =	vperm.xlane v31, v4;
	v14 =	vsub.f32 v14, v35;
	v18 =	vmul.f32 v53, v30  }
0x211: {  	v47 =	vperm.xlane v19, v5;
	v49 =	vld [tilespmem:s29+$0x80];
	[tilespmem:s30+$0xFFFFFF70] =	vst v16;
	v16 =	vmul.f32 v58, v61  }
0x212: {  	v15 =	vperm.xlane v15, v8;
	v14 =	vmul.f32 $1.442695020e+00, v14;
	v21 =	vld [tilespmem:s12+$0xFFFFFFA0];
	[tilespmem:s14+$0x60] =	vst v18  }
0x213: {  	v34 =	vmul.f32 v59, v12;
	v62 =	vld [tilespmem:s28+$0xFFFFFF90];
	[tilespmem:s30+$0x10] =	vst v16;
	v16 =	vmul.f32 v20, v47  }
0x214: {  	v12 =	vperm.xlane v31, v8;
	(erf) = vpow2.f32 v14;
	v63 =	vld [tilespmem:s12+$0x70]  }
0x215: {  	v42 =	vperm.xlane v24, v3;
	v51 =	vperm.xlane v24, v2;
	v48 =	vld [tilespmem:s25+$0xFFFFFF80]  }
0x216: {  	v30 =	vperm.xlane v31, v5;
	v14 =	vperm.xlane v31, v7;
	v50 =	vld [tilespmem:s25+$0x20]  }
0x217: {  	v53 =	vperm.xlane v28, v3;
	v55 =	vadd.f32 v43, v9;
	v18 =	vperm.xlane v31, v6;
	[tilespmem:s0+$0x40] =	vst v16;
	v16 =	vpop (erf)  }
0x218: {  	s31 =	simm.s32 $0x7A90;
	[tilespmem:s15+$0xFFFFFFA0] =	vst v29;
	v31 =	vperm.xlane v24, v4;
	v32 =	vmul.f32 v21, v32;
	v52 =	vld [tilespmem:s28+$0x50];
	v21 =	vnsel vm0, $0x0, v16  }
0x219: {  	v29 =	vmul.f32 $2.000000030e-01, v55;
	v61 =	vadd.f32 v44, v45;
	v36 =	vmul.f32 v62, v38;
	[tilespmem:s31+$0x80] =	vst v21  }
0x21a: {  	v20 =	vperm.xlane v24, v5;
	v35 =	vmul.f32 v63, v15;
	v15 =	vadd.f32 v43, v49;
	v54 =	vld [tilespmem:s26+$0x0]  }
0x21b: {  	v39 =	vmul.f32 v48, v51;
	v48 =	vld [tilespmem:s1+$0xFFFFFFB0];
	v33 =	vmul.f32 v50, v53  }
0x21c: {  	v58 =	vadd.f32 v44, v9;
	v44 =	vmul.f32 $2.000000030e-01, v61;
	v59 =	vmul.f32 $2.000000030e-01, v15  }
0x21d: {  	vm1 =	vge.f32 v15, $0.0e+00;
	v56 =	vpop (erf);
	v47 =	vperm.xlane v21, v1;
	[tilespmem:s30+$0x20] =	vst v33;
	v57 =	vmul.f32 v52, v46  }
0x21e: {  	[tilespmem:s0+$0xFFFFFF90] =	vst v36;
	v41 =	vnsel vm0, $0x0, v56;
	v15 =	vsel vm1, v15, v59;
	vm1 =	vge.f32 v55, $0.0e+00;
	v60 =	vld [tilespmem:s25+$0x30]  }
0x21f: {  	v51 =	vld [tilespmem:s28+$0xFFFFFFA0];
	v50 =	vmul.f32 $2.000000030e-01, v58;
	v29 =	vsel vm1, v55, v29;
	[tilespmem:s0+$0x50] =	vst v57;
	v37 =	vmul.f32 v54, v47  }
0x220: {  	[tilespmem:s31+$0xFFFFFFF0] =	vst v41;
	vm1 =	vge.f32 v61, $0.0e+00;
	v15 =	vsub.f32 v15, v29;
	v17 =	vmul.f32 v48, v17;
	v62 =	vld [tilespmem:s28+$0x60]  }
0x221: {  	v63 =	vperm.xlane v28, v4;
	v49 =	vld [tilespmem:s26+$0xFFFFFF70];
	v33 =	vsel vm1, v61, v44;
	vm1 =	vge.f32 v58, $0.0e+00;
	[tilespmem:s31+$0x0] =	vst v37  }
0x222: {  	v16 =	vperm.xlane v24, v6;
	v38 =	vsel vm1, v58, v50;
	v15 =	vmul.f32 $1.442695020e+00, v15;
	[tilespmem:s15+$0xFFFFFFB0] =	vst v17;
	v53 =	vld [tilespmem:s26+$0x10]  }
0x223: {  	[tilespmem:s30+$0xFFFFFF80] =	vst v39;
	v52 =	vperm.xlane v19, v7;
	v56 =	vsub.f32 v33, v38;
	v38 =	vld [tilespmem:s1+$0xFFFFFFC0];
	v29 =	vmul.f32 v60, v63  }
0x224: {  	[tilespmem:s14+$0xFFFFFFA0] =	vst v32;
	v55 =	vperm.xlane v41, v1;
	v54 =	vld [tilespmem:s25+$0xFFFFFF90];
	(erf) = vpow2.f32 v15  }
0x225: {  	v58 =	vperm.xlane v21, v2;
	v37 =	vld [tilespmem:s12+$0xFFFFFFB0];
	[tilespmem:s30+$0x30] =	vst v29;
	v29 =	vmul.f32 v62, v52  }
0x226: {  	s10 =	simm.s32 $0x54D0;
	v19 =	vperm.xlane v19, v8;
	v15 =	vmul.f32 v49, v55;
	v57 =	vld [tilespmem:s25+$0x40]  }
0x227: {  	v17 =	vperm.xlane v24, v7;
	v63 =	vld [tilespmem:s10+$0x80];
	[tilespmem:s0+$0x60] =	vst v29;
	v36 =	vmul.f32 v53, v58  }
0x228: {  	v33 =	vperm.xlane v41, v3;
	v60 =	vperm.xlane v28, v5;
	[tilespmem:s31+$0xFFFFFF70] =	vst v15;
	v59 =	vld [tilespmem:s28+$0x70]  }
0x229: {  	v15 =	vperm.xlane v24, v8;
	v61 =	vld [tilespmem:s26+$0xFFFFFF80];
	v29 =	vmul.f32 $1.442695020e+00, v56;
	[tilespmem:s31+$0x10] =	vst v36  }
0x22a: {  	s18 =	simm.s32 $0x7250;
	v62 =	vperm.xlane v41, v2;
	v52 =	vmul.f32 v54, v42;
	v53 =	vld [tilespmem:s26+$0x20]  }
0x22b: {  	v54 =	vld [tilespmem:s18+$0x0];
	(erf) = vpow2.f32 v29;
	v24 =	vmul.f32 v57, v60  }
0x22c: {  	v38 =	vmul.f32 v38, v23;
	v42 =	vmul.f32 v51, v22;
	v56 =	vld [tilespmem:s18+$0xFFFFFFF0]  }
0x22d: {  	v49 =	vld [tilespmem:s10+$0xFFFFFFF0];
	v57 =	vperm.xlane v21, v3;
	[tilespmem:s30+$0x40] =	vst v24;
	v47 =	vmul.f32 v59, v19;
	v19 =	vpop (erf)  }
0x22e: {  	s9 =	simm.s32 $0x7BB0;
	v22 =	vperm.xlane v41, v6;
	v37 =	vmul.f32 v37, v25;
	v55 =	vld [tilespmem:s25+$0x50];
	v25 =	vnsel vm0, $0x0, v19  }
0x22f: {  	v29 =	vperm.xlane v41, v4;
	[tilespmem:s9+$0x80] =	vst v25;
	v39 =	vmul.f32 v53, v57  }
0x230: {  	v58 =	vperm.xlane v28, v6;
	v23 =	vadd.f32 v54, v9;
	v59 =	vadd.f32 v54, v63;
	v60 =	vld [tilespmem:s29+$0x0]  }
0x231: {  	v43 =	vmul.f32 v61, v62;
	v46 =	vadd.f32 v56, v9;
	v24 =	vperm.xlane v41, v5;
	[tilespmem:s31+$0x20] =	vst v39  }
0x232: {  	v32 =	vadd.f32 v56, v49;
	v54 =	vmul.f32 $2.000000030e-01, v23;
	v63 =	vmul.f32 $2.000000030e-01, v59;
	v50 =	vld [tilespmem:s26+$0x30]  }
0x233: {  	[tilespmem:s15+$0xFFFFFFC0] =	vst v38;
	vm1 =	vge.f32 v59, $0.0e+00;
	v51 =	vperm.xlane v25, v1;
	v62 =	vmul.f32 v55, v58  }
0x234: {  	[tilespmem:s30+$0xFFFFFF90] =	vst v52;
	v45 =	vld [tilespmem:s1+$0xFFFFFFD0];
	v44 =	vsel vm1, v59, v63;
	vm1 =	vge.f32 v23, $0.0e+00;
	v57 =	vperm.xlane v21, v4;
	v61 =	vpop (erf)  }
0x235: {  	v23 =	vsel vm1, v23, v54;
	v40 =	vnsel vm0, $0x0, v61;
	v39 =	vld [tilespmem:s25+$0xFFFFFFA0];
	[tilespmem:s30+$0x50] =	vst v62;
	v56 =	vmul.f32 v60, v51  }
0x236: {  	v19 =	vperm.xlane v41, v7;
	v49 =	vmul.f32 $2.000000030e-01, v32;
	v23 =	vsub.f32 v44, v23;
	[tilespmem:s9+$0xFFFFFFF0] =	vst v40;
	v55 =	vld [tilespmem:s25+$0x60]  }
0x237: {  	v59 =	vmul.f32 $2.000000030e-01, v46;
	vm1 =	vge.f32 v32, $0.0e+00;
	v58 =	vld [tilespmem:s29+$0xFFFFFF70];
	[tilespmem:s9+$0x0] =	vst v56;
	v60 =	vmul.f32 v50, v57  }
0x238: {  	[tilespmem:s31+$0xFFFFFF80] =	vst v43;
	v61 =	vperm.xlane v28, v7;
	v32 =	vsel vm1, v32, v49;
	v62 =	vmul.f32 $1.442695020e+00, v23;
	v63 =	vld [tilespmem:s29+$0x10]  }
0x239: {  	v44 =	vld [tilespmem:s26+$0xFFFFFF90];
	vm1 =	vge.f32 v46, $0.0e+00;
	v28 =	vperm.xlane v28, v8;
	v52 =	vperm.xlane v40, v1;
	[tilespmem:s31+$0x30] =	vst v60  }
0x23a: {  	[tilespmem:s0+$0xFFFFFFA0] =	vst v42;
	v46 =	vsel vm1, v46, v59;
	v23 =	vperm.xlane v41, v8;
	(erf) = vpow2.f32 v62;
	v54 =	vld [tilespmem:s26+$0x40]  }
0x23b: {  	s13 =	simm.s32 $0x7270;
	v41 =	vld [tilespmem:s28+$0xFFFFFFB0];
	v32 =	vsub.f32 v32, v46;
	v56 =	vperm.xlane v25, v2;
	v53 =	vmul.f32 v55, v61  }
0x23c: {  	s3 =	simm.s32 $0x55F0;
	[tilespmem:s14+$0xFFFFFFB0] =	vst v37;
	v59 =	vperm.xlane v21, v5;
	v62 =	vld [tilespmem:s13+$0x0];
	v55 =	vmul.f32 v58, v52  }
0x23d: {  	v32 =	vmul.f32 $1.442695020e+00, v32;
	v61 =	vld [tilespmem:s3+$0x80];
	[tilespmem:s30+$0x60] =	vst v53;
	v58 =	vmul.f32 v63, v56  }
0x23e: {  	v49 =	vperm.xlane v40, v3;
	v44 =	vmul.f32 v44, v33;
	[tilespmem:s9+$0xFFFFFF70] =	vst v55;
	v36 =	vld [tilespmem:s25+$0x70]  }
0x23f: {  	(erf) = vpow2.f32 v32;
	v60 =	vld [tilespmem:s29+$0xFFFFFF80];
	[tilespmem:s9+$0x10] =	vst v58;
	v37 =	vmul.f32 v54, v59  }
0x240: {  	v33 =	vperm.xlane v40, v4;
	v39 =	vmul.f32 v39, v31;
	v42 =	vld [tilespmem:s29+$0x20]  }
0x241: {  	v38 =	vld [tilespmem:s12+$0xFFFFFFC0];
	v31 =	vperm.xlane v40, v6;
	v57 =	vperm.xlane v40, v2;
	[tilespmem:s31+$0x40] =	vst v37  }
0x242: {  	[tilespmem:s15+$0x70] =	vst v34;
	v32 =	vperm.xlane v40, v5;
	v34 =	vmul.f32 v41, v30;
	v63 =	vld [tilespmem:s26+$0x50]  }
0x243: {  	v52 =	vld [tilespmem:s13+$0xFFFFFFF0];
	v43 =	vadd.f32 v62, v9;
	v53 =	vperm.xlane v25, v3;
	v51 =	vmul.f32 v36, v28;
	v28 =	vpop (erf)  }
0x244: {  	[tilespmem:s14+$0x70] =	vst v35;
	s18 =	simm.s32 $0x7CD0;
	v56 =	vperm.xlane v21, v6;
	v46 =	vmul.f32 v60, v57;
	v30 =	vnsel vm0, $0x0, v28  }
0x245: {  	v54 =	vld [tilespmem:s3+$0xFFFFFFF0];
	v57 =	vadd.f32 v62, v61;
	v61 =	vmul.f32 $2.000000030e-01, v43;
	[tilespmem:s18+$0x80] =	vst v30;
	v55 =	vmul.f32 v42, v53  }
0x246: {  	[tilespmem:s31+$0xFFFFFF90] =	vst v44;
	v28 =	vperm.xlane v40, v7;
	v42 =	vmul.f32 v38, v26;
	v58 =	vld [tilespmem:s10+$0x0]  }
0x247: {  	v26 =	vperm.xlane v40, v8;
	[tilespmem:s9+$0x20] =	vst v55;
	v36 =	vmul.f32 v63, v56  }
0x248: {  	[tilespmem:s30+$0xFFFFFFA0] =	vst v39;
	v41 =	vadd.f32 v52, v9;
	v40 =	vmul.f32 v45, v27;
	v27 =	vpop (erf);
	v59 =	vmul.f32 $2.000000030e-01, v57;
	v60 =	vld [tilespmem:s29+$0x30]  }
0x249: {  	v35 =	vld [tilespmem:s26+$0xFFFFFFA0];
	vm1 =	vge.f32 v57, $0.0e+00;
	v62 =	vperm.xlane v30, v1;
	v27 =	vnsel vm0, $0x0, v27;
	[tilespmem:s31+$0x50] =	vst v36  }
0x24a: {  	[tilespmem:s0+$0xFFFFFFB0] =	vst v34;
	v37 =	vadd.f32 v52, v54;
	v38 =	vsel vm1, v57, v59;
	vm1 =	vge.f32 v43, $0.0e+00;
	v63 =	vld [tilespmem:s26+$0x60]  }
0x24b: {  	v39 =	vld [tilespmem:s28+$0xFFFFFFC0];
	v52 =	vperm.xlane v25, v4;
	[tilespmem:s18+$0xFFFFFFF0] =	vst v27;
	v43 =	vsel vm1, v43, v61;
	v36 =	vmul.f32 v58, v62  }
0x24c: {  	[tilespmem:s9+$0xFFFFFF80] =	vst v46;
	v55 =	vmul.f32 $2.000000030e-01, v41;
	v53 =	vld [tilespmem:s10+$0xFFFFFF70];
	v54 =	vmul.f32 $2.000000030e-01, v37;
	v43 =	vsub.f32 v38, v43  }
0x24d: {  	v46 =	vld [tilespmem:s29+$0xFFFFFF90];
	v57 =	vperm.xlane v21, v7;
	vm1 =	vge.f32 v37, $0.0e+00;
	[tilespmem:s18+$0x0] =	vst v36;
	v56 =	vmul.f32 v60, v52  }
0x24e: {  	[tilespmem:s0+$0x70] =	vst v47;
	v58 =	vsel vm1, v37, v54;
	vm1 =	vge.f32 v41, $0.0e+00;
	v43 =	vmul.f32 $1.442695020e+00, v43;
	v59 =	vld [tilespmem:s10+$0x10]  }
0x24f: {  	v38 =	vld [tilespmem:s25+$0xFFFFFFB0];
	v41 =	vsel vm1, v41, v55;
	v60 =	vperm.xlane v27, v1;
	[tilespmem:s9+$0x30] =	vst v56;
	v44 =	vmul.f32 v63, v57  }
0x250: {  	v47 =	vperm.xlane v25, v5;
	[tilespmem:s14+$0xFFFFFFC0] =	vst v42;
	v34 =	vsub.f32 v58, v41;
	(erf) = vpow2.f32 v43;
	v45 =	vld [tilespmem:s29+$0x40]  }
0x251: {  	v37 =	vld [tilespmem:s12+$0xFFFFFFD0];
	v62 =	vperm.xlane v30, v2;
	v61 =	vmul.f32 v53, v60;
	[tilespmem:s31+$0x60] =	vst v44  }
0x252: {  	[tilespmem:s15+$0xFFFFFFD0] =	vst v40;
	v42 =	vperm.xlane v27, v2;
	v63 =	vmul.f32 $1.442695020e+00, v34;
	v43 =	vld [tilespmem:s26+$0x70]  }
0x253: {  	v46 =	vmul.f32 v46, v49;
	v36 =	vld [tilespmem:s1+$0xFFFFFFE0];
	[tilespmem:s18+$0xFFFFFF70] =	vst v61;
	v48 =	vmul.f32 v59, v62  }
0x254: {  	s4 =	simm.s32 $0xE;
	s16 =	simm.s32 $0x5710;
	[tilespmem:s30+$0x70] =	vst v51;
	s1 =	simm.s32 $0x7CD0;
	v34 =	vperm.xlane v27, v3;
	(erf) = vpow2.f32 v63;
	v44 =	vld [tilespmem:s10+$0xFFFFFF80]  }
.LBB2_12:
0x255: {  	v40 =	vld [tilespmem:s16+$0x80];
	[tilespmem:s18+$0x10] =	vst v48;
	v41 =	vmul.f32 v45, v47;
	v45 =	vperm.xlane v21, v8;
	v21 =	vmovc v25;
	v25 =	vmov v30  }
0x256: {  	s13 =	sadd.s32 $0x20, s13;
	v49 =	vmul.f32 v35, v29;
	v29 =	vmov v33;
	v33 =	vperm.xlane v27, v4;
	v47 =	vld [tilespmem:s10+$0x20];
	[tilespmem:s9+$0xFFFFFF90] =	vst v46  }
0x257: {  	v35 =	vperm.xlane v27, v5;
	v46 =	vld [tilespmem:s13+$0x0];
	[tilespmem:s9+$0x40] =	vst v41;
	v41 =	vmul.f32 v43, v45  }
0x258: {  	s4 =	sadd.s32 $0x2, s4;
	v38 =	vmul.f32 v38, v20;
	v20 =	vmovc v24;
	v24 =	vmov v32;
	v43 =	vperm.xlane v27, v6;
	v45 =	vld [tilespmem:s29+$0x50];
	[tilespmem:s31+$0xFFFFFFA0] =	vst v49  }
0x259: {  	p1 =	slt.u32 s4, $0x3E;
	v32 =	vmov v35;
	v48 =	vld [tilespmem:s13+$0xFFFFFFF0];
	v30 =	vpop (erf);
	v42 =	vmul.f32 v44, v42;
	v44 =	vperm.xlane v25, v3;
	[tilespmem:s31+$0x70] =	vst v41  }
0x25a: {  	s18 =	sadd.s32 $0x120, s18;
	v49 =	vperm.xlane v27, v7;
	v41 =	vld [tilespmem:s16+$0xFFFFFFF0];
	v30 =	vnsel vm0, $0x0, v30;
	[tilespmem:s30+$0xFFFFFFB0] =	vst v38;
	v38 =	vmul.f32 v39, v18;
	v18 =	vmovc v16  }
0x25b: {  	v16 =	vmovc v22;
	v22 =	vmov v31;
	[tilespmem:s18+$0x80] =	vst v30;
	v39 =	vmul.f32 v47, v44;
	v35 =	vld [tilespmem:s29+$0xFFFFFFA0];
	v44 =	vperm.xlane v21, v6  }
0x25c: {  	v50 =	vperm.xlane v27, v8;
	v37 =	vmul.f32 v37, v13;
	v40 =	vadd.f32 v46, v40;
	v47 =	vld [tilespmem:s3+$0x0];
	[tilespmem:s1+$0xFFFFFF80] =	vst v42  }
0x25d: {  	v11 =	vmul.f32 v36, v11;
	v42 =	vadd.f32 v46, v9;
	v13 =	vpop (erf);
	v46 =	vld [tilespmem:s10+$0xFFFFFF90];
	[tilespmem:s1+$0x20] =	vst v39;
	v39 =	vmul.f32 v45, v44  }
0x25e: {  	v31 =	vmovc v43;
	v36 =	vadd.f32 v48, v9;
	v44 =	vmul.f32 $2.000000030e-01, v40;
	v27 =	vnsel vm0, $0x0, v13;
	v45 =	vld [tilespmem:s10+$0x30];
	[tilespmem:s0+$0xFFFFFFC0] =	vst v38;
	v13 =	vmovc v14  }
0x25f: {  	v51 =	vperm.xlane v30, v1;
	vm1 =	vge.f32 v40, $0.0e+00;
	v43 =	vmul.f32 $2.000000030e-01, v42;
	v14 =	vmovc v17;
	v17 =	vmovc v19;
	[tilespmem:s9+$0x50] =	vst v39;
	v38 =	vld [tilespmem:s26+$0xFFFFFFB0]  }
0x260: {  	v19 =	vmovc v28;
	v41 =	vadd.f32 v48, v41;
	v39 =	vsel vm1, v40, v44;
	vm1 =	vge.f32 v42, $0.0e+00;
	[tilespmem:s18+$0xFFFFFFF0] =	vst v27;
	v40 =	vld [tilespmem:s29+$0x60]  }
0x261: {  	v44 =	vperm.xlane v25, v4;
	v52 =	vsel vm1, v42, v43;
	v43 =	vld [tilespmem:s3+$0xFFFFFF70];
	v42 =	vmul.f32 v47, v51;
	[tilespmem:s14+$0xFFFFFFD0] =	vst v37  }
0x262: {  	v28 =	vmovc v49;
	v48 =	vmul.f32 $2.000000030e-01, v36;
	v47 =	vmul.f32 $2.000000030e-01, v41;
	v51 =	vsub.f32 v39, v52;
	v39 =	vld [tilespmem:s25+$0xFFFFFFC0];
	[tilespmem:s15+$0xFFFFFFE0] =	vst v11;
	v11 =	vmovc v10;
	s15 =	smov.u32 s14;
	s14 =	smov.u32 s0;
	s0 =	smov.u32 s30  }
0x263: {  	vm1 =	vge.f32 v41, $0.0e+00;
	v10 =	vmovc v12;
	s30 =	smov.u32 s31;
	s31 =	smov.u32 s9;
	s9 =	smov.u32 s1;
	[tilespmem:s18+$0x0] =	vst v42;
	v42 =	vmul.f32 v45, v44;
	v44 =	vperm.xlane v21, v7;
	v37 =	vld [tilespmem:s28+$0xFFFFFFD0]  }
0x264: {  	v12 =	vmovc v15;
	v15 =	vmovc v23;
	s1 =	smov.u32 s18;
	v41 =	vsel vm1, v41, v47;
	vm1 =	vge.f32 v36, $0.0e+00;
	v45 =	vmul.f32 $1.442695020e+00, v51;
	v47 =	vld [tilespmem:s3+$0x10]  }
0x265: {  	v49 =	vsel vm1, v36, v48;
	v48 =	vperm.xlane v27, v1;
	[tilespmem:s9+$0x30] =	vst v42;
	v40 =	vmul.f32 v40, v44;
	v36 =	vld [tilespmem:s12+$0xFFFFFFE0];
	s12 =	smov.u32 s28;
	s28 =	smov.u32 s25;
	s25 =	smov.u32 s26  }
.Ltmp5:
0x266: {  	v23 =	vmovc v26;
	v26 =	vmovc v50;
	v41 =	vsub.f32 v41, v49;
	v42 =	vperm.xlane v27, v2;
	s26 =	smov.u32 s29;
	s29 =	smov.u32 s10;
	(erf) = vpow2.f32 v45;
	v45 =	vld [tilespmem:s10+$0x40];
	(pc) =	sbr.rel @p1 .LBB2_12-.Ltmp5, $4  }
0x267: {  	v44 =	vmul.f32 v43, v48;
	v48 =	vperm.xlane v30, v2;
	s10 =	smov.u32 s3;
	s3 =	smov.u32 s16;
	[tilespmem:s31+$0x60] =	vst v40  }
0x268: {  	v40 =	vmul.f32 $1.442695020e+00, v41;
	v41 =	vperm.xlane v27, v3;
	v43 =	vld [tilespmem:s26+$0x70]  }
0x269: {  	[tilespmem:s18+$0xFFFFFF70] =	vst v44;
	v48 =	vmul.f32 v47, v48;
	v47 =	vperm.xlane v25, v5  }
0x26a: {  	v46 =	vmul.f32 v46, v34;
	s16 =	sadd.s32 $0x120, s16;
	v34 =	vmov v41;
	(erf) = vpow2.f32 v40;
	v44 =	vld [tilespmem:s10+$0xFFFFFF80]  }
0x26b: {  	_ =	sdelay $0x3  }
0x26c: {  	v40 =	vpop (erf)  }
0x26d: {  	s13 =	sadd.s32 $0x120, s18;
	v41 =	vnsel vm0, $0x0, v40  }
0x26e: {  	[tilespmem:s13+$0x80] =	vst v41  }
0x26f: {  	v49 =	vld [tilespmem:s3+$0x0];
	_ =	sdelay $0x1  }
0x270: {  	v52 =	vpop (erf)  }
0x271: {  	v50 =	vperm.xlane v41, v1;
	v40 =	vnsel vm0, $0x0, v52  }
0x272: {  	[tilespmem:s13+$0xFFFFFFF0] =	vst v40  }
0x273: {  	v51 =	vld [tilespmem:s3+$0xFFFFFF70];
	v49 =	vmul.f32 v49, v50;
	_ =	sdelay $0x1  }
0x274: {  	[tilespmem:s13+$0x0] =	vst v49  }
0x275: {  	v53 =	vperm.xlane v40, v1;
	v49 =	vld [tilespmem:s3+$0x10];
	_ =	sdelay $0x1  }
0x276: {  	v50 =	vmul.f32 v51, v53  }
0x277: {  	v54 =	vperm.xlane v41, v2  }
0x278: {  	[tilespmem:s13+$0xFFFFFF70] =	vst v50  }
0x279: {  	[tilespmem:s18+$0x10] =	vst v48;
	v56 =	vld [tilespmem:s3+$0xFFFFFF80];
	v55 =	vmul.f32 v49, v54  }
0x27a: {  	v45 =	vmul.f32 v45, v47;
	v57 =	vld [tilespmem:s10+$0x20]  }
0x27b: {  	[tilespmem:s13+$0x10] =	vst v55  }
0x27c: {  	[tilespmem:s9+$0x40] =	vst v45;
	v58 =	vperm.xlane v40, v2;
	v48 =	vld [tilespmem:s3+$0x20]  }
0x27d: {  	v60 =	vperm.xlane v30, v3;
	v59 =	vld [tilespmem:s29+$0x50];
	v42 =	vmul.f32 v44, v42  }
0x27e: {  	[tilespmem:s9+$0xFFFFFF90] =	vst v46;
	v45 =	vmul.f32 v56, v58  }
0x27f: {  	v44 =	vmul.f32 v57, v60;
	[tilespmem:s1+$0xFFFFFF80] =	vst v42;
	v61 =	vperm.xlane v41, v3  }
0x280: {  	v29 =	vmul.f32 v35, v29;
	v62 =	vperm.xlane v25, v6;
	v63 =	vld [tilespmem:s10+$0xFFFFFF90];
	[tilespmem:s13+$0xFFFFFF80] =	vst v45  }
0x281: {  	[tilespmem:s1+$0x20] =	vst v44;
	v42 =	vmul.f32 v48, v61;
	v48 =	vld [tilespmem:s3+$0xFFFFFF90]  }
0x282: {  	[tilespmem:s31+$0xFFFFFFA0] =	vst v29;
	v50 =	vld [tilespmem:s10+$0x30];
	v49 =	vmul.f32 v59, v62  }
0x283: {  	v20 =	vmul.f32 v38, v20;
	[tilespmem:s13+$0x20] =	vst v42  }
0x284: {  	v18 =	vmul.f32 v39, v18;
	v51 =	vperm.xlane v40, v3;
	[tilespmem:s9+$0x50] =	vst v49;
	v52 =	vld [tilespmem:s3+$0x30]  }
0x285: {  	[tilespmem:s30+$0xFFFFFFB0] =	vst v20;
	v34 =	vmul.f32 v63, v34;
	v54 =	vperm.xlane v30, v4;
	v53 =	vld [tilespmem:s29+$0x60]  }
0x286: {  	[tilespmem:s0+$0xFFFFFFC0] =	vst v18;
	v55 =	vmul.f32 v48, v51  }
0x287: {  	v57 =	vperm.xlane v41, v4;
	[tilespmem:s1+$0xFFFFFF90] =	vst v34;
	v35 =	vmul.f32 v50, v54;
	v56 =	vld [tilespmem:s29+$0xFFFFFFA0]  }
0x288: {  	v13 =	vmul.f32 v37, v13;
	v59 =	vld [tilespmem:s10+$0xFFFFFFA0];
	v58 =	vperm.xlane v25, v7;
	[tilespmem:s13+$0xFFFFFF90] =	vst v55  }
0x289: {  	v21 =	vperm.xlane v21, v8;
	[tilespmem:s1+$0x30] =	vst v35;
	v60 =	vmul.f32 v52, v57;
	v61 =	vld [tilespmem:s3+$0xFFFFFFA0]  }
0x28a: {  	v11 =	vmul.f32 v36, v11;
	[tilespmem:s14+$0xFFFFFFD0] =	vst v13;
	v63 =	vld [tilespmem:s10+$0x40];
	v62 =	vmul.f32 v53, v58  }
0x28b: {  	v21 =	vmul.f32 v43, v21;
	v43 =	vperm.xlane v27, v4;
	[tilespmem:s13+$0x30] =	vst v60  }
0x28c: {  	v44 =	vperm.xlane v40, v4;
	v45 =	vmul.f32 v56, v33;
	[tilespmem:s9+$0x60] =	vst v62;
	v46 =	vld [tilespmem:s3+$0x40]  }
0x28d: {  	[tilespmem:s15+$0xFFFFFFE0] =	vst v11;
	v35 =	vmul.f32 v59, v43;
	v47 =	vld [tilespmem:s29+$0x70];
	v48 =	vperm.xlane v30, v5  }
0x28e: {  	v49 =	vld [tilespmem:s26+$0xFFFFFFB0];
	[tilespmem:s9+$0xFFFFFFA0] =	vst v45;
	v18 =	vmul.f32 v61, v44  }
0x28f: {  	[tilespmem:s1+$0xFFFFFFA0] =	vst v35;
	v51 =	vld [tilespmem:s29+$0xFFFFFFB0];
	v50 =	vmul.f32 v63, v48;
	v52 =	vperm.xlane v41, v5  }
0x290: {  	v53 =	vperm.xlane v25, v8;
	v54 =	vld [tilespmem:s10+$0xFFFFFFB0];
	[tilespmem:s13+$0xFFFFFFA0] =	vst v18  }
0x291: {  	[tilespmem:s1+$0x40] =	vst v50;
	v55 =	vmul.f32 v46, v52;
	v56 =	vld [tilespmem:s3+$0xFFFFFFB0]  }
0x292: {  	[tilespmem:s31+$0x70] =	vst v21;
	v11 =	vmul.f32 v47, v53;
	v57 =	vld [tilespmem:s10+$0x50]  }
0x293: {  	v59 =	vld [tilespmem:s25+$0xFFFFFFC0];
	v24 =	vmul.f32 v49, v24;
	v58 =	vperm.xlane v27, v5;
	[tilespmem:s13+$0x40] =	vst v55  }
0x294: {  	v60 =	vperm.xlane v40, v5;
	[tilespmem:s9+$0x70] =	vst v11;
	v21 =	vmul.f32 v51, v32;
	v11 =	vld [tilespmem:s3+$0x50]  }
0x295: {  	v43 =	vld [tilespmem:s12+$0xFFFFFFE0];
	[tilespmem:s31+$0xFFFFFFB0] =	vst v24;
	v62 =	vperm.xlane v30, v6;
	v25 =	vmul.f32 v54, v58  }
0x296: {  	v63 =	vld [tilespmem:s26+$0xFFFFFFC0];
	[tilespmem:s9+$0xFFFFFFB0] =	vst v21;
	v18 =	vmul.f32 v56, v60  }
0x297: {  	v36 =	vperm.xlane v41, v6;
	[tilespmem:s1+$0xFFFFFFB0] =	vst v25;
	v21 =	vld [tilespmem:s29+$0xFFFFFFC0];
	v13 =	vmul.f32 v57, v62  }
0x298: {  	v16 =	vmul.f32 v59, v16;
	v37 =	vld [tilespmem:s10+$0xFFFFFFC0];
	[tilespmem:s13+$0xFFFFFFB0] =	vst v18  }
0x299: {  	[tilespmem:s1+$0x50] =	vst v13;
	v11 =	vmul.f32 v11, v36;
	v38 =	vld [tilespmem:s3+$0xFFFFFFC0]  }
0x29a: {  	v10 =	vmul.f32 v43, v10;
	[tilespmem:s30+$0xFFFFFFC0] =	vst v16;
	v39 =	vld [tilespmem:s10+$0x60]  }
0x29b: {  	v42 =	vperm.xlane v27, v6;
	v22 =	vmul.f32 v63, v22;
	v61 =	vld [tilespmem:s28+$0xFFFFFFD0];
	[tilespmem:s13+$0x50] =	vst v11  }
0x29c: {  	[tilespmem:s14+$0xFFFFFFE0] =	vst v10;
	v21 =	vmul.f32 v21, v31;
	v11 =	vperm.xlane v40, v6;
	v44 =	vld [tilespmem:s3+$0x60]  }
0x29d: {  	v45 =	vperm.xlane v30, v7;
	[tilespmem:s31+$0xFFFFFFC0] =	vst v22;
	v46 =	vld [tilespmem:s25+$0xFFFFFFD0];
	v18 =	vmul.f32 v37, v42  }
0x29e: {  	v22 =	vld [tilespmem:s26+$0xFFFFFFD0];
	[tilespmem:s9+$0xFFFFFFC0] =	vst v21;
	v11 =	vmul.f32 v38, v11  }
0x29f: {  	v48 =	vperm.xlane v41, v7;
	v21 =	vld [tilespmem:s29+$0xFFFFFFD0];
	v47 =	vmul.f32 v39, v45;
	[tilespmem:s1+$0xFFFFFFC0] =	vst v18  }
0x2a0: {  	v14 =	vmul.f32 v61, v14;
	v18 =	vld [tilespmem:s10+$0xFFFFFFD0];
	[tilespmem:s13+$0xFFFFFFC0] =	vst v11  }
0x2a1: {  	[tilespmem:s1+$0x60] =	vst v47;
	v11 =	vmul.f32 v44, v48;
	v49 =	vld [tilespmem:s3+$0xFFFFFFD0]  }
0x2a2: {  	[tilespmem:s0+$0xFFFFFFD0] =	vst v14;
	v50 =	vmul.f32 v46, v17;
	v10 =	vld [tilespmem:s10+$0x70]  }
0x2a3: {  	v51 =	vperm.xlane v27, v7;
	v52 =	vld [tilespmem:s28+$0xFFFFFFE0];
	[tilespmem:s13+$0x60] =	vst v11;
	v11 =	vmul.f32 v22, v19  }
0x2a4: {  	v53 =	vperm.xlane v40, v7;
	[tilespmem:s30+$0xFFFFFFD0] =	vst v50;
	v55 =	vmul.f32 v21, v28;
	v54 =	vld [tilespmem:s3+$0x70]  }
0x2a5: {  	v56 =	vperm.xlane v30, v8;
	v57 =	vld [tilespmem:s25+$0xFFFFFFE0];
	[tilespmem:s31+$0xFFFFFFD0] =	vst v11;
	v11 =	vmul.f32 v18, v51  }
0x2a6: {  	[tilespmem:s9+$0xFFFFFFD0] =	vst v55;
	v58 =	vld [tilespmem:s26+$0xFFFFFFE0];
	v13 =	vmul.f32 v49, v53  }
0x2a7: {  	v59 =	vperm.xlane v41, v8;
	v60 =	vld [tilespmem:s29+$0xFFFFFFE0];
	v10 =	vmul.f32 v10, v56;
	[tilespmem:s1+$0xFFFFFFD0] =	vst v11  }
0x2a8: {  	v11 =	vmul.f32 v52, v12;
	v61 =	vld [tilespmem:s10+$0xFFFFFFE0];
	[tilespmem:s13+$0xFFFFFFD0] =	vst v13  }
0x2a9: {  	[tilespmem:s1+$0x70] =	vst v10;
	v10 =	vmul.f32 v54, v59;
	v13 =	vld [tilespmem:s3+$0xFFFFFFE0]  }
0x2aa: {  	[tilespmem:s0+$0xFFFFFFE0] =	vst v11;
	v11 =	vmul.f32 v57, v15  }
0x2ab: {  	v62 =	vperm.xlane v27, v8;
	[tilespmem:s13+$0x70] =	vst v10;
	v10 =	vmul.f32 v58, v23  }
0x2ac: {  	v63 =	vperm.xlane v40, v8;
	[tilespmem:s30+$0xFFFFFFE0] =	vst v11;
	v11 =	vmul.f32 v60, v26  }
0x2ad: {  	[tilespmem:s31+$0xFFFFFFE0] =	vst v10;
	v10 =	vmul.f32 v61, v62  }
0x2ae: {  	[tilespmem:s9+$0xFFFFFFE0] =	vst v11;
	v11 =	vmul.f32 v13, v63  }
0x2af: {  	[tilespmem:s1+$0xFFFFFFE0] =	vst v10  }
0x2b0: {  	[tilespmem:s13+$0xFFFFFFE0] =	vst v11  }
0x2b1: {  	_ =	swait.ge [sflag:s23], $0x2400  }
0x2b2: {  	s21 =	sadd.s32 $0x1, s21;
	[sflag:s23] =	ssyncset.done $0x0  }
0x2b3: {  	s0 =	simm.s32 @!p0 $0x0;
	s1 =	simm.s32 @!p0 $0x80;
	[sflag:s23] =	ssyncadd.s32 $0xFFFFDC00  }
0x2b4: {  	[tilespmem:s1], [sflag:$0x7] =	stream.linear.gather @!p0 [hbm4b:s11+s0], $0x40, $0x38;
	[tilespmem:$0x1F9B0] =	vst v63  }
0x2b5: {  	p0 =	sne.s32 s21, $0x51  }
.Ltmp6:
0x2b6: {  	_ =	swait.ge [sflag:s24], $0x40;
	(pc) =	sbr.rel @p0 .LBB2_4-.Ltmp6, $4  }
0x2b7: {  	[sflag:s24] =	ssyncset.done $0x0  }
0x2b8: {  	[sflag:s24] =	ssyncadd.s32 $0xFFFFFFC0  }
0x2b9: {  	s30 =	simm.s32 $0x140;
	s31 =	simm.s32 $0x7580;
	s29 =	rddreg [dreg:$0x2]  }
0x2ba: {  	[spmem:s29] =	stream.indirect.scatter.add.f32 [tilespmem:s31], [sflag:$0x9], $0x90, s30, s2, $0xb8;
	[tilespmem:$0x1F9B0] =	vst v63  }
0x2bb: {  	_ =	swait.ge [sflag:s23], $0x2400  }
0x2bc: {  	[sflag:s23] =	ssyncset.done $0x0  }
0x2bd: {  	[sflag:s23] =	ssyncadd.s32 $0xFFFFDC00  }
0x2be: {  	s0 =	stileid.u32;
	[bflag:$0x0] =	sbarrier.arrive $0xFFFF  }
0x2bf: {  	s0 =	sshll.u32 s0, $0x6;
	s9 =	rddreg [dreg:$0x4]  }
0x2c0: {  	s0 =	sor.u32 $0x1C0A, s0;
	s3 =	rddreg [dreg:$0x13];
	s1 =	sshrl.u32 s9, $0x3  }
0x2c1: {  	[hbm:s3], [sflag:s0] =	dma.local [spmem:s1], $0x2C04  }
0x2c2: {  	s3 =	simm.s32 $0xA  }
0x2c3: {  	_ =	swait.ge [sflag:s3], $0x2C04  }
0x2c4: {  	s30 =	rddreg [dreg:$0x18]  }
0x2c5: {  	s31 =	rddreg [dreg:$0x14];
	s1 =	sadd.s32 $0x1, s30  }
0x2c6: {  	p0 =	sne.s32 s1, s31  }
.Ltmp7:
0x2c7: {  	_ = 	snop;
	(pc) =	sbr.rel @p0 .LBB2_1-.Ltmp7, $3  }
0x2c8: {  	_ =	sdelay $0x1  }
0x2c9: {  	[sflag:s3] =	ssyncset.done $0x0  }
0x2ca: {  	[sflag:s3] =	ssyncadd.s32 $0xFFFFD3FC  }
0x2cb: {  	_ =	sfence.sel $0x180000  }
0x2cc: {  	[bflag:$0x0] =	sbarrier.arrive $0xFFFF  }
0x2cd: {  	_ =	strace $0x90000047  }
0x2ce: {  	s0 =	stileid.u32;
	[bflag:$0x2] =	sbarrier.arrive $0xFFFF  }
0x2cf: {  	p0 =	sne.s32 s0, $0x0;
	s0 =	rddreg [dreg:$0x3]  }
0x2d0: {  	s0 =	sadd.s32 @!p0 $0x100000, s0  }
0x2d1: {  	[sflag:s0] =	ssyncadd.tile.s32 @!p0 $0x1;
	_ =	shalt  }
.Lfunc_end2:
_tile_overlayer_lowered:
.L_overlay_start_2:
0x2d2: {  	(tag) =	ssettag $0x2  }
0x2d3: {  	s0 =	rddreg [dreg:$0x0];
	s2 =	stileid.u32  }
0x2d4: {  	s1 =	rddreg [dreg:$0x1];
	p0 =	sne.s32 s2, $0x0  }
0x2d5: {  	s3 =	rddreg [dreg:$0x2];
	[bflag:$0x3] =	sbarrier.arrive $0xFFFF;
	s2 =	simm.s32 @!p0 $0x1C0A  }
0x2d6: {  	[timem:s3], [sflag:s2] =	dma.local @!p0 [hbm:s0], s1  }
0x2d7: {  	s0 =	simm.s32 @!p0 $0xA  }
0x2d8: {  	_ =	swait.ge @!p0 [sflag:s0], s1  }
0x2d9: {  	s1 =	ssub.s32 @!p0 $0x0, s1;
	[sflag:s0] =	ssyncset.done @!p0 $0x0  }
0x2da: {  	[sflag:s0] =	ssyncadd.s32 @!p0 s1  }
0x2db: {  	[bflag:$0x3] =	sbarrier.arrive $0xFFFF  }
0x2dc: {  	_ =	shalt  }

</sc_bundles>
